<compile_context>
chip_gen: v7x
topology: tpu7x:2x2x1
jax: 0.10.2.dev20260603
libtpu: 0.0.44.dev20260713+nightly
codegen_flags: <defaults>
</compile_context>

<pallas_src>
import functools

import jax
import jax.numpy as jnp
from jax import lax
from jax.experimental import pallas as pl
from jax.experimental.pallas import tpu as pltpu
from jax.experimental.pallas import tpu_sc as plsc

N_ROWS = 50000
N_FEAT = 256
N_SEG = 128
NC = 2
NS = 16
NW = NC * NS
SPW = N_SEG // NW
LANES = 16
FVREGS = N_FEAT // LANES
BLK = 80
NBLK_IDS = N_ROWS // LANES


def _count_lt(batch_v, t):

    def first_elem(blk):
        return batch_v[pl.ds(blk * LANES, LANES)][0]

    def step(_, c):
        lo, hi = c
        mid = (lo + hi) // 2
        below = first_elem(mid) < t
        new_lo = jnp.where((lo < hi) & below, mid + 1, lo)
        new_hi = jnp.where((lo < hi) & jnp.logical_not(below), mid, hi)
        return new_lo, new_hi

    b, _ = lax.fori_loop(0, 12, step, (jnp.int32(0), jnp.int32(NBLK_IDS)))
    safe = jnp.maximum(b - 1, 0)
    v = batch_v[pl.ds(safe * LANES, LANES)]
    cnt = jnp.int32(0)
    for i in range(LANES):
        cnt = cnt + (v[i] < t).astype(jnp.int32)
    return jnp.where(b == 0, jnp.int32(0), safe * LANES + cnt)


@functools.partial(
    pl.kernel,
    out_type=jax.ShapeDtypeStruct((N_SEG * N_FEAT,), jnp.float32),
    mesh=plsc.VectorSubcoreMesh(core_axis_name="c", subcore_axis_name="s"),
    scratch_types=[
        pltpu.VMEM((N_ROWS,), jnp.int32),
        pltpu.VMEM((BLK * N_FEAT,), jnp.float32),
        pltpu.VMEM((SPW * N_FEAT,), jnp.float32),
    ],
)
def _pool_kernel(x_hbm, batch_hbm, out_hbm, batch_v, buf_v, acc_v):
    wid = lax.axis_index("s") * NC + lax.axis_index("c")
    seg0 = wid * SPW

    pltpu.sync_copy(batch_hbm, batch_v)
    offs = [_count_lt(batch_v, seg0 + k) for k in range(SPW + 1)]

    zero = jnp.zeros((LANES,), jnp.float32)
    for i in range(SPW * FVREGS):
        acc_v[pl.ds(i * LANES, LANES)] = zero

    o_first, o_last = offs[0], offs[SPW]
    b_lo = o_first // BLK
    b_hi = jnp.where(o_last > o_first, (o_last + BLK - 1) // BLK, b_lo)

    def block_body(b, carry):
        base = b * BLK
        pltpu.sync_copy(x_hbm.at[pl.ds(base * N_FEAT, BLK * N_FEAT)], buf_v)
        for k in range(SPW):
            lo = jnp.maximum(offs[k], base) - base
            hi = jnp.minimum(offs[k + 1], base + BLK) - base

            @pl.when(hi > lo)
            def _():
                def row_body(j, acc):
                    roff = j * N_FEAT
                    return tuple(
                        acc[i] + buf_v[pl.ds(roff + i * LANES, LANES)]
                        for i in range(FVREGS)
                    )

                acc = lax.fori_loop(lo, hi, row_body, (zero,) * FVREGS)
                for i in range(FVREGS):
                    acc_v[pl.ds(k * N_FEAT + i * LANES, LANES)] += acc[i]

        return carry

    lax.fori_loop(b_lo, b_hi, block_body, jnp.int32(0))
    pltpu.sync_copy(acc_v, out_hbm.at[pl.ds(seg0 * N_FEAT, SPW * N_FEAT)])


def kernel(x, batch, batch_size):
    del batch_size
    out = _pool_kernel(x.reshape(-1), batch.astype(jnp.int32))
    return out.reshape(N_SEG, N_FEAT)

# --- scband reference (transcript-rebuilt; emitter-appended) ---
"""Pipeline reference for scband-global-add-pool-7653631721640 (READ-ONLY COPY).

The authoritative reference and input builder live on the scoring server;
editing this copy changes nothing except your own understanding.
"""

import jax, jax.numpy as jnp
import numpy as np


def setup_inputs(seed: int = 0) -> dict:
    key = jax.random.key(seed)
    k1, k2 = jax.random.split(key)
    x = jax.random.normal(k1, (50000, 256), dtype=jnp.float32)
    batch = jnp.sort(jax.random.randint(k2, (50000,), 0, 128, dtype=jnp.int64))
    return {"x": x, "batch": batch, "batch_size": 128}


def reference(x, batch, batch_size):
    # global_add_pool: sum node features per graph id -> [batch_size, F]
    segment_ids = batch + batch_size * 0
    return jax.ops.segment_sum(x, segment_ids, num_segments=128)

if __name__ == "__main__":
    import jax
    _d = setup_inputs()
    print(jax.jit(kernel)(*tuple(_d.values())))

</pallas_src>

<mosaic_0001>
#map = affine_map<(d0, d1) -> (0)>
module attributes {stable_mosaic.version = 14 : i64} {
  func.func @_pool_kernel(%arg0: i32, %arg1: i32, %arg2: memref<12800000xf32, #tpu.memory_space<hbm>>, %arg3: memref<50000xi32, #tpu.memory_space<hbm>>, %arg4: memref<32768xf32, #tpu.memory_space<hbm>>, %arg5: memref<50000xi32, #tpu.memory_space<vmem>>, %arg6: memref<20480xf32, #tpu.memory_space<vmem>>, %arg7: memref<1024xf32, #tpu.memory_space<vmem>>) attributes {dimension_semantics = [#tpu.dimension_semantics<core_parallel>, #tpu.dimension_semantics<subcore_parallel>], iteration_bounds = array<i64: 2, 16>, scalar_prefetch = 0 : i64, scratch_operands = 3 : i64, tpu.core_type = #tpu.core_type<sc_vector_subcore>, window_params = [{transform_indices = #map}, {transform_indices = #map}, {transform_indices = #map}]} {
    %mul3A = arith.constant 2 : i32
    %mul3A_0 = arith.muli %arg1, %mul3A : i32
    %add3A = arith.addi %mul3A_0, %arg0 : i32
    %mul3A_1 = arith.constant 4 : i32
    %mul3A_2 = arith.muli %add3A, %mul3A_1 : i32
    "tpu.region"() ({
      %run_scoped3A = tpu.sem_alloc : memref<!tpu.dma_semaphore, #tpu.memory_space<semaphore_mem>>
      tpu.enqueue_dma source(%arg3 : memref<50000xi32, #tpu.memory_space<hbm>>) target(%arg5 : memref<50000xi32, #tpu.memory_space<vmem>>) target_semaphore(%run_scoped3A : memref<!tpu.dma_semaphore, #tpu.memory_space<semaphore_mem>>)
      tpu.wait_dma2 semaphore(%run_scoped3A : memref<!tpu.dma_semaphore, #tpu.memory_space<semaphore_mem>>) src(%arg3 : memref<50000xi32, #tpu.memory_space<hbm>>) dst(%arg5 : memref<50000xi32, #tpu.memory_space<vmem>>)
      tpu.yield
    }) : () -> ()
    %add3A_3 = arith.constant 0 : i32
    %add3A_4 = arith.addi %mul3A_2, %add3A_3 : i32
    %scan3A = arith.constant 0 : i32
    %scan3A_5 = arith.constant 3125 : i32
    %scan3A_6 = arith.constant 0 : i32
    %scan3A_7 = arith.constant 12 : i32
    %scan3A_8 = arith.addi %scan3A_6, %scan3A_7 : i32
    %scan3A_9 = arith.constant 1 : i32
    %scan3A_10:2 = scf.for %scan3A_841 = %scan3A_6 to %scan3A_8 step %scan3A_9 iter_args(%scan3A_842 = %scan3A, %scan3A_843 = %scan3A_5) -> (i32, i32)  : i32 {
      %add3A_844 = arith.addi %scan3A_842, %scan3A_843 : i32
      %jit3A_845 = arith.constant 2 : i32
      %div3A_846 = arith.divsi %add3A_844, %jit3A_845 : i32
      %sign3A_847 = arith.constant 0 : i32
      %sign3A_848 = arith.cmpi sgt, %add3A_844, %sign3A_847 : i32
      %sign3A_849 = arith.extui %sign3A_848 : i1 to i32
      %sign3A_850 = arith.constant 0 : i32
      %sign3A_851 = arith.cmpi slt, %add3A_844, %sign3A_850 : i32
      %sign3A_852 = arith.extui %sign3A_851 : i1 to i32
      %sign3A_853 = arith.subi %sign3A_849, %sign3A_852 : i32
      %sign3A_854 = arith.constant 0 : i32
      %sign3A_855 = arith.cmpi sgt, %jit3A_845, %sign3A_854 : i32
      %sign3A_856 = arith.extui %sign3A_855 : i1 to i32
      %sign3A_857 = arith.constant 0 : i32
      %sign3A_858 = arith.cmpi slt, %jit3A_845, %sign3A_857 : i32
      %sign3A_859 = arith.extui %sign3A_858 : i1 to i32
      %sign3A_860 = arith.subi %sign3A_856, %sign3A_859 : i32
      %ne3A_861 = arith.cmpi ne, %sign3A_853, %sign3A_860 : i32
      %rem3A_862 = arith.remsi %add3A_844, %jit3A_845 : i32
      %ne3A_863 = arith.constant 0 : i32
      %ne3A_864 = arith.cmpi ne, %rem3A_862, %ne3A_863 : i32
      %and3A_865 = arith.andi %ne3A_861, %ne3A_864 : i1
      %sub3A_866 = arith.constant 1 : i32
      %sub3A_867 = arith.subi %div3A_846, %sub3A_866 : i32
      %select_n3A_868 = arith.select %and3A_865, %sub3A_867, %div3A_846 : i32
      %mul3A_869 = arith.constant 16 : i32
      %mul3A_870 = arith.muli %select_n3A_868, %mul3A_869 : i32
      %get3A_871 = arith.index_cast %mul3A_870 : i32 to index
      %get3A_872 = tpu.vector_load %arg5[%get3A_871] {strides = array<i32>} : memref<50000xi32, #tpu.memory_space<vmem>>, vector<16xi32>,
      %get3A_873 = vector.shape_cast %get3A_872 : vector<16xi32> to vector<16xi32>
      %slice3A_874 = vector.extract_strided_slice %get3A_873 {offsets = [0], sizes = [1], strides = [1]} : vector<16xi32> to vector<1xi32>
      %squeeze3A_875 = vector.extract %slice3A_874[0] : i32 from vector<1xi32>
      %lt3A_876 = arith.cmpi slt, %squeeze3A_875, %add3A_4 : i32
      %lt3A_877 = arith.cmpi slt, %scan3A_842, %scan3A_843 : i32
      %and3A_878 = arith.andi %lt3A_877, %lt3A_876 : i1
      %add3A_879 = arith.constant 1 : i32
      %add3A_880 = arith.addi %select_n3A_868, %add3A_879 : i32
      %select_n3A_881 = arith.select %and3A_878, %add3A_880, %scan3A_842 : i32
      %lt3A_882 = arith.cmpi slt, %scan3A_842, %scan3A_843 : i32
      %not3A = arith.constant true
      %not3A_883 = arith.xori %lt3A_876, %not3A : i1
      %and3A_884 = arith.andi %lt3A_882, %not3A_883 : i1
      %select_n3A_885 = arith.select %and3A_884, %select_n3A_868, %scan3A_843 : i32
      scf.yield %select_n3A_881, %select_n3A_885 : i32, i32
    }
    %scan3A_11 = arith.constant 12 : i32
    %sub3A = arith.constant 1 : i32
    %sub3A_12 = arith.subi %scan3A_10#0, %sub3A : i32
    %max3A = arith.constant 0 : i32
    %max3A_13 = arith.maxsi %sub3A_12, %max3A : i32
    %mul3A_14 = arith.constant 16 : i32
    %mul3A_15 = arith.muli %max3A_13, %mul3A_14 : i32
    %get3A = arith.index_cast %mul3A_15 : i32 to index
    %get3A_16 = tpu.vector_load %arg5[%get3A] {strides = array<i32>} : memref<50000xi32, #tpu.memory_space<vmem>>, vector<16xi32>,
    %get3A_17 = vector.shape_cast %get3A_16 : vector<16xi32> to vector<16xi32>
    %slice3A = vector.extract_strided_slice %get3A_17 {offsets = [0], sizes = [1], strides = [1]} : vector<16xi32> to vector<1xi32>
    %squeeze3A = vector.extract %slice3A[0] : i32 from vector<1xi32>
    %lt3A = arith.cmpi slt, %squeeze3A, %add3A_4 : i32
    %convert_element_type3A = arith.extui %lt3A : i1 to i32
    %add3A_18 = arith.constant 0 : i32
    %add3A_19 = arith.addi %add3A_18, %convert_element_type3A : i32
    %slice3A_20 = vector.extract_strided_slice %get3A_17 {offsets = [1], sizes = [1], strides = [1]} : vector<16xi32> to vector<1xi32>
    %squeeze3A_21 = vector.extract %slice3A_20[0] : i32 from vector<1xi32>
    %lt3A_22 = arith.cmpi slt, %squeeze3A_21, %add3A_4 : i32
    %convert_element_type3A_23 = arith.extui %lt3A_22 : i1 to i32
    %add3A_24 = arith.addi %add3A_19, %convert_element_type3A_23 : i32
    %slice3A_25 = vector.extract_strided_slice %get3A_17 {offsets = [2], sizes = [1], strides = [1]} : vector<16xi32> to vector<1xi32>
    %squeeze3A_26 = vector.extract %slice3A_25[0] : i32 from vector<1xi32>
    %lt3A_27 = arith.cmpi slt, %squeeze3A_26, %add3A_4 : i32
    %convert_element_type3A_28 = arith.extui %lt3A_27 : i1 to i32
    %add3A_29 = arith.addi %add3A_24, %convert_element_type3A_28 : i32
    %slice3A_30 = vector.extract_strided_slice %get3A_17 {offsets = [3], sizes = [1], strides = [1]} : vector<16xi32> to vector<1xi32>
    %squeeze3A_31 = vector.extract %slice3A_30[0] : i32 from vector<1xi32>
    %lt3A_32 = arith.cmpi slt, %squeeze3A_31, %add3A_4 : i32
    %convert_element_type3A_33 = arith.extui %lt3A_32 : i1 to i32
    %add3A_34 = arith.addi %add3A_29, %convert_element_type3A_33 : i32
    %slice3A_35 = vector.extract_strided_slice %get3A_17 {offsets = [4], sizes = [1], strides = [1]} : vector<16xi32> to vector<1xi32>
    %squeeze3A_36 = vector.extract %slice3A_35[0] : i32 from vector<1xi32>
    %lt3A_37 = arith.cmpi slt, %squeeze3A_36, %add3A_4 : i32
    %convert_element_type3A_38 = arith.extui %lt3A_37 : i1 to i32
    %add3A_39 = arith.addi %add3A_34, %convert_element_type3A_38 : i32
    %slice3A_40 = vector.extract_strided_slice %get3A_17 {offsets = [5], sizes = [1], strides = [1]} : vector<16xi32> to vector<1xi32>
    %squeeze3A_41 = vector.extract %slice3A_40[0] : i32 from vector<1xi32>
    %lt3A_42 = arith.cmpi slt, %squeeze3A_41, %add3A_4 : i32
    %convert_element_type3A_43 = arith.extui %lt3A_42 : i1 to i32
    %add3A_44 = arith.addi %add3A_39, %convert_element_type3A_43 : i32
    %slice3A_45 = vector.extract_strided_slice %get3A_17 {offsets = [6], sizes = [1], strides = [1]} : vector<16xi32> to vector<1xi32>
    %squeeze3A_46 = vector.extract %slice3A_45[0] : i32 from vector<1xi32>
    %lt3A_47 = arith.cmpi slt, %squeeze3A_46, %add3A_4 : i32
    %convert_element_type3A_48 = arith.extui %lt3A_47 : i1 to i32
    %add3A_49 = arith.addi %add3A_44, %convert_element_type3A_48 : i32
    %slice3A_50 = vector.extract_strided_slice %get3A_17 {offsets = [7], sizes = [1], strides = [1]} : vector<16xi32> to vector<1xi32>
    %squeeze3A_51 = vector.extract %slice3A_50[0] : i32 from vector<1xi32>
    %lt3A_52 = arith.cmpi slt, %squeeze3A_51, %add3A_4 : i32
    %convert_element_type3A_53 = arith.extui %lt3A_52 : i1 to i32
    %add3A_54 = arith.addi %add3A_49, %convert_element_type3A_53 : i32
    %slice3A_55 = vector.extract_strided_slice %get3A_17 {offsets = [8], sizes = [1], strides = [1]} : vector<16xi32> to vector<1xi32>
    %squeeze3A_56 = vector.extract %slice3A_55[0] : i32 from vector<1xi32>
    %lt3A_57 = arith.cmpi slt, %squeeze3A_56, %add3A_4 : i32
    %convert_element_type3A_58 = arith.extui %lt3A_57 : i1 to i32
    %add3A_59 = arith.addi %add3A_54, %convert_element_type3A_58 : i32
    %slice3A_60 = vector.extract_strided_slice %get3A_17 {offsets = [9], sizes = [1], strides = [1]} : vector<16xi32> to vector<1xi32>
    %squeeze3A_61 = vector.extract %slice3A_60[0] : i32 from vector<1xi32>
    %lt3A_62 = arith.cmpi slt, %squeeze3A_61, %add3A_4 : i32
    %convert_element_type3A_63 = arith.extui %lt3A_62 : i1 to i32
    %add3A_64 = arith.addi %add3A_59, %convert_element_type3A_63 : i32
    %slice3A_65 = vector.extract_strided_slice %get3A_17 {offsets = [10], sizes = [1], strides = [1]} : vector<16xi32> to vector<1xi32>
    %squeeze3A_66 = vector.extract %slice3A_65[0] : i32 from vector<1xi32>
    %lt3A_67 = arith.cmpi slt, %squeeze3A_66, %add3A_4 : i32
    %convert_element_type3A_68 = arith.extui %lt3A_67 : i1 to i32
    %add3A_69 = arith.addi %add3A_64, %convert_element_type3A_68 : i32
    %slice3A_70 = vector.extract_strided_slice %get3A_17 {offsets = [11], sizes = [1], strides = [1]} : vector<16xi32> to vector<1xi32>
    %squeeze3A_71 = vector.extract %slice3A_70[0] : i32 from vector<1xi32>
    %lt3A_72 = arith.cmpi slt, %squeeze3A_71, %add3A_4 : i32
    %convert_element_type3A_73 = arith.extui %lt3A_72 : i1 to i32
    %add3A_74 = arith.addi %add3A_69, %convert_element_type3A_73 : i32
    %slice3A_75 = vector.extract_strided_slice %get3A_17 {offsets = [12], sizes = [1], strides = [1]} : vector<16xi32> to vector<1xi32>
    %squeeze3A_76 = vector.extract %slice3A_75[0] : i32 from vector<1xi32>
    %lt3A_77 = arith.cmpi slt, %squeeze3A_76, %add3A_4 : i32
    %convert_element_type3A_78 = arith.extui %lt3A_77 : i1 to i32
    %add3A_79 = arith.addi %add3A_74, %convert_element_type3A_78 : i32
    %slice3A_80 = vector.extract_strided_slice %get3A_17 {offsets = [13], sizes = [1], strides = [1]} : vector<16xi32> to vector<1xi32>
    %squeeze3A_81 = vector.extract %slice3A_80[0] : i32 from vector<1xi32>
    %lt3A_82 = arith.cmpi slt, %squeeze3A_81, %add3A_4 : i32
    %convert_element_type3A_83 = arith.extui %lt3A_82 : i1 to i32
    %add3A_84 = arith.addi %add3A_79, %convert_element_type3A_83 : i32
    %slice3A_85 = vector.extract_strided_slice %get3A_17 {offsets = [14], sizes = [1], strides = [1]} : vector<16xi32> to vector<1xi32>
    %squeeze3A_86 = vector.extract %slice3A_85[0] : i32 from vector<1xi32>
    %lt3A_87 = arith.cmpi slt, %squeeze3A_86, %add3A_4 : i32
    %convert_element_type3A_88 = arith.extui %lt3A_87 : i1 to i32
    %add3A_89 = arith.addi %add3A_84, %convert_element_type3A_88 : i32
    %slice3A_90 = vector.extract_strided_slice %get3A_17 {offsets = [15], sizes = [1], strides = [1]} : vector<16xi32> to vector<1xi32>
    %squeeze3A_91 = vector.extract %slice3A_90[0] : i32 from vector<1xi32>
    %lt3A_92 = arith.cmpi slt, %squeeze3A_91, %add3A_4 : i32
    %convert_element_type3A_93 = arith.extui %lt3A_92 : i1 to i32
    %add3A_94 = arith.addi %add3A_89, %convert_element_type3A_93 : i32
    %eq3A = arith.constant 0 : i32
    %eq3A_95 = arith.cmpi eq, %scan3A_10#0, %eq3A : i32
    %mul3A_96 = arith.constant 16 : i32
    %mul3A_97 = arith.muli %max3A_13, %mul3A_96 : i32
    %add3A_98 = arith.addi %mul3A_97, %add3A_94 : i32
    %jit3A = arith.constant 0 : i32
    %select_n3A = arith.select %eq3A_95, %jit3A, %add3A_98 : i32
    %add3A_99 = arith.constant 1 : i32
    %add3A_100 = arith.addi %mul3A_2, %add3A_99 : i32
    %scan3A_101 = arith.constant 0 : i32
    %scan3A_102 = arith.constant 3125 : i32
    %scan3A_103 = arith.constant 0 : i32
    %scan3A_104 = arith.constant 12 : i32
    %scan3A_105 = arith.addi %scan3A_103, %scan3A_104 : i32
    %scan3A_106 = arith.constant 1 : i32
    %scan3A_107:2 = scf.for %scan3A_841 = %scan3A_103 to %scan3A_105 step %scan3A_106 iter_args(%scan3A_842 = %scan3A_101, %scan3A_843 = %scan3A_102) -> (i32, i32)  : i32 {
      %add3A_844 = arith.addi %scan3A_842, %scan3A_843 : i32
      %jit3A_845 = arith.constant 2 : i32
      %div3A_846 = arith.divsi %add3A_844, %jit3A_845 : i32
      %sign3A_847 = arith.constant 0 : i32
      %sign3A_848 = arith.cmpi sgt, %add3A_844, %sign3A_847 : i32
      %sign3A_849 = arith.extui %sign3A_848 : i1 to i32
      %sign3A_850 = arith.constant 0 : i32
      %sign3A_851 = arith.cmpi slt, %add3A_844, %sign3A_850 : i32
      %sign3A_852 = arith.extui %sign3A_851 : i1 to i32
      %sign3A_853 = arith.subi %sign3A_849, %sign3A_852 : i32
      %sign3A_854 = arith.constant 0 : i32
      %sign3A_855 = arith.cmpi sgt, %jit3A_845, %sign3A_854 : i32
      %sign3A_856 = arith.extui %sign3A_855 : i1 to i32
      %sign3A_857 = arith.constant 0 : i32
      %sign3A_858 = arith.cmpi slt, %jit3A_845, %sign3A_857 : i32
      %sign3A_859 = arith.extui %sign3A_858 : i1 to i32
      %sign3A_860 = arith.subi %sign3A_856, %sign3A_859 : i32
      %ne3A_861 = arith.cmpi ne, %sign3A_853, %sign3A_860 : i32
      %rem3A_862 = arith.remsi %add3A_844, %jit3A_845 : i32
      %ne3A_863 = arith.constant 0 : i32
      %ne3A_864 = arith.cmpi ne, %rem3A_862, %ne3A_863 : i32
      %and3A_865 = arith.andi %ne3A_861, %ne3A_864 : i1
      %sub3A_866 = arith.constant 1 : i32
      %sub3A_867 = arith.subi %div3A_846, %sub3A_866 : i32
      %select_n3A_868 = arith.select %and3A_865, %sub3A_867, %div3A_846 : i32
      %mul3A_869 = arith.constant 16 : i32
      %mul3A_870 = arith.muli %select_n3A_868, %mul3A_869 : i32
      %get3A_871 = arith.index_cast %mul3A_870 : i32 to index
      %get3A_872 = tpu.vector_load %arg5[%get3A_871] {strides = array<i32>} : memref<50000xi32, #tpu.memory_space<vmem>>, vector<16xi32>,
      %get3A_873 = vector.shape_cast %get3A_872 : vector<16xi32> to vector<16xi32>
      %slice3A_874 = vector.extract_strided_slice %get3A_873 {offsets = [0], sizes = [1], strides = [1]} : vector<16xi32> to vector<1xi32>
      %squeeze3A_875 = vector.extract %slice3A_874[0] : i32 from vector<1xi32>
      %lt3A_876 = arith.cmpi slt, %squeeze3A_875, %add3A_100 : i32
      %lt3A_877 = arith.cmpi slt, %scan3A_842, %scan3A_843 : i32
      %and3A_878 = arith.andi %lt3A_877, %lt3A_876 : i1
      %add3A_879 = arith.constant 1 : i32
      %add3A_880 = arith.addi %select_n3A_868, %add3A_879 : i32
      %select_n3A_881 = arith.select %and3A_878, %add3A_880, %scan3A_842 : i32
      %lt3A_882 = arith.cmpi slt, %scan3A_842, %scan3A_843 : i32
      %not3A = arith.constant true
      %not3A_883 = arith.xori %lt3A_876, %not3A : i1
      %and3A_884 = arith.andi %lt3A_882, %not3A_883 : i1
      %select_n3A_885 = arith.select %and3A_884, %select_n3A_868, %scan3A_843 : i32
      scf.yield %select_n3A_881, %select_n3A_885 : i32, i32
    }
    %scan3A_108 = arith.constant 12 : i32
    %sub3A_109 = arith.constant 1 : i32
    %sub3A_110 = arith.subi %scan3A_107#0, %sub3A_109 : i32
    %max3A_111 = arith.constant 0 : i32
    %max3A_112 = arith.maxsi %sub3A_110, %max3A_111 : i32
    %mul3A_113 = arith.constant 16 : i32
    %mul3A_114 = arith.muli %max3A_112, %mul3A_113 : i32
    %get3A_115 = arith.index_cast %mul3A_114 : i32 to index
    %get3A_116 = tpu.vector_load %arg5[%get3A_115] {strides = array<i32>} : memref<50000xi32, #tpu.memory_space<vmem>>, vector<16xi32>,
    %get3A_117 = vector.shape_cast %get3A_116 : vector<16xi32> to vector<16xi32>
    %slice3A_118 = vector.extract_strided_slice %get3A_117 {offsets = [0], sizes = [1], strides = [1]} : vector<16xi32> to vector<1xi32>
    %squeeze3A_119 = vector.extract %slice3A_118[0] : i32 from vector<1xi32>
    %lt3A_120 = arith.cmpi slt, %squeeze3A_119, %add3A_100 : i32
    %convert_element_type3A_121 = arith.extui %lt3A_120 : i1 to i32
    %add3A_122 = arith.constant 0 : i32
    %add3A_123 = arith.addi %add3A_122, %convert_element_type3A_121 : i32
    %slice3A_124 = vector.extract_strided_slice %get3A_117 {offsets = [1], sizes = [1], strides = [1]} : vector<16xi32> to vector<1xi32>
    %squeeze3A_125 = vector.extract %slice3A_124[0] : i32 from vector<1xi32>
    %lt3A_126 = arith.cmpi slt, %squeeze3A_125, %add3A_100 : i32
    %convert_element_type3A_127 = arith.extui %lt3A_126 : i1 to i32
    %add3A_128 = arith.addi %add3A_123, %convert_element_type3A_127 : i32
    %slice3A_129 = vector.extract_strided_slice %get3A_117 {offsets = [2], sizes = [1], strides = [1]} : vector<16xi32> to vector<1xi32>
    %squeeze3A_130 = vector.extract %slice3A_129[0] : i32 from vector<1xi32>
    %lt3A_131 = arith.cmpi slt, %squeeze3A_130, %add3A_100 : i32
    %convert_element_type3A_132 = arith.extui %lt3A_131 : i1 to i32
    %add3A_133 = arith.addi %add3A_128, %convert_element_type3A_132 : i32
    %slice3A_134 = vector.extract_strided_slice %get3A_117 {offsets = [3], sizes = [1], strides = [1]} : vector<16xi32> to vector<1xi32>
    %squeeze3A_135 = vector.extract %slice3A_134[0] : i32 from vector<1xi32>
    %lt3A_136 = arith.cmpi slt, %squeeze3A_135, %add3A_100 : i32
    %convert_element_type3A_137 = arith.extui %lt3A_136 : i1 to i32
    %add3A_138 = arith.addi %add3A_133, %convert_element_type3A_137 : i32
    %slice3A_139 = vector.extract_strided_slice %get3A_117 {offsets = [4], sizes = [1], strides = [1]} : vector<16xi32> to vector<1xi32>
    %squeeze3A_140 = vector.extract %slice3A_139[0] : i32 from vector<1xi32>
    %lt3A_141 = arith.cmpi slt, %squeeze3A_140, %add3A_100 : i32
    %convert_element_type3A_142 = arith.extui %lt3A_141 : i1 to i32
    %add3A_143 = arith.addi %add3A_138, %convert_element_type3A_142 : i32
    %slice3A_144 = vector.extract_strided_slice %get3A_117 {offsets = [5], sizes = [1], strides = [1]} : vector<16xi32> to vector<1xi32>
    %squeeze3A_145 = vector.extract %slice3A_144[0] : i32 from vector<1xi32>
    %lt3A_146 = arith.cmpi slt, %squeeze3A_145, %add3A_100 : i32
    %convert_element_type3A_147 = arith.extui %lt3A_146 : i1 to i32
    %add3A_148 = arith.addi %add3A_143, %convert_element_type3A_147 : i32
    %slice3A_149 = vector.extract_strided_slice %get3A_117 {offsets = [6], sizes = [1], strides = [1]} : vector<16xi32> to vector<1xi32>
    %squeeze3A_150 = vector.extract %slice3A_149[0] : i32 from vector<1xi32>
    %lt3A_151 = arith.cmpi slt, %squeeze3A_150, %add3A_100 : i32
    %convert_element_type3A_152 = arith.extui %lt3A_151 : i1 to i32
    %add3A_153 = arith.addi %add3A_148, %convert_element_type3A_152 : i32
    %slice3A_154 = vector.extract_strided_slice %get3A_117 {offsets = [7], sizes = [1], strides = [1]} : vector<16xi32> to vector<1xi32>
    %squeeze3A_155 = vector.extract %slice3A_154[0] : i32 from vector<1xi32>
    %lt3A_156 = arith.cmpi slt, %squeeze3A_155, %add3A_100 : i32
    %convert_element_type3A_157 = arith.extui %lt3A_156 : i1 to i32
    %add3A_158 = arith.addi %add3A_153, %convert_element_type3A_157 : i32
    %slice3A_159 = vector.extract_strided_slice %get3A_117 {offsets = [8], sizes = [1], strides = [1]} : vector<16xi32> to vector<1xi32>
    %squeeze3A_160 = vector.extract %slice3A_159[0] : i32 from vector<1xi32>
    %lt3A_161 = arith.cmpi slt, %squeeze3A_160, %add3A_100 : i32
    %convert_element_type3A_162 = arith.extui %lt3A_161 : i1 to i32
    %add3A_163 = arith.addi %add3A_158, %convert_element_type3A_162 : i32
    %slice3A_164 = vector.extract_strided_slice %get3A_117 {offsets = [9], sizes = [1], strides = [1]} : vector<16xi32> to vector<1xi32>
    %squeeze3A_165 = vector.extract %slice3A_164[0] : i32 from vector<1xi32>
    %lt3A_166 = arith.cmpi slt, %squeeze3A_165, %add3A_100 : i32
    %convert_element_type3A_167 = arith.extui %lt3A_166 : i1 to i32
    %add3A_168 = arith.addi %add3A_163, %convert_element_type3A_167 : i32
    %slice3A_169 = vector.extract_strided_slice %get3A_117 {offsets = [10], sizes = [1], strides = [1]} : vector<16xi32> to vector<1xi32>
    %squeeze3A_170 = vector.extract %slice3A_169[0] : i32 from vector<1xi32>
    %lt3A_171 = arith.cmpi slt, %squeeze3A_170, %add3A_100 : i32
    %convert_element_type3A_172 = arith.extui %lt3A_171 : i1 to i32
    %add3A_173 = arith.addi %add3A_168, %convert_element_type3A_172 : i32
    %slice3A_174 = vector.extract_strided_slice %get3A_117 {offsets = [11], sizes = [1], strides = [1]} : vector<16xi32> to vector<1xi32>
    %squeeze3A_175 = vector.extract %slice3A_174[0] : i32 from vector<1xi32>
    %lt3A_176 = arith.cmpi slt, %squeeze3A_175, %add3A_100 : i32
    %convert_element_type3A_177 = arith.extui %lt3A_176 : i1 to i32
    %add3A_178 = arith.addi %add3A_173, %convert_element_type3A_177 : i32
    %slice3A_179 = vector.extract_strided_slice %get3A_117 {offsets = [12], sizes = [1], strides = [1]} : vector<16xi32> to vector<1xi32>
    %squeeze3A_180 = vector.extract %slice3A_179[0] : i32 from vector<1xi32>
    %lt3A_181 = arith.cmpi slt, %squeeze3A_180, %add3A_100 : i32
    %convert_element_type3A_182 = arith.extui %lt3A_181 : i1 to i32
    %add3A_183 = arith.addi %add3A_178, %convert_element_type3A_182 : i32
    %slice3A_184 = vector.extract_strided_slice %get3A_117 {offsets = [13], sizes = [1], strides = [1]} : vector<16xi32> to vector<1xi32>
    %squeeze3A_185 = vector.extract %slice3A_184[0] : i32 from vector<1xi32>
    %lt3A_186 = arith.cmpi slt, %squeeze3A_185, %add3A_100 : i32
    %convert_element_type3A_187 = arith.extui %lt3A_186 : i1 to i32
    %add3A_188 = arith.addi %add3A_183, %convert_element_type3A_187 : i32
    %slice3A_189 = vector.extract_strided_slice %get3A_117 {offsets = [14], sizes = [1], strides = [1]} : vector<16xi32> to vector<1xi32>
    %squeeze3A_190 = vector.extract %slice3A_189[0] : i32 from vector<1xi32>
    %lt3A_191 = arith.cmpi slt, %squeeze3A_190, %add3A_100 : i32
    %convert_element_type3A_192 = arith.extui %lt3A_191 : i1 to i32
    %add3A_193 = arith.addi %add3A_188, %convert_element_type3A_192 : i32
    %slice3A_194 = vector.extract_strided_slice %get3A_117 {offsets = [15], sizes = [1], strides = [1]} : vector<16xi32> to vector<1xi32>
    %squeeze3A_195 = vector.extract %slice3A_194[0] : i32 from vector<1xi32>
    %lt3A_196 = arith.cmpi slt, %squeeze3A_195, %add3A_100 : i32
    %convert_element_type3A_197 = arith.extui %lt3A_196 : i1 to i32
    %add3A_198 = arith.addi %add3A_193, %convert_element_type3A_197 : i32
    %eq3A_199 = arith.constant 0 : i32
    %eq3A_200 = arith.cmpi eq, %scan3A_107#0, %eq3A_199 : i32
    %mul3A_201 = arith.constant 16 : i32
    %mul3A_202 = arith.muli %max3A_112, %mul3A_201 : i32
    %add3A_203 = arith.addi %mul3A_202, %add3A_198 : i32
    %jit3A_204 = arith.constant 0 : i32
    %select_n3A_205 = arith.select %eq3A_200, %jit3A_204, %add3A_203 : i32
    %add3A_206 = arith.constant 2 : i32
    %add3A_207 = arith.addi %mul3A_2, %add3A_206 : i32
    %scan3A_208 = arith.constant 0 : i32
    %scan3A_209 = arith.constant 3125 : i32
    %scan3A_210 = arith.constant 0 : i32
    %scan3A_211 = arith.constant 12 : i32
    %scan3A_212 = arith.addi %scan3A_210, %scan3A_211 : i32
    %scan3A_213 = arith.constant 1 : i32
    %scan3A_214:2 = scf.for %scan3A_841 = %scan3A_210 to %scan3A_212 step %scan3A_213 iter_args(%scan3A_842 = %scan3A_208, %scan3A_843 = %scan3A_209) -> (i32, i32)  : i32 {
      %add3A_844 = arith.addi %scan3A_842, %scan3A_843 : i32
      %jit3A_845 = arith.constant 2 : i32
      %div3A_846 = arith.divsi %add3A_844, %jit3A_845 : i32
      %sign3A_847 = arith.constant 0 : i32
      %sign3A_848 = arith.cmpi sgt, %add3A_844, %sign3A_847 : i32
      %sign3A_849 = arith.extui %sign3A_848 : i1 to i32
      %sign3A_850 = arith.constant 0 : i32
      %sign3A_851 = arith.cmpi slt, %add3A_844, %sign3A_850 : i32
      %sign3A_852 = arith.extui %sign3A_851 : i1 to i32
      %sign3A_853 = arith.subi %sign3A_849, %sign3A_852 : i32
      %sign3A_854 = arith.constant 0 : i32
      %sign3A_855 = arith.cmpi sgt, %jit3A_845, %sign3A_854 : i32
      %sign3A_856 = arith.extui %sign3A_855 : i1 to i32
      %sign3A_857 = arith.constant 0 : i32
      %sign3A_858 = arith.cmpi slt, %jit3A_845, %sign3A_857 : i32
      %sign3A_859 = arith.extui %sign3A_858 : i1 to i32
      %sign3A_860 = arith.subi %sign3A_856, %sign3A_859 : i32
      %ne3A_861 = arith.cmpi ne, %sign3A_853, %sign3A_860 : i32
      %rem3A_862 = arith.remsi %add3A_844, %jit3A_845 : i32
      %ne3A_863 = arith.constant 0 : i32
      %ne3A_864 = arith.cmpi ne, %rem3A_862, %ne3A_863 : i32
      %and3A_865 = arith.andi %ne3A_861, %ne3A_864 : i1
      %sub3A_866 = arith.constant 1 : i32
      %sub3A_867 = arith.subi %div3A_846, %sub3A_866 : i32
      %select_n3A_868 = arith.select %and3A_865, %sub3A_867, %div3A_846 : i32
      %mul3A_869 = arith.constant 16 : i32
      %mul3A_870 = arith.muli %select_n3A_868, %mul3A_869 : i32
      %get3A_871 = arith.index_cast %mul3A_870 : i32 to index
      %get3A_872 = tpu.vector_load %arg5[%get3A_871] {strides = array<i32>} : memref<50000xi32, #tpu.memory_space<vmem>>, vector<16xi32>,
      %get3A_873 = vector.shape_cast %get3A_872 : vector<16xi32> to vector<16xi32>
      %slice3A_874 = vector.extract_strided_slice %get3A_873 {offsets = [0], sizes = [1], strides = [1]} : vector<16xi32> to vector<1xi32>
      %squeeze3A_875 = vector.extract %slice3A_874[0] : i32 from vector<1xi32>
      %lt3A_876 = arith.cmpi slt, %squeeze3A_875, %add3A_207 : i32
      %lt3A_877 = arith.cmpi slt, %scan3A_842, %scan3A_843 : i32
      %and3A_878 = arith.andi %lt3A_877, %lt3A_876 : i1
      %add3A_879 = arith.constant 1 : i32
      %add3A_880 = arith.addi %select_n3A_868, %add3A_879 : i32
      %select_n3A_881 = arith.select %and3A_878, %add3A_880, %scan3A_842 : i32
      %lt3A_882 = arith.cmpi slt, %scan3A_842, %scan3A_843 : i32
      %not3A = arith.constant true
      %not3A_883 = arith.xori %lt3A_876, %not3A : i1
      %and3A_884 = arith.andi %lt3A_882, %not3A_883 : i1
      %select_n3A_885 = arith.select %and3A_884, %select_n3A_868, %scan3A_843 : i32
      scf.yield %select_n3A_881, %select_n3A_885 : i32, i32
    }
    %scan3A_215 = arith.constant 12 : i32
    %sub3A_216 = arith.constant 1 : i32
    %sub3A_217 = arith.subi %scan3A_214#0, %sub3A_216 : i32
    %max3A_218 = arith.constant 0 : i32
    %max3A_219 = arith.maxsi %sub3A_217, %max3A_218 : i32
    %mul3A_220 = arith.constant 16 : i32
    %mul3A_221 = arith.muli %max3A_219, %mul3A_220 : i32
    %get3A_222 = arith.index_cast %mul3A_221 : i32 to index
    %get3A_223 = tpu.vector_load %arg5[%get3A_222] {strides = array<i32>} : memref<50000xi32, #tpu.memory_space<vmem>>, vector<16xi32>,
    %get3A_224 = vector.shape_cast %get3A_223 : vector<16xi32> to vector<16xi32>
    %slice3A_225 = vector.extract_strided_slice %get3A_224 {offsets = [0], sizes = [1], strides = [1]} : vector<16xi32> to vector<1xi32>
    %squeeze3A_226 = vector.extract %slice3A_225[0] : i32 from vector<1xi32>
    %lt3A_227 = arith.cmpi slt, %squeeze3A_226, %add3A_207 : i32
    %convert_element_type3A_228 = arith.extui %lt3A_227 : i1 to i32
    %add3A_229 = arith.constant 0 : i32
    %add3A_230 = arith.addi %add3A_229, %convert_element_type3A_228 : i32
    %slice3A_231 = vector.extract_strided_slice %get3A_224 {offsets = [1], sizes = [1], strides = [1]} : vector<16xi32> to vector<1xi32>
    %squeeze3A_232 = vector.extract %slice3A_231[0] : i32 from vector<1xi32>
    %lt3A_233 = arith.cmpi slt, %squeeze3A_232, %add3A_207 : i32
    %convert_element_type3A_234 = arith.extui %lt3A_233 : i1 to i32
    %add3A_235 = arith.addi %add3A_230, %convert_element_type3A_234 : i32
    %slice3A_236 = vector.extract_strided_slice %get3A_224 {offsets = [2], sizes = [1], strides = [1]} : vector<16xi32> to vector<1xi32>
    %squeeze3A_237 = vector.extract %slice3A_236[0] : i32 from vector<1xi32>
    %lt3A_238 = arith.cmpi slt, %squeeze3A_237, %add3A_207 : i32
    %convert_element_type3A_239 = arith.extui %lt3A_238 : i1 to i32
    %add3A_240 = arith.addi %add3A_235, %convert_element_type3A_239 : i32
    %slice3A_241 = vector.extract_strided_slice %get3A_224 {offsets = [3], sizes = [1], strides = [1]} : vector<16xi32> to vector<1xi32>
    %squeeze3A_242 = vector.extract %slice3A_241[0] : i32 from vector<1xi32>
    %lt3A_243 = arith.cmpi slt, %squeeze3A_242, %add3A_207 : i32
    %convert_element_type3A_244 = arith.extui %lt3A_243 : i1 to i32
    %add3A_245 = arith.addi %add3A_240, %convert_element_type3A_244 : i32
    %slice3A_246 = vector.extract_strided_slice %get3A_224 {offsets = [4], sizes = [1], strides = [1]} : vector<16xi32> to vector<1xi32>
    %squeeze3A_247 = vector.extract %slice3A_246[0] : i32 from vector<1xi32>
    %lt3A_248 = arith.cmpi slt, %squeeze3A_247, %add3A_207 : i32
    %convert_element_type3A_249 = arith.extui %lt3A_248 : i1 to i32
    %add3A_250 = arith.addi %add3A_245, %convert_element_type3A_249 : i32
    %slice3A_251 = vector.extract_strided_slice %get3A_224 {offsets = [5], sizes = [1], strides = [1]} : vector<16xi32> to vector<1xi32>
    %squeeze3A_252 = vector.extract %slice3A_251[0] : i32 from vector<1xi32>
    %lt3A_253 = arith.cmpi slt, %squeeze3A_252, %add3A_207 : i32
    %convert_element_type3A_254 = arith.extui %lt3A_253 : i1 to i32
    %add3A_255 = arith.addi %add3A_250, %convert_element_type3A_254 : i32
    %slice3A_256 = vector.extract_strided_slice %get3A_224 {offsets = [6], sizes = [1], strides = [1]} : vector<16xi32> to vector<1xi32>
    %squeeze3A_257 = vector.extract %slice3A_256[0] : i32 from vector<1xi32>
    %lt3A_258 = arith.cmpi slt, %squeeze3A_257, %add3A_207 : i32
    %convert_element_type3A_259 = arith.extui %lt3A_258 : i1 to i32
    %add3A_260 = arith.addi %add3A_255, %convert_element_type3A_259 : i32
    %slice3A_261 = vector.extract_strided_slice %get3A_224 {offsets = [7], sizes = [1], strides = [1]} : vector<16xi32> to vector<1xi32>
    %squeeze3A_262 = vector.extract %slice3A_261[0] : i32 from vector<1xi32>
    %lt3A_263 = arith.cmpi slt, %squeeze3A_262, %add3A_207 : i32
    %convert_element_type3A_264 = arith.extui %lt3A_263 : i1 to i32
    %add3A_265 = arith.addi %add3A_260, %convert_element_type3A_264 : i32
    %slice3A_266 = vector.extract_strided_slice %get3A_224 {offsets = [8], sizes = [1], strides = [1]} : vector<16xi32> to vector<1xi32>
    %squeeze3A_267 = vector.extract %slice3A_266[0] : i32 from vector<1xi32>
    %lt3A_268 = arith.cmpi slt, %squeeze3A_267, %add3A_207 : i32
    %convert_element_type3A_269 = arith.extui %lt3A_268 : i1 to i32
    %add3A_270 = arith.addi %add3A_265, %convert_element_type3A_269 : i32
    %slice3A_271 = vector.extract_strided_slice %get3A_224 {offsets = [9], sizes = [1], strides = [1]} : vector<16xi32> to vector<1xi32>
    %squeeze3A_272 = vector.extract %slice3A_271[0] : i32 from vector<1xi32>
    %lt3A_273 = arith.cmpi slt, %squeeze3A_272, %add3A_207 : i32
    %convert_element_type3A_274 = arith.extui %lt3A_273 : i1 to i32
    %add3A_275 = arith.addi %add3A_270, %convert_element_type3A_274 : i32
    %slice3A_276 = vector.extract_strided_slice %get3A_224 {offsets = [10], sizes = [1], strides = [1]} : vector<16xi32> to vector<1xi32>
    %squeeze3A_277 = vector.extract %slice3A_276[0] : i32 from vector<1xi32>
    %lt3A_278 = arith.cmpi slt, %squeeze3A_277, %add3A_207 : i32
    %convert_element_type3A_279 = arith.extui %lt3A_278 : i1 to i32
    %add3A_280 = arith.addi %add3A_275, %convert_element_type3A_279 : i32
    %slice3A_281 = vector.extract_strided_slice %get3A_224 {offsets = [11], sizes = [1], strides = [1]} : vector<16xi32> to vector<1xi32>
    %squeeze3A_282 = vector.extract %slice3A_281[0] : i32 from vector<1xi32>
    %lt3A_283 = arith.cmpi slt, %squeeze3A_282, %add3A_207 : i32
    %convert_element_type3A_284 = arith.extui %lt3A_283 : i1 to i32
    %add3A_285 = arith.addi %add3A_280, %convert_element_type3A_284 : i32
    %slice3A_286 = vector.extract_strided_slice %get3A_224 {offsets = [12], sizes = [1], strides = [1]} : vector<16xi32> to vector<1xi32>
    %squeeze3A_287 = vector.extract %slice3A_286[0] : i32 from vector<1xi32>
    %lt3A_288 = arith.cmpi slt, %squeeze3A_287, %add3A_207 : i32
    %convert_element_type3A_289 = arith.extui %lt3A_288 : i1 to i32
    %add3A_290 = arith.addi %add3A_285, %convert_element_type3A_289 : i32
    %slice3A_291 = vector.extract_strided_slice %get3A_224 {offsets = [13], sizes = [1], strides = [1]} : vector<16xi32> to vector<1xi32>
    %squeeze3A_292 = vector.extract %slice3A_291[0] : i32 from vector<1xi32>
    %lt3A_293 = arith.cmpi slt, %squeeze3A_292, %add3A_207 : i32
    %convert_element_type3A_294 = arith.extui %lt3A_293 : i1 to i32
    %add3A_295 = arith.addi %add3A_290, %convert_element_type3A_294 : i32
    %slice3A_296 = vector.extract_strided_slice %get3A_224 {offsets = [14], sizes = [1], strides = [1]} : vector<16xi32> to vector<1xi32>
    %squeeze3A_297 = vector.extract %slice3A_296[0] : i32 from vector<1xi32>
    %lt3A_298 = arith.cmpi slt, %squeeze3A_297, %add3A_207 : i32
    %convert_element_type3A_299 = arith.extui %lt3A_298 : i1 to i32
    %add3A_300 = arith.addi %add3A_295, %convert_element_type3A_299 : i32
    %slice3A_301 = vector.extract_strided_slice %get3A_224 {offsets = [15], sizes = [1], strides = [1]} : vector<16xi32> to vector<1xi32>
    %squeeze3A_302 = vector.extract %slice3A_301[0] : i32 from vector<1xi32>
    %lt3A_303 = arith.cmpi slt, %squeeze3A_302, %add3A_207 : i32
    %convert_element_type3A_304 = arith.extui %lt3A_303 : i1 to i32
    %add3A_305 = arith.addi %add3A_300, %convert_element_type3A_304 : i32
    %eq3A_306 = arith.constant 0 : i32
    %eq3A_307 = arith.cmpi eq, %scan3A_214#0, %eq3A_306 : i32
    %mul3A_308 = arith.constant 16 : i32
    %mul3A_309 = arith.muli %max3A_219, %mul3A_308 : i32
    %add3A_310 = arith.addi %mul3A_309, %add3A_305 : i32
    %jit3A_311 = arith.constant 0 : i32
    %select_n3A_312 = arith.select %eq3A_307, %jit3A_311, %add3A_310 : i32
    %add3A_313 = arith.constant 3 : i32
    %add3A_314 = arith.addi %mul3A_2, %add3A_313 : i32
    %scan3A_315 = arith.constant 0 : i32
    %scan3A_316 = arith.constant 3125 : i32
    %scan3A_317 = arith.constant 0 : i32
    %scan3A_318 = arith.constant 12 : i32
    %scan3A_319 = arith.addi %scan3A_317, %scan3A_318 : i32
    %scan3A_320 = arith.constant 1 : i32
    %scan3A_321:2 = scf.for %scan3A_841 = %scan3A_317 to %scan3A_319 step %scan3A_320 iter_args(%scan3A_842 = %scan3A_315, %scan3A_843 = %scan3A_316) -> (i32, i32)  : i32 {
      %add3A_844 = arith.addi %scan3A_842, %scan3A_843 : i32
      %jit3A_845 = arith.constant 2 : i32
      %div3A_846 = arith.divsi %add3A_844, %jit3A_845 : i32
      %sign3A_847 = arith.constant 0 : i32
      %sign3A_848 = arith.cmpi sgt, %add3A_844, %sign3A_847 : i32
      %sign3A_849 = arith.extui %sign3A_848 : i1 to i32
      %sign3A_850 = arith.constant 0 : i32
      %sign3A_851 = arith.cmpi slt, %add3A_844, %sign3A_850 : i32
      %sign3A_852 = arith.extui %sign3A_851 : i1 to i32
      %sign3A_853 = arith.subi %sign3A_849, %sign3A_852 : i32
      %sign3A_854 = arith.constant 0 : i32
      %sign3A_855 = arith.cmpi sgt, %jit3A_845, %sign3A_854 : i32
      %sign3A_856 = arith.extui %sign3A_855 : i1 to i32
      %sign3A_857 = arith.constant 0 : i32
      %sign3A_858 = arith.cmpi slt, %jit3A_845, %sign3A_857 : i32
      %sign3A_859 = arith.extui %sign3A_858 : i1 to i32
      %sign3A_860 = arith.subi %sign3A_856, %sign3A_859 : i32
      %ne3A_861 = arith.cmpi ne, %sign3A_853, %sign3A_860 : i32
      %rem3A_862 = arith.remsi %add3A_844, %jit3A_845 : i32
      %ne3A_863 = arith.constant 0 : i32
      %ne3A_864 = arith.cmpi ne, %rem3A_862, %ne3A_863 : i32
      %and3A_865 = arith.andi %ne3A_861, %ne3A_864 : i1
      %sub3A_866 = arith.constant 1 : i32
      %sub3A_867 = arith.subi %div3A_846, %sub3A_866 : i32
      %select_n3A_868 = arith.select %and3A_865, %sub3A_867, %div3A_846 : i32
      %mul3A_869 = arith.constant 16 : i32
      %mul3A_870 = arith.muli %select_n3A_868, %mul3A_869 : i32
      %get3A_871 = arith.index_cast %mul3A_870 : i32 to index
      %get3A_872 = tpu.vector_load %arg5[%get3A_871] {strides = array<i32>} : memref<50000xi32, #tpu.memory_space<vmem>>, vector<16xi32>,
      %get3A_873 = vector.shape_cast %get3A_872 : vector<16xi32> to vector<16xi32>
      %slice3A_874 = vector.extract_strided_slice %get3A_873 {offsets = [0], sizes = [1], strides = [1]} : vector<16xi32> to vector<1xi32>
      %squeeze3A_875 = vector.extract %slice3A_874[0] : i32 from vector<1xi32>
      %lt3A_876 = arith.cmpi slt, %squeeze3A_875, %add3A_314 : i32
      %lt3A_877 = arith.cmpi slt, %scan3A_842, %scan3A_843 : i32
      %and3A_878 = arith.andi %lt3A_877, %lt3A_876 : i1
      %add3A_879 = arith.constant 1 : i32
      %add3A_880 = arith.addi %select_n3A_868, %add3A_879 : i32
      %select_n3A_881 = arith.select %and3A_878, %add3A_880, %scan3A_842 : i32
      %lt3A_882 = arith.cmpi slt, %scan3A_842, %scan3A_843 : i32
      %not3A = arith.constant true
      %not3A_883 = arith.xori %lt3A_876, %not3A : i1
      %and3A_884 = arith.andi %lt3A_882, %not3A_883 : i1
      %select_n3A_885 = arith.select %and3A_884, %select_n3A_868, %scan3A_843 : i32
      scf.yield %select_n3A_881, %select_n3A_885 : i32, i32
    }
    %scan3A_322 = arith.constant 12 : i32
    %sub3A_323 = arith.constant 1 : i32
    %sub3A_324 = arith.subi %scan3A_321#0, %sub3A_323 : i32
    %max3A_325 = arith.constant 0 : i32
    %max3A_326 = arith.maxsi %sub3A_324, %max3A_325 : i32
    %mul3A_327 = arith.constant 16 : i32
    %mul3A_328 = arith.muli %max3A_326, %mul3A_327 : i32
    %get3A_329 = arith.index_cast %mul3A_328 : i32 to index
    %get3A_330 = tpu.vector_load %arg5[%get3A_329] {strides = array<i32>} : memref<50000xi32, #tpu.memory_space<vmem>>, vector<16xi32>,
    %get3A_331 = vector.shape_cast %get3A_330 : vector<16xi32> to vector<16xi32>
    %slice3A_332 = vector.extract_strided_slice %get3A_331 {offsets = [0], sizes = [1], strides = [1]} : vector<16xi32> to vector<1xi32>
    %squeeze3A_333 = vector.extract %slice3A_332[0] : i32 from vector<1xi32>
    %lt3A_334 = arith.cmpi slt, %squeeze3A_333, %add3A_314 : i32
    %convert_element_type3A_335 = arith.extui %lt3A_334 : i1 to i32
    %add3A_336 = arith.constant 0 : i32
    %add3A_337 = arith.addi %add3A_336, %convert_element_type3A_335 : i32
    %slice3A_338 = vector.extract_strided_slice %get3A_331 {offsets = [1], sizes = [1], strides = [1]} : vector<16xi32> to vector<1xi32>
    %squeeze3A_339 = vector.extract %slice3A_338[0] : i32 from vector<1xi32>
    %lt3A_340 = arith.cmpi slt, %squeeze3A_339, %add3A_314 : i32
    %convert_element_type3A_341 = arith.extui %lt3A_340 : i1 to i32
    %add3A_342 = arith.addi %add3A_337, %convert_element_type3A_341 : i32
    %slice3A_343 = vector.extract_strided_slice %get3A_331 {offsets = [2], sizes = [1], strides = [1]} : vector<16xi32> to vector<1xi32>
    %squeeze3A_344 = vector.extract %slice3A_343[0] : i32 from vector<1xi32>
    %lt3A_345 = arith.cmpi slt, %squeeze3A_344, %add3A_314 : i32
    %convert_element_type3A_346 = arith.extui %lt3A_345 : i1 to i32
    %add3A_347 = arith.addi %add3A_342, %convert_element_type3A_346 : i32
    %slice3A_348 = vector.extract_strided_slice %get3A_331 {offsets = [3], sizes = [1], strides = [1]} : vector<16xi32> to vector<1xi32>
    %squeeze3A_349 = vector.extract %slice3A_348[0] : i32 from vector<1xi32>
    %lt3A_350 = arith.cmpi slt, %squeeze3A_349, %add3A_314 : i32
    %convert_element_type3A_351 = arith.extui %lt3A_350 : i1 to i32
    %add3A_352 = arith.addi %add3A_347, %convert_element_type3A_351 : i32
    %slice3A_353 = vector.extract_strided_slice %get3A_331 {offsets = [4], sizes = [1], strides = [1]} : vector<16xi32> to vector<1xi32>
    %squeeze3A_354 = vector.extract %slice3A_353[0] : i32 from vector<1xi32>
    %lt3A_355 = arith.cmpi slt, %squeeze3A_354, %add3A_314 : i32
    %convert_element_type3A_356 = arith.extui %lt3A_355 : i1 to i32
    %add3A_357 = arith.addi %add3A_352, %convert_element_type3A_356 : i32
    %slice3A_358 = vector.extract_strided_slice %get3A_331 {offsets = [5], sizes = [1], strides = [1]} : vector<16xi32> to vector<1xi32>
    %squeeze3A_359 = vector.extract %slice3A_358[0] : i32 from vector<1xi32>
    %lt3A_360 = arith.cmpi slt, %squeeze3A_359, %add3A_314 : i32
    %convert_element_type3A_361 = arith.extui %lt3A_360 : i1 to i32
    %add3A_362 = arith.addi %add3A_357, %convert_element_type3A_361 : i32
    %slice3A_363 = vector.extract_strided_slice %get3A_331 {offsets = [6], sizes = [1], strides = [1]} : vector<16xi32> to vector<1xi32>
    %squeeze3A_364 = vector.extract %slice3A_363[0] : i32 from vector<1xi32>
    %lt3A_365 = arith.cmpi slt, %squeeze3A_364, %add3A_314 : i32
    %convert_element_type3A_366 = arith.extui %lt3A_365 : i1 to i32
    %add3A_367 = arith.addi %add3A_362, %convert_element_type3A_366 : i32
    %slice3A_368 = vector.extract_strided_slice %get3A_331 {offsets = [7], sizes = [1], strides = [1]} : vector<16xi32> to vector<1xi32>
    %squeeze3A_369 = vector.extract %slice3A_368[0] : i32 from vector<1xi32>
    %lt3A_370 = arith.cmpi slt, %squeeze3A_369, %add3A_314 : i32
    %convert_element_type3A_371 = arith.extui %lt3A_370 : i1 to i32
    %add3A_372 = arith.addi %add3A_367, %convert_element_type3A_371 : i32
    %slice3A_373 = vector.extract_strided_slice %get3A_331 {offsets = [8], sizes = [1], strides = [1]} : vector<16xi32> to vector<1xi32>
    %squeeze3A_374 = vector.extract %slice3A_373[0] : i32 from vector<1xi32>
    %lt3A_375 = arith.cmpi slt, %squeeze3A_374, %add3A_314 : i32
    %convert_element_type3A_376 = arith.extui %lt3A_375 : i1 to i32
    %add3A_377 = arith.addi %add3A_372, %convert_element_type3A_376 : i32
    %slice3A_378 = vector.extract_strided_slice %get3A_331 {offsets = [9], sizes = [1], strides = [1]} : vector<16xi32> to vector<1xi32>
    %squeeze3A_379 = vector.extract %slice3A_378[0] : i32 from vector<1xi32>
    %lt3A_380 = arith.cmpi slt, %squeeze3A_379, %add3A_314 : i32
    %convert_element_type3A_381 = arith.extui %lt3A_380 : i1 to i32
    %add3A_382 = arith.addi %add3A_377, %convert_element_type3A_381 : i32
    %slice3A_383 = vector.extract_strided_slice %get3A_331 {offsets = [10], sizes = [1], strides = [1]} : vector<16xi32> to vector<1xi32>
    %squeeze3A_384 = vector.extract %slice3A_383[0] : i32 from vector<1xi32>
    %lt3A_385 = arith.cmpi slt, %squeeze3A_384, %add3A_314 : i32
    %convert_element_type3A_386 = arith.extui %lt3A_385 : i1 to i32
    %add3A_387 = arith.addi %add3A_382, %convert_element_type3A_386 : i32
    %slice3A_388 = vector.extract_strided_slice %get3A_331 {offsets = [11], sizes = [1], strides = [1]} : vector<16xi32> to vector<1xi32>
    %squeeze3A_389 = vector.extract %slice3A_388[0] : i32 from vector<1xi32>
    %lt3A_390 = arith.cmpi slt, %squeeze3A_389, %add3A_314 : i32
    %convert_element_type3A_391 = arith.extui %lt3A_390 : i1 to i32
    %add3A_392 = arith.addi %add3A_387, %convert_element_type3A_391 : i32
    %slice3A_393 = vector.extract_strided_slice %get3A_331 {offsets = [12], sizes = [1], strides = [1]} : vector<16xi32> to vector<1xi32>
    %squeeze3A_394 = vector.extract %slice3A_393[0] : i32 from vector<1xi32>
    %lt3A_395 = arith.cmpi slt, %squeeze3A_394, %add3A_314 : i32
    %convert_element_type3A_396 = arith.extui %lt3A_395 : i1 to i32
    %add3A_397 = arith.addi %add3A_392, %convert_element_type3A_396 : i32
    %slice3A_398 = vector.extract_strided_slice %get3A_331 {offsets = [13], sizes = [1], strides = [1]} : vector<16xi32> to vector<1xi32>
    %squeeze3A_399 = vector.extract %slice3A_398[0] : i32 from vector<1xi32>
    %lt3A_400 = arith.cmpi slt, %squeeze3A_399, %add3A_314 : i32
    %convert_element_type3A_401 = arith.extui %lt3A_400 : i1 to i32
    %add3A_402 = arith.addi %add3A_397, %convert_element_type3A_401 : i32
    %slice3A_403 = vector.extract_strided_slice %get3A_331 {offsets = [14], sizes = [1], strides = [1]} : vector<16xi32> to vector<1xi32>
    %squeeze3A_404 = vector.extract %slice3A_403[0] : i32 from vector<1xi32>
    %lt3A_405 = arith.cmpi slt, %squeeze3A_404, %add3A_314 : i32
    %convert_element_type3A_406 = arith.extui %lt3A_405 : i1 to i32
    %add3A_407 = arith.addi %add3A_402, %convert_element_type3A_406 : i32
    %slice3A_408 = vector.extract_strided_slice %get3A_331 {offsets = [15], sizes = [1], strides = [1]} : vector<16xi32> to vector<1xi32>
    %squeeze3A_409 = vector.extract %slice3A_408[0] : i32 from vector<1xi32>
    %lt3A_410 = arith.cmpi slt, %squeeze3A_409, %add3A_314 : i32
    %convert_element_type3A_411 = arith.extui %lt3A_410 : i1 to i32
    %add3A_412 = arith.addi %add3A_407, %convert_element_type3A_411 : i32
    %eq3A_413 = arith.constant 0 : i32
    %eq3A_414 = arith.cmpi eq, %scan3A_321#0, %eq3A_413 : i32
    %mul3A_415 = arith.constant 16 : i32
    %mul3A_416 = arith.muli %max3A_326, %mul3A_415 : i32
    %add3A_417 = arith.addi %mul3A_416, %add3A_412 : i32
    %jit3A_418 = arith.constant 0 : i32
    %select_n3A_419 = arith.select %eq3A_414, %jit3A_418, %add3A_417 : i32
    %add3A_420 = arith.constant 4 : i32
    %add3A_421 = arith.addi %mul3A_2, %add3A_420 : i32
    %scan3A_422 = arith.constant 0 : i32
    %scan3A_423 = arith.constant 3125 : i32
    %scan3A_424 = arith.constant 0 : i32
    %scan3A_425 = arith.constant 12 : i32
    %scan3A_426 = arith.addi %scan3A_424, %scan3A_425 : i32
    %scan3A_427 = arith.constant 1 : i32
    %scan3A_428:2 = scf.for %scan3A_841 = %scan3A_424 to %scan3A_426 step %scan3A_427 iter_args(%scan3A_842 = %scan3A_422, %scan3A_843 = %scan3A_423) -> (i32, i32)  : i32 {
      %add3A_844 = arith.addi %scan3A_842, %scan3A_843 : i32
      %jit3A_845 = arith.constant 2 : i32
      %div3A_846 = arith.divsi %add3A_844, %jit3A_845 : i32
      %sign3A_847 = arith.constant 0 : i32
      %sign3A_848 = arith.cmpi sgt, %add3A_844, %sign3A_847 : i32
      %sign3A_849 = arith.extui %sign3A_848 : i1 to i32
      %sign3A_850 = arith.constant 0 : i32
      %sign3A_851 = arith.cmpi slt, %add3A_844, %sign3A_850 : i32
      %sign3A_852 = arith.extui %sign3A_851 : i1 to i32
      %sign3A_853 = arith.subi %sign3A_849, %sign3A_852 : i32
      %sign3A_854 = arith.constant 0 : i32
      %sign3A_855 = arith.cmpi sgt, %jit3A_845, %sign3A_854 : i32
      %sign3A_856 = arith.extui %sign3A_855 : i1 to i32
      %sign3A_857 = arith.constant 0 : i32
      %sign3A_858 = arith.cmpi slt, %jit3A_845, %sign3A_857 : i32
      %sign3A_859 = arith.extui %sign3A_858 : i1 to i32
      %sign3A_860 = arith.subi %sign3A_856, %sign3A_859 : i32
      %ne3A_861 = arith.cmpi ne, %sign3A_853, %sign3A_860 : i32
      %rem3A_862 = arith.remsi %add3A_844, %jit3A_845 : i32
      %ne3A_863 = arith.constant 0 : i32
      %ne3A_864 = arith.cmpi ne, %rem3A_862, %ne3A_863 : i32
      %and3A_865 = arith.andi %ne3A_861, %ne3A_864 : i1
      %sub3A_866 = arith.constant 1 : i32
      %sub3A_867 = arith.subi %div3A_846, %sub3A_866 : i32
      %select_n3A_868 = arith.select %and3A_865, %sub3A_867, %div3A_846 : i32
      %mul3A_869 = arith.constant 16 : i32
      %mul3A_870 = arith.muli %select_n3A_868, %mul3A_869 : i32
      %get3A_871 = arith.index_cast %mul3A_870 : i32 to index
      %get3A_872 = tpu.vector_load %arg5[%get3A_871] {strides = array<i32>} : memref<50000xi32, #tpu.memory_space<vmem>>, vector<16xi32>,
      %get3A_873 = vector.shape_cast %get3A_872 : vector<16xi32> to vector<16xi32>
      %slice3A_874 = vector.extract_strided_slice %get3A_873 {offsets = [0], sizes = [1], strides = [1]} : vector<16xi32> to vector<1xi32>
      %squeeze3A_875 = vector.extract %slice3A_874[0] : i32 from vector<1xi32>
      %lt3A_876 = arith.cmpi slt, %squeeze3A_875, %add3A_421 : i32
      %lt3A_877 = arith.cmpi slt, %scan3A_842, %scan3A_843 : i32
      %and3A_878 = arith.andi %lt3A_877, %lt3A_876 : i1
      %add3A_879 = arith.constant 1 : i32
      %add3A_880 = arith.addi %select_n3A_868, %add3A_879 : i32
      %select_n3A_881 = arith.select %and3A_878, %add3A_880, %scan3A_842 : i32
      %lt3A_882 = arith.cmpi slt, %scan3A_842, %scan3A_843 : i32
      %not3A = arith.constant true
      %not3A_883 = arith.xori %lt3A_876, %not3A : i1
      %and3A_884 = arith.andi %lt3A_882, %not3A_883 : i1
      %select_n3A_885 = arith.select %and3A_884, %select_n3A_868, %scan3A_843 : i32
      scf.yield %select_n3A_881, %select_n3A_885 : i32, i32
    }
    %scan3A_429 = arith.constant 12 : i32
    %sub3A_430 = arith.constant 1 : i32
    %sub3A_431 = arith.subi %scan3A_428#0, %sub3A_430 : i32
    %max3A_432 = arith.constant 0 : i32
    %max3A_433 = arith.maxsi %sub3A_431, %max3A_432 : i32
    %mul3A_434 = arith.constant 16 : i32
    %mul3A_435 = arith.muli %max3A_433, %mul3A_434 : i32
    %get3A_436 = arith.index_cast %mul3A_435 : i32 to index
    %get3A_437 = tpu.vector_load %arg5[%get3A_436] {strides = array<i32>} : memref<50000xi32, #tpu.memory_space<vmem>>, vector<16xi32>,
    %get3A_438 = vector.shape_cast %get3A_437 : vector<16xi32> to vector<16xi32>
    %slice3A_439 = vector.extract_strided_slice %get3A_438 {offsets = [0], sizes = [1], strides = [1]} : vector<16xi32> to vector<1xi32>
    %squeeze3A_440 = vector.extract %slice3A_439[0] : i32 from vector<1xi32>
    %lt3A_441 = arith.cmpi slt, %squeeze3A_440, %add3A_421 : i32
    %convert_element_type3A_442 = arith.extui %lt3A_441 : i1 to i32
    %add3A_443 = arith.constant 0 : i32
    %add3A_444 = arith.addi %add3A_443, %convert_element_type3A_442 : i32
    %slice3A_445 = vector.extract_strided_slice %get3A_438 {offsets = [1], sizes = [1], strides = [1]} : vector<16xi32> to vector<1xi32>
    %squeeze3A_446 = vector.extract %slice3A_445[0] : i32 from vector<1xi32>
    %lt3A_447 = arith.cmpi slt, %squeeze3A_446, %add3A_421 : i32
    %convert_element_type3A_448 = arith.extui %lt3A_447 : i1 to i32
    %add3A_449 = arith.addi %add3A_444, %convert_element_type3A_448 : i32
    %slice3A_450 = vector.extract_strided_slice %get3A_438 {offsets = [2], sizes = [1], strides = [1]} : vector<16xi32> to vector<1xi32>
    %squeeze3A_451 = vector.extract %slice3A_450[0] : i32 from vector<1xi32>
    %lt3A_452 = arith.cmpi slt, %squeeze3A_451, %add3A_421 : i32
    %convert_element_type3A_453 = arith.extui %lt3A_452 : i1 to i32
    %add3A_454 = arith.addi %add3A_449, %convert_element_type3A_453 : i32
    %slice3A_455 = vector.extract_strided_slice %get3A_438 {offsets = [3], sizes = [1], strides = [1]} : vector<16xi32> to vector<1xi32>
    %squeeze3A_456 = vector.extract %slice3A_455[0] : i32 from vector<1xi32>
    %lt3A_457 = arith.cmpi slt, %squeeze3A_456, %add3A_421 : i32
    %convert_element_type3A_458 = arith.extui %lt3A_457 : i1 to i32
    %add3A_459 = arith.addi %add3A_454, %convert_element_type3A_458 : i32
    %slice3A_460 = vector.extract_strided_slice %get3A_438 {offsets = [4], sizes = [1], strides = [1]} : vector<16xi32> to vector<1xi32>
    %squeeze3A_461 = vector.extract %slice3A_460[0] : i32 from vector<1xi32>
    %lt3A_462 = arith.cmpi slt, %squeeze3A_461, %add3A_421 : i32
    %convert_element_type3A_463 = arith.extui %lt3A_462 : i1 to i32
    %add3A_464 = arith.addi %add3A_459, %convert_element_type3A_463 : i32
    %slice3A_465 = vector.extract_strided_slice %get3A_438 {offsets = [5], sizes = [1], strides = [1]} : vector<16xi32> to vector<1xi32>
    %squeeze3A_466 = vector.extract %slice3A_465[0] : i32 from vector<1xi32>
    %lt3A_467 = arith.cmpi slt, %squeeze3A_466, %add3A_421 : i32
    %convert_element_type3A_468 = arith.extui %lt3A_467 : i1 to i32
    %add3A_469 = arith.addi %add3A_464, %convert_element_type3A_468 : i32
    %slice3A_470 = vector.extract_strided_slice %get3A_438 {offsets = [6], sizes = [1], strides = [1]} : vector<16xi32> to vector<1xi32>
    %squeeze3A_471 = vector.extract %slice3A_470[0] : i32 from vector<1xi32>
    %lt3A_472 = arith.cmpi slt, %squeeze3A_471, %add3A_421 : i32
    %convert_element_type3A_473 = arith.extui %lt3A_472 : i1 to i32
    %add3A_474 = arith.addi %add3A_469, %convert_element_type3A_473 : i32
    %slice3A_475 = vector.extract_strided_slice %get3A_438 {offsets = [7], sizes = [1], strides = [1]} : vector<16xi32> to vector<1xi32>
    %squeeze3A_476 = vector.extract %slice3A_475[0] : i32 from vector<1xi32>
    %lt3A_477 = arith.cmpi slt, %squeeze3A_476, %add3A_421 : i32
    %convert_element_type3A_478 = arith.extui %lt3A_477 : i1 to i32
    %add3A_479 = arith.addi %add3A_474, %convert_element_type3A_478 : i32
    %slice3A_480 = vector.extract_strided_slice %get3A_438 {offsets = [8], sizes = [1], strides = [1]} : vector<16xi32> to vector<1xi32>
    %squeeze3A_481 = vector.extract %slice3A_480[0] : i32 from vector<1xi32>
    %lt3A_482 = arith.cmpi slt, %squeeze3A_481, %add3A_421 : i32
    %convert_element_type3A_483 = arith.extui %lt3A_482 : i1 to i32
    %add3A_484 = arith.addi %add3A_479, %convert_element_type3A_483 : i32
    %slice3A_485 = vector.extract_strided_slice %get3A_438 {offsets = [9], sizes = [1], strides = [1]} : vector<16xi32> to vector<1xi32>
    %squeeze3A_486 = vector.extract %slice3A_485[0] : i32 from vector<1xi32>
    %lt3A_487 = arith.cmpi slt, %squeeze3A_486, %add3A_421 : i32
    %convert_element_type3A_488 = arith.extui %lt3A_487 : i1 to i32
    %add3A_489 = arith.addi %add3A_484, %convert_element_type3A_488 : i32
    %slice3A_490 = vector.extract_strided_slice %get3A_438 {offsets = [10], sizes = [1], strides = [1]} : vector<16xi32> to vector<1xi32>
    %squeeze3A_491 = vector.extract %slice3A_490[0] : i32 from vector<1xi32>
    %lt3A_492 = arith.cmpi slt, %squeeze3A_491, %add3A_421 : i32
    %convert_element_type3A_493 = arith.extui %lt3A_492 : i1 to i32
    %add3A_494 = arith.addi %add3A_489, %convert_element_type3A_493 : i32
    %slice3A_495 = vector.extract_strided_slice %get3A_438 {offsets = [11], sizes = [1], strides = [1]} : vector<16xi32> to vector<1xi32>
    %squeeze3A_496 = vector.extract %slice3A_495[0] : i32 from vector<1xi32>
    %lt3A_497 = arith.cmpi slt, %squeeze3A_496, %add3A_421 : i32
    %convert_element_type3A_498 = arith.extui %lt3A_497 : i1 to i32
    %add3A_499 = arith.addi %add3A_494, %convert_element_type3A_498 : i32
    %slice3A_500 = vector.extract_strided_slice %get3A_438 {offsets = [12], sizes = [1], strides = [1]} : vector<16xi32> to vector<1xi32>
    %squeeze3A_501 = vector.extract %slice3A_500[0] : i32 from vector<1xi32>
    %lt3A_502 = arith.cmpi slt, %squeeze3A_501, %add3A_421 : i32
    %convert_element_type3A_503 = arith.extui %lt3A_502 : i1 to i32
    %add3A_504 = arith.addi %add3A_499, %convert_element_type3A_503 : i32
    %slice3A_505 = vector.extract_strided_slice %get3A_438 {offsets = [13], sizes = [1], strides = [1]} : vector<16xi32> to vector<1xi32>
    %squeeze3A_506 = vector.extract %slice3A_505[0] : i32 from vector<1xi32>
    %lt3A_507 = arith.cmpi slt, %squeeze3A_506, %add3A_421 : i32
    %convert_element_type3A_508 = arith.extui %lt3A_507 : i1 to i32
    %add3A_509 = arith.addi %add3A_504, %convert_element_type3A_508 : i32
    %slice3A_510 = vector.extract_strided_slice %get3A_438 {offsets = [14], sizes = [1], strides = [1]} : vector<16xi32> to vector<1xi32>
    %squeeze3A_511 = vector.extract %slice3A_510[0] : i32 from vector<1xi32>
    %lt3A_512 = arith.cmpi slt, %squeeze3A_511, %add3A_421 : i32
    %convert_element_type3A_513 = arith.extui %lt3A_512 : i1 to i32
    %add3A_514 = arith.addi %add3A_509, %convert_element_type3A_513 : i32
    %slice3A_515 = vector.extract_strided_slice %get3A_438 {offsets = [15], sizes = [1], strides = [1]} : vector<16xi32> to vector<1xi32>
    %squeeze3A_516 = vector.extract %slice3A_515[0] : i32 from vector<1xi32>
    %lt3A_517 = arith.cmpi slt, %squeeze3A_516, %add3A_421 : i32
    %convert_element_type3A_518 = arith.extui %lt3A_517 : i1 to i32
    %add3A_519 = arith.addi %add3A_514, %convert_element_type3A_518 : i32
    %eq3A_520 = arith.constant 0 : i32
    %eq3A_521 = arith.cmpi eq, %scan3A_428#0, %eq3A_520 : i32
    %mul3A_522 = arith.constant 16 : i32
    %mul3A_523 = arith.muli %max3A_433, %mul3A_522 : i32
    %add3A_524 = arith.addi %mul3A_523, %add3A_519 : i32
    %jit3A_525 = arith.constant 0 : i32
    %select_n3A_526 = arith.select %eq3A_521, %jit3A_525, %add3A_524 : i32
    %broadcast_in_dim3A = arith.constant 0.000000e+00 : f32
    %broadcast_in_dim3A_527 = vector.broadcast %broadcast_in_dim3A : f32 to vector<16xf32>
    %swap3A = arith.constant 0 : index
    %swap3A_528 = tpu.vector_load %arg7[%swap3A] {strides = array<i32>} : memref<1024xf32, #tpu.memory_space<vmem>>, vector<16xf32>,
    %swap3A_529 = vector.shape_cast %swap3A_528 : vector<16xf32> to vector<16xf32>
    %swap3A_530 = vector.shape_cast %broadcast_in_dim3A_527 : vector<16xf32> to vector<16xf32>
    tpu.vector_store %arg7[%swap3A], %swap3A_530 {strides = array<i32>} : memref<1024xf32, #tpu.memory_space<vmem>>, vector<16xf32>,
    %swap3A_531 = arith.constant 16 : index
    %swap3A_532 = tpu.vector_load %arg7[%swap3A_531] {strides = array<i32>} : memref<1024xf32, #tpu.memory_space<vmem>>, vector<16xf32>,
    %swap3A_533 = vector.shape_cast %swap3A_532 : vector<16xf32> to vector<16xf32>
    %swap3A_534 = vector.shape_cast %broadcast_in_dim3A_527 : vector<16xf32> to vector<16xf32>
    tpu.vector_store %arg7[%swap3A_531], %swap3A_534 {strides = array<i32>} : memref<1024xf32, #tpu.memory_space<vmem>>, vector<16xf32>,
    %swap3A_535 = arith.constant 32 : index
    %swap3A_536 = tpu.vector_load %arg7[%swap3A_535] {strides = array<i32>} : memref<1024xf32, #tpu.memory_space<vmem>>, vector<16xf32>,
    %swap3A_537 = vector.shape_cast %swap3A_536 : vector<16xf32> to vector<16xf32>
    %swap3A_538 = vector.shape_cast %broadcast_in_dim3A_527 : vector<16xf32> to vector<16xf32>
    tpu.vector_store %arg7[%swap3A_535], %swap3A_538 {strides = array<i32>} : memref<1024xf32, #tpu.memory_space<vmem>>, vector<16xf32>,
    %swap3A_539 = arith.constant 48 : index
    %swap3A_540 = tpu.vector_load %arg7[%swap3A_539] {strides = array<i32>} : memref<1024xf32, #tpu.memory_space<vmem>>, vector<16xf32>,
    %swap3A_541 = vector.shape_cast %swap3A_540 : vector<16xf32> to vector<16xf32>
    %swap3A_542 = vector.shape_cast %broadcast_in_dim3A_527 : vector<16xf32> to vector<16xf32>
    tpu.vector_store %arg7[%swap3A_539], %swap3A_542 {strides = array<i32>} : memref<1024xf32, #tpu.memory_space<vmem>>, vector<16xf32>,
    %swap3A_543 = arith.constant 64 : index
    %swap3A_544 = tpu.vector_load %arg7[%swap3A_543] {strides = array<i32>} : memref<1024xf32, #tpu.memory_space<vmem>>, vector<16xf32>,
    %swap3A_545 = vector.shape_cast %swap3A_544 : vector<16xf32> to vector<16xf32>
    %swap3A_546 = vector.shape_cast %broadcast_in_dim3A_527 : vector<16xf32> to vector<16xf32>
    tpu.vector_store %arg7[%swap3A_543], %swap3A_546 {strides = array<i32>} : memref<1024xf32, #tpu.memory_space<vmem>>, vector<16xf32>,
    %swap3A_547 = arith.constant 80 : index
    %swap3A_548 = tpu.vector_load %arg7[%swap3A_547] {strides = array<i32>} : memref<1024xf32, #tpu.memory_space<vmem>>, vector<16xf32>,
    %swap3A_549 = vector.shape_cast %swap3A_548 : vector<16xf32> to vector<16xf32>
    %swap3A_550 = vector.shape_cast %broadcast_in_dim3A_527 : vector<16xf32> to vector<16xf32>
    tpu.vector_store %arg7[%swap3A_547], %swap3A_550 {strides = array<i32>} : memref<1024xf32, #tpu.memory_space<vmem>>, vector<16xf32>,
    %swap3A_551 = arith.constant 96 : index
    %swap3A_552 = tpu.vector_load %arg7[%swap3A_551] {strides = array<i32>} : memref<1024xf32, #tpu.memory_space<vmem>>, vector<16xf32>,
    %swap3A_553 = vector.shape_cast %swap3A_552 : vector<16xf32> to vector<16xf32>
    %swap3A_554 = vector.shape_cast %broadcast_in_dim3A_527 : vector<16xf32> to vector<16xf32>
    tpu.vector_store %arg7[%swap3A_551], %swap3A_554 {strides = array<i32>} : memref<1024xf32, #tpu.memory_space<vmem>>, vector<16xf32>,
    %swap3A_555 = arith.constant 112 : index
    %swap3A_556 = tpu.vector_load %arg7[%swap3A_555] {strides = array<i32>} : memref<1024xf32, #tpu.memory_space<vmem>>, vector<16xf32>,
    %swap3A_557 = vector.shape_cast %swap3A_556 : vector<16xf32> to vector<16xf32>
    %swap3A_558 = vector.shape_cast %broadcast_in_dim3A_527 : vector<16xf32> to vector<16xf32>
    tpu.vector_store %arg7[%swap3A_555], %swap3A_558 {strides = array<i32>} : memref<1024xf32, #tpu.memory_space<vmem>>, vector<16xf32>,
    %swap3A_559 = arith.constant 128 : index
    %swap3A_560 = tpu.vector_load %arg7[%swap3A_559] {strides = array<i32>} : memref<1024xf32, #tpu.memory_space<vmem>>, vector<16xf32>,
    %swap3A_561 = vector.shape_cast %swap3A_560 : vector<16xf32> to vector<16xf32>
    %swap3A_562 = vector.shape_cast %broadcast_in_dim3A_527 : vector<16xf32> to vector<16xf32>
    tpu.vector_store %arg7[%swap3A_559], %swap3A_562 {strides = array<i32>} : memref<1024xf32, #tpu.memory_space<vmem>>, vector<16xf32>,
    %swap3A_563 = arith.constant 144 : index
    %swap3A_564 = tpu.vector_load %arg7[%swap3A_563] {strides = array<i32>} : memref<1024xf32, #tpu.memory_space<vmem>>, vector<16xf32>,
    %swap3A_565 = vector.shape_cast %swap3A_564 : vector<16xf32> to vector<16xf32>
    %swap3A_566 = vector.shape_cast %broadcast_in_dim3A_527 : vector<16xf32> to vector<16xf32>
    tpu.vector_store %arg7[%swap3A_563], %swap3A_566 {strides = array<i32>} : memref<1024xf32, #tpu.memory_space<vmem>>, vector<16xf32>,
    %swap3A_567 = arith.constant 160 : index
    %swap3A_568 = tpu.vector_load %arg7[%swap3A_567] {strides = array<i32>} : memref<1024xf32, #tpu.memory_space<vmem>>, vector<16xf32>,
    %swap3A_569 = vector.shape_cast %swap3A_568 : vector<16xf32> to vector<16xf32>
    %swap3A_570 = vector.shape_cast %broadcast_in_dim3A_527 : vector<16xf32> to vector<16xf32>
    tpu.vector_store %arg7[%swap3A_567], %swap3A_570 {strides = array<i32>} : memref<1024xf32, #tpu.memory_space<vmem>>, vector<16xf32>,
    %swap3A_571 = arith.constant 176 : index
    %swap3A_572 = tpu.vector_load %arg7[%swap3A_571] {strides = array<i32>} : memref<1024xf32, #tpu.memory_space<vmem>>, vector<16xf32>,
    %swap3A_573 = vector.shape_cast %swap3A_572 : vector<16xf32> to vector<16xf32>
    %swap3A_574 = vector.shape_cast %broadcast_in_dim3A_527 : vector<16xf32> to vector<16xf32>
    tpu.vector_store %arg7[%swap3A_571], %swap3A_574 {strides = array<i32>} : memref<1024xf32, #tpu.memory_space<vmem>>, vector<16xf32>,
    %swap3A_575 = arith.constant 192 : index
    %swap3A_576 = tpu.vector_load %arg7[%swap3A_575] {strides = array<i32>} : memref<1024xf32, #tpu.memory_space<vmem>>, vector<16xf32>,
    %swap3A_577 = vector.shape_cast %swap3A_576 : vector<16xf32> to vector<16xf32>
    %swap3A_578 = vector.shape_cast %broadcast_in_dim3A_527 : vector<16xf32> to vector<16xf32>
    tpu.vector_store %arg7[%swap3A_575], %swap3A_578 {strides = array<i32>} : memref<1024xf32, #tpu.memory_space<vmem>>, vector<16xf32>,
    %swap3A_579 = arith.constant 208 : index
    %swap3A_580 = tpu.vector_load %arg7[%swap3A_579] {strides = array<i32>} : memref<1024xf32, #tpu.memory_space<vmem>>, vector<16xf32>,
    %swap3A_581 = vector.shape_cast %swap3A_580 : vector<16xf32> to vector<16xf32>
    %swap3A_582 = vector.shape_cast %broadcast_in_dim3A_527 : vector<16xf32> to vector<16xf32>
    tpu.vector_store %arg7[%swap3A_579], %swap3A_582 {strides = array<i32>} : memref<1024xf32, #tpu.memory_space<vmem>>, vector<16xf32>,
    %swap3A_583 = arith.constant 224 : index
    %swap3A_584 = tpu.vector_load %arg7[%swap3A_583] {strides = array<i32>} : memref<1024xf32, #tpu.memory_space<vmem>>, vector<16xf32>,
    %swap3A_585 = vector.shape_cast %swap3A_584 : vector<16xf32> to vector<16xf32>
    %swap3A_586 = vector.shape_cast %broadcast_in_dim3A_527 : vector<16xf32> to vector<16xf32>
    tpu.vector_store %arg7[%swap3A_583], %swap3A_586 {strides = array<i32>} : memref<1024xf32, #tpu.memory_space<vmem>>, vector<16xf32>,
    %swap3A_587 = arith.constant 240 : index
    %swap3A_588 = tpu.vector_load %arg7[%swap3A_587] {strides = array<i32>} : memref<1024xf32, #tpu.memory_space<vmem>>, vector<16xf32>,
    %swap3A_589 = vector.shape_cast %swap3A_588 : vector<16xf32> to vector<16xf32>
    %swap3A_590 = vector.shape_cast %broadcast_in_dim3A_527 : vector<16xf32> to vector<16xf32>
    tpu.vector_store %arg7[%swap3A_587], %swap3A_590 {strides = array<i32>} : memref<1024xf32, #tpu.memory_space<vmem>>, vector<16xf32>,
    %swap3A_591 = arith.constant 256 : index
    %swap3A_592 = tpu.vector_load %arg7[%swap3A_591] {strides = array<i32>} : memref<1024xf32, #tpu.memory_space<vmem>>, vector<16xf32>,
    %swap3A_593 = vector.shape_cast %swap3A_592 : vector<16xf32> to vector<16xf32>
    %swap3A_594 = vector.shape_cast %broadcast_in_dim3A_527 : vector<16xf32> to vector<16xf32>
    tpu.vector_store %arg7[%swap3A_591], %swap3A_594 {strides = array<i32>} : memref<1024xf32, #tpu.memory_space<vmem>>, vector<16xf32>,
    %swap3A_595 = arith.constant 272 : index
    %swap3A_596 = tpu.vector_load %arg7[%swap3A_595] {strides = array<i32>} : memref<1024xf32, #tpu.memory_space<vmem>>, vector<16xf32>,
    %swap3A_597 = vector.shape_cast %swap3A_596 : vector<16xf32> to vector<16xf32>
    %swap3A_598 = vector.shape_cast %broadcast_in_dim3A_527 : vector<16xf32> to vector<16xf32>
    tpu.vector_store %arg7[%swap3A_595], %swap3A_598 {strides = array<i32>} : memref<1024xf32, #tpu.memory_space<vmem>>, vector<16xf32>,
    %swap3A_599 = arith.constant 288 : index
    %swap3A_600 = tpu.vector_load %arg7[%swap3A_599] {strides = array<i32>} : memref<1024xf32, #tpu.memory_space<vmem>>, vector<16xf32>,
    %swap3A_601 = vector.shape_cast %swap3A_600 : vector<16xf32> to vector<16xf32>
    %swap3A_602 = vector.shape_cast %broadcast_in_dim3A_527 : vector<16xf32> to vector<16xf32>
    tpu.vector_store %arg7[%swap3A_599], %swap3A_602 {strides = array<i32>} : memref<1024xf32, #tpu.memory_space<vmem>>, vector<16xf32>,
    %swap3A_603 = arith.constant 304 : index
    %swap3A_604 = tpu.vector_load %arg7[%swap3A_603] {strides = array<i32>} : memref<1024xf32, #tpu.memory_space<vmem>>, vector<16xf32>,
    %swap3A_605 = vector.shape_cast %swap3A_604 : vector<16xf32> to vector<16xf32>
    %swap3A_606 = vector.shape_cast %broadcast_in_dim3A_527 : vector<16xf32> to vector<16xf32>
    tpu.vector_store %arg7[%swap3A_603], %swap3A_606 {strides = array<i32>} : memref<1024xf32, #tpu.memory_space<vmem>>, vector<16xf32>,
    %swap3A_607 = arith.constant 320 : index
    %swap3A_608 = tpu.vector_load %arg7[%swap3A_607] {strides = array<i32>} : memref<1024xf32, #tpu.memory_space<vmem>>, vector<16xf32>,
    %swap3A_609 = vector.shape_cast %swap3A_608 : vector<16xf32> to vector<16xf32>
    %swap3A_610 = vector.shape_cast %broadcast_in_dim3A_527 : vector<16xf32> to vector<16xf32>
    tpu.vector_store %arg7[%swap3A_607], %swap3A_610 {strides = array<i32>} : memref<1024xf32, #tpu.memory_space<vmem>>, vector<16xf32>,
    %swap3A_611 = arith.constant 336 : index
    %swap3A_612 = tpu.vector_load %arg7[%swap3A_611] {strides = array<i32>} : memref<1024xf32, #tpu.memory_space<vmem>>, vector<16xf32>,
    %swap3A_613 = vector.shape_cast %swap3A_612 : vector<16xf32> to vector<16xf32>
    %swap3A_614 = vector.shape_cast %broadcast_in_dim3A_527 : vector<16xf32> to vector<16xf32>
    tpu.vector_store %arg7[%swap3A_611], %swap3A_614 {strides = array<i32>} : memref<1024xf32, #tpu.memory_space<vmem>>, vector<16xf32>,
    %swap3A_615 = arith.constant 352 : index
    %swap3A_616 = tpu.vector_load %arg7[%swap3A_615] {strides = array<i32>} : memref<1024xf32, #tpu.memory_space<vmem>>, vector<16xf32>,
    %swap3A_617 = vector.shape_cast %swap3A_616 : vector<16xf32> to vector<16xf32>
    %swap3A_618 = vector.shape_cast %broadcast_in_dim3A_527 : vector<16xf32> to vector<16xf32>
    tpu.vector_store %arg7[%swap3A_615], %swap3A_618 {strides = array<i32>} : memref<1024xf32, #tpu.memory_space<vmem>>, vector<16xf32>,
    %swap3A_619 = arith.constant 368 : index
    %swap3A_620 = tpu.vector_load %arg7[%swap3A_619] {strides = array<i32>} : memref<1024xf32, #tpu.memory_space<vmem>>, vector<16xf32>,
    %swap3A_621 = vector.shape_cast %swap3A_620 : vector<16xf32> to vector<16xf32>
    %swap3A_622 = vector.shape_cast %broadcast_in_dim3A_527 : vector<16xf32> to vector<16xf32>
    tpu.vector_store %arg7[%swap3A_619], %swap3A_622 {strides = array<i32>} : memref<1024xf32, #tpu.memory_space<vmem>>, vector<16xf32>,
    %swap3A_623 = arith.constant 384 : index
    %swap3A_624 = tpu.vector_load %arg7[%swap3A_623] {strides = array<i32>} : memref<1024xf32, #tpu.memory_space<vmem>>, vector<16xf32>,
    %swap3A_625 = vector.shape_cast %swap3A_624 : vector<16xf32> to vector<16xf32>
    %swap3A_626 = vector.shape_cast %broadcast_in_dim3A_527 : vector<16xf32> to vector<16xf32>
    tpu.vector_store %arg7[%swap3A_623], %swap3A_626 {strides = array<i32>} : memref<1024xf32, #tpu.memory_space<vmem>>, vector<16xf32>,
    %swap3A_627 = arith.constant 400 : index
    %swap3A_628 = tpu.vector_load %arg7[%swap3A_627] {strides = array<i32>} : memref<1024xf32, #tpu.memory_space<vmem>>, vector<16xf32>,
    %swap3A_629 = vector.shape_cast %swap3A_628 : vector<16xf32> to vector<16xf32>
    %swap3A_630 = vector.shape_cast %broadcast_in_dim3A_527 : vector<16xf32> to vector<16xf32>
    tpu.vector_store %arg7[%swap3A_627], %swap3A_630 {strides = array<i32>} : memref<1024xf32, #tpu.memory_space<vmem>>, vector<16xf32>,
    %swap3A_631 = arith.constant 416 : index
    %swap3A_632 = tpu.vector_load %arg7[%swap3A_631] {strides = array<i32>} : memref<1024xf32, #tpu.memory_space<vmem>>, vector<16xf32>,
    %swap3A_633 = vector.shape_cast %swap3A_632 : vector<16xf32> to vector<16xf32>
    %swap3A_634 = vector.shape_cast %broadcast_in_dim3A_527 : vector<16xf32> to vector<16xf32>
    tpu.vector_store %arg7[%swap3A_631], %swap3A_634 {strides = array<i32>} : memref<1024xf32, #tpu.memory_space<vmem>>, vector<16xf32>,
    %swap3A_635 = arith.constant 432 : index
    %swap3A_636 = tpu.vector_load %arg7[%swap3A_635] {strides = array<i32>} : memref<1024xf32, #tpu.memory_space<vmem>>, vector<16xf32>,
    %swap3A_637 = vector.shape_cast %swap3A_636 : vector<16xf32> to vector<16xf32>
    %swap3A_638 = vector.shape_cast %broadcast_in_dim3A_527 : vector<16xf32> to vector<16xf32>
    tpu.vector_store %arg7[%swap3A_635], %swap3A_638 {strides = array<i32>} : memref<1024xf32, #tpu.memory_space<vmem>>, vector<16xf32>,
    %swap3A_639 = arith.constant 448 : index
    %swap3A_640 = tpu.vector_load %arg7[%swap3A_639] {strides = array<i32>} : memref<1024xf32, #tpu.memory_space<vmem>>, vector<16xf32>,
    %swap3A_641 = vector.shape_cast %swap3A_640 : vector<16xf32> to vector<16xf32>
    %swap3A_642 = vector.shape_cast %broadcast_in_dim3A_527 : vector<16xf32> to vector<16xf32>
    tpu.vector_store %arg7[%swap3A_639], %swap3A_642 {strides = array<i32>} : memref<1024xf32, #tpu.memory_space<vmem>>, vector<16xf32>,
    %swap3A_643 = arith.constant 464 : index
    %swap3A_644 = tpu.vector_load %arg7[%swap3A_643] {strides = array<i32>} : memref<1024xf32, #tpu.memory_space<vmem>>, vector<16xf32>,
    %swap3A_645 = vector.shape_cast %swap3A_644 : vector<16xf32> to vector<16xf32>
    %swap3A_646 = vector.shape_cast %broadcast_in_dim3A_527 : vector<16xf32> to vector<16xf32>
    tpu.vector_store %arg7[%swap3A_643], %swap3A_646 {strides = array<i32>} : memref<1024xf32, #tpu.memory_space<vmem>>, vector<16xf32>,
    %swap3A_647 = arith.constant 480 : index
    %swap3A_648 = tpu.vector_load %arg7[%swap3A_647] {strides = array<i32>} : memref<1024xf32, #tpu.memory_space<vmem>>, vector<16xf32>,
    %swap3A_649 = vector.shape_cast %swap3A_648 : vector<16xf32> to vector<16xf32>
    %swap3A_650 = vector.shape_cast %broadcast_in_dim3A_527 : vector<16xf32> to vector<16xf32>
    tpu.vector_store %arg7[%swap3A_647], %swap3A_650 {strides = array<i32>} : memref<1024xf32, #tpu.memory_space<vmem>>, vector<16xf32>,
    %swap3A_651 = arith.constant 496 : index
    %swap3A_652 = tpu.vector_load %arg7[%swap3A_651] {strides = array<i32>} : memref<1024xf32, #tpu.memory_space<vmem>>, vector<16xf32>,
    %swap3A_653 = vector.shape_cast %swap3A_652 : vector<16xf32> to vector<16xf32>
    %swap3A_654 = vector.shape_cast %broadcast_in_dim3A_527 : vector<16xf32> to vector<16xf32>
    tpu.vector_store %arg7[%swap3A_651], %swap3A_654 {strides = array<i32>} : memref<1024xf32, #tpu.memory_space<vmem>>, vector<16xf32>,
    %swap3A_655 = arith.constant 512 : index
    %swap3A_656 = tpu.vector_load %arg7[%swap3A_655] {strides = array<i32>} : memref<1024xf32, #tpu.memory_space<vmem>>, vector<16xf32>,
    %swap3A_657 = vector.shape_cast %swap3A_656 : vector<16xf32> to vector<16xf32>
    %swap3A_658 = vector.shape_cast %broadcast_in_dim3A_527 : vector<16xf32> to vector<16xf32>
    tpu.vector_store %arg7[%swap3A_655], %swap3A_658 {strides = array<i32>} : memref<1024xf32, #tpu.memory_space<vmem>>, vector<16xf32>,
    %swap3A_659 = arith.constant 528 : index
    %swap3A_660 = tpu.vector_load %arg7[%swap3A_659] {strides = array<i32>} : memref<1024xf32, #tpu.memory_space<vmem>>, vector<16xf32>,
    %swap3A_661 = vector.shape_cast %swap3A_660 : vector<16xf32> to vector<16xf32>
    %swap3A_662 = vector.shape_cast %broadcast_in_dim3A_527 : vector<16xf32> to vector<16xf32>
    tpu.vector_store %arg7[%swap3A_659], %swap3A_662 {strides = array<i32>} : memref<1024xf32, #tpu.memory_space<vmem>>, vector<16xf32>,
    %swap3A_663 = arith.constant 544 : index
    %swap3A_664 = tpu.vector_load %arg7[%swap3A_663] {strides = array<i32>} : memref<1024xf32, #tpu.memory_space<vmem>>, vector<16xf32>,
    %swap3A_665 = vector.shape_cast %swap3A_664 : vector<16xf32> to vector<16xf32>
    %swap3A_666 = vector.shape_cast %broadcast_in_dim3A_527 : vector<16xf32> to vector<16xf32>
    tpu.vector_store %arg7[%swap3A_663], %swap3A_666 {strides = array<i32>} : memref<1024xf32, #tpu.memory_space<vmem>>, vector<16xf32>,
    %swap3A_667 = arith.constant 560 : index
    %swap3A_668 = tpu.vector_load %arg7[%swap3A_667] {strides = array<i32>} : memref<1024xf32, #tpu.memory_space<vmem>>, vector<16xf32>,
    %swap3A_669 = vector.shape_cast %swap3A_668 : vector<16xf32> to vector<16xf32>
    %swap3A_670 = vector.shape_cast %broadcast_in_dim3A_527 : vector<16xf32> to vector<16xf32>
    tpu.vector_store %arg7[%swap3A_667], %swap3A_670 {strides = array<i32>} : memref<1024xf32, #tpu.memory_space<vmem>>, vector<16xf32>,
    %swap3A_671 = arith.constant 576 : index
    %swap3A_672 = tpu.vector_load %arg7[%swap3A_671] {strides = array<i32>} : memref<1024xf32, #tpu.memory_space<vmem>>, vector<16xf32>,
    %swap3A_673 = vector.shape_cast %swap3A_672 : vector<16xf32> to vector<16xf32>
    %swap3A_674 = vector.shape_cast %broadcast_in_dim3A_527 : vector<16xf32> to vector<16xf32>
    tpu.vector_store %arg7[%swap3A_671], %swap3A_674 {strides = array<i32>} : memref<1024xf32, #tpu.memory_space<vmem>>, vector<16xf32>,
    %swap3A_675 = arith.constant 592 : index
    %swap3A_676 = tpu.vector_load %arg7[%swap3A_675] {strides = array<i32>} : memref<1024xf32, #tpu.memory_space<vmem>>, vector<16xf32>,
    %swap3A_677 = vector.shape_cast %swap3A_676 : vector<16xf32> to vector<16xf32>
    %swap3A_678 = vector.shape_cast %broadcast_in_dim3A_527 : vector<16xf32> to vector<16xf32>
    tpu.vector_store %arg7[%swap3A_675], %swap3A_678 {strides = array<i32>} : memref<1024xf32, #tpu.memory_space<vmem>>, vector<16xf32>,
    %swap3A_679 = arith.constant 608 : index
    %swap3A_680 = tpu.vector_load %arg7[%swap3A_679] {strides = array<i32>} : memref<1024xf32, #tpu.memory_space<vmem>>, vector<16xf32>,
    %swap3A_681 = vector.shape_cast %swap3A_680 : vector<16xf32> to vector<16xf32>
    %swap3A_682 = vector.shape_cast %broadcast_in_dim3A_527 : vector<16xf32> to vector<16xf32>
    tpu.vector_store %arg7[%swap3A_679], %swap3A_682 {strides = array<i32>} : memref<1024xf32, #tpu.memory_space<vmem>>, vector<16xf32>,
    %swap3A_683 = arith.constant 624 : index
    %swap3A_684 = tpu.vector_load %arg7[%swap3A_683] {strides = array<i32>} : memref<1024xf32, #tpu.memory_space<vmem>>, vector<16xf32>,
    %swap3A_685 = vector.shape_cast %swap3A_684 : vector<16xf32> to vector<16xf32>
    %swap3A_686 = vector.shape_cast %broadcast_in_dim3A_527 : vector<16xf32> to vector<16xf32>
    tpu.vector_store %arg7[%swap3A_683], %swap3A_686 {strides = array<i32>} : memref<1024xf32, #tpu.memory_space<vmem>>, vector<16xf32>,
    %swap3A_687 = arith.constant 640 : index
    %swap3A_688 = tpu.vector_load %arg7[%swap3A_687] {strides = array<i32>} : memref<1024xf32, #tpu.memory_space<vmem>>, vector<16xf32>,
    %swap3A_689 = vector.shape_cast %swap3A_688 : vector<16xf32> to vector<16xf32>
    %swap3A_690 = vector.shape_cast %broadcast_in_dim3A_527 : vector<16xf32> to vector<16xf32>
    tpu.vector_store %arg7[%swap3A_687], %swap3A_690 {strides = array<i32>} : memref<1024xf32, #tpu.memory_space<vmem>>, vector<16xf32>,
    %swap3A_691 = arith.constant 656 : index
    %swap3A_692 = tpu.vector_load %arg7[%swap3A_691] {strides = array<i32>} : memref<1024xf32, #tpu.memory_space<vmem>>, vector<16xf32>,
    %swap3A_693 = vector.shape_cast %swap3A_692 : vector<16xf32> to vector<16xf32>
    %swap3A_694 = vector.shape_cast %broadcast_in_dim3A_527 : vector<16xf32> to vector<16xf32>
    tpu.vector_store %arg7[%swap3A_691], %swap3A_694 {strides = array<i32>} : memref<1024xf32, #tpu.memory_space<vmem>>, vector<16xf32>,
    %swap3A_695 = arith.constant 672 : index
    %swap3A_696 = tpu.vector_load %arg7[%swap3A_695] {strides = array<i32>} : memref<1024xf32, #tpu.memory_space<vmem>>, vector<16xf32>,
    %swap3A_697 = vector.shape_cast %swap3A_696 : vector<16xf32> to vector<16xf32>
    %swap3A_698 = vector.shape_cast %broadcast_in_dim3A_527 : vector<16xf32> to vector<16xf32>
    tpu.vector_store %arg7[%swap3A_695], %swap3A_698 {strides = array<i32>} : memref<1024xf32, #tpu.memory_space<vmem>>, vector<16xf32>,
    %swap3A_699 = arith.constant 688 : index
    %swap3A_700 = tpu.vector_load %arg7[%swap3A_699] {strides = array<i32>} : memref<1024xf32, #tpu.memory_space<vmem>>, vector<16xf32>,
    %swap3A_701 = vector.shape_cast %swap3A_700 : vector<16xf32> to vector<16xf32>
    %swap3A_702 = vector.shape_cast %broadcast_in_dim3A_527 : vector<16xf32> to vector<16xf32>
    tpu.vector_store %arg7[%swap3A_699], %swap3A_702 {strides = array<i32>} : memref<1024xf32, #tpu.memory_space<vmem>>, vector<16xf32>,
    %swap3A_703 = arith.constant 704 : index
    %swap3A_704 = tpu.vector_load %arg7[%swap3A_703] {strides = array<i32>} : memref<1024xf32, #tpu.memory_space<vmem>>, vector<16xf32>,
    %swap3A_705 = vector.shape_cast %swap3A_704 : vector<16xf32> to vector<16xf32>
    %swap3A_706 = vector.shape_cast %broadcast_in_dim3A_527 : vector<16xf32> to vector<16xf32>
    tpu.vector_store %arg7[%swap3A_703], %swap3A_706 {strides = array<i32>} : memref<1024xf32, #tpu.memory_space<vmem>>, vector<16xf32>,
    %swap3A_707 = arith.constant 720 : index
    %swap3A_708 = tpu.vector_load %arg7[%swap3A_707] {strides = array<i32>} : memref<1024xf32, #tpu.memory_space<vmem>>, vector<16xf32>,
    %swap3A_709 = vector.shape_cast %swap3A_708 : vector<16xf32> to vector<16xf32>
    %swap3A_710 = vector.shape_cast %broadcast_in_dim3A_527 : vector<16xf32> to vector<16xf32>
    tpu.vector_store %arg7[%swap3A_707], %swap3A_710 {strides = array<i32>} : memref<1024xf32, #tpu.memory_space<vmem>>, vector<16xf32>,
    %swap3A_711 = arith.constant 736 : index
    %swap3A_712 = tpu.vector_load %arg7[%swap3A_711] {strides = array<i32>} : memref<1024xf32, #tpu.memory_space<vmem>>, vector<16xf32>,
    %swap3A_713 = vector.shape_cast %swap3A_712 : vector<16xf32> to vector<16xf32>
    %swap3A_714 = vector.shape_cast %broadcast_in_dim3A_527 : vector<16xf32> to vector<16xf32>
    tpu.vector_store %arg7[%swap3A_711], %swap3A_714 {strides = array<i32>} : memref<1024xf32, #tpu.memory_space<vmem>>, vector<16xf32>,
    %swap3A_715 = arith.constant 752 : index
    %swap3A_716 = tpu.vector_load %arg7[%swap3A_715] {strides = array<i32>} : memref<1024xf32, #tpu.memory_space<vmem>>, vector<16xf32>,
    %swap3A_717 = vector.shape_cast %swap3A_716 : vector<16xf32> to vector<16xf32>
    %swap3A_718 = vector.shape_cast %broadcast_in_dim3A_527 : vector<16xf32> to vector<16xf32>
    tpu.vector_store %arg7[%swap3A_715], %swap3A_718 {strides = array<i32>} : memref<1024xf32, #tpu.memory_space<vmem>>, vector<16xf32>,
    %swap3A_719 = arith.constant 768 : index
    %swap3A_720 = tpu.vector_load %arg7[%swap3A_719] {strides = array<i32>} : memref<1024xf32, #tpu.memory_space<vmem>>, vector<16xf32>,
    %swap3A_721 = vector.shape_cast %swap3A_720 : vector<16xf32> to vector<16xf32>
    %swap3A_722 = vector.shape_cast %broadcast_in_dim3A_527 : vector<16xf32> to vector<16xf32>
    tpu.vector_store %arg7[%swap3A_719], %swap3A_722 {strides = array<i32>} : memref<1024xf32, #tpu.memory_space<vmem>>, vector<16xf32>,
    %swap3A_723 = arith.constant 784 : index
    %swap3A_724 = tpu.vector_load %arg7[%swap3A_723] {strides = array<i32>} : memref<1024xf32, #tpu.memory_space<vmem>>, vector<16xf32>,
    %swap3A_725 = vector.shape_cast %swap3A_724 : vector<16xf32> to vector<16xf32>
    %swap3A_726 = vector.shape_cast %broadcast_in_dim3A_527 : vector<16xf32> to vector<16xf32>
    tpu.vector_store %arg7[%swap3A_723], %swap3A_726 {strides = array<i32>} : memref<1024xf32, #tpu.memory_space<vmem>>, vector<16xf32>,
    %swap3A_727 = arith.constant 800 : index
    %swap3A_728 = tpu.vector_load %arg7[%swap3A_727] {strides = array<i32>} : memref<1024xf32, #tpu.memory_space<vmem>>, vector<16xf32>,
    %swap3A_729 = vector.shape_cast %swap3A_728 : vector<16xf32> to vector<16xf32>
    %swap3A_730 = vector.shape_cast %broadcast_in_dim3A_527 : vector<16xf32> to vector<16xf32>
    tpu.vector_store %arg7[%swap3A_727], %swap3A_730 {strides = array<i32>} : memref<1024xf32, #tpu.memory_space<vmem>>, vector<16xf32>,
    %swap3A_731 = arith.constant 816 : index
    %swap3A_732 = tpu.vector_load %arg7[%swap3A_731] {strides = array<i32>} : memref<1024xf32, #tpu.memory_space<vmem>>, vector<16xf32>,
    %swap3A_733 = vector.shape_cast %swap3A_732 : vector<16xf32> to vector<16xf32>
    %swap3A_734 = vector.shape_cast %broadcast_in_dim3A_527 : vector<16xf32> to vector<16xf32>
    tpu.vector_store %arg7[%swap3A_731], %swap3A_734 {strides = array<i32>} : memref<1024xf32, #tpu.memory_space<vmem>>, vector<16xf32>,
    %swap3A_735 = arith.constant 832 : index
    %swap3A_736 = tpu.vector_load %arg7[%swap3A_735] {strides = array<i32>} : memref<1024xf32, #tpu.memory_space<vmem>>, vector<16xf32>,
    %swap3A_737 = vector.shape_cast %swap3A_736 : vector<16xf32> to vector<16xf32>
    %swap3A_738 = vector.shape_cast %broadcast_in_dim3A_527 : vector<16xf32> to vector<16xf32>
    tpu.vector_store %arg7[%swap3A_735], %swap3A_738 {strides = array<i32>} : memref<1024xf32, #tpu.memory_space<vmem>>, vector<16xf32>,
    %swap3A_739 = arith.constant 848 : index
    %swap3A_740 = tpu.vector_load %arg7[%swap3A_739] {strides = array<i32>} : memref<1024xf32, #tpu.memory_space<vmem>>, vector<16xf32>,
    %swap3A_741 = vector.shape_cast %swap3A_740 : vector<16xf32> to vector<16xf32>
    %swap3A_742 = vector.shape_cast %broadcast_in_dim3A_527 : vector<16xf32> to vector<16xf32>
    tpu.vector_store %arg7[%swap3A_739], %swap3A_742 {strides = array<i32>} : memref<1024xf32, #tpu.memory_space<vmem>>, vector<16xf32>,
    %swap3A_743 = arith.constant 864 : index
    %swap3A_744 = tpu.vector_load %arg7[%swap3A_743] {strides = array<i32>} : memref<1024xf32, #tpu.memory_space<vmem>>, vector<16xf32>,
    %swap3A_745 = vector.shape_cast %swap3A_744 : vector<16xf32> to vector<16xf32>
    %swap3A_746 = vector.shape_cast %broadcast_in_dim3A_527 : vector<16xf32> to vector<16xf32>
    tpu.vector_store %arg7[%swap3A_743], %swap3A_746 {strides = array<i32>} : memref<1024xf32, #tpu.memory_space<vmem>>, vector<16xf32>,
    %swap3A_747 = arith.constant 880 : index
    %swap3A_748 = tpu.vector_load %arg7[%swap3A_747] {strides = array<i32>} : memref<1024xf32, #tpu.memory_space<vmem>>, vector<16xf32>,
    %swap3A_749 = vector.shape_cast %swap3A_748 : vector<16xf32> to vector<16xf32>
    %swap3A_750 = vector.shape_cast %broadcast_in_dim3A_527 : vector<16xf32> to vector<16xf32>
    tpu.vector_store %arg7[%swap3A_747], %swap3A_750 {strides = array<i32>} : memref<1024xf32, #tpu.memory_space<vmem>>, vector<16xf32>,
    %swap3A_751 = arith.constant 896 : index
    %swap3A_752 = tpu.vector_load %arg7[%swap3A_751] {strides = array<i32>} : memref<1024xf32, #tpu.memory_space<vmem>>, vector<16xf32>,
    %swap3A_753 = vector.shape_cast %swap3A_752 : vector<16xf32> to vector<16xf32>
    %swap3A_754 = vector.shape_cast %broadcast_in_dim3A_527 : vector<16xf32> to vector<16xf32>
    tpu.vector_store %arg7[%swap3A_751], %swap3A_754 {strides = array<i32>} : memref<1024xf32, #tpu.memory_space<vmem>>, vector<16xf32>,
    %swap3A_755 = arith.constant 912 : index
    %swap3A_756 = tpu.vector_load %arg7[%swap3A_755] {strides = array<i32>} : memref<1024xf32, #tpu.memory_space<vmem>>, vector<16xf32>,
    %swap3A_757 = vector.shape_cast %swap3A_756 : vector<16xf32> to vector<16xf32>
    %swap3A_758 = vector.shape_cast %broadcast_in_dim3A_527 : vector<16xf32> to vector<16xf32>
    tpu.vector_store %arg7[%swap3A_755], %swap3A_758 {strides = array<i32>} : memref<1024xf32, #tpu.memory_space<vmem>>, vector<16xf32>,
    %swap3A_759 = arith.constant 928 : index
    %swap3A_760 = tpu.vector_load %arg7[%swap3A_759] {strides = array<i32>} : memref<1024xf32, #tpu.memory_space<vmem>>, vector<16xf32>,
    %swap3A_761 = vector.shape_cast %swap3A_760 : vector<16xf32> to vector<16xf32>
    %swap3A_762 = vector.shape_cast %broadcast_in_dim3A_527 : vector<16xf32> to vector<16xf32>
    tpu.vector_store %arg7[%swap3A_759], %swap3A_762 {strides = array<i32>} : memref<1024xf32, #tpu.memory_space<vmem>>, vector<16xf32>,
    %swap3A_763 = arith.constant 944 : index
    %swap3A_764 = tpu.vector_load %arg7[%swap3A_763] {strides = array<i32>} : memref<1024xf32, #tpu.memory_space<vmem>>, vector<16xf32>,
    %swap3A_765 = vector.shape_cast %swap3A_764 : vector<16xf32> to vector<16xf32>
    %swap3A_766 = vector.shape_cast %broadcast_in_dim3A_527 : vector<16xf32> to vector<16xf32>
    tpu.vector_store %arg7[%swap3A_763], %swap3A_766 {strides = array<i32>} : memref<1024xf32, #tpu.memory_space<vmem>>, vector<16xf32>,
    %swap3A_767 = arith.constant 960 : index
    %swap3A_768 = tpu.vector_load %arg7[%swap3A_767] {strides = array<i32>} : memref<1024xf32, #tpu.memory_space<vmem>>, vector<16xf32>,
    %swap3A_769 = vector.shape_cast %swap3A_768 : vector<16xf32> to vector<16xf32>
    %swap3A_770 = vector.shape_cast %broadcast_in_dim3A_527 : vector<16xf32> to vector<16xf32>
    tpu.vector_store %arg7[%swap3A_767], %swap3A_770 {strides = array<i32>} : memref<1024xf32, #tpu.memory_space<vmem>>, vector<16xf32>,
    %swap3A_771 = arith.constant 976 : index
    %swap3A_772 = tpu.vector_load %arg7[%swap3A_771] {strides = array<i32>} : memref<1024xf32, #tpu.memory_space<vmem>>, vector<16xf32>,
    %swap3A_773 = vector.shape_cast %swap3A_772 : vector<16xf32> to vector<16xf32>
    %swap3A_774 = vector.shape_cast %broadcast_in_dim3A_527 : vector<16xf32> to vector<16xf32>
    tpu.vector_store %arg7[%swap3A_771], %swap3A_774 {strides = array<i32>} : memref<1024xf32, #tpu.memory_space<vmem>>, vector<16xf32>,
    %swap3A_775 = arith.constant 992 : index
    %swap3A_776 = tpu.vector_load %arg7[%swap3A_775] {strides = array<i32>} : memref<1024xf32, #tpu.memory_space<vmem>>, vector<16xf32>,
    %swap3A_777 = vector.shape_cast %swap3A_776 : vector<16xf32> to vector<16xf32>
    %swap3A_778 = vector.shape_cast %broadcast_in_dim3A_527 : vector<16xf32> to vector<16xf32>
    tpu.vector_store %arg7[%swap3A_775], %swap3A_778 {strides = array<i32>} : memref<1024xf32, #tpu.memory_space<vmem>>, vector<16xf32>,
    %swap3A_779 = arith.constant 1008 : index
    %swap3A_780 = tpu.vector_load %arg7[%swap3A_779] {strides = array<i32>} : memref<1024xf32, #tpu.memory_space<vmem>>, vector<16xf32>,
    %swap3A_781 = vector.shape_cast %swap3A_780 : vector<16xf32> to vector<16xf32>
    %swap3A_782 = vector.shape_cast %broadcast_in_dim3A_527 : vector<16xf32> to vector<16xf32>
    tpu.vector_store %arg7[%swap3A_779], %swap3A_782 {strides = array<i32>} : memref<1024xf32, #tpu.memory_space<vmem>>, vector<16xf32>,
    %jit3A_783 = arith.constant 80 : i32
    %div3A = arith.divsi %select_n3A, %jit3A_783 : i32
    %sign3A = arith.constant 0 : i32
    %sign3A_784 = arith.cmpi sgt, %select_n3A, %sign3A : i32
    %sign3A_785 = arith.extui %sign3A_784 : i1 to i32
    %sign3A_786 = arith.constant 0 : i32
    %sign3A_787 = arith.cmpi slt, %select_n3A, %sign3A_786 : i32
    %sign3A_788 = arith.extui %sign3A_787 : i1 to i32
    %sign3A_789 = arith.subi %sign3A_785, %sign3A_788 : i32
    %sign3A_790 = arith.constant 0 : i32
    %sign3A_791 = arith.cmpi sgt, %jit3A_783, %sign3A_790 : i32
    %sign3A_792 = arith.extui %sign3A_791 : i1 to i32
    %sign3A_793 = arith.constant 0 : i32
    %sign3A_794 = arith.cmpi slt, %jit3A_783, %sign3A_793 : i32
    %sign3A_795 = arith.extui %sign3A_794 : i1 to i32
    %sign3A_796 = arith.subi %sign3A_792, %sign3A_795 : i32
    %ne3A = arith.cmpi ne, %sign3A_789, %sign3A_796 : i32
    %rem3A = arith.remsi %select_n3A, %jit3A_783 : i32
    %ne3A_797 = arith.constant 0 : i32
    %ne3A_798 = arith.cmpi ne, %rem3A, %ne3A_797 : i32
    %and3A = arith.andi %ne3A, %ne3A_798 : i1
    %sub3A_799 = arith.constant 1 : i32
    %sub3A_800 = arith.subi %div3A, %sub3A_799 : i32
    %select_n3A_801 = arith.select %and3A, %sub3A_800, %div3A : i32
    %gt3A = arith.cmpi sgt, %select_n3A_526, %select_n3A : i32
    %add3A_802 = arith.constant 80 : i32
    %add3A_803 = arith.addi %select_n3A_526, %add3A_802 : i32
    %sub3A_804 = arith.constant 1 : i32
    %sub3A_805 = arith.subi %add3A_803, %sub3A_804 : i32
    %jit3A_806 = arith.constant 80 : i32
    %div3A_807 = arith.divsi %sub3A_805, %jit3A_806 : i32
    %sign3A_808 = arith.constant 0 : i32
    %sign3A_809 = arith.cmpi sgt, %sub3A_805, %sign3A_808 : i32
    %sign3A_810 = arith.extui %sign3A_809 : i1 to i32
    %sign3A_811 = arith.constant 0 : i32
    %sign3A_812 = arith.cmpi slt, %sub3A_805, %sign3A_811 : i32
    %sign3A_813 = arith.extui %sign3A_812 : i1 to i32
    %sign3A_814 = arith.subi %sign3A_810, %sign3A_813 : i32
    %sign3A_815 = arith.constant 0 : i32
    %sign3A_816 = arith.cmpi sgt, %jit3A_806, %sign3A_815 : i32
    %sign3A_817 = arith.extui %sign3A_816 : i1 to i32
    %sign3A_818 = arith.constant 0 : i32
    %sign3A_819 = arith.cmpi slt, %jit3A_806, %sign3A_818 : i32
    %sign3A_820 = arith.extui %sign3A_819 : i1 to i32
    %sign3A_821 = arith.subi %sign3A_817, %sign3A_820 : i32
    %ne3A_822 = arith.cmpi ne, %sign3A_814, %sign3A_821 : i32
    %rem3A_823 = arith.remsi %sub3A_805, %jit3A_806 : i32
    %ne3A_824 = arith.constant 0 : i32
    %ne3A_825 = arith.cmpi ne, %rem3A_823, %ne3A_824 : i32
    %and3A_826 = arith.andi %ne3A_822, %ne3A_825 : i1
    %sub3A_827 = arith.constant 1 : i32
    %sub3A_828 = arith.subi %div3A_807, %sub3A_827 : i32
    %select_n3A_829 = arith.select %and3A_826, %sub3A_828, %div3A_807 : i32
    %select_n3A_830 = arith.select %gt3A, %select_n3A_829, %select_n3A_801 : i32
    %while3A = arith.constant 0 : i32
    %while3A_831 = arith.subi %select_n3A_830, %select_n3A_801 : i32
    %while3A_832 = arith.addi %select_n3A_801, %while3A_831 : i32
    %while3A_833 = arith.constant 1 : i32
    %while3A_834 = arith.divsi %while3A_831, %while3A_833 : i32
    %while3A_835 = arith.muli %while3A_834, %while3A_833 : i32
    %while3A_836 = arith.addi %select_n3A_801, %while3A_835 : i32
    %while3A_837 = arith.constant 1 : i32
    scf.for %while3A_841 = %select_n3A_801 to %while3A_836 step %while3A_837  : i32 {
      %mul3A_842 = arith.constant 80 : i32
      %mul3A_843 = arith.muli %while3A_841, %mul3A_842 : i32
      %mul3A_844 = arith.constant 256 : i32
      %mul3A_845 = arith.muli %mul3A_843, %mul3A_844 : i32
      "tpu.region"() ({
        %run_scoped3A = tpu.sem_alloc : memref<!tpu.dma_semaphore, #tpu.memory_space<semaphore_mem>>
        %dma_start3A = tpu.memref_slice %arg2[%mul3A_845] : memref<12800000xf32, #tpu.memory_space<hbm>> -> memref<20480xf32, #tpu.memory_space<hbm>>
        %dma_start3A_884 = tpu.memref_slice %arg2[%mul3A_845] : memref<12800000xf32, #tpu.memory_space<hbm>> -> memref<20480xf32, #tpu.memory_space<hbm>>
        tpu.enqueue_dma source(%dma_start3A_884 : memref<20480xf32, #tpu.memory_space<hbm>>) target(%arg6 : memref<20480xf32, #tpu.memory_space<vmem>>) target_semaphore(%run_scoped3A : memref<!tpu.dma_semaphore, #tpu.memory_space<semaphore_mem>>)
        %dma_wait3A = tpu.memref_slice %arg2[%mul3A_845] : memref<12800000xf32, #tpu.memory_space<hbm>> -> memref<20480xf32, #tpu.memory_space<hbm>>
        %dma_wait3A_885 = tpu.memref_slice %arg2[%mul3A_845] : memref<12800000xf32, #tpu.memory_space<hbm>> -> memref<20480xf32, #tpu.memory_space<hbm>>
        tpu.wait_dma2 semaphore(%run_scoped3A : memref<!tpu.dma_semaphore, #tpu.memory_space<semaphore_mem>>) src(%dma_wait3A_885 : memref<20480xf32, #tpu.memory_space<hbm>>) dst(%arg6 : memref<20480xf32, #tpu.memory_space<vmem>>)
        tpu.yield
      }) : () -> ()
      %max3A_846 = arith.maxsi %select_n3A, %mul3A_843 : i32
      %sub3A_847 = arith.subi %max3A_846, %mul3A_843 : i32
      %add3A_848 = arith.constant 80 : i32
      %add3A_849 = arith.addi %mul3A_843, %add3A_848 : i32
      %min3A = arith.minsi %select_n3A_205, %add3A_849 : i32
      %sub3A_850 = arith.subi %min3A, %mul3A_843 : i32
      %gt3A_851 = arith.cmpi sgt, %sub3A_850, %sub3A_847 : i32
      %convert_element_type3A_852 = arith.extui %gt3A_851 : i1 to i32
      %cond3A = arith.constant 0 : i32
      %cond3A_853 = arith.cmpi ne, %convert_element_type3A_852, %cond3A : i32
      scf.if %cond3A_853 {
        %while3A_884 = arith.subi %sub3A_850, %sub3A_847 : i32
        %while3A_885 = arith.addi %sub3A_847, %while3A_884 : i32
        %while3A_886 = arith.constant 1 : i32
        %while3A_887 = arith.divsi %while3A_884, %while3A_886 : i32
        %while3A_888 = arith.muli %while3A_887, %while3A_886 : i32
        %while3A_889 = arith.addi %sub3A_847, %while3A_888 : i32
        %while3A_890 = arith.constant 1 : i32
        %while3A_891:16 = scf.for %while3A_1022 = %sub3A_847 to %while3A_889 step %while3A_890 iter_args(%while3A_1023 = %broadcast_in_dim3A_527, %while3A_1024 = %broadcast_in_dim3A_527, %while3A_1025 = %broadcast_in_dim3A_527, %while3A_1026 = %broadcast_in_dim3A_527, %while3A_1027 = %broadcast_in_dim3A_527, %while3A_1028 = %broadcast_in_dim3A_527, %while3A_1029 = %broadcast_in_dim3A_527, %while3A_1030 = %broadcast_in_dim3A_527, %while3A_1031 = %broadcast_in_dim3A_527, %while3A_1032 = %broadcast_in_dim3A_527, %while3A_1033 = %broadcast_in_dim3A_527, %while3A_1034 = %broadcast_in_dim3A_527, %while3A_1035 = %broadcast_in_dim3A_527, %while3A_1036 = %broadcast_in_dim3A_527, %while3A_1037 = %broadcast_in_dim3A_527, %while3A_1038 = %broadcast_in_dim3A_527) -> (vector<16xf32>, vector<16xf32>, vector<16xf32>, vector<16xf32>, vector<16xf32>, vector<16xf32>, vector<16xf32>, vector<16xf32>, vector<16xf32>, vector<16xf32>, vector<16xf32>, vector<16xf32>, vector<16xf32>, vector<16xf32>, vector<16xf32>, vector<16xf32>)  : i32 {
          %mul3A_1039 = arith.constant 256 : i32
          %mul3A_1040 = arith.muli %while3A_1022, %mul3A_1039 : i32
          %add3A_1041 = arith.constant 0 : i32
          %add3A_1042 = arith.addi %mul3A_1040, %add3A_1041 : i32
          %get3A_1043 = arith.index_cast %add3A_1042 : i32 to index
          %get3A_1044 = tpu.vector_load %arg6[%get3A_1043] {strides = array<i32>} : memref<20480xf32, #tpu.memory_space<vmem>>, vector<16xf32>,
          %get3A_1045 = vector.shape_cast %get3A_1044 : vector<16xf32> to vector<16xf32>
          %add3A_1046 = arith.addf %while3A_1023, %get3A_1045 : vector<16xf32>
          %add3A_1047 = arith.constant 16 : i32
          %add3A_1048 = arith.addi %mul3A_1040, %add3A_1047 : i32
          %get3A_1049 = arith.index_cast %add3A_1048 : i32 to index
          %get3A_1050 = tpu.vector_load %arg6[%get3A_1049] {strides = array<i32>} : memref<20480xf32, #tpu.memory_space<vmem>>, vector<16xf32>,
          %get3A_1051 = vector.shape_cast %get3A_1050 : vector<16xf32> to vector<16xf32>
          %add3A_1052 = arith.addf %while3A_1024, %get3A_1051 : vector<16xf32>
          %add3A_1053 = arith.constant 32 : i32
          %add3A_1054 = arith.addi %mul3A_1040, %add3A_1053 : i32
          %get3A_1055 = arith.index_cast %add3A_1054 : i32 to index
          %get3A_1056 = tpu.vector_load %arg6[%get3A_1055] {strides = array<i32>} : memref<20480xf32, #tpu.memory_space<vmem>>, vector<16xf32>,
          %get3A_1057 = vector.shape_cast %get3A_1056 : vector<16xf32> to vector<16xf32>
          %add3A_1058 = arith.addf %while3A_1025, %get3A_1057 : vector<16xf32>
          %add3A_1059 = arith.constant 48 : i32
          %add3A_1060 = arith.addi %mul3A_1040, %add3A_1059 : i32
          %get3A_1061 = arith.index_cast %add3A_1060 : i32 to index
          %get3A_1062 = tpu.vector_load %arg6[%get3A_1061] {strides = array<i32>} : memref<20480xf32, #tpu.memory_space<vmem>>, vector<16xf32>,
          %get3A_1063 = vector.shape_cast %get3A_1062 : vector<16xf32> to vector<16xf32>
          %add3A_1064 = arith.addf %while3A_1026, %get3A_1063 : vector<16xf32>
          %add3A_1065 = arith.constant 64 : i32
          %add3A_1066 = arith.addi %mul3A_1040, %add3A_1065 : i32
          %get3A_1067 = arith.index_cast %add3A_1066 : i32 to index
          %get3A_1068 = tpu.vector_load %arg6[%get3A_1067] {strides = array<i32>} : memref<20480xf32, #tpu.memory_space<vmem>>, vector<16xf32>,
          %get3A_1069 = vector.shape_cast %get3A_1068 : vector<16xf32> to vector<16xf32>
          %add3A_1070 = arith.addf %while3A_1027, %get3A_1069 : vector<16xf32>
          %add3A_1071 = arith.constant 80 : i32
          %add3A_1072 = arith.addi %mul3A_1040, %add3A_1071 : i32
          %get3A_1073 = arith.index_cast %add3A_1072 : i32 to index
          %get3A_1074 = tpu.vector_load %arg6[%get3A_1073] {strides = array<i32>} : memref<20480xf32, #tpu.memory_space<vmem>>, vector<16xf32>,
          %get3A_1075 = vector.shape_cast %get3A_1074 : vector<16xf32> to vector<16xf32>
          %add3A_1076 = arith.addf %while3A_1028, %get3A_1075 : vector<16xf32>
          %add3A_1077 = arith.constant 96 : i32
          %add3A_1078 = arith.addi %mul3A_1040, %add3A_1077 : i32
          %get3A_1079 = arith.index_cast %add3A_1078 : i32 to index
          %get3A_1080 = tpu.vector_load %arg6[%get3A_1079] {strides = array<i32>} : memref<20480xf32, #tpu.memory_space<vmem>>, vector<16xf32>,
          %get3A_1081 = vector.shape_cast %get3A_1080 : vector<16xf32> to vector<16xf32>
          %add3A_1082 = arith.addf %while3A_1029, %get3A_1081 : vector<16xf32>
          %add3A_1083 = arith.constant 112 : i32
          %add3A_1084 = arith.addi %mul3A_1040, %add3A_1083 : i32
          %get3A_1085 = arith.index_cast %add3A_1084 : i32 to index
          %get3A_1086 = tpu.vector_load %arg6[%get3A_1085] {strides = array<i32>} : memref<20480xf32, #tpu.memory_space<vmem>>, vector<16xf32>,
          %get3A_1087 = vector.shape_cast %get3A_1086 : vector<16xf32> to vector<16xf32>
          %add3A_1088 = arith.addf %while3A_1030, %get3A_1087 : vector<16xf32>
          %add3A_1089 = arith.constant 128 : i32
          %add3A_1090 = arith.addi %mul3A_1040, %add3A_1089 : i32
          %get3A_1091 = arith.index_cast %add3A_1090 : i32 to index
          %get3A_1092 = tpu.vector_load %arg6[%get3A_1091] {strides = array<i32>} : memref<20480xf32, #tpu.memory_space<vmem>>, vector<16xf32>,
          %get3A_1093 = vector.shape_cast %get3A_1092 : vector<16xf32> to vector<16xf32>
          %add3A_1094 = arith.addf %while3A_1031, %get3A_1093 : vector<16xf32>
          %add3A_1095 = arith.constant 144 : i32
          %add3A_1096 = arith.addi %mul3A_1040, %add3A_1095 : i32
          %get3A_1097 = arith.index_cast %add3A_1096 : i32 to index
          %get3A_1098 = tpu.vector_load %arg6[%get3A_1097] {strides = array<i32>} : memref<20480xf32, #tpu.memory_space<vmem>>, vector<16xf32>,
          %get3A_1099 = vector.shape_cast %get3A_1098 : vector<16xf32> to vector<16xf32>
          %add3A_1100 = arith.addf %while3A_1032, %get3A_1099 : vector<16xf32>
          %add3A_1101 = arith.constant 160 : i32
          %add3A_1102 = arith.addi %mul3A_1040, %add3A_1101 : i32
          %get3A_1103 = arith.index_cast %add3A_1102 : i32 to index
          %get3A_1104 = tpu.vector_load %arg6[%get3A_1103] {strides = array<i32>} : memref<20480xf32, #tpu.memory_space<vmem>>, vector<16xf32>,
          %get3A_1105 = vector.shape_cast %get3A_1104 : vector<16xf32> to vector<16xf32>
          %add3A_1106 = arith.addf %while3A_1033, %get3A_1105 : vector<16xf32>
          %add3A_1107 = arith.constant 176 : i32
          %add3A_1108 = arith.addi %mul3A_1040, %add3A_1107 : i32
          %get3A_1109 = arith.index_cast %add3A_1108 : i32 to index
          %get3A_1110 = tpu.vector_load %arg6[%get3A_1109] {strides = array<i32>} : memref<20480xf32, #tpu.memory_space<vmem>>, vector<16xf32>,
          %get3A_1111 = vector.shape_cast %get3A_1110 : vector<16xf32> to vector<16xf32>
          %add3A_1112 = arith.addf %while3A_1034, %get3A_1111 : vector<16xf32>
          %add3A_1113 = arith.constant 192 : i32
          %add3A_1114 = arith.addi %mul3A_1040, %add3A_1113 : i32
          %get3A_1115 = arith.index_cast %add3A_1114 : i32 to index
          %get3A_1116 = tpu.vector_load %arg6[%get3A_1115] {strides = array<i32>} : memref<20480xf32, #tpu.memory_space<vmem>>, vector<16xf32>,
          %get3A_1117 = vector.shape_cast %get3A_1116 : vector<16xf32> to vector<16xf32>
          %add3A_1118 = arith.addf %while3A_1035, %get3A_1117 : vector<16xf32>
          %add3A_1119 = arith.constant 208 : i32
          %add3A_1120 = arith.addi %mul3A_1040, %add3A_1119 : i32
          %get3A_1121 = arith.index_cast %add3A_1120 : i32 to index
          %get3A_1122 = tpu.vector_load %arg6[%get3A_1121] {strides = array<i32>} : memref<20480xf32, #tpu.memory_space<vmem>>, vector<16xf32>,
          %get3A_1123 = vector.shape_cast %get3A_1122 : vector<16xf32> to vector<16xf32>
          %add3A_1124 = arith.addf %while3A_1036, %get3A_1123 : vector<16xf32>
          %add3A_1125 = arith.constant 224 : i32
          %add3A_1126 = arith.addi %mul3A_1040, %add3A_1125 : i32
          %get3A_1127 = arith.index_cast %add3A_1126 : i32 to index
          %get3A_1128 = tpu.vector_load %arg6[%get3A_1127] {strides = array<i32>} : memref<20480xf32, #tpu.memory_space<vmem>>, vector<16xf32>,
          %get3A_1129 = vector.shape_cast %get3A_1128 : vector<16xf32> to vector<16xf32>
          %add3A_1130 = arith.addf %while3A_1037, %get3A_1129 : vector<16xf32>
          %add3A_1131 = arith.constant 240 : i32
          %add3A_1132 = arith.addi %mul3A_1040, %add3A_1131 : i32
          %get3A_1133 = arith.index_cast %add3A_1132 : i32 to index
          %get3A_1134 = tpu.vector_load %arg6[%get3A_1133] {strides = array<i32>} : memref<20480xf32, #tpu.memory_space<vmem>>, vector<16xf32>,
          %get3A_1135 = vector.shape_cast %get3A_1134 : vector<16xf32> to vector<16xf32>
          %add3A_1136 = arith.addf %while3A_1038, %get3A_1135 : vector<16xf32>
          scf.yield %add3A_1046, %add3A_1052, %add3A_1058, %add3A_1064, %add3A_1070, %add3A_1076, %add3A_1082, %add3A_1088, %add3A_1094, %add3A_1100, %add3A_1106, %add3A_1112, %add3A_1118, %add3A_1124, %add3A_1130, %add3A_1136 : vector<16xf32>, vector<16xf32>, vector<16xf32>, vector<16xf32>, vector<16xf32>, vector<16xf32>, vector<16xf32>, vector<16xf32>, vector<16xf32>, vector<16xf32>, vector<16xf32>, vector<16xf32>, vector<16xf32>, vector<16xf32>, vector<16xf32>, vector<16xf32>
        }
        %while3A_892 = arith.constant 1 : i32
        %while3A_893:16 = scf.for %while3A_1022 = %while3A_889 to %while3A_885 step %while3A_892 iter_args(%while3A_1023 = %while3A_891#0, %while3A_1024 = %while3A_891#1, %while3A_1025 = %while3A_891#2, %while3A_1026 = %while3A_891#3, %while3A_1027 = %while3A_891#4, %while3A_1028 = %while3A_891#5, %while3A_1029 = %while3A_891#6, %while3A_1030 = %while3A_891#7, %while3A_1031 = %while3A_891#8, %while3A_1032 = %while3A_891#9, %while3A_1033 = %while3A_891#10, %while3A_1034 = %while3A_891#11, %while3A_1035 = %while3A_891#12, %while3A_1036 = %while3A_891#13, %while3A_1037 = %while3A_891#14, %while3A_1038 = %while3A_891#15) -> (vector<16xf32>, vector<16xf32>, vector<16xf32>, vector<16xf32>, vector<16xf32>, vector<16xf32>, vector<16xf32>, vector<16xf32>, vector<16xf32>, vector<16xf32>, vector<16xf32>, vector<16xf32>, vector<16xf32>, vector<16xf32>, vector<16xf32>, vector<16xf32>)  : i32 {
          %mul3A_1039 = arith.constant 256 : i32
          %mul3A_1040 = arith.muli %while3A_1022, %mul3A_1039 : i32
          %add3A_1041 = arith.constant 0 : i32
          %add3A_1042 = arith.addi %mul3A_1040, %add3A_1041 : i32
          %get3A_1043 = arith.index_cast %add3A_1042 : i32 to index
          %get3A_1044 = tpu.vector_load %arg6[%get3A_1043] {strides = array<i32>} : memref<20480xf32, #tpu.memory_space<vmem>>, vector<16xf32>,
          %get3A_1045 = vector.shape_cast %get3A_1044 : vector<16xf32> to vector<16xf32>
          %add3A_1046 = arith.addf %while3A_1023, %get3A_1045 : vector<16xf32>
          %add3A_1047 = arith.constant 16 : i32
          %add3A_1048 = arith.addi %mul3A_1040, %add3A_1047 : i32
          %get3A_1049 = arith.index_cast %add3A_1048 : i32 to index
          %get3A_1050 = tpu.vector_load %arg6[%get3A_1049] {strides = array<i32>} : memref<20480xf32, #tpu.memory_space<vmem>>, vector<16xf32>,
          %get3A_1051 = vector.shape_cast %get3A_1050 : vector<16xf32> to vector<16xf32>
          %add3A_1052 = arith.addf %while3A_1024, %get3A_1051 : vector<16xf32>
          %add3A_1053 = arith.constant 32 : i32
          %add3A_1054 = arith.addi %mul3A_1040, %add3A_1053 : i32
          %get3A_1055 = arith.index_cast %add3A_1054 : i32 to index
          %get3A_1056 = tpu.vector_load %arg6[%get3A_1055] {strides = array<i32>} : memref<20480xf32, #tpu.memory_space<vmem>>, vector<16xf32>,
          %get3A_1057 = vector.shape_cast %get3A_1056 : vector<16xf32> to vector<16xf32>
          %add3A_1058 = arith.addf %while3A_1025, %get3A_1057 : vector<16xf32>
          %add3A_1059 = arith.constant 48 : i32
          %add3A_1060 = arith.addi %mul3A_1040, %add3A_1059 : i32
          %get3A_1061 = arith.index_cast %add3A_1060 : i32 to index
          %get3A_1062 = tpu.vector_load %arg6[%get3A_1061] {strides = array<i32>} : memref<20480xf32, #tpu.memory_space<vmem>>, vector<16xf32>,
          %get3A_1063 = vector.shape_cast %get3A_1062 : vector<16xf32> to vector<16xf32>
          %add3A_1064 = arith.addf %while3A_1026, %get3A_1063 : vector<16xf32>
          %add3A_1065 = arith.constant 64 : i32
          %add3A_1066 = arith.addi %mul3A_1040, %add3A_1065 : i32
          %get3A_1067 = arith.index_cast %add3A_1066 : i32 to index
          %get3A_1068 = tpu.vector_load %arg6[%get3A_1067] {strides = array<i32>} : memref<20480xf32, #tpu.memory_space<vmem>>, vector<16xf32>,
          %get3A_1069 = vector.shape_cast %get3A_1068 : vector<16xf32> to vector<16xf32>
          %add3A_1070 = arith.addf %while3A_1027, %get3A_1069 : vector<16xf32>
          %add3A_1071 = arith.constant 80 : i32
          %add3A_1072 = arith.addi %mul3A_1040, %add3A_1071 : i32
          %get3A_1073 = arith.index_cast %add3A_1072 : i32 to index
          %get3A_1074 = tpu.vector_load %arg6[%get3A_1073] {strides = array<i32>} : memref<20480xf32, #tpu.memory_space<vmem>>, vector<16xf32>,
          %get3A_1075 = vector.shape_cast %get3A_1074 : vector<16xf32> to vector<16xf32>
          %add3A_1076 = arith.addf %while3A_1028, %get3A_1075 : vector<16xf32>
          %add3A_1077 = arith.constant 96 : i32
          %add3A_1078 = arith.addi %mul3A_1040, %add3A_1077 : i32
          %get3A_1079 = arith.index_cast %add3A_1078 : i32 to index
          %get3A_1080 = tpu.vector_load %arg6[%get3A_1079] {strides = array<i32>} : memref<20480xf32, #tpu.memory_space<vmem>>, vector<16xf32>,
          %get3A_1081 = vector.shape_cast %get3A_1080 : vector<16xf32> to vector<16xf32>
          %add3A_1082 = arith.addf %while3A_1029, %get3A_1081 : vector<16xf32>
          %add3A_1083 = arith.constant 112 : i32
          %add3A_1084 = arith.addi %mul3A_1040, %add3A_1083 : i32
          %get3A_1085 = arith.index_cast %add3A_1084 : i32 to index
          %get3A_1086 = tpu.vector_load %arg6[%get3A_1085] {strides = array<i32>} : memref<20480xf32, #tpu.memory_space<vmem>>, vector<16xf32>,
          %get3A_1087 = vector.shape_cast %get3A_1086 : vector<16xf32> to vector<16xf32>
          %add3A_1088 = arith.addf %while3A_1030, %get3A_1087 : vector<16xf32>
          %add3A_1089 = arith.constant 128 : i32
          %add3A_1090 = arith.addi %mul3A_1040, %add3A_1089 : i32
          %get3A_1091 = arith.index_cast %add3A_1090 : i32 to index
          %get3A_1092 = tpu.vector_load %arg6[%get3A_1091] {strides = array<i32>} : memref<20480xf32, #tpu.memory_space<vmem>>, vector<16xf32>,
          %get3A_1093 = vector.shape_cast %get3A_1092 : vector<16xf32> to vector<16xf32>
          %add3A_1094 = arith.addf %while3A_1031, %get3A_1093 : vector<16xf32>
          %add3A_1095 = arith.constant 144 : i32
          %add3A_1096 = arith.addi %mul3A_1040, %add3A_1095 : i32
          %get3A_1097 = arith.index_cast %add3A_1096 : i32 to index
          %get3A_1098 = tpu.vector_load %arg6[%get3A_1097] {strides = array<i32>} : memref<20480xf32, #tpu.memory_space<vmem>>, vector<16xf32>,
          %get3A_1099 = vector.shape_cast %get3A_1098 : vector<16xf32> to vector<16xf32>
          %add3A_1100 = arith.addf %while3A_1032, %get3A_1099 : vector<16xf32>
          %add3A_1101 = arith.constant 160 : i32
          %add3A_1102 = arith.addi %mul3A_1040, %add3A_1101 : i32
          %get3A_1103 = arith.index_cast %add3A_1102 : i32 to index
          %get3A_1104 = tpu.vector_load %arg6[%get3A_1103] {strides = array<i32>} : memref<20480xf32, #tpu.memory_space<vmem>>, vector<16xf32>,
          %get3A_1105 = vector.shape_cast %get3A_1104 : vector<16xf32> to vector<16xf32>
          %add3A_1106 = arith.addf %while3A_1033, %get3A_1105 : vector<16xf32>
          %add3A_1107 = arith.constant 176 : i32
          %add3A_1108 = arith.addi %mul3A_1040, %add3A_1107 : i32
          %get3A_1109 = arith.index_cast %add3A_1108 : i32 to index
          %get3A_1110 = tpu.vector_load %arg6[%get3A_1109] {strides = array<i32>} : memref<20480xf32, #tpu.memory_space<vmem>>, vector<16xf32>,
          %get3A_1111 = vector.shape_cast %get3A_1110 : vector<16xf32> to vector<16xf32>
          %add3A_1112 = arith.addf %while3A_1034, %get3A_1111 : vector<16xf32>
          %add3A_1113 = arith.constant 192 : i32
          %add3A_1114 = arith.addi %mul3A_1040, %add3A_1113 : i32
          %get3A_1115 = arith.index_cast %add3A_1114 : i32 to index
          %get3A_1116 = tpu.vector_load %arg6[%get3A_1115] {strides = array<i32>} : memref<20480xf32, #tpu.memory_space<vmem>>, vector<16xf32>,
          %get3A_1117 = vector.shape_cast %get3A_1116 : vector<16xf32> to vector<16xf32>
          %add3A_1118 = arith.addf %while3A_1035, %get3A_1117 : vector<16xf32>
          %add3A_1119 = arith.constant 208 : i32
          %add3A_1120 = arith.addi %mul3A_1040, %add3A_1119 : i32
          %get3A_1121 = arith.index_cast %add3A_1120 : i32 to index
          %get3A_1122 = tpu.vector_load %arg6[%get3A_1121] {strides = array<i32>} : memref<20480xf32, #tpu.memory_space<vmem>>, vector<16xf32>,
          %get3A_1123 = vector.shape_cast %get3A_1122 : vector<16xf32> to vector<16xf32>
          %add3A_1124 = arith.addf %while3A_1036, %get3A_1123 : vector<16xf32>
          %add3A_1125 = arith.constant 224 : i32
          %add3A_1126 = arith.addi %mul3A_1040, %add3A_1125 : i32
          %get3A_1127 = arith.index_cast %add3A_1126 : i32 to index
          %get3A_1128 = tpu.vector_load %arg6[%get3A_1127] {strides = array<i32>} : memref<20480xf32, #tpu.memory_space<vmem>>, vector<16xf32>,
          %get3A_1129 = vector.shape_cast %get3A_1128 : vector<16xf32> to vector<16xf32>
          %add3A_1130 = arith.addf %while3A_1037, %get3A_1129 : vector<16xf32>
          %add3A_1131 = arith.constant 240 : i32
          %add3A_1132 = arith.addi %mul3A_1040, %add3A_1131 : i32
          %get3A_1133 = arith.index_cast %add3A_1132 : i32 to index
          %get3A_1134 = tpu.vector_load %arg6[%get3A_1133] {strides = array<i32>} : memref<20480xf32, #tpu.memory_space<vmem>>, vector<16xf32>,
          %get3A_1135 = vector.shape_cast %get3A_1134 : vector<16xf32> to vector<16xf32>
          %add3A_1136 = arith.addf %while3A_1038, %get3A_1135 : vector<16xf32>
          scf.yield %add3A_1046, %add3A_1052, %add3A_1058, %add3A_1064, %add3A_1070, %add3A_1076, %add3A_1082, %add3A_1088, %add3A_1094, %add3A_1100, %add3A_1106, %add3A_1112, %add3A_1118, %add3A_1124, %add3A_1130, %add3A_1136 : vector<16xf32>, vector<16xf32>, vector<16xf32>, vector<16xf32>, vector<16xf32>, vector<16xf32>, vector<16xf32>, vector<16xf32>, vector<16xf32>, vector<16xf32>, vector<16xf32>, vector<16xf32>, vector<16xf32>, vector<16xf32>, vector<16xf32>, vector<16xf32>
        }
        %get3A_894 = arith.constant 0 : index
        %get3A_895 = tpu.vector_load %arg7[%get3A_894] {strides = array<i32>} : memref<1024xf32, #tpu.memory_space<vmem>>, vector<16xf32>,
        %get3A_896 = vector.shape_cast %get3A_895 : vector<16xf32> to vector<16xf32>
        %add3A_897 = arith.addf %get3A_896, %while3A_893#0 : vector<16xf32>
        %swap3A_898 = arith.constant 0 : index
        %swap3A_899 = tpu.vector_load %arg7[%swap3A_898] {strides = array<i32>} : memref<1024xf32, #tpu.memory_space<vmem>>, vector<16xf32>,
        %swap3A_900 = vector.shape_cast %swap3A_899 : vector<16xf32> to vector<16xf32>
        %swap3A_901 = vector.shape_cast %add3A_897 : vector<16xf32> to vector<16xf32>
        tpu.vector_store %arg7[%swap3A_898], %swap3A_901 {strides = array<i32>} : memref<1024xf32, #tpu.memory_space<vmem>>, vector<16xf32>,
        %get3A_902 = arith.constant 16 : index
        %get3A_903 = tpu.vector_load %arg7[%get3A_902] {strides = array<i32>} : memref<1024xf32, #tpu.memory_space<vmem>>, vector<16xf32>,
        %get3A_904 = vector.shape_cast %get3A_903 : vector<16xf32> to vector<16xf32>
        %add3A_905 = arith.addf %get3A_904, %while3A_893#1 : vector<16xf32>
        %swap3A_906 = arith.constant 16 : index
        %swap3A_907 = tpu.vector_load %arg7[%swap3A_906] {strides = array<i32>} : memref<1024xf32, #tpu.memory_space<vmem>>, vector<16xf32>,
        %swap3A_908 = vector.shape_cast %swap3A_907 : vector<16xf32> to vector<16xf32>
        %swap3A_909 = vector.shape_cast %add3A_905 : vector<16xf32> to vector<16xf32>
        tpu.vector_store %arg7[%swap3A_906], %swap3A_909 {strides = array<i32>} : memref<1024xf32, #tpu.memory_space<vmem>>, vector<16xf32>,
        %get3A_910 = arith.constant 32 : index
        %get3A_911 = tpu.vector_load %arg7[%get3A_910] {strides = array<i32>} : memref<1024xf32, #tpu.memory_space<vmem>>, vector<16xf32>,
        %get3A_912 = vector.shape_cast %get3A_911 : vector<16xf32> to vector<16xf32>
        %add3A_913 = arith.addf %get3A_912, %while3A_893#2 : vector<16xf32>
        %swap3A_914 = arith.constant 32 : index
        %swap3A_915 = tpu.vector_load %arg7[%swap3A_914] {strides = array<i32>} : memref<1024xf32, #tpu.memory_space<vmem>>, vector<16xf32>,
        %swap3A_916 = vector.shape_cast %swap3A_915 : vector<16xf32> to vector<16xf32>
        %swap3A_917 = vector.shape_cast %add3A_913 : vector<16xf32> to vector<16xf32>
        tpu.vector_store %arg7[%swap3A_914], %swap3A_917 {strides = array<i32>} : memref<1024xf32, #tpu.memory_space<vmem>>, vector<16xf32>,
        %get3A_918 = arith.constant 48 : index
        %get3A_919 = tpu.vector_load %arg7[%get3A_918] {strides = array<i32>} : memref<1024xf32, #tpu.memory_space<vmem>>, vector<16xf32>,
        %get3A_920 = vector.shape_cast %get3A_919 : vector<16xf32> to vector<16xf32>
        %add3A_921 = arith.addf %get3A_920, %while3A_893#3 : vector<16xf32>
        %swap3A_922 = arith.constant 48 : index
        %swap3A_923 = tpu.vector_load %arg7[%swap3A_922] {strides = array<i32>} : memref<1024xf32, #tpu.memory_space<vmem>>, vector<16xf32>,
        %swap3A_924 = vector.shape_cast %swap3A_923 : vector<16xf32> to vector<16xf32>
        %swap3A_925 = vector.shape_cast %add3A_921 : vector<16xf32> to vector<16xf32>
        tpu.vector_store %arg7[%swap3A_922], %swap3A_925 {strides = array<i32>} : memref<1024xf32, #tpu.memory_space<vmem>>, vector<16xf32>,
        %get3A_926 = arith.constant 64 : index
        %get3A_927 = tpu.vector_load %arg7[%get3A_926] {strides = array<i32>} : memref<1024xf32, #tpu.memory_space<vmem>>, vector<16xf32>,
        %get3A_928 = vector.shape_cast %get3A_927 : vector<16xf32> to vector<16xf32>
        %add3A_929 = arith.addf %get3A_928, %while3A_893#4 : vector<16xf32>
        %swap3A_930 = arith.constant 64 : index
        %swap3A_931 = tpu.vector_load %arg7[%swap3A_930] {strides = array<i32>} : memref<1024xf32, #tpu.memory_space<vmem>>, vector<16xf32>,
        %swap3A_932 = vector.shape_cast %swap3A_931 : vector<16xf32> to vector<16xf32>
        %swap3A_933 = vector.shape_cast %add3A_929 : vector<16xf32> to vector<16xf32>
        tpu.vector_store %arg7[%swap3A_930], %swap3A_933 {strides = array<i32>} : memref<1024xf32, #tpu.memory_space<vmem>>, vector<16xf32>,
        %get3A_934 = arith.constant 80 : index
        %get3A_935 = tpu.vector_load %arg7[%get3A_934] {strides = array<i32>} : memref<1024xf32, #tpu.memory_space<vmem>>, vector<16xf32>,
        %get3A_936 = vector.shape_cast %get3A_935 : vector<16xf32> to vector<16xf32>
        %add3A_937 = arith.addf %get3A_936, %while3A_893#5 : vector<16xf32>
        %swap3A_938 = arith.constant 80 : index
        %swap3A_939 = tpu.vector_load %arg7[%swap3A_938] {strides = array<i32>} : memref<1024xf32, #tpu.memory_space<vmem>>, vector<16xf32>,
        %swap3A_940 = vector.shape_cast %swap3A_939 : vector<16xf32> to vector<16xf32>
        %swap3A_941 = vector.shape_cast %add3A_937 : vector<16xf32> to vector<16xf32>
        tpu.vector_store %arg7[%swap3A_938], %swap3A_941 {strides = array<i32>} : memref<1024xf32, #tpu.memory_space<vmem>>, vector<16xf32>,
        %get3A_942 = arith.constant 96 : index
        %get3A_943 = tpu.vector_load %arg7[%get3A_942] {strides = array<i32>} : memref<1024xf32, #tpu.memory_space<vmem>>, vector<16xf32>,
        %get3A_944 = vector.shape_cast %get3A_943 : vector<16xf32> to vector<16xf32>
        %add3A_945 = arith.addf %get3A_944, %while3A_893#6 : vector<16xf32>
        %swap3A_946 = arith.constant 96 : index
        %swap3A_947 = tpu.vector_load %arg7[%swap3A_946] {strides = array<i32>} : memref<1024xf32, #tpu.memory_space<vmem>>, vector<16xf32>,
        %swap3A_948 = vector.shape_cast %swap3A_947 : vector<16xf32> to vector<16xf32>
        %swap3A_949 = vector.shape_cast %add3A_945 : vector<16xf32> to vector<16xf32>
        tpu.vector_store %arg7[%swap3A_946], %swap3A_949 {strides = array<i32>} : memref<1024xf32, #tpu.memory_space<vmem>>, vector<16xf32>,
        %get3A_950 = arith.constant 112 : index
        %get3A_951 = tpu.vector_load %arg7[%get3A_950] {strides = array<i32>} : memref<1024xf32, #tpu.memory_space<vmem>>, vector<16xf32>,
        %get3A_952 = vector.shape_cast %get3A_951 : vector<16xf32> to vector<16xf32>
        %add3A_953 = arith.addf %get3A_952, %while3A_893#7 : vector<16xf32>
        %swap3A_954 = arith.constant 112 : index
        %swap3A_955 = tpu.vector_load %arg7[%swap3A_954] {strides = array<i32>} : memref<1024xf32, #tpu.memory_space<vmem>>, vector<16xf32>,
        %swap3A_956 = vector.shape_cast %swap3A_955 : vector<16xf32> to vector<16xf32>
        %swap3A_957 = vector.shape_cast %add3A_953 : vector<16xf32> to vector<16xf32>
        tpu.vector_store %arg7[%swap3A_954], %swap3A_957 {strides = array<i32>} : memref<1024xf32, #tpu.memory_space<vmem>>, vector<16xf32>,
        %get3A_958 = arith.constant 128 : index
        %get3A_959 = tpu.vector_load %arg7[%get3A_958] {strides = array<i32>} : memref<1024xf32, #tpu.memory_space<vmem>>, vector<16xf32>,
        %get3A_960 = vector.shape_cast %get3A_959 : vector<16xf32> to vector<16xf32>
        %add3A_961 = arith.addf %get3A_960, %while3A_893#8 : vector<16xf32>
        %swap3A_962 = arith.constant 128 : index
        %swap3A_963 = tpu.vector_load %arg7[%swap3A_962] {strides = array<i32>} : memref<1024xf32, #tpu.memory_space<vmem>>, vector<16xf32>,
        %swap3A_964 = vector.shape_cast %swap3A_963 : vector<16xf32> to vector<16xf32>
        %swap3A_965 = vector.shape_cast %add3A_961 : vector<16xf32> to vector<16xf32>
        tpu.vector_store %arg7[%swap3A_962], %swap3A_965 {strides = array<i32>} : memref<1024xf32, #tpu.memory_space<vmem>>, vector<16xf32>,
        %get3A_966 = arith.constant 144 : index
        %get3A_967 = tpu.vector_load %arg7[%get3A_966] {strides = array<i32>} : memref<1024xf32, #tpu.memory_space<vmem>>, vector<16xf32>,
        %get3A_968 = vector.shape_cast %get3A_967 : vector<16xf32> to vector<16xf32>
        %add3A_969 = arith.addf %get3A_968, %while3A_893#9 : vector<16xf32>
        %swap3A_970 = arith.constant 144 : index
        %swap3A_971 = tpu.vector_load %arg7[%swap3A_970] {strides = array<i32>} : memref<1024xf32, #tpu.memory_space<vmem>>, vector<16xf32>,
        %swap3A_972 = vector.shape_cast %swap3A_971 : vector<16xf32> to vector<16xf32>
        %swap3A_973 = vector.shape_cast %add3A_969 : vector<16xf32> to vector<16xf32>
        tpu.vector_store %arg7[%swap3A_970], %swap3A_973 {strides = array<i32>} : memref<1024xf32, #tpu.memory_space<vmem>>, vector<16xf32>,
        %get3A_974 = arith.constant 160 : index
        %get3A_975 = tpu.vector_load %arg7[%get3A_974] {strides = array<i32>} : memref<1024xf32, #tpu.memory_space<vmem>>, vector<16xf32>,
        %get3A_976 = vector.shape_cast %get3A_975 : vector<16xf32> to vector<16xf32>
        %add3A_977 = arith.addf %get3A_976, %while3A_893#10 : vector<16xf32>
        %swap3A_978 = arith.constant 160 : index
        %swap3A_979 = tpu.vector_load %arg7[%swap3A_978] {strides = array<i32>} : memref<1024xf32, #tpu.memory_space<vmem>>, vector<16xf32>,
        %swap3A_980 = vector.shape_cast %swap3A_979 : vector<16xf32> to vector<16xf32>
        %swap3A_981 = vector.shape_cast %add3A_977 : vector<16xf32> to vector<16xf32>
        tpu.vector_store %arg7[%swap3A_978], %swap3A_981 {strides = array<i32>} : memref<1024xf32, #tpu.memory_space<vmem>>, vector<16xf32>,
        %get3A_982 = arith.constant 176 : index
        %get3A_983 = tpu.vector_load %arg7[%get3A_982] {strides = array<i32>} : memref<1024xf32, #tpu.memory_space<vmem>>, vector<16xf32>,
        %get3A_984 = vector.shape_cast %get3A_983 : vector<16xf32> to vector<16xf32>
        %add3A_985 = arith.addf %get3A_984, %while3A_893#11 : vector<16xf32>
        %swap3A_986 = arith.constant 176 : index
        %swap3A_987 = tpu.vector_load %arg7[%swap3A_986] {strides = array<i32>} : memref<1024xf32, #tpu.memory_space<vmem>>, vector<16xf32>,
        %swap3A_988 = vector.shape_cast %swap3A_987 : vector<16xf32> to vector<16xf32>
        %swap3A_989 = vector.shape_cast %add3A_985 : vector<16xf32> to vector<16xf32>
        tpu.vector_store %arg7[%swap3A_986], %swap3A_989 {strides = array<i32>} : memref<1024xf32, #tpu.memory_space<vmem>>, vector<16xf32>,
        %get3A_990 = arith.constant 192 : index
        %get3A_991 = tpu.vector_load %arg7[%get3A_990] {strides = array<i32>} : memref<1024xf32, #tpu.memory_space<vmem>>, vector<16xf32>,
        %get3A_992 = vector.shape_cast %get3A_991 : vector<16xf32> to vector<16xf32>
        %add3A_993 = arith.addf %get3A_992, %while3A_893#12 : vector<16xf32>
        %swap3A_994 = arith.constant 192 : index
        %swap3A_995 = tpu.vector_load %arg7[%swap3A_994] {strides = array<i32>} : memref<1024xf32, #tpu.memory_space<vmem>>, vector<16xf32>,
        %swap3A_996 = vector.shape_cast %swap3A_995 : vector<16xf32> to vector<16xf32>
        %swap3A_997 = vector.shape_cast %add3A_993 : vector<16xf32> to vector<16xf32>
        tpu.vector_store %arg7[%swap3A_994], %swap3A_997 {strides = array<i32>} : memref<1024xf32, #tpu.memory_space<vmem>>, vector<16xf32>,
        %get3A_998 = arith.constant 208 : index
        %get3A_999 = tpu.vector_load %arg7[%get3A_998] {strides = array<i32>} : memref<1024xf32, #tpu.memory_space<vmem>>, vector<16xf32>,
        %get3A_1000 = vector.shape_cast %get3A_999 : vector<16xf32> to vector<16xf32>
        %add3A_1001 = arith.addf %get3A_1000, %while3A_893#13 : vector<16xf32>
        %swap3A_1002 = arith.constant 208 : index
        %swap3A_1003 = tpu.vector_load %arg7[%swap3A_1002] {strides = array<i32>} : memref<1024xf32, #tpu.memory_space<vmem>>, vector<16xf32>,
        %swap3A_1004 = vector.shape_cast %swap3A_1003 : vector<16xf32> to vector<16xf32>
        %swap3A_1005 = vector.shape_cast %add3A_1001 : vector<16xf32> to vector<16xf32>
        tpu.vector_store %arg7[%swap3A_1002], %swap3A_1005 {strides = array<i32>} : memref<1024xf32, #tpu.memory_space<vmem>>, vector<16xf32>,
        %get3A_1006 = arith.constant 224 : index
        %get3A_1007 = tpu.vector_load %arg7[%get3A_1006] {strides = array<i32>} : memref<1024xf32, #tpu.memory_space<vmem>>, vector<16xf32>,
        %get3A_1008 = vector.shape_cast %get3A_1007 : vector<16xf32> to vector<16xf32>
        %add3A_1009 = arith.addf %get3A_1008, %while3A_893#14 : vector<16xf32>
        %swap3A_1010 = arith.constant 224 : index
        %swap3A_1011 = tpu.vector_load %arg7[%swap3A_1010] {strides = array<i32>} : memref<1024xf32, #tpu.memory_space<vmem>>, vector<16xf32>,
        %swap3A_1012 = vector.shape_cast %swap3A_1011 : vector<16xf32> to vector<16xf32>
        %swap3A_1013 = vector.shape_cast %add3A_1009 : vector<16xf32> to vector<16xf32>
        tpu.vector_store %arg7[%swap3A_1010], %swap3A_1013 {strides = array<i32>} : memref<1024xf32, #tpu.memory_space<vmem>>, vector<16xf32>,
        %get3A_1014 = arith.constant 240 : index
        %get3A_1015 = tpu.vector_load %arg7[%get3A_1014] {strides = array<i32>} : memref<1024xf32, #tpu.memory_space<vmem>>, vector<16xf32>,
        %get3A_1016 = vector.shape_cast %get3A_1015 : vector<16xf32> to vector<16xf32>
        %add3A_1017 = arith.addf %get3A_1016, %while3A_893#15 : vector<16xf32>
        %swap3A_1018 = arith.constant 240 : index
        %swap3A_1019 = tpu.vector_load %arg7[%swap3A_1018] {strides = array<i32>} : memref<1024xf32, #tpu.memory_space<vmem>>, vector<16xf32>,
        %swap3A_1020 = vector.shape_cast %swap3A_1019 : vector<16xf32> to vector<16xf32>
        %swap3A_1021 = vector.shape_cast %add3A_1017 : vector<16xf32> to vector<16xf32>
        tpu.vector_store %arg7[%swap3A_1018], %swap3A_1021 {strides = array<i32>} : memref<1024xf32, #tpu.memory_space<vmem>>, vector<16xf32>,
      } else {
      }
      %max3A_854 = arith.maxsi %select_n3A_205, %mul3A_843 : i32
      %sub3A_855 = arith.subi %max3A_854, %mul3A_843 : i32
      %add3A_856 = arith.constant 80 : i32
      %add3A_857 = arith.addi %mul3A_843, %add3A_856 : i32
      %min3A_858 = arith.minsi %select_n3A_312, %add3A_857 : i32
      %sub3A_859 = arith.subi %min3A_858, %mul3A_843 : i32
      %gt3A_860 = arith.cmpi sgt, %sub3A_859, %sub3A_855 : i32
      %convert_element_type3A_861 = arith.extui %gt3A_860 : i1 to i32
      %cond3A_862 = arith.constant 0 : i32
      %cond3A_863 = arith.cmpi ne, %convert_element_type3A_861, %cond3A_862 : i32
      scf.if %cond3A_863 {
        %while3A_884 = arith.subi %sub3A_859, %sub3A_855 : i32
        %while3A_885 = arith.addi %sub3A_855, %while3A_884 : i32
        %while3A_886 = arith.constant 1 : i32
        %while3A_887 = arith.divsi %while3A_884, %while3A_886 : i32
        %while3A_888 = arith.muli %while3A_887, %while3A_886 : i32
        %while3A_889 = arith.addi %sub3A_855, %while3A_888 : i32
        %while3A_890 = arith.constant 1 : i32
        %while3A_891:16 = scf.for %while3A_1022 = %sub3A_855 to %while3A_889 step %while3A_890 iter_args(%while3A_1023 = %broadcast_in_dim3A_527, %while3A_1024 = %broadcast_in_dim3A_527, %while3A_1025 = %broadcast_in_dim3A_527, %while3A_1026 = %broadcast_in_dim3A_527, %while3A_1027 = %broadcast_in_dim3A_527, %while3A_1028 = %broadcast_in_dim3A_527, %while3A_1029 = %broadcast_in_dim3A_527, %while3A_1030 = %broadcast_in_dim3A_527, %while3A_1031 = %broadcast_in_dim3A_527, %while3A_1032 = %broadcast_in_dim3A_527, %while3A_1033 = %broadcast_in_dim3A_527, %while3A_1034 = %broadcast_in_dim3A_527, %while3A_1035 = %broadcast_in_dim3A_527, %while3A_1036 = %broadcast_in_dim3A_527, %while3A_1037 = %broadcast_in_dim3A_527, %while3A_1038 = %broadcast_in_dim3A_527) -> (vector<16xf32>, vector<16xf32>, vector<16xf32>, vector<16xf32>, vector<16xf32>, vector<16xf32>, vector<16xf32>, vector<16xf32>, vector<16xf32>, vector<16xf32>, vector<16xf32>, vector<16xf32>, vector<16xf32>, vector<16xf32>, vector<16xf32>, vector<16xf32>)  : i32 {
          %mul3A_1039 = arith.constant 256 : i32
          %mul3A_1040 = arith.muli %while3A_1022, %mul3A_1039 : i32
          %add3A_1041 = arith.constant 0 : i32
          %add3A_1042 = arith.addi %mul3A_1040, %add3A_1041 : i32
          %get3A_1043 = arith.index_cast %add3A_1042 : i32 to index
          %get3A_1044 = tpu.vector_load %arg6[%get3A_1043] {strides = array<i32>} : memref<20480xf32, #tpu.memory_space<vmem>>, vector<16xf32>,
          %get3A_1045 = vector.shape_cast %get3A_1044 : vector<16xf32> to vector<16xf32>
          %add3A_1046 = arith.addf %while3A_1023, %get3A_1045 : vector<16xf32>
          %add3A_1047 = arith.constant 16 : i32
          %add3A_1048 = arith.addi %mul3A_1040, %add3A_1047 : i32
          %get3A_1049 = arith.index_cast %add3A_1048 : i32 to index
          %get3A_1050 = tpu.vector_load %arg6[%get3A_1049] {strides = array<i32>} : memref<20480xf32, #tpu.memory_space<vmem>>, vector<16xf32>,
          %get3A_1051 = vector.shape_cast %get3A_1050 : vector<16xf32> to vector<16xf32>
          %add3A_1052 = arith.addf %while3A_1024, %get3A_1051 : vector<16xf32>
          %add3A_1053 = arith.constant 32 : i32
          %add3A_1054 = arith.addi %mul3A_1040, %add3A_1053 : i32
          %get3A_1055 = arith.index_cast %add3A_1054 : i32 to index
          %get3A_1056 = tpu.vector_load %arg6[%get3A_1055] {strides = array<i32>} : memref<20480xf32, #tpu.memory_space<vmem>>, vector<16xf32>,
          %get3A_1057 = vector.shape_cast %get3A_1056 : vector<16xf32> to vector<16xf32>
          %add3A_1058 = arith.addf %while3A_1025, %get3A_1057 : vector<16xf32>
          %add3A_1059 = arith.constant 48 : i32
          %add3A_1060 = arith.addi %mul3A_1040, %add3A_1059 : i32
          %get3A_1061 = arith.index_cast %add3A_1060 : i32 to index
          %get3A_1062 = tpu.vector_load %arg6[%get3A_1061] {strides = array<i32>} : memref<20480xf32, #tpu.memory_space<vmem>>, vector<16xf32>,
          %get3A_1063 = vector.shape_cast %get3A_1062 : vector<16xf32> to vector<16xf32>
          %add3A_1064 = arith.addf %while3A_1026, %get3A_1063 : vector<16xf32>
          %add3A_1065 = arith.constant 64 : i32
          %add3A_1066 = arith.addi %mul3A_1040, %add3A_1065 : i32
          %get3A_1067 = arith.index_cast %add3A_1066 : i32 to index
          %get3A_1068 = tpu.vector_load %arg6[%get3A_1067] {strides = array<i32>} : memref<20480xf32, #tpu.memory_space<vmem>>, vector<16xf32>,
          %get3A_1069 = vector.shape_cast %get3A_1068 : vector<16xf32> to vector<16xf32>
          %add3A_1070 = arith.addf %while3A_1027, %get3A_1069 : vector<16xf32>
          %add3A_1071 = arith.constant 80 : i32
          %add3A_1072 = arith.addi %mul3A_1040, %add3A_1071 : i32
          %get3A_1073 = arith.index_cast %add3A_1072 : i32 to index
          %get3A_1074 = tpu.vector_load %arg6[%get3A_1073] {strides = array<i32>} : memref<20480xf32, #tpu.memory_space<vmem>>, vector<16xf32>,
          %get3A_1075 = vector.shape_cast %get3A_1074 : vector<16xf32> to vector<16xf32>
          %add3A_1076 = arith.addf %while3A_1028, %get3A_1075 : vector<16xf32>
          %add3A_1077 = arith.constant 96 : i32
          %add3A_1078 = arith.addi %mul3A_1040, %add3A_1077 : i32
          %get3A_1079 = arith.index_cast %add3A_1078 : i32 to index
          %get3A_1080 = tpu.vector_load %arg6[%get3A_1079] {strides = array<i32>} : memref<20480xf32, #tpu.memory_space<vmem>>, vector<16xf32>,
          %get3A_1081 = vector.shape_cast %get3A_1080 : vector<16xf32> to vector<16xf32>
          %add3A_1082 = arith.addf %while3A_1029, %get3A_1081 : vector<16xf32>
          %add3A_1083 = arith.constant 112 : i32
          %add3A_1084 = arith.addi %mul3A_1040, %add3A_1083 : i32
          %get3A_1085 = arith.index_cast %add3A_1084 : i32 to index
          %get3A_1086 = tpu.vector_load %arg6[%get3A_1085] {strides = array<i32>} : memref<20480xf32, #tpu.memory_space<vmem>>, vector<16xf32>,
          %get3A_1087 = vector.shape_cast %get3A_1086 : vector<16xf32> to vector<16xf32>
          %add3A_1088 = arith.addf %while3A_1030, %get3A_1087 : vector<16xf32>
          %add3A_1089 = arith.constant 128 : i32
          %add3A_1090 = arith.addi %mul3A_1040, %add3A_1089 : i32
          %get3A_1091 = arith.index_cast %add3A_1090 : i32 to index
          %get3A_1092 = tpu.vector_load %arg6[%get3A_1091] {strides = array<i32>} : memref<20480xf32, #tpu.memory_space<vmem>>, vector<16xf32>,
          %get3A_1093 = vector.shape_cast %get3A_1092 : vector<16xf32> to vector<16xf32>
          %add3A_1094 = arith.addf %while3A_1031, %get3A_1093 : vector<16xf32>
          %add3A_1095 = arith.constant 144 : i32
          %add3A_1096 = arith.addi %mul3A_1040, %add3A_1095 : i32
          %get3A_1097 = arith.index_cast %add3A_1096 : i32 to index
          %get3A_1098 = tpu.vector_load %arg6[%get3A_1097] {strides = array<i32>} : memref<20480xf32, #tpu.memory_space<vmem>>, vector<16xf32>,
          %get3A_1099 = vector.shape_cast %get3A_1098 : vector<16xf32> to vector<16xf32>
          %add3A_1100 = arith.addf %while3A_1032, %get3A_1099 : vector<16xf32>
          %add3A_1101 = arith.constant 160 : i32
          %add3A_1102 = arith.addi %mul3A_1040, %add3A_1101 : i32
          %get3A_1103 = arith.index_cast %add3A_1102 : i32 to index
          %get3A_1104 = tpu.vector_load %arg6[%get3A_1103] {strides = array<i32>} : memref<20480xf32, #tpu.memory_space<vmem>>, vector<16xf32>,
          %get3A_1105 = vector.shape_cast %get3A_1104 : vector<16xf32> to vector<16xf32>
          %add3A_1106 = arith.addf %while3A_1033, %get3A_1105 : vector<16xf32>
          %add3A_1107 = arith.constant 176 : i32
          %add3A_1108 = arith.addi %mul3A_1040, %add3A_1107 : i32
          %get3A_1109 = arith.index_cast %add3A_1108 : i32 to index
          %get3A_1110 = tpu.vector_load %arg6[%get3A_1109] {strides = array<i32>} : memref<20480xf32, #tpu.memory_space<vmem>>, vector<16xf32>,
          %get3A_1111 = vector.shape_cast %get3A_1110 : vector<16xf32> to vector<16xf32>
          %add3A_1112 = arith.addf %while3A_1034, %get3A_1111 : vector<16xf32>
          %add3A_1113 = arith.constant 192 : i32
          %add3A_1114 = arith.addi %mul3A_1040, %add3A_1113 : i32
          %get3A_1115 = arith.index_cast %add3A_1114 : i32 to index
          %get3A_1116 = tpu.vector_load %arg6[%get3A_1115] {strides = array<i32>} : memref<20480xf32, #tpu.memory_space<vmem>>, vector<16xf32>,
          %get3A_1117 = vector.shape_cast %get3A_1116 : vector<16xf32> to vector<16xf32>
          %add3A_1118 = arith.addf %while3A_1035, %get3A_1117 : vector<16xf32>
          %add3A_1119 = arith.constant 208 : i32
          %add3A_1120 = arith.addi %mul3A_1040, %add3A_1119 : i32
          %get3A_1121 = arith.index_cast %add3A_1120 : i32 to index
          %get3A_1122 = tpu.vector_load %arg6[%get3A_1121] {strides = array<i32>} : memref<20480xf32, #tpu.memory_space<vmem>>, vector<16xf32>,
          %get3A_1123 = vector.shape_cast %get3A_1122 : vector<16xf32> to vector<16xf32>
          %add3A_1124 = arith.addf %while3A_1036, %get3A_1123 : vector<16xf32>
          %add3A_1125 = arith.constant 224 : i32
          %add3A_1126 = arith.addi %mul3A_1040, %add3A_1125 : i32
          %get3A_1127 = arith.index_cast %add3A_1126 : i32 to index
          %get3A_1128 = tpu.vector_load %arg6[%get3A_1127] {strides = array<i32>} : memref<20480xf32, #tpu.memory_space<vmem>>, vector<16xf32>,
          %get3A_1129 = vector.shape_cast %get3A_1128 : vector<16xf32> to vector<16xf32>
          %add3A_1130 = arith.addf %while3A_1037, %get3A_1129 : vector<16xf32>
          %add3A_1131 = arith.constant 240 : i32
          %add3A_1132 = arith.addi %mul3A_1040, %add3A_1131 : i32
          %get3A_1133 = arith.index_cast %add3A_1132 : i32 to index
          %get3A_1134 = tpu.vector_load %arg6[%get3A_1133] {strides = array<i32>} : memref<20480xf32, #tpu.memory_space<vmem>>, vector<16xf32>,
          %get3A_1135 = vector.shape_cast %get3A_1134 : vector<16xf32> to vector<16xf32>
          %add3A_1136 = arith.addf %while3A_1038, %get3A_1135 : vector<16xf32>
          scf.yield %add3A_1046, %add3A_1052, %add3A_1058, %add3A_1064, %add3A_1070, %add3A_1076, %add3A_1082, %add3A_1088, %add3A_1094, %add3A_1100, %add3A_1106, %add3A_1112, %add3A_1118, %add3A_1124, %add3A_1130, %add3A_1136 : vector<16xf32>, vector<16xf32>, vector<16xf32>, vector<16xf32>, vector<16xf32>, vector<16xf32>, vector<16xf32>, vector<16xf32>, vector<16xf32>, vector<16xf32>, vector<16xf32>, vector<16xf32>, vector<16xf32>, vector<16xf32>, vector<16xf32>, vector<16xf32>
        }
        %while3A_892 = arith.constant 1 : i32
        %while3A_893:16 = scf.for %while3A_1022 = %while3A_889 to %while3A_885 step %while3A_892 iter_args(%while3A_1023 = %while3A_891#0, %while3A_1024 = %while3A_891#1, %while3A_1025 = %while3A_891#2, %while3A_1026 = %while3A_891#3, %while3A_1027 = %while3A_891#4, %while3A_1028 = %while3A_891#5, %while3A_1029 = %while3A_891#6, %while3A_1030 = %while3A_891#7, %while3A_1031 = %while3A_891#8, %while3A_1032 = %while3A_891#9, %while3A_1033 = %while3A_891#10, %while3A_1034 = %while3A_891#11, %while3A_1035 = %while3A_891#12, %while3A_1036 = %while3A_891#13, %while3A_1037 = %while3A_891#14, %while3A_1038 = %while3A_891#15) -> (vector<16xf32>, vector<16xf32>, vector<16xf32>, vector<16xf32>, vector<16xf32>, vector<16xf32>, vector<16xf32>, vector<16xf32>, vector<16xf32>, vector<16xf32>, vector<16xf32>, vector<16xf32>, vector<16xf32>, vector<16xf32>, vector<16xf32>, vector<16xf32>)  : i32 {
          %mul3A_1039 = arith.constant 256 : i32
          %mul3A_1040 = arith.muli %while3A_1022, %mul3A_1039 : i32
          %add3A_1041 = arith.constant 0 : i32
          %add3A_1042 = arith.addi %mul3A_1040, %add3A_1041 : i32
          %get3A_1043 = arith.index_cast %add3A_1042 : i32 to index
          %get3A_1044 = tpu.vector_load %arg6[%get3A_1043] {strides = array<i32>} : memref<20480xf32, #tpu.memory_space<vmem>>, vector<16xf32>,
          %get3A_1045 = vector.shape_cast %get3A_1044 : vector<16xf32> to vector<16xf32>
          %add3A_1046 = arith.addf %while3A_1023, %get3A_1045 : vector<16xf32>
          %add3A_1047 = arith.constant 16 : i32
          %add3A_1048 = arith.addi %mul3A_1040, %add3A_1047 : i32
          %get3A_1049 = arith.index_cast %add3A_1048 : i32 to index
          %get3A_1050 = tpu.vector_load %arg6[%get3A_1049] {strides = array<i32>} : memref<20480xf32, #tpu.memory_space<vmem>>, vector<16xf32>,
          %get3A_1051 = vector.shape_cast %get3A_1050 : vector<16xf32> to vector<16xf32>
          %add3A_1052 = arith.addf %while3A_1024, %get3A_1051 : vector<16xf32>
          %add3A_1053 = arith.constant 32 : i32
          %add3A_1054 = arith.addi %mul3A_1040, %add3A_1053 : i32
          %get3A_1055 = arith.index_cast %add3A_1054 : i32 to index
          %get3A_1056 = tpu.vector_load %arg6[%get3A_1055] {strides = array<i32>} : memref<20480xf32, #tpu.memory_space<vmem>>, vector<16xf32>,
          %get3A_1057 = vector.shape_cast %get3A_1056 : vector<16xf32> to vector<16xf32>
          %add3A_1058 = arith.addf %while3A_1025, %get3A_1057 : vector<16xf32>
          %add3A_1059 = arith.constant 48 : i32
          %add3A_1060 = arith.addi %mul3A_1040, %add3A_1059 : i32
          %get3A_1061 = arith.index_cast %add3A_1060 : i32 to index
          %get3A_1062 = tpu.vector_load %arg6[%get3A_1061] {strides = array<i32>} : memref<20480xf32, #tpu.memory_space<vmem>>, vector<16xf32>,
          %get3A_1063 = vector.shape_cast %get3A_1062 : vector<16xf32> to vector<16xf32>
          %add3A_1064 = arith.addf %while3A_1026, %get3A_1063 : vector<16xf32>
          %add3A_1065 = arith.constant 64 : i32
          %add3A_1066 = arith.addi %mul3A_1040, %add3A_1065 : i32
          %get3A_1067 = arith.index_cast %add3A_1066 : i32 to index
          %get3A_1068 = tpu.vector_load %arg6[%get3A_1067] {strides = array<i32>} : memref<20480xf32, #tpu.memory_space<vmem>>, vector<16xf32>,
          %get3A_1069 = vector.shape_cast %get3A_1068 : vector<16xf32> to vector<16xf32>
          %add3A_1070 = arith.addf %while3A_1027, %get3A_1069 : vector<16xf32>
          %add3A_1071 = arith.constant 80 : i32
          %add3A_1072 = arith.addi %mul3A_1040, %add3A_1071 : i32
          %get3A_1073 = arith.index_cast %add3A_1072 : i32 to index
          %get3A_1074 = tpu.vector_load %arg6[%get3A_1073] {strides = array<i32>} : memref<20480xf32, #tpu.memory_space<vmem>>, vector<16xf32>,
          %get3A_1075 = vector.shape_cast %get3A_1074 : vector<16xf32> to vector<16xf32>
          %add3A_1076 = arith.addf %while3A_1028, %get3A_1075 : vector<16xf32>
          %add3A_1077 = arith.constant 96 : i32
          %add3A_1078 = arith.addi %mul3A_1040, %add3A_1077 : i32
          %get3A_1079 = arith.index_cast %add3A_1078 : i32 to index
          %get3A_1080 = tpu.vector_load %arg6[%get3A_1079] {strides = array<i32>} : memref<20480xf32, #tpu.memory_space<vmem>>, vector<16xf32>,
          %get3A_1081 = vector.shape_cast %get3A_1080 : vector<16xf32> to vector<16xf32>
          %add3A_1082 = arith.addf %while3A_1029, %get3A_1081 : vector<16xf32>
          %add3A_1083 = arith.constant 112 : i32
          %add3A_1084 = arith.addi %mul3A_1040, %add3A_1083 : i32
          %get3A_1085 = arith.index_cast %add3A_1084 : i32 to index
          %get3A_1086 = tpu.vector_load %arg6[%get3A_1085] {strides = array<i32>} : memref<20480xf32, #tpu.memory_space<vmem>>, vector<16xf32>,
          %get3A_1087 = vector.shape_cast %get3A_1086 : vector<16xf32> to vector<16xf32>
          %add3A_1088 = arith.addf %while3A_1030, %get3A_1087 : vector<16xf32>
          %add3A_1089 = arith.constant 128 : i32
          %add3A_1090 = arith.addi %mul3A_1040, %add3A_1089 : i32
          %get3A_1091 = arith.index_cast %add3A_1090 : i32 to index
          %get3A_1092 = tpu.vector_load %arg6[%get3A_1091] {strides = array<i32>} : memref<20480xf32, #tpu.memory_space<vmem>>, vector<16xf32>,
          %get3A_1093 = vector.shape_cast %get3A_1092 : vector<16xf32> to vector<16xf32>
          %add3A_1094 = arith.addf %while3A_1031, %get3A_1093 : vector<16xf32>
          %add3A_1095 = arith.constant 144 : i32
          %add3A_1096 = arith.addi %mul3A_1040, %add3A_1095 : i32
          %get3A_1097 = arith.index_cast %add3A_1096 : i32 to index
          %get3A_1098 = tpu.vector_load %arg6[%get3A_1097] {strides = array<i32>} : memref<20480xf32, #tpu.memory_space<vmem>>, vector<16xf32>,
          %get3A_1099 = vector.shape_cast %get3A_1098 : vector<16xf32> to vector<16xf32>
          %add3A_1100 = arith.addf %while3A_1032, %get3A_1099 : vector<16xf32>
          %add3A_1101 = arith.constant 160 : i32
          %add3A_1102 = arith.addi %mul3A_1040, %add3A_1101 : i32
          %get3A_1103 = arith.index_cast %add3A_1102 : i32 to index
          %get3A_1104 = tpu.vector_load %arg6[%get3A_1103] {strides = array<i32>} : memref<20480xf32, #tpu.memory_space<vmem>>, vector<16xf32>,
          %get3A_1105 = vector.shape_cast %get3A_1104 : vector<16xf32> to vector<16xf32>
          %add3A_1106 = arith.addf %while3A_1033, %get3A_1105 : vector<16xf32>
          %add3A_1107 = arith.constant 176 : i32
          %add3A_1108 = arith.addi %mul3A_1040, %add3A_1107 : i32
          %get3A_1109 = arith.index_cast %add3A_1108 : i32 to index
          %get3A_1110 = tpu.vector_load %arg6[%get3A_1109] {strides = array<i32>} : memref<20480xf32, #tpu.memory_space<vmem>>, vector<16xf32>,
          %get3A_1111 = vector.shape_cast %get3A_1110 : vector<16xf32> to vector<16xf32>
          %add3A_1112 = arith.addf %while3A_1034, %get3A_1111 : vector<16xf32>
          %add3A_1113 = arith.constant 192 : i32
          %add3A_1114 = arith.addi %mul3A_1040, %add3A_1113 : i32
          %get3A_1115 = arith.index_cast %add3A_1114 : i32 to index
          %get3A_1116 = tpu.vector_load %arg6[%get3A_1115] {strides = array<i32>} : memref<20480xf32, #tpu.memory_space<vmem>>, vector<16xf32>,
          %get3A_1117 = vector.shape_cast %get3A_1116 : vector<16xf32> to vector<16xf32>
          %add3A_1118 = arith.addf %while3A_1035, %get3A_1117 : vector<16xf32>
          %add3A_1119 = arith.constant 208 : i32
          %add3A_1120 = arith.addi %mul3A_1040, %add3A_1119 : i32
          %get3A_1121 = arith.index_cast %add3A_1120 : i32 to index
          %get3A_1122 = tpu.vector_load %arg6[%get3A_1121] {strides = array<i32>} : memref<20480xf32, #tpu.memory_space<vmem>>, vector<16xf32>,
          %get3A_1123 = vector.shape_cast %get3A_1122 : vector<16xf32> to vector<16xf32>
          %add3A_1124 = arith.addf %while3A_1036, %get3A_1123 : vector<16xf32>
          %add3A_1125 = arith.constant 224 : i32
          %add3A_1126 = arith.addi %mul3A_1040, %add3A_1125 : i32
          %get3A_1127 = arith.index_cast %add3A_1126 : i32 to index
          %get3A_1128 = tpu.vector_load %arg6[%get3A_1127] {strides = array<i32>} : memref<20480xf32, #tpu.memory_space<vmem>>, vector<16xf32>,
          %get3A_1129 = vector.shape_cast %get3A_1128 : vector<16xf32> to vector<16xf32>
          %add3A_1130 = arith.addf %while3A_1037, %get3A_1129 : vector<16xf32>
          %add3A_1131 = arith.constant 240 : i32
          %add3A_1132 = arith.addi %mul3A_1040, %add3A_1131 : i32
          %get3A_1133 = arith.index_cast %add3A_1132 : i32 to index
          %get3A_1134 = tpu.vector_load %arg6[%get3A_1133] {strides = array<i32>} : memref<20480xf32, #tpu.memory_space<vmem>>, vector<16xf32>,
          %get3A_1135 = vector.shape_cast %get3A_1134 : vector<16xf32> to vector<16xf32>
          %add3A_1136 = arith.addf %while3A_1038, %get3A_1135 : vector<16xf32>
          scf.yield %add3A_1046, %add3A_1052, %add3A_1058, %add3A_1064, %add3A_1070, %add3A_1076, %add3A_1082, %add3A_1088, %add3A_1094, %add3A_1100, %add3A_1106, %add3A_1112, %add3A_1118, %add3A_1124, %add3A_1130, %add3A_1136 : vector<16xf32>, vector<16xf32>, vector<16xf32>, vector<16xf32>, vector<16xf32>, vector<16xf32>, vector<16xf32>, vector<16xf32>, vector<16xf32>, vector<16xf32>, vector<16xf32>, vector<16xf32>, vector<16xf32>, vector<16xf32>, vector<16xf32>, vector<16xf32>
        }
        %get3A_894 = arith.constant 256 : index
        %get3A_895 = tpu.vector_load %arg7[%get3A_894] {strides = array<i32>} : memref<1024xf32, #tpu.memory_space<vmem>>, vector<16xf32>,
        %get3A_896 = vector.shape_cast %get3A_895 : vector<16xf32> to vector<16xf32>
        %add3A_897 = arith.addf %get3A_896, %while3A_893#0 : vector<16xf32>
        %swap3A_898 = arith.constant 256 : index
        %swap3A_899 = tpu.vector_load %arg7[%swap3A_898] {strides = array<i32>} : memref<1024xf32, #tpu.memory_space<vmem>>, vector<16xf32>,
        %swap3A_900 = vector.shape_cast %swap3A_899 : vector<16xf32> to vector<16xf32>
        %swap3A_901 = vector.shape_cast %add3A_897 : vector<16xf32> to vector<16xf32>
        tpu.vector_store %arg7[%swap3A_898], %swap3A_901 {strides = array<i32>} : memref<1024xf32, #tpu.memory_space<vmem>>, vector<16xf32>,
        %get3A_902 = arith.constant 272 : index
        %get3A_903 = tpu.vector_load %arg7[%get3A_902] {strides = array<i32>} : memref<1024xf32, #tpu.memory_space<vmem>>, vector<16xf32>,
        %get3A_904 = vector.shape_cast %get3A_903 : vector<16xf32> to vector<16xf32>
        %add3A_905 = arith.addf %get3A_904, %while3A_893#1 : vector<16xf32>
        %swap3A_906 = arith.constant 272 : index
        %swap3A_907 = tpu.vector_load %arg7[%swap3A_906] {strides = array<i32>} : memref<1024xf32, #tpu.memory_space<vmem>>, vector<16xf32>,
        %swap3A_908 = vector.shape_cast %swap3A_907 : vector<16xf32> to vector<16xf32>
        %swap3A_909 = vector.shape_cast %add3A_905 : vector<16xf32> to vector<16xf32>
        tpu.vector_store %arg7[%swap3A_906], %swap3A_909 {strides = array<i32>} : memref<1024xf32, #tpu.memory_space<vmem>>, vector<16xf32>,
        %get3A_910 = arith.constant 288 : index
        %get3A_911 = tpu.vector_load %arg7[%get3A_910] {strides = array<i32>} : memref<1024xf32, #tpu.memory_space<vmem>>, vector<16xf32>,
        %get3A_912 = vector.shape_cast %get3A_911 : vector<16xf32> to vector<16xf32>
        %add3A_913 = arith.addf %get3A_912, %while3A_893#2 : vector<16xf32>
        %swap3A_914 = arith.constant 288 : index
        %swap3A_915 = tpu.vector_load %arg7[%swap3A_914] {strides = array<i32>} : memref<1024xf32, #tpu.memory_space<vmem>>, vector<16xf32>,
        %swap3A_916 = vector.shape_cast %swap3A_915 : vector<16xf32> to vector<16xf32>
        %swap3A_917 = vector.shape_cast %add3A_913 : vector<16xf32> to vector<16xf32>
        tpu.vector_store %arg7[%swap3A_914], %swap3A_917 {strides = array<i32>} : memref<1024xf32, #tpu.memory_space<vmem>>, vector<16xf32>,
        %get3A_918 = arith.constant 304 : index
        %get3A_919 = tpu.vector_load %arg7[%get3A_918] {strides = array<i32>} : memref<1024xf32, #tpu.memory_space<vmem>>, vector<16xf32>,
        %get3A_920 = vector.shape_cast %get3A_919 : vector<16xf32> to vector<16xf32>
        %add3A_921 = arith.addf %get3A_920, %while3A_893#3 : vector<16xf32>
        %swap3A_922 = arith.constant 304 : index
        %swap3A_923 = tpu.vector_load %arg7[%swap3A_922] {strides = array<i32>} : memref<1024xf32, #tpu.memory_space<vmem>>, vector<16xf32>,
        %swap3A_924 = vector.shape_cast %swap3A_923 : vector<16xf32> to vector<16xf32>
        %swap3A_925 = vector.shape_cast %add3A_921 : vector<16xf32> to vector<16xf32>
        tpu.vector_store %arg7[%swap3A_922], %swap3A_925 {strides = array<i32>} : memref<1024xf32, #tpu.memory_space<vmem>>, vector<16xf32>,
        %get3A_926 = arith.constant 320 : index
        %get3A_927 = tpu.vector_load %arg7[%get3A_926] {strides = array<i32>} : memref<1024xf32, #tpu.memory_space<vmem>>, vector<16xf32>,
        %get3A_928 = vector.shape_cast %get3A_927 : vector<16xf32> to vector<16xf32>
        %add3A_929 = arith.addf %get3A_928, %while3A_893#4 : vector<16xf32>
        %swap3A_930 = arith.constant 320 : index
        %swap3A_931 = tpu.vector_load %arg7[%swap3A_930] {strides = array<i32>} : memref<1024xf32, #tpu.memory_space<vmem>>, vector<16xf32>,
        %swap3A_932 = vector.shape_cast %swap3A_931 : vector<16xf32> to vector<16xf32>
        %swap3A_933 = vector.shape_cast %add3A_929 : vector<16xf32> to vector<16xf32>
        tpu.vector_store %arg7[%swap3A_930], %swap3A_933 {strides = array<i32>} : memref<1024xf32, #tpu.memory_space<vmem>>, vector<16xf32>,
        %get3A_934 = arith.constant 336 : index
        %get3A_935 = tpu.vector_load %arg7[%get3A_934] {strides = array<i32>} : memref<1024xf32, #tpu.memory_space<vmem>>, vector<16xf32>,
        %get3A_936 = vector.shape_cast %get3A_935 : vector<16xf32> to vector<16xf32>
        %add3A_937 = arith.addf %get3A_936, %while3A_893#5 : vector<16xf32>
        %swap3A_938 = arith.constant 336 : index
        %swap3A_939 = tpu.vector_load %arg7[%swap3A_938] {strides = array<i32>} : memref<1024xf32, #tpu.memory_space<vmem>>, vector<16xf32>,
        %swap3A_940 = vector.shape_cast %swap3A_939 : vector<16xf32> to vector<16xf32>
        %swap3A_941 = vector.shape_cast %add3A_937 : vector<16xf32> to vector<16xf32>
        tpu.vector_store %arg7[%swap3A_938], %swap3A_941 {strides = array<i32>} : memref<1024xf32, #tpu.memory_space<vmem>>, vector<16xf32>,
        %get3A_942 = arith.constant 352 : index
        %get3A_943 = tpu.vector_load %arg7[%get3A_942] {strides = array<i32>} : memref<1024xf32, #tpu.memory_space<vmem>>, vector<16xf32>,
        %get3A_944 = vector.shape_cast %get3A_943 : vector<16xf32> to vector<16xf32>
        %add3A_945 = arith.addf %get3A_944, %while3A_893#6 : vector<16xf32>
        %swap3A_946 = arith.constant 352 : index
        %swap3A_947 = tpu.vector_load %arg7[%swap3A_946] {strides = array<i32>} : memref<1024xf32, #tpu.memory_space<vmem>>, vector<16xf32>,
        %swap3A_948 = vector.shape_cast %swap3A_947 : vector<16xf32> to vector<16xf32>
        %swap3A_949 = vector.shape_cast %add3A_945 : vector<16xf32> to vector<16xf32>
        tpu.vector_store %arg7[%swap3A_946], %swap3A_949 {strides = array<i32>} : memref<1024xf32, #tpu.memory_space<vmem>>, vector<16xf32>,
        %get3A_950 = arith.constant 368 : index
        %get3A_951 = tpu.vector_load %arg7[%get3A_950] {strides = array<i32>} : memref<1024xf32, #tpu.memory_space<vmem>>, vector<16xf32>,
        %get3A_952 = vector.shape_cast %get3A_951 : vector<16xf32> to vector<16xf32>
        %add3A_953 = arith.addf %get3A_952, %while3A_893#7 : vector<16xf32>
        %swap3A_954 = arith.constant 368 : index
        %swap3A_955 = tpu.vector_load %arg7[%swap3A_954] {strides = array<i32>} : memref<1024xf32, #tpu.memory_space<vmem>>, vector<16xf32>,
        %swap3A_956 = vector.shape_cast %swap3A_955 : vector<16xf32> to vector<16xf32>
        %swap3A_957 = vector.shape_cast %add3A_953 : vector<16xf32> to vector<16xf32>
        tpu.vector_store %arg7[%swap3A_954], %swap3A_957 {strides = array<i32>} : memref<1024xf32, #tpu.memory_space<vmem>>, vector<16xf32>,
        %get3A_958 = arith.constant 384 : index
        %get3A_959 = tpu.vector_load %arg7[%get3A_958] {strides = array<i32>} : memref<1024xf32, #tpu.memory_space<vmem>>, vector<16xf32>,
        %get3A_960 = vector.shape_cast %get3A_959 : vector<16xf32> to vector<16xf32>
        %add3A_961 = arith.addf %get3A_960, %while3A_893#8 : vector<16xf32>
        %swap3A_962 = arith.constant 384 : index
        %swap3A_963 = tpu.vector_load %arg7[%swap3A_962] {strides = array<i32>} : memref<1024xf32, #tpu.memory_space<vmem>>, vector<16xf32>,
        %swap3A_964 = vector.shape_cast %swap3A_963 : vector<16xf32> to vector<16xf32>
        %swap3A_965 = vector.shape_cast %add3A_961 : vector<16xf32> to vector<16xf32>
        tpu.vector_store %arg7[%swap3A_962], %swap3A_965 {strides = array<i32>} : memref<1024xf32, #tpu.memory_space<vmem>>, vector<16xf32>,
        %get3A_966 = arith.constant 400 : index
        %get3A_967 = tpu.vector_load %arg7[%get3A_966] {strides = array<i32>} : memref<1024xf32, #tpu.memory_space<vmem>>, vector<16xf32>,
        %get3A_968 = vector.shape_cast %get3A_967 : vector<16xf32> to vector<16xf32>
        %add3A_969 = arith.addf %get3A_968, %while3A_893#9 : vector<16xf32>
        %swap3A_970 = arith.constant 400 : index
        %swap3A_971 = tpu.vector_load %arg7[%swap3A_970] {strides = array<i32>} : memref<1024xf32, #tpu.memory_space<vmem>>, vector<16xf32>,
        %swap3A_972 = vector.shape_cast %swap3A_971 : vector<16xf32> to vector<16xf32>
        %swap3A_973 = vector.shape_cast %add3A_969 : vector<16xf32> to vector<16xf32>
        tpu.vector_store %arg7[%swap3A_970], %swap3A_973 {strides = array<i32>} : memref<1024xf32, #tpu.memory_space<vmem>>, vector<16xf32>,
        %get3A_974 = arith.constant 416 : index
        %get3A_975 = tpu.vector_load %arg7[%get3A_974] {strides = array<i32>} : memref<1024xf32, #tpu.memory_space<vmem>>, vector<16xf32>,
        %get3A_976 = vector.shape_cast %get3A_975 : vector<16xf32> to vector<16xf32>
        %add3A_977 = arith.addf %get3A_976, %while3A_893#10 : vector<16xf32>
        %swap3A_978 = arith.constant 416 : index
        %swap3A_979 = tpu.vector_load %arg7[%swap3A_978] {strides = array<i32>} : memref<1024xf32, #tpu.memory_space<vmem>>, vector<16xf32>,
        %swap3A_980 = vector.shape_cast %swap3A_979 : vector<16xf32> to vector<16xf32>
        %swap3A_981 = vector.shape_cast %add3A_977 : vector<16xf32> to vector<16xf32>
        tpu.vector_store %arg7[%swap3A_978], %swap3A_981 {strides = array<i32>} : memref<1024xf32, #tpu.memory_space<vmem>>, vector<16xf32>,
        %get3A_982 = arith.constant 432 : index
        %get3A_983 = tpu.vector_load %arg7[%get3A_982] {strides = array<i32>} : memref<1024xf32, #tpu.memory_space<vmem>>, vector<16xf32>,
        %get3A_984 = vector.shape_cast %get3A_983 : vector<16xf32> to vector<16xf32>
        %add3A_985 = arith.addf %get3A_984, %while3A_893#11 : vector<16xf32>
        %swap3A_986 = arith.constant 432 : index
        %swap3A_987 = tpu.vector_load %arg7[%swap3A_986] {strides = array<i32>} : memref<1024xf32, #tpu.memory_space<vmem>>, vector<16xf32>,
        %swap3A_988 = vector.shape_cast %swap3A_987 : vector<16xf32> to vector<16xf32>
        %swap3A_989 = vector.shape_cast %add3A_985 : vector<16xf32> to vector<16xf32>
        tpu.vector_store %arg7[%swap3A_986], %swap3A_989 {strides = array<i32>} : memref<1024xf32, #tpu.memory_space<vmem>>, vector<16xf32>,
        %get3A_990 = arith.constant 448 : index
        %get3A_991 = tpu.vector_load %arg7[%get3A_990] {strides = array<i32>} : memref<1024xf32, #tpu.memory_space<vmem>>, vector<16xf32>,
        %get3A_992 = vector.shape_cast %get3A_991 : vector<16xf32> to vector<16xf32>
        %add3A_993 = arith.addf %get3A_992, %while3A_893#12 : vector<16xf32>
        %swap3A_994 = arith.constant 448 : index
        %swap3A_995 = tpu.vector_load %arg7[%swap3A_994] {strides = array<i32>} : memref<1024xf32, #tpu.memory_space<vmem>>, vector<16xf32>,
        %swap3A_996 = vector.shape_cast %swap3A_995 : vector<16xf32> to vector<16xf32>
        %swap3A_997 = vector.shape_cast %add3A_993 : vector<16xf32> to vector<16xf32>
        tpu.vector_store %arg7[%swap3A_994], %swap3A_997 {strides = array<i32>} : memref<1024xf32, #tpu.memory_space<vmem>>, vector<16xf32>,
        %get3A_998 = arith.constant 464 : index
        %get3A_999 = tpu.vector_load %arg7[%get3A_998] {strides = array<i32>} : memref<1024xf32, #tpu.memory_space<vmem>>, vector<16xf32>,
        %get3A_1000 = vector.shape_cast %get3A_999 : vector<16xf32> to vector<16xf32>
        %add3A_1001 = arith.addf %get3A_1000, %while3A_893#13 : vector<16xf32>
        %swap3A_1002 = arith.constant 464 : index
        %swap3A_1003 = tpu.vector_load %arg7[%swap3A_1002] {strides = array<i32>} : memref<1024xf32, #tpu.memory_space<vmem>>, vector<16xf32>,
        %swap3A_1004 = vector.shape_cast %swap3A_1003 : vector<16xf32> to vector<16xf32>
        %swap3A_1005 = vector.shape_cast %add3A_1001 : vector<16xf32> to vector<16xf32>
        tpu.vector_store %arg7[%swap3A_1002], %swap3A_1005 {strides = array<i32>} : memref<1024xf32, #tpu.memory_space<vmem>>, vector<16xf32>,
        %get3A_1006 = arith.constant 480 : index
        %get3A_1007 = tpu.vector_load %arg7[%get3A_1006] {strides = array<i32>} : memref<1024xf32, #tpu.memory_space<vmem>>, vector<16xf32>,
        %get3A_1008 = vector.shape_cast %get3A_1007 : vector<16xf32> to vector<16xf32>
        %add3A_1009 = arith.addf %get3A_1008, %while3A_893#14 : vector<16xf32>
        %swap3A_1010 = arith.constant 480 : index
        %swap3A_1011 = tpu.vector_load %arg7[%swap3A_1010] {strides = array<i32>} : memref<1024xf32, #tpu.memory_space<vmem>>, vector<16xf32>,
        %swap3A_1012 = vector.shape_cast %swap3A_1011 : vector<16xf32> to vector<16xf32>
        %swap3A_1013 = vector.shape_cast %add3A_1009 : vector<16xf32> to vector<16xf32>
        tpu.vector_store %arg7[%swap3A_1010], %swap3A_1013 {strides = array<i32>} : memref<1024xf32, #tpu.memory_space<vmem>>, vector<16xf32>,
        %get3A_1014 = arith.constant 496 : index
        %get3A_1015 = tpu.vector_load %arg7[%get3A_1014] {strides = array<i32>} : memref<1024xf32, #tpu.memory_space<vmem>>, vector<16xf32>,
        %get3A_1016 = vector.shape_cast %get3A_1015 : vector<16xf32> to vector<16xf32>
        %add3A_1017 = arith.addf %get3A_1016, %while3A_893#15 : vector<16xf32>
        %swap3A_1018 = arith.constant 496 : index
        %swap3A_1019 = tpu.vector_load %arg7[%swap3A_1018] {strides = array<i32>} : memref<1024xf32, #tpu.memory_space<vmem>>, vector<16xf32>,
        %swap3A_1020 = vector.shape_cast %swap3A_1019 : vector<16xf32> to vector<16xf32>
        %swap3A_1021 = vector.shape_cast %add3A_1017 : vector<16xf32> to vector<16xf32>
        tpu.vector_store %arg7[%swap3A_1018], %swap3A_1021 {strides = array<i32>} : memref<1024xf32, #tpu.memory_space<vmem>>, vector<16xf32>,
      } else {
      }
      %max3A_864 = arith.maxsi %select_n3A_312, %mul3A_843 : i32
      %sub3A_865 = arith.subi %max3A_864, %mul3A_843 : i32
      %add3A_866 = arith.constant 80 : i32
      %add3A_867 = arith.addi %mul3A_843, %add3A_866 : i32
      %min3A_868 = arith.minsi %select_n3A_419, %add3A_867 : i32
      %sub3A_869 = arith.subi %min3A_868, %mul3A_843 : i32
      %gt3A_870 = arith.cmpi sgt, %sub3A_869, %sub3A_865 : i32
      %convert_element_type3A_871 = arith.extui %gt3A_870 : i1 to i32
      %cond3A_872 = arith.constant 0 : i32
      %cond3A_873 = arith.cmpi ne, %convert_element_type3A_871, %cond3A_872 : i32
      scf.if %cond3A_873 {
        %while3A_884 = arith.subi %sub3A_869, %sub3A_865 : i32
        %while3A_885 = arith.addi %sub3A_865, %while3A_884 : i32
        %while3A_886 = arith.constant 1 : i32
        %while3A_887 = arith.divsi %while3A_884, %while3A_886 : i32
        %while3A_888 = arith.muli %while3A_887, %while3A_886 : i32
        %while3A_889 = arith.addi %sub3A_865, %while3A_888 : i32
        %while3A_890 = arith.constant 1 : i32
        %while3A_891:16 = scf.for %while3A_1022 = %sub3A_865 to %while3A_889 step %while3A_890 iter_args(%while3A_1023 = %broadcast_in_dim3A_527, %while3A_1024 = %broadcast_in_dim3A_527, %while3A_1025 = %broadcast_in_dim3A_527, %while3A_1026 = %broadcast_in_dim3A_527, %while3A_1027 = %broadcast_in_dim3A_527, %while3A_1028 = %broadcast_in_dim3A_527, %while3A_1029 = %broadcast_in_dim3A_527, %while3A_1030 = %broadcast_in_dim3A_527, %while3A_1031 = %broadcast_in_dim3A_527, %while3A_1032 = %broadcast_in_dim3A_527, %while3A_1033 = %broadcast_in_dim3A_527, %while3A_1034 = %broadcast_in_dim3A_527, %while3A_1035 = %broadcast_in_dim3A_527, %while3A_1036 = %broadcast_in_dim3A_527, %while3A_1037 = %broadcast_in_dim3A_527, %while3A_1038 = %broadcast_in_dim3A_527) -> (vector<16xf32>, vector<16xf32>, vector<16xf32>, vector<16xf32>, vector<16xf32>, vector<16xf32>, vector<16xf32>, vector<16xf32>, vector<16xf32>, vector<16xf32>, vector<16xf32>, vector<16xf32>, vector<16xf32>, vector<16xf32>, vector<16xf32>, vector<16xf32>)  : i32 {
          %mul3A_1039 = arith.constant 256 : i32
          %mul3A_1040 = arith.muli %while3A_1022, %mul3A_1039 : i32
          %add3A_1041 = arith.constant 0 : i32
          %add3A_1042 = arith.addi %mul3A_1040, %add3A_1041 : i32
          %get3A_1043 = arith.index_cast %add3A_1042 : i32 to index
          %get3A_1044 = tpu.vector_load %arg6[%get3A_1043] {strides = array<i32>} : memref<20480xf32, #tpu.memory_space<vmem>>, vector<16xf32>,
          %get3A_1045 = vector.shape_cast %get3A_1044 : vector<16xf32> to vector<16xf32>
          %add3A_1046 = arith.addf %while3A_1023, %get3A_1045 : vector<16xf32>
          %add3A_1047 = arith.constant 16 : i32
          %add3A_1048 = arith.addi %mul3A_1040, %add3A_1047 : i32
          %get3A_1049 = arith.index_cast %add3A_1048 : i32 to index
          %get3A_1050 = tpu.vector_load %arg6[%get3A_1049] {strides = array<i32>} : memref<20480xf32, #tpu.memory_space<vmem>>, vector<16xf32>,
          %get3A_1051 = vector.shape_cast %get3A_1050 : vector<16xf32> to vector<16xf32>
          %add3A_1052 = arith.addf %while3A_1024, %get3A_1051 : vector<16xf32>
          %add3A_1053 = arith.constant 32 : i32
          %add3A_1054 = arith.addi %mul3A_1040, %add3A_1053 : i32
          %get3A_1055 = arith.index_cast %add3A_1054 : i32 to index
          %get3A_1056 = tpu.vector_load %arg6[%get3A_1055] {strides = array<i32>} : memref<20480xf32, #tpu.memory_space<vmem>>, vector<16xf32>,
          %get3A_1057 = vector.shape_cast %get3A_1056 : vector<16xf32> to vector<16xf32>
          %add3A_1058 = arith.addf %while3A_1025, %get3A_1057 : vector<16xf32>
          %add3A_1059 = arith.constant 48 : i32
          %add3A_1060 = arith.addi %mul3A_1040, %add3A_1059 : i32
          %get3A_1061 = arith.index_cast %add3A_1060 : i32 to index
          %get3A_1062 = tpu.vector_load %arg6[%get3A_1061] {strides = array<i32>} : memref<20480xf32, #tpu.memory_space<vmem>>, vector<16xf32>,
          %get3A_1063 = vector.shape_cast %get3A_1062 : vector<16xf32> to vector<16xf32>
          %add3A_1064 = arith.addf %while3A_1026, %get3A_1063 : vector<16xf32>
          %add3A_1065 = arith.constant 64 : i32
          %add3A_1066 = arith.addi %mul3A_1040, %add3A_1065 : i32
          %get3A_1067 = arith.index_cast %add3A_1066 : i32 to index
          %get3A_1068 = tpu.vector_load %arg6[%get3A_1067] {strides = array<i32>} : memref<20480xf32, #tpu.memory_space<vmem>>, vector<16xf32>,
          %get3A_1069 = vector.shape_cast %get3A_1068 : vector<16xf32> to vector<16xf32>
          %add3A_1070 = arith.addf %while3A_1027, %get3A_1069 : vector<16xf32>
          %add3A_1071 = arith.constant 80 : i32
          %add3A_1072 = arith.addi %mul3A_1040, %add3A_1071 : i32
          %get3A_1073 = arith.index_cast %add3A_1072 : i32 to index
          %get3A_1074 = tpu.vector_load %arg6[%get3A_1073] {strides = array<i32>} : memref<20480xf32, #tpu.memory_space<vmem>>, vector<16xf32>,
          %get3A_1075 = vector.shape_cast %get3A_1074 : vector<16xf32> to vector<16xf32>
          %add3A_1076 = arith.addf %while3A_1028, %get3A_1075 : vector<16xf32>
          %add3A_1077 = arith.constant 96 : i32
          %add3A_1078 = arith.addi %mul3A_1040, %add3A_1077 : i32
          %get3A_1079 = arith.index_cast %add3A_1078 : i32 to index
          %get3A_1080 = tpu.vector_load %arg6[%get3A_1079] {strides = array<i32>} : memref<20480xf32, #tpu.memory_space<vmem>>, vector<16xf32>,
          %get3A_1081 = vector.shape_cast %get3A_1080 : vector<16xf32> to vector<16xf32>
          %add3A_1082 = arith.addf %while3A_1029, %get3A_1081 : vector<16xf32>
          %add3A_1083 = arith.constant 112 : i32
          %add3A_1084 = arith.addi %mul3A_1040, %add3A_1083 : i32
          %get3A_1085 = arith.index_cast %add3A_1084 : i32 to index
          %get3A_1086 = tpu.vector_load %arg6[%get3A_1085] {strides = array<i32>} : memref<20480xf32, #tpu.memory_space<vmem>>, vector<16xf32>,
          %get3A_1087 = vector.shape_cast %get3A_1086 : vector<16xf32> to vector<16xf32>
          %add3A_1088 = arith.addf %while3A_1030, %get3A_1087 : vector<16xf32>
          %add3A_1089 = arith.constant 128 : i32
          %add3A_1090 = arith.addi %mul3A_1040, %add3A_1089 : i32
          %get3A_1091 = arith.index_cast %add3A_1090 : i32 to index
          %get3A_1092 = tpu.vector_load %arg6[%get3A_1091] {strides = array<i32>} : memref<20480xf32, #tpu.memory_space<vmem>>, vector<16xf32>,
          %get3A_1093 = vector.shape_cast %get3A_1092 : vector<16xf32> to vector<16xf32>
          %add3A_1094 = arith.addf %while3A_1031, %get3A_1093 : vector<16xf32>
          %add3A_1095 = arith.constant 144 : i32
          %add3A_1096 = arith.addi %mul3A_1040, %add3A_1095 : i32
          %get3A_1097 = arith.index_cast %add3A_1096 : i32 to index
          %get3A_1098 = tpu.vector_load %arg6[%get3A_1097] {strides = array<i32>} : memref<20480xf32, #tpu.memory_space<vmem>>, vector<16xf32>,
          %get3A_1099 = vector.shape_cast %get3A_1098 : vector<16xf32> to vector<16xf32>
          %add3A_1100 = arith.addf %while3A_1032, %get3A_1099 : vector<16xf32>
          %add3A_1101 = arith.constant 160 : i32
          %add3A_1102 = arith.addi %mul3A_1040, %add3A_1101 : i32
          %get3A_1103 = arith.index_cast %add3A_1102 : i32 to index
          %get3A_1104 = tpu.vector_load %arg6[%get3A_1103] {strides = array<i32>} : memref<20480xf32, #tpu.memory_space<vmem>>, vector<16xf32>,
          %get3A_1105 = vector.shape_cast %get3A_1104 : vector<16xf32> to vector<16xf32>
          %add3A_1106 = arith.addf %while3A_1033, %get3A_1105 : vector<16xf32>
          %add3A_1107 = arith.constant 176 : i32
          %add3A_1108 = arith.addi %mul3A_1040, %add3A_1107 : i32
          %get3A_1109 = arith.index_cast %add3A_1108 : i32 to index
          %get3A_1110 = tpu.vector_load %arg6[%get3A_1109] {strides = array<i32>} : memref<20480xf32, #tpu.memory_space<vmem>>, vector<16xf32>,
          %get3A_1111 = vector.shape_cast %get3A_1110 : vector<16xf32> to vector<16xf32>
          %add3A_1112 = arith.addf %while3A_1034, %get3A_1111 : vector<16xf32>
          %add3A_1113 = arith.constant 192 : i32
          %add3A_1114 = arith.addi %mul3A_1040, %add3A_1113 : i32
          %get3A_1115 = arith.index_cast %add3A_1114 : i32 to index
          %get3A_1116 = tpu.vector_load %arg6[%get3A_1115] {strides = array<i32>} : memref<20480xf32, #tpu.memory_space<vmem>>, vector<16xf32>,
          %get3A_1117 = vector.shape_cast %get3A_1116 : vector<16xf32> to vector<16xf32>
          %add3A_1118 = arith.addf %while3A_1035, %get3A_1117 : vector<16xf32>
          %add3A_1119 = arith.constant 208 : i32
          %add3A_1120 = arith.addi %mul3A_1040, %add3A_1119 : i32
          %get3A_1121 = arith.index_cast %add3A_1120 : i32 to index
          %get3A_1122 = tpu.vector_load %arg6[%get3A_1121] {strides = array<i32>} : memref<20480xf32, #tpu.memory_space<vmem>>, vector<16xf32>,
          %get3A_1123 = vector.shape_cast %get3A_1122 : vector<16xf32> to vector<16xf32>
          %add3A_1124 = arith.addf %while3A_1036, %get3A_1123 : vector<16xf32>
          %add3A_1125 = arith.constant 224 : i32
          %add3A_1126 = arith.addi %mul3A_1040, %add3A_1125 : i32
          %get3A_1127 = arith.index_cast %add3A_1126 : i32 to index
          %get3A_1128 = tpu.vector_load %arg6[%get3A_1127] {strides = array<i32>} : memref<20480xf32, #tpu.memory_space<vmem>>, vector<16xf32>,
          %get3A_1129 = vector.shape_cast %get3A_1128 : vector<16xf32> to vector<16xf32>
          %add3A_1130 = arith.addf %while3A_1037, %get3A_1129 : vector<16xf32>
          %add3A_1131 = arith.constant 240 : i32
          %add3A_1132 = arith.addi %mul3A_1040, %add3A_1131 : i32
          %get3A_1133 = arith.index_cast %add3A_1132 : i32 to index
          %get3A_1134 = tpu.vector_load %arg6[%get3A_1133] {strides = array<i32>} : memref<20480xf32, #tpu.memory_space<vmem>>, vector<16xf32>,
          %get3A_1135 = vector.shape_cast %get3A_1134 : vector<16xf32> to vector<16xf32>
          %add3A_1136 = arith.addf %while3A_1038, %get3A_1135 : vector<16xf32>
          scf.yield %add3A_1046, %add3A_1052, %add3A_1058, %add3A_1064, %add3A_1070, %add3A_1076, %add3A_1082, %add3A_1088, %add3A_1094, %add3A_1100, %add3A_1106, %add3A_1112, %add3A_1118, %add3A_1124, %add3A_1130, %add3A_1136 : vector<16xf32>, vector<16xf32>, vector<16xf32>, vector<16xf32>, vector<16xf32>, vector<16xf32>, vector<16xf32>, vector<16xf32>, vector<16xf32>, vector<16xf32>, vector<16xf32>, vector<16xf32>, vector<16xf32>, vector<16xf32>, vector<16xf32>, vector<16xf32>
        }
        %while3A_892 = arith.constant 1 : i32
        %while3A_893:16 = scf.for %while3A_1022 = %while3A_889 to %while3A_885 step %while3A_892 iter_args(%while3A_1023 = %while3A_891#0, %while3A_1024 = %while3A_891#1, %while3A_1025 = %while3A_891#2, %while3A_1026 = %while3A_891#3, %while3A_1027 = %while3A_891#4, %while3A_1028 = %while3A_891#5, %while3A_1029 = %while3A_891#6, %while3A_1030 = %while3A_891#7, %while3A_1031 = %while3A_891#8, %while3A_1032 = %while3A_891#9, %while3A_1033 = %while3A_891#10, %while3A_1034 = %while3A_891#11, %while3A_1035 = %while3A_891#12, %while3A_1036 = %while3A_891#13, %while3A_1037 = %while3A_891#14, %while3A_1038 = %while3A_891#15) -> (vector<16xf32>, vector<16xf32>, vector<16xf32>, vector<16xf32>, vector<16xf32>, vector<16xf32>, vector<16xf32>, vector<16xf32>, vector<16xf32>, vector<16xf32>, vector<16xf32>, vector<16xf32>, vector<16xf32>, vector<16xf32>, vector<16xf32>, vector<16xf32>)  : i32 {
          %mul3A_1039 = arith.constant 256 : i32
          %mul3A_1040 = arith.muli %while3A_1022, %mul3A_1039 : i32
          %add3A_1041 = arith.constant 0 : i32
          %add3A_1042 = arith.addi %mul3A_1040, %add3A_1041 : i32
          %get3A_1043 = arith.index_cast %add3A_1042 : i32 to index
          %get3A_1044 = tpu.vector_load %arg6[%get3A_1043] {strides = array<i32>} : memref<20480xf32, #tpu.memory_space<vmem>>, vector<16xf32>,
          %get3A_1045 = vector.shape_cast %get3A_1044 : vector<16xf32> to vector<16xf32>
          %add3A_1046 = arith.addf %while3A_1023, %get3A_1045 : vector<16xf32>
          %add3A_1047 = arith.constant 16 : i32
          %add3A_1048 = arith.addi %mul3A_1040, %add3A_1047 : i32
          %get3A_1049 = arith.index_cast %add3A_1048 : i32 to index
          %get3A_1050 = tpu.vector_load %arg6[%get3A_1049] {strides = array<i32>} : memref<20480xf32, #tpu.memory_space<vmem>>, vector<16xf32>,
          %get3A_1051 = vector.shape_cast %get3A_1050 : vector<16xf32> to vector<16xf32>
          %add3A_1052 = arith.addf %while3A_1024, %get3A_1051 : vector<16xf32>
          %add3A_1053 = arith.constant 32 : i32
          %add3A_1054 = arith.addi %mul3A_1040, %add3A_1053 : i32
          %get3A_1055 = arith.index_cast %add3A_1054 : i32 to index
          %get3A_1056 = tpu.vector_load %arg6[%get3A_1055] {strides = array<i32>} : memref<20480xf32, #tpu.memory_space<vmem>>, vector<16xf32>,
          %get3A_1057 = vector.shape_cast %get3A_1056 : vector<16xf32> to vector<16xf32>
          %add3A_1058 = arith.addf %while3A_1025, %get3A_1057 : vector<16xf32>
          %add3A_1059 = arith.constant 48 : i32
          %add3A_1060 = arith.addi %mul3A_1040, %add3A_1059 : i32
          %get3A_1061 = arith.index_cast %add3A_1060 : i32 to index
          %get3A_1062 = tpu.vector_load %arg6[%get3A_1061] {strides = array<i32>} : memref<20480xf32, #tpu.memory_space<vmem>>, vector<16xf32>,
          %get3A_1063 = vector.shape_cast %get3A_1062 : vector<16xf32> to vector<16xf32>
          %add3A_1064 = arith.addf %while3A_1026, %get3A_1063 : vector<16xf32>
          %add3A_1065 = arith.constant 64 : i32
          %add3A_1066 = arith.addi %mul3A_1040, %add3A_1065 : i32
          %get3A_1067 = arith.index_cast %add3A_1066 : i32 to index
          %get3A_1068 = tpu.vector_load %arg6[%get3A_1067] {strides = array<i32>} : memref<20480xf32, #tpu.memory_space<vmem>>, vector<16xf32>,
          %get3A_1069 = vector.shape_cast %get3A_1068 : vector<16xf32> to vector<16xf32>
          %add3A_1070 = arith.addf %while3A_1027, %get3A_1069 : vector<16xf32>
          %add3A_1071 = arith.constant 80 : i32
          %add3A_1072 = arith.addi %mul3A_1040, %add3A_1071 : i32
          %get3A_1073 = arith.index_cast %add3A_1072 : i32 to index
          %get3A_1074 = tpu.vector_load %arg6[%get3A_1073] {strides = array<i32>} : memref<20480xf32, #tpu.memory_space<vmem>>, vector<16xf32>,
          %get3A_1075 = vector.shape_cast %get3A_1074 : vector<16xf32> to vector<16xf32>
          %add3A_1076 = arith.addf %while3A_1028, %get3A_1075 : vector<16xf32>
          %add3A_1077 = arith.constant 96 : i32
          %add3A_1078 = arith.addi %mul3A_1040, %add3A_1077 : i32
          %get3A_1079 = arith.index_cast %add3A_1078 : i32 to index
          %get3A_1080 = tpu.vector_load %arg6[%get3A_1079] {strides = array<i32>} : memref<20480xf32, #tpu.memory_space<vmem>>, vector<16xf32>,
          %get3A_1081 = vector.shape_cast %get3A_1080 : vector<16xf32> to vector<16xf32>
          %add3A_1082 = arith.addf %while3A_1029, %get3A_1081 : vector<16xf32>
          %add3A_1083 = arith.constant 112 : i32
          %add3A_1084 = arith.addi %mul3A_1040, %add3A_1083 : i32
          %get3A_1085 = arith.index_cast %add3A_1084 : i32 to index
          %get3A_1086 = tpu.vector_load %arg6[%get3A_1085] {strides = array<i32>} : memref<20480xf32, #tpu.memory_space<vmem>>, vector<16xf32>,
          %get3A_1087 = vector.shape_cast %get3A_1086 : vector<16xf32> to vector<16xf32>
          %add3A_1088 = arith.addf %while3A_1030, %get3A_1087 : vector<16xf32>
          %add3A_1089 = arith.constant 128 : i32
          %add3A_1090 = arith.addi %mul3A_1040, %add3A_1089 : i32
          %get3A_1091 = arith.index_cast %add3A_1090 : i32 to index
          %get3A_1092 = tpu.vector_load %arg6[%get3A_1091] {strides = array<i32>} : memref<20480xf32, #tpu.memory_space<vmem>>, vector<16xf32>,
          %get3A_1093 = vector.shape_cast %get3A_1092 : vector<16xf32> to vector<16xf32>
          %add3A_1094 = arith.addf %while3A_1031, %get3A_1093 : vector<16xf32>
          %add3A_1095 = arith.constant 144 : i32
          %add3A_1096 = arith.addi %mul3A_1040, %add3A_1095 : i32
          %get3A_1097 = arith.index_cast %add3A_1096 : i32 to index
          %get3A_1098 = tpu.vector_load %arg6[%get3A_1097] {strides = array<i32>} : memref<20480xf32, #tpu.memory_space<vmem>>, vector<16xf32>,
          %get3A_1099 = vector.shape_cast %get3A_1098 : vector<16xf32> to vector<16xf32>
          %add3A_1100 = arith.addf %while3A_1032, %get3A_1099 : vector<16xf32>
          %add3A_1101 = arith.constant 160 : i32
          %add3A_1102 = arith.addi %mul3A_1040, %add3A_1101 : i32
          %get3A_1103 = arith.index_cast %add3A_1102 : i32 to index
          %get3A_1104 = tpu.vector_load %arg6[%get3A_1103] {strides = array<i32>} : memref<20480xf32, #tpu.memory_space<vmem>>, vector<16xf32>,
          %get3A_1105 = vector.shape_cast %get3A_1104 : vector<16xf32> to vector<16xf32>
          %add3A_1106 = arith.addf %while3A_1033, %get3A_1105 : vector<16xf32>
          %add3A_1107 = arith.constant 176 : i32
          %add3A_1108 = arith.addi %mul3A_1040, %add3A_1107 : i32
          %get3A_1109 = arith.index_cast %add3A_1108 : i32 to index
          %get3A_1110 = tpu.vector_load %arg6[%get3A_1109] {strides = array<i32>} : memref<20480xf32, #tpu.memory_space<vmem>>, vector<16xf32>,
          %get3A_1111 = vector.shape_cast %get3A_1110 : vector<16xf32> to vector<16xf32>
          %add3A_1112 = arith.addf %while3A_1034, %get3A_1111 : vector<16xf32>
          %add3A_1113 = arith.constant 192 : i32
          %add3A_1114 = arith.addi %mul3A_1040, %add3A_1113 : i32
          %get3A_1115 = arith.index_cast %add3A_1114 : i32 to index
          %get3A_1116 = tpu.vector_load %arg6[%get3A_1115] {strides = array<i32>} : memref<20480xf32, #tpu.memory_space<vmem>>, vector<16xf32>,
          %get3A_1117 = vector.shape_cast %get3A_1116 : vector<16xf32> to vector<16xf32>
          %add3A_1118 = arith.addf %while3A_1035, %get3A_1117 : vector<16xf32>
          %add3A_1119 = arith.constant 208 : i32
          %add3A_1120 = arith.addi %mul3A_1040, %add3A_1119 : i32
          %get3A_1121 = arith.index_cast %add3A_1120 : i32 to index
          %get3A_1122 = tpu.vector_load %arg6[%get3A_1121] {strides = array<i32>} : memref<20480xf32, #tpu.memory_space<vmem>>, vector<16xf32>,
          %get3A_1123 = vector.shape_cast %get3A_1122 : vector<16xf32> to vector<16xf32>
          %add3A_1124 = arith.addf %while3A_1036, %get3A_1123 : vector<16xf32>
          %add3A_1125 = arith.constant 224 : i32
          %add3A_1126 = arith.addi %mul3A_1040, %add3A_1125 : i32
          %get3A_1127 = arith.index_cast %add3A_1126 : i32 to index
          %get3A_1128 = tpu.vector_load %arg6[%get3A_1127] {strides = array<i32>} : memref<20480xf32, #tpu.memory_space<vmem>>, vector<16xf32>,
          %get3A_1129 = vector.shape_cast %get3A_1128 : vector<16xf32> to vector<16xf32>
          %add3A_1130 = arith.addf %while3A_1037, %get3A_1129 : vector<16xf32>
          %add3A_1131 = arith.constant 240 : i32
          %add3A_1132 = arith.addi %mul3A_1040, %add3A_1131 : i32
          %get3A_1133 = arith.index_cast %add3A_1132 : i32 to index
          %get3A_1134 = tpu.vector_load %arg6[%get3A_1133] {strides = array<i32>} : memref<20480xf32, #tpu.memory_space<vmem>>, vector<16xf32>,
          %get3A_1135 = vector.shape_cast %get3A_1134 : vector<16xf32> to vector<16xf32>
          %add3A_1136 = arith.addf %while3A_1038, %get3A_1135 : vector<16xf32>
          scf.yield %add3A_1046, %add3A_1052, %add3A_1058, %add3A_1064, %add3A_1070, %add3A_1076, %add3A_1082, %add3A_1088, %add3A_1094, %add3A_1100, %add3A_1106, %add3A_1112, %add3A_1118, %add3A_1124, %add3A_1130, %add3A_1136 : vector<16xf32>, vector<16xf32>, vector<16xf32>, vector<16xf32>, vector<16xf32>, vector<16xf32>, vector<16xf32>, vector<16xf32>, vector<16xf32>, vector<16xf32>, vector<16xf32>, vector<16xf32>, vector<16xf32>, vector<16xf32>, vector<16xf32>, vector<16xf32>
        }
        %get3A_894 = arith.constant 512 : index
        %get3A_895 = tpu.vector_load %arg7[%get3A_894] {strides = array<i32>} : memref<1024xf32, #tpu.memory_space<vmem>>, vector<16xf32>,
        %get3A_896 = vector.shape_cast %get3A_895 : vector<16xf32> to vector<16xf32>
        %add3A_897 = arith.addf %get3A_896, %while3A_893#0 : vector<16xf32>
        %swap3A_898 = arith.constant 512 : index
        %swap3A_899 = tpu.vector_load %arg7[%swap3A_898] {strides = array<i32>} : memref<1024xf32, #tpu.memory_space<vmem>>, vector<16xf32>,
        %swap3A_900 = vector.shape_cast %swap3A_899 : vector<16xf32> to vector<16xf32>
        %swap3A_901 = vector.shape_cast %add3A_897 : vector<16xf32> to vector<16xf32>
        tpu.vector_store %arg7[%swap3A_898], %swap3A_901 {strides = array<i32>} : memref<1024xf32, #tpu.memory_space<vmem>>, vector<16xf32>,
        %get3A_902 = arith.constant 528 : index
        %get3A_903 = tpu.vector_load %arg7[%get3A_902] {strides = array<i32>} : memref<1024xf32, #tpu.memory_space<vmem>>, vector<16xf32>,
        %get3A_904 = vector.shape_cast %get3A_903 : vector<16xf32> to vector<16xf32>
        %add3A_905 = arith.addf %get3A_904, %while3A_893#1 : vector<16xf32>
        %swap3A_906 = arith.constant 528 : index
        %swap3A_907 = tpu.vector_load %arg7[%swap3A_906] {strides = array<i32>} : memref<1024xf32, #tpu.memory_space<vmem>>, vector<16xf32>,
        %swap3A_908 = vector.shape_cast %swap3A_907 : vector<16xf32> to vector<16xf32>
        %swap3A_909 = vector.shape_cast %add3A_905 : vector<16xf32> to vector<16xf32>
        tpu.vector_store %arg7[%swap3A_906], %swap3A_909 {strides = array<i32>} : memref<1024xf32, #tpu.memory_space<vmem>>, vector<16xf32>,
        %get3A_910 = arith.constant 544 : index
        %get3A_911 = tpu.vector_load %arg7[%get3A_910] {strides = array<i32>} : memref<1024xf32, #tpu.memory_space<vmem>>, vector<16xf32>,
        %get3A_912 = vector.shape_cast %get3A_911 : vector<16xf32> to vector<16xf32>
        %add3A_913 = arith.addf %get3A_912, %while3A_893#2 : vector<16xf32>
        %swap3A_914 = arith.constant 544 : index
        %swap3A_915 = tpu.vector_load %arg7[%swap3A_914] {strides = array<i32>} : memref<1024xf32, #tpu.memory_space<vmem>>, vector<16xf32>,
        %swap3A_916 = vector.shape_cast %swap3A_915 : vector<16xf32> to vector<16xf32>
        %swap3A_917 = vector.shape_cast %add3A_913 : vector<16xf32> to vector<16xf32>
        tpu.vector_store %arg7[%swap3A_914], %swap3A_917 {strides = array<i32>} : memref<1024xf32, #tpu.memory_space<vmem>>, vector<16xf32>,
        %get3A_918 = arith.constant 560 : index
        %get3A_919 = tpu.vector_load %arg7[%get3A_918] {strides = array<i32>} : memref<1024xf32, #tpu.memory_space<vmem>>, vector<16xf32>,
        %get3A_920 = vector.shape_cast %get3A_919 : vector<16xf32> to vector<16xf32>
        %add3A_921 = arith.addf %get3A_920, %while3A_893#3 : vector<16xf32>
        %swap3A_922 = arith.constant 560 : index
        %swap3A_923 = tpu.vector_load %arg7[%swap3A_922] {strides = array<i32>} : memref<1024xf32, #tpu.memory_space<vmem>>, vector<16xf32>,
        %swap3A_924 = vector.shape_cast %swap3A_923 : vector<16xf32> to vector<16xf32>
        %swap3A_925 = vector.shape_cast %add3A_921 : vector<16xf32> to vector<16xf32>
        tpu.vector_store %arg7[%swap3A_922], %swap3A_925 {strides = array<i32>} : memref<1024xf32, #tpu.memory_space<vmem>>, vector<16xf32>,
        %get3A_926 = arith.constant 576 : index
        %get3A_927 = tpu.vector_load %arg7[%get3A_926] {strides = array<i32>} : memref<1024xf32, #tpu.memory_space<vmem>>, vector<16xf32>,
        %get3A_928 = vector.shape_cast %get3A_927 : vector<16xf32> to vector<16xf32>
        %add3A_929 = arith.addf %get3A_928, %while3A_893#4 : vector<16xf32>
        %swap3A_930 = arith.constant 576 : index
        %swap3A_931 = tpu.vector_load %arg7[%swap3A_930] {strides = array<i32>} : memref<1024xf32, #tpu.memory_space<vmem>>, vector<16xf32>,
        %swap3A_932 = vector.shape_cast %swap3A_931 : vector<16xf32> to vector<16xf32>
        %swap3A_933 = vector.shape_cast %add3A_929 : vector<16xf32> to vector<16xf32>
        tpu.vector_store %arg7[%swap3A_930], %swap3A_933 {strides = array<i32>} : memref<1024xf32, #tpu.memory_space<vmem>>, vector<16xf32>,
        %get3A_934 = arith.constant 592 : index
        %get3A_935 = tpu.vector_load %arg7[%get3A_934] {strides = array<i32>} : memref<1024xf32, #tpu.memory_space<vmem>>, vector<16xf32>,
        %get3A_936 = vector.shape_cast %get3A_935 : vector<16xf32> to vector<16xf32>
        %add3A_937 = arith.addf %get3A_936, %while3A_893#5 : vector<16xf32>
        %swap3A_938 = arith.constant 592 : index
        %swap3A_939 = tpu.vector_load %arg7[%swap3A_938] {strides = array<i32>} : memref<1024xf32, #tpu.memory_space<vmem>>, vector<16xf32>,
        %swap3A_940 = vector.shape_cast %swap3A_939 : vector<16xf32> to vector<16xf32>
        %swap3A_941 = vector.shape_cast %add3A_937 : vector<16xf32> to vector<16xf32>
        tpu.vector_store %arg7[%swap3A_938], %swap3A_941 {strides = array<i32>} : memref<1024xf32, #tpu.memory_space<vmem>>, vector<16xf32>,
        %get3A_942 = arith.constant 608 : index
        %get3A_943 = tpu.vector_load %arg7[%get3A_942] {strides = array<i32>} : memref<1024xf32, #tpu.memory_space<vmem>>, vector<16xf32>,
        %get3A_944 = vector.shape_cast %get3A_943 : vector<16xf32> to vector<16xf32>
        %add3A_945 = arith.addf %get3A_944, %while3A_893#6 : vector<16xf32>
        %swap3A_946 = arith.constant 608 : index
        %swap3A_947 = tpu.vector_load %arg7[%swap3A_946] {strides = array<i32>} : memref<1024xf32, #tpu.memory_space<vmem>>, vector<16xf32>,
        %swap3A_948 = vector.shape_cast %swap3A_947 : vector<16xf32> to vector<16xf32>
        %swap3A_949 = vector.shape_cast %add3A_945 : vector<16xf32> to vector<16xf32>
        tpu.vector_store %arg7[%swap3A_946], %swap3A_949 {strides = array<i32>} : memref<1024xf32, #tpu.memory_space<vmem>>, vector<16xf32>,
        %get3A_950 = arith.constant 624 : index
        %get3A_951 = tpu.vector_load %arg7[%get3A_950] {strides = array<i32>} : memref<1024xf32, #tpu.memory_space<vmem>>, vector<16xf32>,
        %get3A_952 = vector.shape_cast %get3A_951 : vector<16xf32> to vector<16xf32>
        %add3A_953 = arith.addf %get3A_952, %while3A_893#7 : vector<16xf32>
        %swap3A_954 = arith.constant 624 : index
        %swap3A_955 = tpu.vector_load %arg7[%swap3A_954] {strides = array<i32>} : memref<1024xf32, #tpu.memory_space<vmem>>, vector<16xf32>,
        %swap3A_956 = vector.shape_cast %swap3A_955 : vector<16xf32> to vector<16xf32>
        %swap3A_957 = vector.shape_cast %add3A_953 : vector<16xf32> to vector<16xf32>
        tpu.vector_store %arg7[%swap3A_954], %swap3A_957 {strides = array<i32>} : memref<1024xf32, #tpu.memory_space<vmem>>, vector<16xf32>,
        %get3A_958 = arith.constant 640 : index
        %get3A_959 = tpu.vector_load %arg7[%get3A_958] {strides = array<i32>} : memref<1024xf32, #tpu.memory_space<vmem>>, vector<16xf32>,
        %get3A_960 = vector.shape_cast %get3A_959 : vector<16xf32> to vector<16xf32>
        %add3A_961 = arith.addf %get3A_960, %while3A_893#8 : vector<16xf32>
        %swap3A_962 = arith.constant 640 : index
        %swap3A_963 = tpu.vector_load %arg7[%swap3A_962] {strides = array<i32>} : memref<1024xf32, #tpu.memory_space<vmem>>, vector<16xf32>,
        %swap3A_964 = vector.shape_cast %swap3A_963 : vector<16xf32> to vector<16xf32>
        %swap3A_965 = vector.shape_cast %add3A_961 : vector<16xf32> to vector<16xf32>
        tpu.vector_store %arg7[%swap3A_962], %swap3A_965 {strides = array<i32>} : memref<1024xf32, #tpu.memory_space<vmem>>, vector<16xf32>,
        %get3A_966 = arith.constant 656 : index
        %get3A_967 = tpu.vector_load %arg7[%get3A_966] {strides = array<i32>} : memref<1024xf32, #tpu.memory_space<vmem>>, vector<16xf32>,
        %get3A_968 = vector.shape_cast %get3A_967 : vector<16xf32> to vector<16xf32>
        %add3A_969 = arith.addf %get3A_968, %while3A_893#9 : vector<16xf32>
        %swap3A_970 = arith.constant 656 : index
        %swap3A_971 = tpu.vector_load %arg7[%swap3A_970] {strides = array<i32>} : memref<1024xf32, #tpu.memory_space<vmem>>, vector<16xf32>,
        %swap3A_972 = vector.shape_cast %swap3A_971 : vector<16xf32> to vector<16xf32>
        %swap3A_973 = vector.shape_cast %add3A_969 : vector<16xf32> to vector<16xf32>
        tpu.vector_store %arg7[%swap3A_970], %swap3A_973 {strides = array<i32>} : memref<1024xf32, #tpu.memory_space<vmem>>, vector<16xf32>,
        %get3A_974 = arith.constant 672 : index
        %get3A_975 = tpu.vector_load %arg7[%get3A_974] {strides = array<i32>} : memref<1024xf32, #tpu.memory_space<vmem>>, vector<16xf32>,
        %get3A_976 = vector.shape_cast %get3A_975 : vector<16xf32> to vector<16xf32>
        %add3A_977 = arith.addf %get3A_976, %while3A_893#10 : vector<16xf32>
        %swap3A_978 = arith.constant 672 : index
        %swap3A_979 = tpu.vector_load %arg7[%swap3A_978] {strides = array<i32>} : memref<1024xf32, #tpu.memory_space<vmem>>, vector<16xf32>,
        %swap3A_980 = vector.shape_cast %swap3A_979 : vector<16xf32> to vector<16xf32>
        %swap3A_981 = vector.shape_cast %add3A_977 : vector<16xf32> to vector<16xf32>
        tpu.vector_store %arg7[%swap3A_978], %swap3A_981 {strides = array<i32>} : memref<1024xf32, #tpu.memory_space<vmem>>, vector<16xf32>,
        %get3A_982 = arith.constant 688 : index
        %get3A_983 = tpu.vector_load %arg7[%get3A_982] {strides = array<i32>} : memref<1024xf32, #tpu.memory_space<vmem>>, vector<16xf32>,
        %get3A_984 = vector.shape_cast %get3A_983 : vector<16xf32> to vector<16xf32>
        %add3A_985 = arith.addf %get3A_984, %while3A_893#11 : vector<16xf32>
        %swap3A_986 = arith.constant 688 : index
        %swap3A_987 = tpu.vector_load %arg7[%swap3A_986] {strides = array<i32>} : memref<1024xf32, #tpu.memory_space<vmem>>, vector<16xf32>,
        %swap3A_988 = vector.shape_cast %swap3A_987 : vector<16xf32> to vector<16xf32>
        %swap3A_989 = vector.shape_cast %add3A_985 : vector<16xf32> to vector<16xf32>
        tpu.vector_store %arg7[%swap3A_986], %swap3A_989 {strides = array<i32>} : memref<1024xf32, #tpu.memory_space<vmem>>, vector<16xf32>,
        %get3A_990 = arith.constant 704 : index
        %get3A_991 = tpu.vector_load %arg7[%get3A_990] {strides = array<i32>} : memref<1024xf32, #tpu.memory_space<vmem>>, vector<16xf32>,
        %get3A_992 = vector.shape_cast %get3A_991 : vector<16xf32> to vector<16xf32>
        %add3A_993 = arith.addf %get3A_992, %while3A_893#12 : vector<16xf32>
        %swap3A_994 = arith.constant 704 : index
        %swap3A_995 = tpu.vector_load %arg7[%swap3A_994] {strides = array<i32>} : memref<1024xf32, #tpu.memory_space<vmem>>, vector<16xf32>,
        %swap3A_996 = vector.shape_cast %swap3A_995 : vector<16xf32> to vector<16xf32>
        %swap3A_997 = vector.shape_cast %add3A_993 : vector<16xf32> to vector<16xf32>
        tpu.vector_store %arg7[%swap3A_994], %swap3A_997 {strides = array<i32>} : memref<1024xf32, #tpu.memory_space<vmem>>, vector<16xf32>,
        %get3A_998 = arith.constant 720 : index
        %get3A_999 = tpu.vector_load %arg7[%get3A_998] {strides = array<i32>} : memref<1024xf32, #tpu.memory_space<vmem>>, vector<16xf32>,
        %get3A_1000 = vector.shape_cast %get3A_999 : vector<16xf32> to vector<16xf32>
        %add3A_1001 = arith.addf %get3A_1000, %while3A_893#13 : vector<16xf32>
        %swap3A_1002 = arith.constant 720 : index
        %swap3A_1003 = tpu.vector_load %arg7[%swap3A_1002] {strides = array<i32>} : memref<1024xf32, #tpu.memory_space<vmem>>, vector<16xf32>,
        %swap3A_1004 = vector.shape_cast %swap3A_1003 : vector<16xf32> to vector<16xf32>
        %swap3A_1005 = vector.shape_cast %add3A_1001 : vector<16xf32> to vector<16xf32>
        tpu.vector_store %arg7[%swap3A_1002], %swap3A_1005 {strides = array<i32>} : memref<1024xf32, #tpu.memory_space<vmem>>, vector<16xf32>,
        %get3A_1006 = arith.constant 736 : index
        %get3A_1007 = tpu.vector_load %arg7[%get3A_1006] {strides = array<i32>} : memref<1024xf32, #tpu.memory_space<vmem>>, vector<16xf32>,
        %get3A_1008 = vector.shape_cast %get3A_1007 : vector<16xf32> to vector<16xf32>
        %add3A_1009 = arith.addf %get3A_1008, %while3A_893#14 : vector<16xf32>
        %swap3A_1010 = arith.constant 736 : index
        %swap3A_1011 = tpu.vector_load %arg7[%swap3A_1010] {strides = array<i32>} : memref<1024xf32, #tpu.memory_space<vmem>>, vector<16xf32>,
        %swap3A_1012 = vector.shape_cast %swap3A_1011 : vector<16xf32> to vector<16xf32>
        %swap3A_1013 = vector.shape_cast %add3A_1009 : vector<16xf32> to vector<16xf32>
        tpu.vector_store %arg7[%swap3A_1010], %swap3A_1013 {strides = array<i32>} : memref<1024xf32, #tpu.memory_space<vmem>>, vector<16xf32>,
        %get3A_1014 = arith.constant 752 : index
        %get3A_1015 = tpu.vector_load %arg7[%get3A_1014] {strides = array<i32>} : memref<1024xf32, #tpu.memory_space<vmem>>, vector<16xf32>,
        %get3A_1016 = vector.shape_cast %get3A_1015 : vector<16xf32> to vector<16xf32>
        %add3A_1017 = arith.addf %get3A_1016, %while3A_893#15 : vector<16xf32>
        %swap3A_1018 = arith.constant 752 : index
        %swap3A_1019 = tpu.vector_load %arg7[%swap3A_1018] {strides = array<i32>} : memref<1024xf32, #tpu.memory_space<vmem>>, vector<16xf32>,
        %swap3A_1020 = vector.shape_cast %swap3A_1019 : vector<16xf32> to vector<16xf32>
        %swap3A_1021 = vector.shape_cast %add3A_1017 : vector<16xf32> to vector<16xf32>
        tpu.vector_store %arg7[%swap3A_1018], %swap3A_1021 {strides = array<i32>} : memref<1024xf32, #tpu.memory_space<vmem>>, vector<16xf32>,
      } else {
      }
      %max3A_874 = arith.maxsi %select_n3A_419, %mul3A_843 : i32
      %sub3A_875 = arith.subi %max3A_874, %mul3A_843 : i32
      %add3A_876 = arith.constant 80 : i32
      %add3A_877 = arith.addi %mul3A_843, %add3A_876 : i32
      %min3A_878 = arith.minsi %select_n3A_526, %add3A_877 : i32
      %sub3A_879 = arith.subi %min3A_878, %mul3A_843 : i32
      %gt3A_880 = arith.cmpi sgt, %sub3A_879, %sub3A_875 : i32
      %convert_element_type3A_881 = arith.extui %gt3A_880 : i1 to i32
      %cond3A_882 = arith.constant 0 : i32
      %cond3A_883 = arith.cmpi ne, %convert_element_type3A_881, %cond3A_882 : i32
      scf.if %cond3A_883 {
        %while3A_884 = arith.subi %sub3A_879, %sub3A_875 : i32
        %while3A_885 = arith.addi %sub3A_875, %while3A_884 : i32
        %while3A_886 = arith.constant 1 : i32
        %while3A_887 = arith.divsi %while3A_884, %while3A_886 : i32
        %while3A_888 = arith.muli %while3A_887, %while3A_886 : i32
        %while3A_889 = arith.addi %sub3A_875, %while3A_888 : i32
        %while3A_890 = arith.constant 1 : i32
        %while3A_891:16 = scf.for %while3A_1022 = %sub3A_875 to %while3A_889 step %while3A_890 iter_args(%while3A_1023 = %broadcast_in_dim3A_527, %while3A_1024 = %broadcast_in_dim3A_527, %while3A_1025 = %broadcast_in_dim3A_527, %while3A_1026 = %broadcast_in_dim3A_527, %while3A_1027 = %broadcast_in_dim3A_527, %while3A_1028 = %broadcast_in_dim3A_527, %while3A_1029 = %broadcast_in_dim3A_527, %while3A_1030 = %broadcast_in_dim3A_527, %while3A_1031 = %broadcast_in_dim3A_527, %while3A_1032 = %broadcast_in_dim3A_527, %while3A_1033 = %broadcast_in_dim3A_527, %while3A_1034 = %broadcast_in_dim3A_527, %while3A_1035 = %broadcast_in_dim3A_527, %while3A_1036 = %broadcast_in_dim3A_527, %while3A_1037 = %broadcast_in_dim3A_527, %while3A_1038 = %broadcast_in_dim3A_527) -> (vector<16xf32>, vector<16xf32>, vector<16xf32>, vector<16xf32>, vector<16xf32>, vector<16xf32>, vector<16xf32>, vector<16xf32>, vector<16xf32>, vector<16xf32>, vector<16xf32>, vector<16xf32>, vector<16xf32>, vector<16xf32>, vector<16xf32>, vector<16xf32>)  : i32 {
          %mul3A_1039 = arith.constant 256 : i32
          %mul3A_1040 = arith.muli %while3A_1022, %mul3A_1039 : i32
          %add3A_1041 = arith.constant 0 : i32
          %add3A_1042 = arith.addi %mul3A_1040, %add3A_1041 : i32
          %get3A_1043 = arith.index_cast %add3A_1042 : i32 to index
          %get3A_1044 = tpu.vector_load %arg6[%get3A_1043] {strides = array<i32>} : memref<20480xf32, #tpu.memory_space<vmem>>, vector<16xf32>,
          %get3A_1045 = vector.shape_cast %get3A_1044 : vector<16xf32> to vector<16xf32>
          %add3A_1046 = arith.addf %while3A_1023, %get3A_1045 : vector<16xf32>
          %add3A_1047 = arith.constant 16 : i32
          %add3A_1048 = arith.addi %mul3A_1040, %add3A_1047 : i32
          %get3A_1049 = arith.index_cast %add3A_1048 : i32 to index
          %get3A_1050 = tpu.vector_load %arg6[%get3A_1049] {strides = array<i32>} : memref<20480xf32, #tpu.memory_space<vmem>>, vector<16xf32>,
          %get3A_1051 = vector.shape_cast %get3A_1050 : vector<16xf32> to vector<16xf32>
          %add3A_1052 = arith.addf %while3A_1024, %get3A_1051 : vector<16xf32>
          %add3A_1053 = arith.constant 32 : i32
          %add3A_1054 = arith.addi %mul3A_1040, %add3A_1053 : i32
          %get3A_1055 = arith.index_cast %add3A_1054 : i32 to index
          %get3A_1056 = tpu.vector_load %arg6[%get3A_1055] {strides = array<i32>} : memref<20480xf32, #tpu.memory_space<vmem>>, vector<16xf32>,
          %get3A_1057 = vector.shape_cast %get3A_1056 : vector<16xf32> to vector<16xf32>
          %add3A_1058 = arith.addf %while3A_1025, %get3A_1057 : vector<16xf32>
          %add3A_1059 = arith.constant 48 : i32
          %add3A_1060 = arith.addi %mul3A_1040, %add3A_1059 : i32
          %get3A_1061 = arith.index_cast %add3A_1060 : i32 to index
          %get3A_1062 = tpu.vector_load %arg6[%get3A_1061] {strides = array<i32>} : memref<20480xf32, #tpu.memory_space<vmem>>, vector<16xf32>,
          %get3A_1063 = vector.shape_cast %get3A_1062 : vector<16xf32> to vector<16xf32>
          %add3A_1064 = arith.addf %while3A_1026, %get3A_1063 : vector<16xf32>
          %add3A_1065 = arith.constant 64 : i32
          %add3A_1066 = arith.addi %mul3A_1040, %add3A_1065 : i32
          %get3A_1067 = arith.index_cast %add3A_1066 : i32 to index
          %get3A_1068 = tpu.vector_load %arg6[%get3A_1067] {strides = array<i32>} : memref<20480xf32, #tpu.memory_space<vmem>>, vector<16xf32>,
          %get3A_1069 = vector.shape_cast %get3A_1068 : vector<16xf32> to vector<16xf32>
          %add3A_1070 = arith.addf %while3A_1027, %get3A_1069 : vector<16xf32>
          %add3A_1071 = arith.constant 80 : i32
          %add3A_1072 = arith.addi %mul3A_1040, %add3A_1071 : i32
          %get3A_1073 = arith.index_cast %add3A_1072 : i32 to index
          %get3A_1074 = tpu.vector_load %arg6[%get3A_1073] {strides = array<i32>} : memref<20480xf32, #tpu.memory_space<vmem>>, vector<16xf32>,
          %get3A_1075 = vector.shape_cast %get3A_1074 : vector<16xf32> to vector<16xf32>
          %add3A_1076 = arith.addf %while3A_1028, %get3A_1075 : vector<16xf32>
          %add3A_1077 = arith.constant 96 : i32
          %add3A_1078 = arith.addi %mul3A_1040, %add3A_1077 : i32
          %get3A_1079 = arith.index_cast %add3A_1078 : i32 to index
          %get3A_1080 = tpu.vector_load %arg6[%get3A_1079] {strides = array<i32>} : memref<20480xf32, #tpu.memory_space<vmem>>, vector<16xf32>,
          %get3A_1081 = vector.shape_cast %get3A_1080 : vector<16xf32> to vector<16xf32>
          %add3A_1082 = arith.addf %while3A_1029, %get3A_1081 : vector<16xf32>
          %add3A_1083 = arith.constant 112 : i32
          %add3A_1084 = arith.addi %mul3A_1040, %add3A_1083 : i32
          %get3A_1085 = arith.index_cast %add3A_1084 : i32 to index
          %get3A_1086 = tpu.vector_load %arg6[%get3A_1085] {strides = array<i32>} : memref<20480xf32, #tpu.memory_space<vmem>>, vector<16xf32>,
          %get3A_1087 = vector.shape_cast %get3A_1086 : vector<16xf32> to vector<16xf32>
          %add3A_1088 = arith.addf %while3A_1030, %get3A_1087 : vector<16xf32>
          %add3A_1089 = arith.constant 128 : i32
          %add3A_1090 = arith.addi %mul3A_1040, %add3A_1089 : i32
          %get3A_1091 = arith.index_cast %add3A_1090 : i32 to index
          %get3A_1092 = tpu.vector_load %arg6[%get3A_1091] {strides = array<i32>} : memref<20480xf32, #tpu.memory_space<vmem>>, vector<16xf32>,
          %get3A_1093 = vector.shape_cast %get3A_1092 : vector<16xf32> to vector<16xf32>
          %add3A_1094 = arith.addf %while3A_1031, %get3A_1093 : vector<16xf32>
          %add3A_1095 = arith.constant 144 : i32
          %add3A_1096 = arith.addi %mul3A_1040, %add3A_1095 : i32
          %get3A_1097 = arith.index_cast %add3A_1096 : i32 to index
          %get3A_1098 = tpu.vector_load %arg6[%get3A_1097] {strides = array<i32>} : memref<20480xf32, #tpu.memory_space<vmem>>, vector<16xf32>,
          %get3A_1099 = vector.shape_cast %get3A_1098 : vector<16xf32> to vector<16xf32>
          %add3A_1100 = arith.addf %while3A_1032, %get3A_1099 : vector<16xf32>
          %add3A_1101 = arith.constant 160 : i32
          %add3A_1102 = arith.addi %mul3A_1040, %add3A_1101 : i32
          %get3A_1103 = arith.index_cast %add3A_1102 : i32 to index
          %get3A_1104 = tpu.vector_load %arg6[%get3A_1103] {strides = array<i32>} : memref<20480xf32, #tpu.memory_space<vmem>>, vector<16xf32>,
          %get3A_1105 = vector.shape_cast %get3A_1104 : vector<16xf32> to vector<16xf32>
          %add3A_1106 = arith.addf %while3A_1033, %get3A_1105 : vector<16xf32>
          %add3A_1107 = arith.constant 176 : i32
          %add3A_1108 = arith.addi %mul3A_1040, %add3A_1107 : i32
          %get3A_1109 = arith.index_cast %add3A_1108 : i32 to index
          %get3A_1110 = tpu.vector_load %arg6[%get3A_1109] {strides = array<i32>} : memref<20480xf32, #tpu.memory_space<vmem>>, vector<16xf32>,
          %get3A_1111 = vector.shape_cast %get3A_1110 : vector<16xf32> to vector<16xf32>
          %add3A_1112 = arith.addf %while3A_1034, %get3A_1111 : vector<16xf32>
          %add3A_1113 = arith.constant 192 : i32
          %add3A_1114 = arith.addi %mul3A_1040, %add3A_1113 : i32
          %get3A_1115 = arith.index_cast %add3A_1114 : i32 to index
          %get3A_1116 = tpu.vector_load %arg6[%get3A_1115] {strides = array<i32>} : memref<20480xf32, #tpu.memory_space<vmem>>, vector<16xf32>,
          %get3A_1117 = vector.shape_cast %get3A_1116 : vector<16xf32> to vector<16xf32>
          %add3A_1118 = arith.addf %while3A_1035, %get3A_1117 : vector<16xf32>
          %add3A_1119 = arith.constant 208 : i32
          %add3A_1120 = arith.addi %mul3A_1040, %add3A_1119 : i32
          %get3A_1121 = arith.index_cast %add3A_1120 : i32 to index
          %get3A_1122 = tpu.vector_load %arg6[%get3A_1121] {strides = array<i32>} : memref<20480xf32, #tpu.memory_space<vmem>>, vector<16xf32>,
          %get3A_1123 = vector.shape_cast %get3A_1122 : vector<16xf32> to vector<16xf32>
          %add3A_1124 = arith.addf %while3A_1036, %get3A_1123 : vector<16xf32>
          %add3A_1125 = arith.constant 224 : i32
          %add3A_1126 = arith.addi %mul3A_1040, %add3A_1125 : i32
          %get3A_1127 = arith.index_cast %add3A_1126 : i32 to index
          %get3A_1128 = tpu.vector_load %arg6[%get3A_1127] {strides = array<i32>} : memref<20480xf32, #tpu.memory_space<vmem>>, vector<16xf32>,
          %get3A_1129 = vector.shape_cast %get3A_1128 : vector<16xf32> to vector<16xf32>
          %add3A_1130 = arith.addf %while3A_1037, %get3A_1129 : vector<16xf32>
          %add3A_1131 = arith.constant 240 : i32
          %add3A_1132 = arith.addi %mul3A_1040, %add3A_1131 : i32
          %get3A_1133 = arith.index_cast %add3A_1132 : i32 to index
          %get3A_1134 = tpu.vector_load %arg6[%get3A_1133] {strides = array<i32>} : memref<20480xf32, #tpu.memory_space<vmem>>, vector<16xf32>,
          %get3A_1135 = vector.shape_cast %get3A_1134 : vector<16xf32> to vector<16xf32>
          %add3A_1136 = arith.addf %while3A_1038, %get3A_1135 : vector<16xf32>
          scf.yield %add3A_1046, %add3A_1052, %add3A_1058, %add3A_1064, %add3A_1070, %add3A_1076, %add3A_1082, %add3A_1088, %add3A_1094, %add3A_1100, %add3A_1106, %add3A_1112, %add3A_1118, %add3A_1124, %add3A_1130, %add3A_1136 : vector<16xf32>, vector<16xf32>, vector<16xf32>, vector<16xf32>, vector<16xf32>, vector<16xf32>, vector<16xf32>, vector<16xf32>, vector<16xf32>, vector<16xf32>, vector<16xf32>, vector<16xf32>, vector<16xf32>, vector<16xf32>, vector<16xf32>, vector<16xf32>
        }
        %while3A_892 = arith.constant 1 : i32
        %while3A_893:16 = scf.for %while3A_1022 = %while3A_889 to %while3A_885 step %while3A_892 iter_args(%while3A_1023 = %while3A_891#0, %while3A_1024 = %while3A_891#1, %while3A_1025 = %while3A_891#2, %while3A_1026 = %while3A_891#3, %while3A_1027 = %while3A_891#4, %while3A_1028 = %while3A_891#5, %while3A_1029 = %while3A_891#6, %while3A_1030 = %while3A_891#7, %while3A_1031 = %while3A_891#8, %while3A_1032 = %while3A_891#9, %while3A_1033 = %while3A_891#10, %while3A_1034 = %while3A_891#11, %while3A_1035 = %while3A_891#12, %while3A_1036 = %while3A_891#13, %while3A_1037 = %while3A_891#14, %while3A_1038 = %while3A_891#15) -> (vector<16xf32>, vector<16xf32>, vector<16xf32>, vector<16xf32>, vector<16xf32>, vector<16xf32>, vector<16xf32>, vector<16xf32>, vector<16xf32>, vector<16xf32>, vector<16xf32>, vector<16xf32>, vector<16xf32>, vector<16xf32>, vector<16xf32>, vector<16xf32>)  : i32 {
          %mul3A_1039 = arith.constant 256 : i32
          %mul3A_1040 = arith.muli %while3A_1022, %mul3A_1039 : i32
          %add3A_1041 = arith.constant 0 : i32
          %add3A_1042 = arith.addi %mul3A_1040, %add3A_1041 : i32
          %get3A_1043 = arith.index_cast %add3A_1042 : i32 to index
          %get3A_1044 = tpu.vector_load %arg6[%get3A_1043] {strides = array<i32>} : memref<20480xf32, #tpu.memory_space<vmem>>, vector<16xf32>,
          %get3A_1045 = vector.shape_cast %get3A_1044 : vector<16xf32> to vector<16xf32>
          %add3A_1046 = arith.addf %while3A_1023, %get3A_1045 : vector<16xf32>
          %add3A_1047 = arith.constant 16 : i32
          %add3A_1048 = arith.addi %mul3A_1040, %add3A_1047 : i32
          %get3A_1049 = arith.index_cast %add3A_1048 : i32 to index
          %get3A_1050 = tpu.vector_load %arg6[%get3A_1049] {strides = array<i32>} : memref<20480xf32, #tpu.memory_space<vmem>>, vector<16xf32>,
          %get3A_1051 = vector.shape_cast %get3A_1050 : vector<16xf32> to vector<16xf32>
          %add3A_1052 = arith.addf %while3A_1024, %get3A_1051 : vector<16xf32>
          %add3A_1053 = arith.constant 32 : i32
          %add3A_1054 = arith.addi %mul3A_1040, %add3A_1053 : i32
          %get3A_1055 = arith.index_cast %add3A_1054 : i32 to index
          %get3A_1056 = tpu.vector_load %arg6[%get3A_1055] {strides = array<i32>} : memref<20480xf32, #tpu.memory_space<vmem>>, vector<16xf32>,
          %get3A_1057 = vector.shape_cast %get3A_1056 : vector<16xf32> to vector<16xf32>
          %add3A_1058 = arith.addf %while3A_1025, %get3A_1057 : vector<16xf32>
          %add3A_1059 = arith.constant 48 : i32
          %add3A_1060 = arith.addi %mul3A_1040, %add3A_1059 : i32
          %get3A_1061 = arith.index_cast %add3A_1060 : i32 to index
          %get3A_1062 = tpu.vector_load %arg6[%get3A_1061] {strides = array<i32>} : memref<20480xf32, #tpu.memory_space<vmem>>, vector<16xf32>,
          %get3A_1063 = vector.shape_cast %get3A_1062 : vector<16xf32> to vector<16xf32>
          %add3A_1064 = arith.addf %while3A_1026, %get3A_1063 : vector<16xf32>
          %add3A_1065 = arith.constant 64 : i32
          %add3A_1066 = arith.addi %mul3A_1040, %add3A_1065 : i32
          %get3A_1067 = arith.index_cast %add3A_1066 : i32 to index
          %get3A_1068 = tpu.vector_load %arg6[%get3A_1067] {strides = array<i32>} : memref<20480xf32, #tpu.memory_space<vmem>>, vector<16xf32>,
          %get3A_1069 = vector.shape_cast %get3A_1068 : vector<16xf32> to vector<16xf32>
          %add3A_1070 = arith.addf %while3A_1027, %get3A_1069 : vector<16xf32>
          %add3A_1071 = arith.constant 80 : i32
          %add3A_1072 = arith.addi %mul3A_1040, %add3A_1071 : i32
          %get3A_1073 = arith.index_cast %add3A_1072 : i32 to index
          %get3A_1074 = tpu.vector_load %arg6[%get3A_1073] {strides = array<i32>} : memref<20480xf32, #tpu.memory_space<vmem>>, vector<16xf32>,
          %get3A_1075 = vector.shape_cast %get3A_1074 : vector<16xf32> to vector<16xf32>
          %add3A_1076 = arith.addf %while3A_1028, %get3A_1075 : vector<16xf32>
          %add3A_1077 = arith.constant 96 : i32
          %add3A_1078 = arith.addi %mul3A_1040, %add3A_1077 : i32
          %get3A_1079 = arith.index_cast %add3A_1078 : i32 to index
          %get3A_1080 = tpu.vector_load %arg6[%get3A_1079] {strides = array<i32>} : memref<20480xf32, #tpu.memory_space<vmem>>, vector<16xf32>,
          %get3A_1081 = vector.shape_cast %get3A_1080 : vector<16xf32> to vector<16xf32>
          %add3A_1082 = arith.addf %while3A_1029, %get3A_1081 : vector<16xf32>
          %add3A_1083 = arith.constant 112 : i32
          %add3A_1084 = arith.addi %mul3A_1040, %add3A_1083 : i32
          %get3A_1085 = arith.index_cast %add3A_1084 : i32 to index
          %get3A_1086 = tpu.vector_load %arg6[%get3A_1085] {strides = array<i32>} : memref<20480xf32, #tpu.memory_space<vmem>>, vector<16xf32>,
          %get3A_1087 = vector.shape_cast %get3A_1086 : vector<16xf32> to vector<16xf32>
          %add3A_1088 = arith.addf %while3A_1030, %get3A_1087 : vector<16xf32>
          %add3A_1089 = arith.constant 128 : i32
          %add3A_1090 = arith.addi %mul3A_1040, %add3A_1089 : i32
          %get3A_1091 = arith.index_cast %add3A_1090 : i32 to index
          %get3A_1092 = tpu.vector_load %arg6[%get3A_1091] {strides = array<i32>} : memref<20480xf32, #tpu.memory_space<vmem>>, vector<16xf32>,
          %get3A_1093 = vector.shape_cast %get3A_1092 : vector<16xf32> to vector<16xf32>
          %add3A_1094 = arith.addf %while3A_1031, %get3A_1093 : vector<16xf32>
          %add3A_1095 = arith.constant 144 : i32
          %add3A_1096 = arith.addi %mul3A_1040, %add3A_1095 : i32
          %get3A_1097 = arith.index_cast %add3A_1096 : i32 to index
          %get3A_1098 = tpu.vector_load %arg6[%get3A_1097] {strides = array<i32>} : memref<20480xf32, #tpu.memory_space<vmem>>, vector<16xf32>,
          %get3A_1099 = vector.shape_cast %get3A_1098 : vector<16xf32> to vector<16xf32>
          %add3A_1100 = arith.addf %while3A_1032, %get3A_1099 : vector<16xf32>
          %add3A_1101 = arith.constant 160 : i32
          %add3A_1102 = arith.addi %mul3A_1040, %add3A_1101 : i32
          %get3A_1103 = arith.index_cast %add3A_1102 : i32 to index
          %get3A_1104 = tpu.vector_load %arg6[%get3A_1103] {strides = array<i32>} : memref<20480xf32, #tpu.memory_space<vmem>>, vector<16xf32>,
          %get3A_1105 = vector.shape_cast %get3A_1104 : vector<16xf32> to vector<16xf32>
          %add3A_1106 = arith.addf %while3A_1033, %get3A_1105 : vector<16xf32>
          %add3A_1107 = arith.constant 176 : i32
          %add3A_1108 = arith.addi %mul3A_1040, %add3A_1107 : i32
          %get3A_1109 = arith.index_cast %add3A_1108 : i32 to index
          %get3A_1110 = tpu.vector_load %arg6[%get3A_1109] {strides = array<i32>} : memref<20480xf32, #tpu.memory_space<vmem>>, vector<16xf32>,
          %get3A_1111 = vector.shape_cast %get3A_1110 : vector<16xf32> to vector<16xf32>
          %add3A_1112 = arith.addf %while3A_1034, %get3A_1111 : vector<16xf32>
          %add3A_1113 = arith.constant 192 : i32
          %add3A_1114 = arith.addi %mul3A_1040, %add3A_1113 : i32
          %get3A_1115 = arith.index_cast %add3A_1114 : i32 to index
          %get3A_1116 = tpu.vector_load %arg6[%get3A_1115] {strides = array<i32>} : memref<20480xf32, #tpu.memory_space<vmem>>, vector<16xf32>,
          %get3A_1117 = vector.shape_cast %get3A_1116 : vector<16xf32> to vector<16xf32>
          %add3A_1118 = arith.addf %while3A_1035, %get3A_1117 : vector<16xf32>
          %add3A_1119 = arith.constant 208 : i32
          %add3A_1120 = arith.addi %mul3A_1040, %add3A_1119 : i32
          %get3A_1121 = arith.index_cast %add3A_1120 : i32 to index
          %get3A_1122 = tpu.vector_load %arg6[%get3A_1121] {strides = array<i32>} : memref<20480xf32, #tpu.memory_space<vmem>>, vector<16xf32>,
          %get3A_1123 = vector.shape_cast %get3A_1122 : vector<16xf32> to vector<16xf32>
          %add3A_1124 = arith.addf %while3A_1036, %get3A_1123 : vector<16xf32>
          %add3A_1125 = arith.constant 224 : i32
          %add3A_1126 = arith.addi %mul3A_1040, %add3A_1125 : i32
          %get3A_1127 = arith.index_cast %add3A_1126 : i32 to index
          %get3A_1128 = tpu.vector_load %arg6[%get3A_1127] {strides = array<i32>} : memref<20480xf32, #tpu.memory_space<vmem>>, vector<16xf32>,
          %get3A_1129 = vector.shape_cast %get3A_1128 : vector<16xf32> to vector<16xf32>
          %add3A_1130 = arith.addf %while3A_1037, %get3A_1129 : vector<16xf32>
          %add3A_1131 = arith.constant 240 : i32
          %add3A_1132 = arith.addi %mul3A_1040, %add3A_1131 : i32
          %get3A_1133 = arith.index_cast %add3A_1132 : i32 to index
          %get3A_1134 = tpu.vector_load %arg6[%get3A_1133] {strides = array<i32>} : memref<20480xf32, #tpu.memory_space<vmem>>, vector<16xf32>,
          %get3A_1135 = vector.shape_cast %get3A_1134 : vector<16xf32> to vector<16xf32>
          %add3A_1136 = arith.addf %while3A_1038, %get3A_1135 : vector<16xf32>
          scf.yield %add3A_1046, %add3A_1052, %add3A_1058, %add3A_1064, %add3A_1070, %add3A_1076, %add3A_1082, %add3A_1088, %add3A_1094, %add3A_1100, %add3A_1106, %add3A_1112, %add3A_1118, %add3A_1124, %add3A_1130, %add3A_1136 : vector<16xf32>, vector<16xf32>, vector<16xf32>, vector<16xf32>, vector<16xf32>, vector<16xf32>, vector<16xf32>, vector<16xf32>, vector<16xf32>, vector<16xf32>, vector<16xf32>, vector<16xf32>, vector<16xf32>, vector<16xf32>, vector<16xf32>, vector<16xf32>
        }
        %get3A_894 = arith.constant 768 : index
        %get3A_895 = tpu.vector_load %arg7[%get3A_894] {strides = array<i32>} : memref<1024xf32, #tpu.memory_space<vmem>>, vector<16xf32>,
        %get3A_896 = vector.shape_cast %get3A_895 : vector<16xf32> to vector<16xf32>
        %add3A_897 = arith.addf %get3A_896, %while3A_893#0 : vector<16xf32>
        %swap3A_898 = arith.constant 768 : index
        %swap3A_899 = tpu.vector_load %arg7[%swap3A_898] {strides = array<i32>} : memref<1024xf32, #tpu.memory_space<vmem>>, vector<16xf32>,
        %swap3A_900 = vector.shape_cast %swap3A_899 : vector<16xf32> to vector<16xf32>
        %swap3A_901 = vector.shape_cast %add3A_897 : vector<16xf32> to vector<16xf32>
        tpu.vector_store %arg7[%swap3A_898], %swap3A_901 {strides = array<i32>} : memref<1024xf32, #tpu.memory_space<vmem>>, vector<16xf32>,
        %get3A_902 = arith.constant 784 : index
        %get3A_903 = tpu.vector_load %arg7[%get3A_902] {strides = array<i32>} : memref<1024xf32, #tpu.memory_space<vmem>>, vector<16xf32>,
        %get3A_904 = vector.shape_cast %get3A_903 : vector<16xf32> to vector<16xf32>
        %add3A_905 = arith.addf %get3A_904, %while3A_893#1 : vector<16xf32>
        %swap3A_906 = arith.constant 784 : index
        %swap3A_907 = tpu.vector_load %arg7[%swap3A_906] {strides = array<i32>} : memref<1024xf32, #tpu.memory_space<vmem>>, vector<16xf32>,
        %swap3A_908 = vector.shape_cast %swap3A_907 : vector<16xf32> to vector<16xf32>
        %swap3A_909 = vector.shape_cast %add3A_905 : vector<16xf32> to vector<16xf32>
        tpu.vector_store %arg7[%swap3A_906], %swap3A_909 {strides = array<i32>} : memref<1024xf32, #tpu.memory_space<vmem>>, vector<16xf32>,
        %get3A_910 = arith.constant 800 : index
        %get3A_911 = tpu.vector_load %arg7[%get3A_910] {strides = array<i32>} : memref<1024xf32, #tpu.memory_space<vmem>>, vector<16xf32>,
        %get3A_912 = vector.shape_cast %get3A_911 : vector<16xf32> to vector<16xf32>
        %add3A_913 = arith.addf %get3A_912, %while3A_893#2 : vector<16xf32>
        %swap3A_914 = arith.constant 800 : index
        %swap3A_915 = tpu.vector_load %arg7[%swap3A_914] {strides = array<i32>} : memref<1024xf32, #tpu.memory_space<vmem>>, vector<16xf32>,
        %swap3A_916 = vector.shape_cast %swap3A_915 : vector<16xf32> to vector<16xf32>
        %swap3A_917 = vector.shape_cast %add3A_913 : vector<16xf32> to vector<16xf32>
        tpu.vector_store %arg7[%swap3A_914], %swap3A_917 {strides = array<i32>} : memref<1024xf32, #tpu.memory_space<vmem>>, vector<16xf32>,
        %get3A_918 = arith.constant 816 : index
        %get3A_919 = tpu.vector_load %arg7[%get3A_918] {strides = array<i32>} : memref<1024xf32, #tpu.memory_space<vmem>>, vector<16xf32>,
        %get3A_920 = vector.shape_cast %get3A_919 : vector<16xf32> to vector<16xf32>
        %add3A_921 = arith.addf %get3A_920, %while3A_893#3 : vector<16xf32>
        %swap3A_922 = arith.constant 816 : index
        %swap3A_923 = tpu.vector_load %arg7[%swap3A_922] {strides = array<i32>} : memref<1024xf32, #tpu.memory_space<vmem>>, vector<16xf32>,
        %swap3A_924 = vector.shape_cast %swap3A_923 : vector<16xf32> to vector<16xf32>
        %swap3A_925 = vector.shape_cast %add3A_921 : vector<16xf32> to vector<16xf32>
        tpu.vector_store %arg7[%swap3A_922], %swap3A_925 {strides = array<i32>} : memref<1024xf32, #tpu.memory_space<vmem>>, vector<16xf32>,
        %get3A_926 = arith.constant 832 : index
        %get3A_927 = tpu.vector_load %arg7[%get3A_926] {strides = array<i32>} : memref<1024xf32, #tpu.memory_space<vmem>>, vector<16xf32>,
        %get3A_928 = vector.shape_cast %get3A_927 : vector<16xf32> to vector<16xf32>
        %add3A_929 = arith.addf %get3A_928, %while3A_893#4 : vector<16xf32>
        %swap3A_930 = arith.constant 832 : index
        %swap3A_931 = tpu.vector_load %arg7[%swap3A_930] {strides = array<i32>} : memref<1024xf32, #tpu.memory_space<vmem>>, vector<16xf32>,
        %swap3A_932 = vector.shape_cast %swap3A_931 : vector<16xf32> to vector<16xf32>
        %swap3A_933 = vector.shape_cast %add3A_929 : vector<16xf32> to vector<16xf32>
        tpu.vector_store %arg7[%swap3A_930], %swap3A_933 {strides = array<i32>} : memref<1024xf32, #tpu.memory_space<vmem>>, vector<16xf32>,
        %get3A_934 = arith.constant 848 : index
        %get3A_935 = tpu.vector_load %arg7[%get3A_934] {strides = array<i32>} : memref<1024xf32, #tpu.memory_space<vmem>>, vector<16xf32>,
        %get3A_936 = vector.shape_cast %get3A_935 : vector<16xf32> to vector<16xf32>
        %add3A_937 = arith.addf %get3A_936, %while3A_893#5 : vector<16xf32>
        %swap3A_938 = arith.constant 848 : index
        %swap3A_939 = tpu.vector_load %arg7[%swap3A_938] {strides = array<i32>} : memref<1024xf32, #tpu.memory_space<vmem>>, vector<16xf32>,
        %swap3A_940 = vector.shape_cast %swap3A_939 : vector<16xf32> to vector<16xf32>
        %swap3A_941 = vector.shape_cast %add3A_937 : vector<16xf32> to vector<16xf32>
        tpu.vector_store %arg7[%swap3A_938], %swap3A_941 {strides = array<i32>} : memref<1024xf32, #tpu.memory_space<vmem>>, vector<16xf32>,
        %get3A_942 = arith.constant 864 : index
        %get3A_943 = tpu.vector_load %arg7[%get3A_942] {strides = array<i32>} : memref<1024xf32, #tpu.memory_space<vmem>>, vector<16xf32>,
        %get3A_944 = vector.shape_cast %get3A_943 : vector<16xf32> to vector<16xf32>
        %add3A_945 = arith.addf %get3A_944, %while3A_893#6 : vector<16xf32>
        %swap3A_946 = arith.constant 864 : index
        %swap3A_947 = tpu.vector_load %arg7[%swap3A_946] {strides = array<i32>} : memref<1024xf32, #tpu.memory_space<vmem>>, vector<16xf32>,
        %swap3A_948 = vector.shape_cast %swap3A_947 : vector<16xf32> to vector<16xf32>
        %swap3A_949 = vector.shape_cast %add3A_945 : vector<16xf32> to vector<16xf32>
        tpu.vector_store %arg7[%swap3A_946], %swap3A_949 {strides = array<i32>} : memref<1024xf32, #tpu.memory_space<vmem>>, vector<16xf32>,
        %get3A_950 = arith.constant 880 : index
        %get3A_951 = tpu.vector_load %arg7[%get3A_950] {strides = array<i32>} : memref<1024xf32, #tpu.memory_space<vmem>>, vector<16xf32>,
        %get3A_952 = vector.shape_cast %get3A_951 : vector<16xf32> to vector<16xf32>
        %add3A_953 = arith.addf %get3A_952, %while3A_893#7 : vector<16xf32>
        %swap3A_954 = arith.constant 880 : index
        %swap3A_955 = tpu.vector_load %arg7[%swap3A_954] {strides = array<i32>} : memref<1024xf32, #tpu.memory_space<vmem>>, vector<16xf32>,
        %swap3A_956 = vector.shape_cast %swap3A_955 : vector<16xf32> to vector<16xf32>
        %swap3A_957 = vector.shape_cast %add3A_953 : vector<16xf32> to vector<16xf32>
        tpu.vector_store %arg7[%swap3A_954], %swap3A_957 {strides = array<i32>} : memref<1024xf32, #tpu.memory_space<vmem>>, vector<16xf32>,
        %get3A_958 = arith.constant 896 : index
        %get3A_959 = tpu.vector_load %arg7[%get3A_958] {strides = array<i32>} : memref<1024xf32, #tpu.memory_space<vmem>>, vector<16xf32>,
        %get3A_960 = vector.shape_cast %get3A_959 : vector<16xf32> to vector<16xf32>
        %add3A_961 = arith.addf %get3A_960, %while3A_893#8 : vector<16xf32>
        %swap3A_962 = arith.constant 896 : index
        %swap3A_963 = tpu.vector_load %arg7[%swap3A_962] {strides = array<i32>} : memref<1024xf32, #tpu.memory_space<vmem>>, vector<16xf32>,
        %swap3A_964 = vector.shape_cast %swap3A_963 : vector<16xf32> to vector<16xf32>
        %swap3A_965 = vector.shape_cast %add3A_961 : vector<16xf32> to vector<16xf32>
        tpu.vector_store %arg7[%swap3A_962], %swap3A_965 {strides = array<i32>} : memref<1024xf32, #tpu.memory_space<vmem>>, vector<16xf32>,
        %get3A_966 = arith.constant 912 : index
        %get3A_967 = tpu.vector_load %arg7[%get3A_966] {strides = array<i32>} : memref<1024xf32, #tpu.memory_space<vmem>>, vector<16xf32>,
        %get3A_968 = vector.shape_cast %get3A_967 : vector<16xf32> to vector<16xf32>
        %add3A_969 = arith.addf %get3A_968, %while3A_893#9 : vector<16xf32>
        %swap3A_970 = arith.constant 912 : index
        %swap3A_971 = tpu.vector_load %arg7[%swap3A_970] {strides = array<i32>} : memref<1024xf32, #tpu.memory_space<vmem>>, vector<16xf32>,
        %swap3A_972 = vector.shape_cast %swap3A_971 : vector<16xf32> to vector<16xf32>
        %swap3A_973 = vector.shape_cast %add3A_969 : vector<16xf32> to vector<16xf32>
        tpu.vector_store %arg7[%swap3A_970], %swap3A_973 {strides = array<i32>} : memref<1024xf32, #tpu.memory_space<vmem>>, vector<16xf32>,
        %get3A_974 = arith.constant 928 : index
        %get3A_975 = tpu.vector_load %arg7[%get3A_974] {strides = array<i32>} : memref<1024xf32, #tpu.memory_space<vmem>>, vector<16xf32>,
        %get3A_976 = vector.shape_cast %get3A_975 : vector<16xf32> to vector<16xf32>
        %add3A_977 = arith.addf %get3A_976, %while3A_893#10 : vector<16xf32>
        %swap3A_978 = arith.constant 928 : index
        %swap3A_979 = tpu.vector_load %arg7[%swap3A_978] {strides = array<i32>} : memref<1024xf32, #tpu.memory_space<vmem>>, vector<16xf32>,
        %swap3A_980 = vector.shape_cast %swap3A_979 : vector<16xf32> to vector<16xf32>
        %swap3A_981 = vector.shape_cast %add3A_977 : vector<16xf32> to vector<16xf32>
        tpu.vector_store %arg7[%swap3A_978], %swap3A_981 {strides = array<i32>} : memref<1024xf32, #tpu.memory_space<vmem>>, vector<16xf32>,
        %get3A_982 = arith.constant 944 : index
        %get3A_983 = tpu.vector_load %arg7[%get3A_982] {strides = array<i32>} : memref<1024xf32, #tpu.memory_space<vmem>>, vector<16xf32>,
        %get3A_984 = vector.shape_cast %get3A_983 : vector<16xf32> to vector<16xf32>
        %add3A_985 = arith.addf %get3A_984, %while3A_893#11 : vector<16xf32>
        %swap3A_986 = arith.constant 944 : index
        %swap3A_987 = tpu.vector_load %arg7[%swap3A_986] {strides = array<i32>} : memref<1024xf32, #tpu.memory_space<vmem>>, vector<16xf32>,
        %swap3A_988 = vector.shape_cast %swap3A_987 : vector<16xf32> to vector<16xf32>
        %swap3A_989 = vector.shape_cast %add3A_985 : vector<16xf32> to vector<16xf32>
        tpu.vector_store %arg7[%swap3A_986], %swap3A_989 {strides = array<i32>} : memref<1024xf32, #tpu.memory_space<vmem>>, vector<16xf32>,
        %get3A_990 = arith.constant 960 : index
        %get3A_991 = tpu.vector_load %arg7[%get3A_990] {strides = array<i32>} : memref<1024xf32, #tpu.memory_space<vmem>>, vector<16xf32>,
        %get3A_992 = vector.shape_cast %get3A_991 : vector<16xf32> to vector<16xf32>
        %add3A_993 = arith.addf %get3A_992, %while3A_893#12 : vector<16xf32>
        %swap3A_994 = arith.constant 960 : index
        %swap3A_995 = tpu.vector_load %arg7[%swap3A_994] {strides = array<i32>} : memref<1024xf32, #tpu.memory_space<vmem>>, vector<16xf32>,
        %swap3A_996 = vector.shape_cast %swap3A_995 : vector<16xf32> to vector<16xf32>
        %swap3A_997 = vector.shape_cast %add3A_993 : vector<16xf32> to vector<16xf32>
        tpu.vector_store %arg7[%swap3A_994], %swap3A_997 {strides = array<i32>} : memref<1024xf32, #tpu.memory_space<vmem>>, vector<16xf32>,
        %get3A_998 = arith.constant 976 : index
        %get3A_999 = tpu.vector_load %arg7[%get3A_998] {strides = array<i32>} : memref<1024xf32, #tpu.memory_space<vmem>>, vector<16xf32>,
        %get3A_1000 = vector.shape_cast %get3A_999 : vector<16xf32> to vector<16xf32>
        %add3A_1001 = arith.addf %get3A_1000, %while3A_893#13 : vector<16xf32>
        %swap3A_1002 = arith.constant 976 : index
        %swap3A_1003 = tpu.vector_load %arg7[%swap3A_1002] {strides = array<i32>} : memref<1024xf32, #tpu.memory_space<vmem>>, vector<16xf32>,
        %swap3A_1004 = vector.shape_cast %swap3A_1003 : vector<16xf32> to vector<16xf32>
        %swap3A_1005 = vector.shape_cast %add3A_1001 : vector<16xf32> to vector<16xf32>
        tpu.vector_store %arg7[%swap3A_1002], %swap3A_1005 {strides = array<i32>} : memref<1024xf32, #tpu.memory_space<vmem>>, vector<16xf32>,
        %get3A_1006 = arith.constant 992 : index
        %get3A_1007 = tpu.vector_load %arg7[%get3A_1006] {strides = array<i32>} : memref<1024xf32, #tpu.memory_space<vmem>>, vector<16xf32>,
        %get3A_1008 = vector.shape_cast %get3A_1007 : vector<16xf32> to vector<16xf32>
        %add3A_1009 = arith.addf %get3A_1008, %while3A_893#14 : vector<16xf32>
        %swap3A_1010 = arith.constant 992 : index
        %swap3A_1011 = tpu.vector_load %arg7[%swap3A_1010] {strides = array<i32>} : memref<1024xf32, #tpu.memory_space<vmem>>, vector<16xf32>,
        %swap3A_1012 = vector.shape_cast %swap3A_1011 : vector<16xf32> to vector<16xf32>
        %swap3A_1013 = vector.shape_cast %add3A_1009 : vector<16xf32> to vector<16xf32>
        tpu.vector_store %arg7[%swap3A_1010], %swap3A_1013 {strides = array<i32>} : memref<1024xf32, #tpu.memory_space<vmem>>, vector<16xf32>,
        %get3A_1014 = arith.constant 1008 : index
        %get3A_1015 = tpu.vector_load %arg7[%get3A_1014] {strides = array<i32>} : memref<1024xf32, #tpu.memory_space<vmem>>, vector<16xf32>,
        %get3A_1016 = vector.shape_cast %get3A_1015 : vector<16xf32> to vector<16xf32>
        %add3A_1017 = arith.addf %get3A_1016, %while3A_893#15 : vector<16xf32>
        %swap3A_1018 = arith.constant 1008 : index
        %swap3A_1019 = tpu.vector_load %arg7[%swap3A_1018] {strides = array<i32>} : memref<1024xf32, #tpu.memory_space<vmem>>, vector<16xf32>,
        %swap3A_1020 = vector.shape_cast %swap3A_1019 : vector<16xf32> to vector<16xf32>
        %swap3A_1021 = vector.shape_cast %add3A_1017 : vector<16xf32> to vector<16xf32>
        tpu.vector_store %arg7[%swap3A_1018], %swap3A_1021 {strides = array<i32>} : memref<1024xf32, #tpu.memory_space<vmem>>, vector<16xf32>,
      } else {
      }
    }
    %while3A_838 = arith.constant 1 : i32
    scf.for %while3A_841 = %while3A_836 to %while3A_832 step %while3A_838  : i32 {
      %mul3A_842 = arith.constant 80 : i32
      %mul3A_843 = arith.muli %while3A_841, %mul3A_842 : i32
      %mul3A_844 = arith.constant 256 : i32
      %mul3A_845 = arith.muli %mul3A_843, %mul3A_844 : i32
      "tpu.region"() ({
        %run_scoped3A = tpu.sem_alloc : memref<!tpu.dma_semaphore, #tpu.memory_space<semaphore_mem>>
        %dma_start3A = tpu.memref_slice %arg2[%mul3A_845] : memref<12800000xf32, #tpu.memory_space<hbm>> -> memref<20480xf32, #tpu.memory_space<hbm>>
        %dma_start3A_884 = tpu.memref_slice %arg2[%mul3A_845] : memref<12800000xf32, #tpu.memory_space<hbm>> -> memref<20480xf32, #tpu.memory_space<hbm>>
        tpu.enqueue_dma source(%dma_start3A_884 : memref<20480xf32, #tpu.memory_space<hbm>>) target(%arg6 : memref<20480xf32, #tpu.memory_space<vmem>>) target_semaphore(%run_scoped3A : memref<!tpu.dma_semaphore, #tpu.memory_space<semaphore_mem>>)
        %dma_wait3A = tpu.memref_slice %arg2[%mul3A_845] : memref<12800000xf32, #tpu.memory_space<hbm>> -> memref<20480xf32, #tpu.memory_space<hbm>>
        %dma_wait3A_885 = tpu.memref_slice %arg2[%mul3A_845] : memref<12800000xf32, #tpu.memory_space<hbm>> -> memref<20480xf32, #tpu.memory_space<hbm>>
        tpu.wait_dma2 semaphore(%run_scoped3A : memref<!tpu.dma_semaphore, #tpu.memory_space<semaphore_mem>>) src(%dma_wait3A_885 : memref<20480xf32, #tpu.memory_space<hbm>>) dst(%arg6 : memref<20480xf32, #tpu.memory_space<vmem>>)
        tpu.yield
      }) : () -> ()
      %max3A_846 = arith.maxsi %select_n3A, %mul3A_843 : i32
      %sub3A_847 = arith.subi %max3A_846, %mul3A_843 : i32
      %add3A_848 = arith.constant 80 : i32
      %add3A_849 = arith.addi %mul3A_843, %add3A_848 : i32
      %min3A = arith.minsi %select_n3A_205, %add3A_849 : i32
      %sub3A_850 = arith.subi %min3A, %mul3A_843 : i32
      %gt3A_851 = arith.cmpi sgt, %sub3A_850, %sub3A_847 : i32
      %convert_element_type3A_852 = arith.extui %gt3A_851 : i1 to i32
      %cond3A = arith.constant 0 : i32
      %cond3A_853 = arith.cmpi ne, %convert_element_type3A_852, %cond3A : i32
      scf.if %cond3A_853 {
        %while3A_884 = arith.subi %sub3A_850, %sub3A_847 : i32
        %while3A_885 = arith.addi %sub3A_847, %while3A_884 : i32
        %while3A_886 = arith.constant 1 : i32
        %while3A_887 = arith.divsi %while3A_884, %while3A_886 : i32
        %while3A_888 = arith.muli %while3A_887, %while3A_886 : i32
        %while3A_889 = arith.addi %sub3A_847, %while3A_888 : i32
        %while3A_890 = arith.constant 1 : i32
        %while3A_891:16 = scf.for %while3A_1022 = %sub3A_847 to %while3A_889 step %while3A_890 iter_args(%while3A_1023 = %broadcast_in_dim3A_527, %while3A_1024 = %broadcast_in_dim3A_527, %while3A_1025 = %broadcast_in_dim3A_527, %while3A_1026 = %broadcast_in_dim3A_527, %while3A_1027 = %broadcast_in_dim3A_527, %while3A_1028 = %broadcast_in_dim3A_527, %while3A_1029 = %broadcast_in_dim3A_527, %while3A_1030 = %broadcast_in_dim3A_527, %while3A_1031 = %broadcast_in_dim3A_527, %while3A_1032 = %broadcast_in_dim3A_527, %while3A_1033 = %broadcast_in_dim3A_527, %while3A_1034 = %broadcast_in_dim3A_527, %while3A_1035 = %broadcast_in_dim3A_527, %while3A_1036 = %broadcast_in_dim3A_527, %while3A_1037 = %broadcast_in_dim3A_527, %while3A_1038 = %broadcast_in_dim3A_527) -> (vector<16xf32>, vector<16xf32>, vector<16xf32>, vector<16xf32>, vector<16xf32>, vector<16xf32>, vector<16xf32>, vector<16xf32>, vector<16xf32>, vector<16xf32>, vector<16xf32>, vector<16xf32>, vector<16xf32>, vector<16xf32>, vector<16xf32>, vector<16xf32>)  : i32 {
          %mul3A_1039 = arith.constant 256 : i32
          %mul3A_1040 = arith.muli %while3A_1022, %mul3A_1039 : i32
          %add3A_1041 = arith.constant 0 : i32
          %add3A_1042 = arith.addi %mul3A_1040, %add3A_1041 : i32
          %get3A_1043 = arith.index_cast %add3A_1042 : i32 to index
          %get3A_1044 = tpu.vector_load %arg6[%get3A_1043] {strides = array<i32>} : memref<20480xf32, #tpu.memory_space<vmem>>, vector<16xf32>,
          %get3A_1045 = vector.shape_cast %get3A_1044 : vector<16xf32> to vector<16xf32>
          %add3A_1046 = arith.addf %while3A_1023, %get3A_1045 : vector<16xf32>
          %add3A_1047 = arith.constant 16 : i32
          %add3A_1048 = arith.addi %mul3A_1040, %add3A_1047 : i32
          %get3A_1049 = arith.index_cast %add3A_1048 : i32 to index
          %get3A_1050 = tpu.vector_load %arg6[%get3A_1049] {strides = array<i32>} : memref<20480xf32, #tpu.memory_space<vmem>>, vector<16xf32>,
          %get3A_1051 = vector.shape_cast %get3A_1050 : vector<16xf32> to vector<16xf32>
          %add3A_1052 = arith.addf %while3A_1024, %get3A_1051 : vector<16xf32>
          %add3A_1053 = arith.constant 32 : i32
          %add3A_1054 = arith.addi %mul3A_1040, %add3A_1053 : i32
          %get3A_1055 = arith.index_cast %add3A_1054 : i32 to index
          %get3A_1056 = tpu.vector_load %arg6[%get3A_1055] {strides = array<i32>} : memref<20480xf32, #tpu.memory_space<vmem>>, vector<16xf32>,
          %get3A_1057 = vector.shape_cast %get3A_1056 : vector<16xf32> to vector<16xf32>
          %add3A_1058 = arith.addf %while3A_1025, %get3A_1057 : vector<16xf32>
          %add3A_1059 = arith.constant 48 : i32
          %add3A_1060 = arith.addi %mul3A_1040, %add3A_1059 : i32
          %get3A_1061 = arith.index_cast %add3A_1060 : i32 to index
          %get3A_1062 = tpu.vector_load %arg6[%get3A_1061] {strides = array<i32>} : memref<20480xf32, #tpu.memory_space<vmem>>, vector<16xf32>,
          %get3A_1063 = vector.shape_cast %get3A_1062 : vector<16xf32> to vector<16xf32>
          %add3A_1064 = arith.addf %while3A_1026, %get3A_1063 : vector<16xf32>
          %add3A_1065 = arith.constant 64 : i32
          %add3A_1066 = arith.addi %mul3A_1040, %add3A_1065 : i32
          %get3A_1067 = arith.index_cast %add3A_1066 : i32 to index
          %get3A_1068 = tpu.vector_load %arg6[%get3A_1067] {strides = array<i32>} : memref<20480xf32, #tpu.memory_space<vmem>>, vector<16xf32>,
          %get3A_1069 = vector.shape_cast %get3A_1068 : vector<16xf32> to vector<16xf32>
          %add3A_1070 = arith.addf %while3A_1027, %get3A_1069 : vector<16xf32>
          %add3A_1071 = arith.constant 80 : i32
          %add3A_1072 = arith.addi %mul3A_1040, %add3A_1071 : i32
          %get3A_1073 = arith.index_cast %add3A_1072 : i32 to index
          %get3A_1074 = tpu.vector_load %arg6[%get3A_1073] {strides = array<i32>} : memref<20480xf32, #tpu.memory_space<vmem>>, vector<16xf32>,
          %get3A_1075 = vector.shape_cast %get3A_1074 : vector<16xf32> to vector<16xf32>
          %add3A_1076 = arith.addf %while3A_1028, %get3A_1075 : vector<16xf32>
          %add3A_1077 = arith.constant 96 : i32
          %add3A_1078 = arith.addi %mul3A_1040, %add3A_1077 : i32
          %get3A_1079 = arith.index_cast %add3A_1078 : i32 to index
          %get3A_1080 = tpu.vector_load %arg6[%get3A_1079] {strides = array<i32>} : memref<20480xf32, #tpu.memory_space<vmem>>, vector<16xf32>,
          %get3A_1081 = vector.shape_cast %get3A_1080 : vector<16xf32> to vector<16xf32>
          %add3A_1082 = arith.addf %while3A_1029, %get3A_1081 : vector<16xf32>
          %add3A_1083 = arith.constant 112 : i32
          %add3A_1084 = arith.addi %mul3A_1040, %add3A_1083 : i32
          %get3A_1085 = arith.index_cast %add3A_1084 : i32 to index
          %get3A_1086 = tpu.vector_load %arg6[%get3A_1085] {strides = array<i32>} : memref<20480xf32, #tpu.memory_space<vmem>>, vector<16xf32>,
          %get3A_1087 = vector.shape_cast %get3A_1086 : vector<16xf32> to vector<16xf32>
          %add3A_1088 = arith.addf %while3A_1030, %get3A_1087 : vector<16xf32>
          %add3A_1089 = arith.constant 128 : i32
          %add3A_1090 = arith.addi %mul3A_1040, %add3A_1089 : i32
          %get3A_1091 = arith.index_cast %add3A_1090 : i32 to index
          %get3A_1092 = tpu.vector_load %arg6[%get3A_1091] {strides = array<i32>} : memref<20480xf32, #tpu.memory_space<vmem>>, vector<16xf32>,
          %get3A_1093 = vector.shape_cast %get3A_1092 : vector<16xf32> to vector<16xf32>
          %add3A_1094 = arith.addf %while3A_1031, %get3A_1093 : vector<16xf32>
          %add3A_1095 = arith.constant 144 : i32
          %add3A_1096 = arith.addi %mul3A_1040, %add3A_1095 : i32
          %get3A_1097 = arith.index_cast %add3A_1096 : i32 to index
          %get3A_1098 = tpu.vector_load %arg6[%get3A_1097] {strides = array<i32>} : memref<20480xf32, #tpu.memory_space<vmem>>, vector<16xf32>,
          %get3A_1099 = vector.shape_cast %get3A_1098 : vector<16xf32> to vector<16xf32>
          %add3A_1100 = arith.addf %while3A_1032, %get3A_1099 : vector<16xf32>
          %add3A_1101 = arith.constant 160 : i32
          %add3A_1102 = arith.addi %mul3A_1040, %add3A_1101 : i32
          %get3A_1103 = arith.index_cast %add3A_1102 : i32 to index
          %get3A_1104 = tpu.vector_load %arg6[%get3A_1103] {strides = array<i32>} : memref<20480xf32, #tpu.memory_space<vmem>>, vector<16xf32>,
          %get3A_1105 = vector.shape_cast %get3A_1104 : vector<16xf32> to vector<16xf32>
          %add3A_1106 = arith.addf %while3A_1033, %get3A_1105 : vector<16xf32>
          %add3A_1107 = arith.constant 176 : i32
          %add3A_1108 = arith.addi %mul3A_1040, %add3A_1107 : i32
          %get3A_1109 = arith.index_cast %add3A_1108 : i32 to index
          %get3A_1110 = tpu.vector_load %arg6[%get3A_1109] {strides = array<i32>} : memref<20480xf32, #tpu.memory_space<vmem>>, vector<16xf32>,
          %get3A_1111 = vector.shape_cast %get3A_1110 : vector<16xf32> to vector<16xf32>
          %add3A_1112 = arith.addf %while3A_1034, %get3A_1111 : vector<16xf32>
          %add3A_1113 = arith.constant 192 : i32
          %add3A_1114 = arith.addi %mul3A_1040, %add3A_1113 : i32
          %get3A_1115 = arith.index_cast %add3A_1114 : i32 to index
          %get3A_1116 = tpu.vector_load %arg6[%get3A_1115] {strides = array<i32>} : memref<20480xf32, #tpu.memory_space<vmem>>, vector<16xf32>,
          %get3A_1117 = vector.shape_cast %get3A_1116 : vector<16xf32> to vector<16xf32>
          %add3A_1118 = arith.addf %while3A_1035, %get3A_1117 : vector<16xf32>
          %add3A_1119 = arith.constant 208 : i32
          %add3A_1120 = arith.addi %mul3A_1040, %add3A_1119 : i32
          %get3A_1121 = arith.index_cast %add3A_1120 : i32 to index
          %get3A_1122 = tpu.vector_load %arg6[%get3A_1121] {strides = array<i32>} : memref<20480xf32, #tpu.memory_space<vmem>>, vector<16xf32>,
          %get3A_1123 = vector.shape_cast %get3A_1122 : vector<16xf32> to vector<16xf32>
          %add3A_1124 = arith.addf %while3A_1036, %get3A_1123 : vector<16xf32>
          %add3A_1125 = arith.constant 224 : i32
          %add3A_1126 = arith.addi %mul3A_1040, %add3A_1125 : i32
          %get3A_1127 = arith.index_cast %add3A_1126 : i32 to index
          %get3A_1128 = tpu.vector_load %arg6[%get3A_1127] {strides = array<i32>} : memref<20480xf32, #tpu.memory_space<vmem>>, vector<16xf32>,
          %get3A_1129 = vector.shape_cast %get3A_1128 : vector<16xf32> to vector<16xf32>
          %add3A_1130 = arith.addf %while3A_1037, %get3A_1129 : vector<16xf32>
          %add3A_1131 = arith.constant 240 : i32
          %add3A_1132 = arith.addi %mul3A_1040, %add3A_1131 : i32
          %get3A_1133 = arith.index_cast %add3A_1132 : i32 to index
          %get3A_1134 = tpu.vector_load %arg6[%get3A_1133] {strides = array<i32>} : memref<20480xf32, #tpu.memory_space<vmem>>, vector<16xf32>,
          %get3A_1135 = vector.shape_cast %get3A_1134 : vector<16xf32> to vector<16xf32>
          %add3A_1136 = arith.addf %while3A_1038, %get3A_1135 : vector<16xf32>
          scf.yield %add3A_1046, %add3A_1052, %add3A_1058, %add3A_1064, %add3A_1070, %add3A_1076, %add3A_1082, %add3A_1088, %add3A_1094, %add3A_1100, %add3A_1106, %add3A_1112, %add3A_1118, %add3A_1124, %add3A_1130, %add3A_1136 : vector<16xf32>, vector<16xf32>, vector<16xf32>, vector<16xf32>, vector<16xf32>, vector<16xf32>, vector<16xf32>, vector<16xf32>, vector<16xf32>, vector<16xf32>, vector<16xf32>, vector<16xf32>, vector<16xf32>, vector<16xf32>, vector<16xf32>, vector<16xf32>
        }
        %while3A_892 = arith.constant 1 : i32
        %while3A_893:16 = scf.for %while3A_1022 = %while3A_889 to %while3A_885 step %while3A_892 iter_args(%while3A_1023 = %while3A_891#0, %while3A_1024 = %while3A_891#1, %while3A_1025 = %while3A_891#2, %while3A_1026 = %while3A_891#3, %while3A_1027 = %while3A_891#4, %while3A_1028 = %while3A_891#5, %while3A_1029 = %while3A_891#6, %while3A_1030 = %while3A_891#7, %while3A_1031 = %while3A_891#8, %while3A_1032 = %while3A_891#9, %while3A_1033 = %while3A_891#10, %while3A_1034 = %while3A_891#11, %while3A_1035 = %while3A_891#12, %while3A_1036 = %while3A_891#13, %while3A_1037 = %while3A_891#14, %while3A_1038 = %while3A_891#15) -> (vector<16xf32>, vector<16xf32>, vector<16xf32>, vector<16xf32>, vector<16xf32>, vector<16xf32>, vector<16xf32>, vector<16xf32>, vector<16xf32>, vector<16xf32>, vector<16xf32>, vector<16xf32>, vector<16xf32>, vector<16xf32>, vector<16xf32>, vector<16xf32>)  : i32 {
          %mul3A_1039 = arith.constant 256 : i32
          %mul3A_1040 = arith.muli %while3A_1022, %mul3A_1039 : i32
          %add3A_1041 = arith.constant 0 : i32
          %add3A_1042 = arith.addi %mul3A_1040, %add3A_1041 : i32
          %get3A_1043 = arith.index_cast %add3A_1042 : i32 to index
          %get3A_1044 = tpu.vector_load %arg6[%get3A_1043] {strides = array<i32>} : memref<20480xf32, #tpu.memory_space<vmem>>, vector<16xf32>,
          %get3A_1045 = vector.shape_cast %get3A_1044 : vector<16xf32> to vector<16xf32>
          %add3A_1046 = arith.addf %while3A_1023, %get3A_1045 : vector<16xf32>
          %add3A_1047 = arith.constant 16 : i32
          %add3A_1048 = arith.addi %mul3A_1040, %add3A_1047 : i32
          %get3A_1049 = arith.index_cast %add3A_1048 : i32 to index
          %get3A_1050 = tpu.vector_load %arg6[%get3A_1049] {strides = array<i32>} : memref<20480xf32, #tpu.memory_space<vmem>>, vector<16xf32>,
          %get3A_1051 = vector.shape_cast %get3A_1050 : vector<16xf32> to vector<16xf32>
          %add3A_1052 = arith.addf %while3A_1024, %get3A_1051 : vector<16xf32>
          %add3A_1053 = arith.constant 32 : i32
          %add3A_1054 = arith.addi %mul3A_1040, %add3A_1053 : i32
          %get3A_1055 = arith.index_cast %add3A_1054 : i32 to index
          %get3A_1056 = tpu.vector_load %arg6[%get3A_1055] {strides = array<i32>} : memref<20480xf32, #tpu.memory_space<vmem>>, vector<16xf32>,
          %get3A_1057 = vector.shape_cast %get3A_1056 : vector<16xf32> to vector<16xf32>
          %add3A_1058 = arith.addf %while3A_1025, %get3A_1057 : vector<16xf32>
          %add3A_1059 = arith.constant 48 : i32
          %add3A_1060 = arith.addi %mul3A_1040, %add3A_1059 : i32
          %get3A_1061 = arith.index_cast %add3A_1060 : i32 to index
          %get3A_1062 = tpu.vector_load %arg6[%get3A_1061] {strides = array<i32>} : memref<20480xf32, #tpu.memory_space<vmem>>, vector<16xf32>,
          %get3A_1063 = vector.shape_cast %get3A_1062 : vector<16xf32> to vector<16xf32>
          %add3A_1064 = arith.addf %while3A_1026, %get3A_1063 : vector<16xf32>
          %add3A_1065 = arith.constant 64 : i32
          %add3A_1066 = arith.addi %mul3A_1040, %add3A_1065 : i32
          %get3A_1067 = arith.index_cast %add3A_1066 : i32 to index
          %get3A_1068 = tpu.vector_load %arg6[%get3A_1067] {strides = array<i32>} : memref<20480xf32, #tpu.memory_space<vmem>>, vector<16xf32>,
          %get3A_1069 = vector.shape_cast %get3A_1068 : vector<16xf32> to vector<16xf32>
          %add3A_1070 = arith.addf %while3A_1027, %get3A_1069 : vector<16xf32>
          %add3A_1071 = arith.constant 80 : i32
          %add3A_1072 = arith.addi %mul3A_1040, %add3A_1071 : i32
          %get3A_1073 = arith.index_cast %add3A_1072 : i32 to index
          %get3A_1074 = tpu.vector_load %arg6[%get3A_1073] {strides = array<i32>} : memref<20480xf32, #tpu.memory_space<vmem>>, vector<16xf32>,
          %get3A_1075 = vector.shape_cast %get3A_1074 : vector<16xf32> to vector<16xf32>
          %add3A_1076 = arith.addf %while3A_1028, %get3A_1075 : vector<16xf32>
          %add3A_1077 = arith.constant 96 : i32
          %add3A_1078 = arith.addi %mul3A_1040, %add3A_1077 : i32
          %get3A_1079 = arith.index_cast %add3A_1078 : i32 to index
          %get3A_1080 = tpu.vector_load %arg6[%get3A_1079] {strides = array<i32>} : memref<20480xf32, #tpu.memory_space<vmem>>, vector<16xf32>,
          %get3A_1081 = vector.shape_cast %get3A_1080 : vector<16xf32> to vector<16xf32>
          %add3A_1082 = arith.addf %while3A_1029, %get3A_1081 : vector<16xf32>
          %add3A_1083 = arith.constant 112 : i32
          %add3A_1084 = arith.addi %mul3A_1040, %add3A_1083 : i32
          %get3A_1085 = arith.index_cast %add3A_1084 : i32 to index
          %get3A_1086 = tpu.vector_load %arg6[%get3A_1085] {strides = array<i32>} : memref<20480xf32, #tpu.memory_space<vmem>>, vector<16xf32>,
          %get3A_1087 = vector.shape_cast %get3A_1086 : vector<16xf32> to vector<16xf32>
          %add3A_1088 = arith.addf %while3A_1030, %get3A_1087 : vector<16xf32>
          %add3A_1089 = arith.constant 128 : i32
          %add3A_1090 = arith.addi %mul3A_1040, %add3A_1089 : i32
          %get3A_1091 = arith.index_cast %add3A_1090 : i32 to index
          %get3A_1092 = tpu.vector_load %arg6[%get3A_1091] {strides = array<i32>} : memref<20480xf32, #tpu.memory_space<vmem>>, vector<16xf32>,
          %get3A_1093 = vector.shape_cast %get3A_1092 : vector<16xf32> to vector<16xf32>
          %add3A_1094 = arith.addf %while3A_1031, %get3A_1093 : vector<16xf32>
          %add3A_1095 = arith.constant 144 : i32
          %add3A_1096 = arith.addi %mul3A_1040, %add3A_1095 : i32
          %get3A_1097 = arith.index_cast %add3A_1096 : i32 to index
          %get3A_1098 = tpu.vector_load %arg6[%get3A_1097] {strides = array<i32>} : memref<20480xf32, #tpu.memory_space<vmem>>, vector<16xf32>,
          %get3A_1099 = vector.shape_cast %get3A_1098 : vector<16xf32> to vector<16xf32>
          %add3A_1100 = arith.addf %while3A_1032, %get3A_1099 : vector<16xf32>
          %add3A_1101 = arith.constant 160 : i32
          %add3A_1102 = arith.addi %mul3A_1040, %add3A_1101 : i32
          %get3A_1103 = arith.index_cast %add3A_1102 : i32 to index
          %get3A_1104 = tpu.vector_load %arg6[%get3A_1103] {strides = array<i32>} : memref<20480xf32, #tpu.memory_space<vmem>>, vector<16xf32>,
          %get3A_1105 = vector.shape_cast %get3A_1104 : vector<16xf32> to vector<16xf32>
          %add3A_1106 = arith.addf %while3A_1033, %get3A_1105 : vector<16xf32>
          %add3A_1107 = arith.constant 176 : i32
          %add3A_1108 = arith.addi %mul3A_1040, %add3A_1107 : i32
          %get3A_1109 = arith.index_cast %add3A_1108 : i32 to index
          %get3A_1110 = tpu.vector_load %arg6[%get3A_1109] {strides = array<i32>} : memref<20480xf32, #tpu.memory_space<vmem>>, vector<16xf32>,
          %get3A_1111 = vector.shape_cast %get3A_1110 : vector<16xf32> to vector<16xf32>
          %add3A_1112 = arith.addf %while3A_1034, %get3A_1111 : vector<16xf32>
          %add3A_1113 = arith.constant 192 : i32
          %add3A_1114 = arith.addi %mul3A_1040, %add3A_1113 : i32
          %get3A_1115 = arith.index_cast %add3A_1114 : i32 to index
          %get3A_1116 = tpu.vector_load %arg6[%get3A_1115] {strides = array<i32>} : memref<20480xf32, #tpu.memory_space<vmem>>, vector<16xf32>,
          %get3A_1117 = vector.shape_cast %get3A_1116 : vector<16xf32> to vector<16xf32>
          %add3A_1118 = arith.addf %while3A_1035, %get3A_1117 : vector<16xf32>
          %add3A_1119 = arith.constant 208 : i32
          %add3A_1120 = arith.addi %mul3A_1040, %add3A_1119 : i32
          %get3A_1121 = arith.index_cast %add3A_1120 : i32 to index
          %get3A_1122 = tpu.vector_load %arg6[%get3A_1121] {strides = array<i32>} : memref<20480xf32, #tpu.memory_space<vmem>>, vector<16xf32>,
          %get3A_1123 = vector.shape_cast %get3A_1122 : vector<16xf32> to vector<16xf32>
          %add3A_1124 = arith.addf %while3A_1036, %get3A_1123 : vector<16xf32>
          %add3A_1125 = arith.constant 224 : i32
          %add3A_1126 = arith.addi %mul3A_1040, %add3A_1125 : i32
          %get3A_1127 = arith.index_cast %add3A_1126 : i32 to index
          %get3A_1128 = tpu.vector_load %arg6[%get3A_1127] {strides = array<i32>} : memref<20480xf32, #tpu.memory_space<vmem>>, vector<16xf32>,
          %get3A_1129 = vector.shape_cast %get3A_1128 : vector<16xf32> to vector<16xf32>
          %add3A_1130 = arith.addf %while3A_1037, %get3A_1129 : vector<16xf32>
          %add3A_1131 = arith.constant 240 : i32
          %add3A_1132 = arith.addi %mul3A_1040, %add3A_1131 : i32
          %get3A_1133 = arith.index_cast %add3A_1132 : i32 to index
          %get3A_1134 = tpu.vector_load %arg6[%get3A_1133] {strides = array<i32>} : memref<20480xf32, #tpu.memory_space<vmem>>, vector<16xf32>,
          %get3A_1135 = vector.shape_cast %get3A_1134 : vector<16xf32> to vector<16xf32>
          %add3A_1136 = arith.addf %while3A_1038, %get3A_1135 : vector<16xf32>
          scf.yield %add3A_1046, %add3A_1052, %add3A_1058, %add3A_1064, %add3A_1070, %add3A_1076, %add3A_1082, %add3A_1088, %add3A_1094, %add3A_1100, %add3A_1106, %add3A_1112, %add3A_1118, %add3A_1124, %add3A_1130, %add3A_1136 : vector<16xf32>, vector<16xf32>, vector<16xf32>, vector<16xf32>, vector<16xf32>, vector<16xf32>, vector<16xf32>, vector<16xf32>, vector<16xf32>, vector<16xf32>, vector<16xf32>, vector<16xf32>, vector<16xf32>, vector<16xf32>, vector<16xf32>, vector<16xf32>
        }
        %get3A_894 = arith.constant 0 : index
        %get3A_895 = tpu.vector_load %arg7[%get3A_894] {strides = array<i32>} : memref<1024xf32, #tpu.memory_space<vmem>>, vector<16xf32>,
        %get3A_896 = vector.shape_cast %get3A_895 : vector<16xf32> to vector<16xf32>
        %add3A_897 = arith.addf %get3A_896, %while3A_893#0 : vector<16xf32>
        %swap3A_898 = arith.constant 0 : index
        %swap3A_899 = tpu.vector_load %arg7[%swap3A_898] {strides = array<i32>} : memref<1024xf32, #tpu.memory_space<vmem>>, vector<16xf32>,
        %swap3A_900 = vector.shape_cast %swap3A_899 : vector<16xf32> to vector<16xf32>
        %swap3A_901 = vector.shape_cast %add3A_897 : vector<16xf32> to vector<16xf32>
        tpu.vector_store %arg7[%swap3A_898], %swap3A_901 {strides = array<i32>} : memref<1024xf32, #tpu.memory_space<vmem>>, vector<16xf32>,
        %get3A_902 = arith.constant 16 : index
        %get3A_903 = tpu.vector_load %arg7[%get3A_902] {strides = array<i32>} : memref<1024xf32, #tpu.memory_space<vmem>>, vector<16xf32>,
        %get3A_904 = vector.shape_cast %get3A_903 : vector<16xf32> to vector<16xf32>
        %add3A_905 = arith.addf %get3A_904, %while3A_893#1 : vector<16xf32>
        %swap3A_906 = arith.constant 16 : index
        %swap3A_907 = tpu.vector_load %arg7[%swap3A_906] {strides = array<i32>} : memref<1024xf32, #tpu.memory_space<vmem>>, vector<16xf32>,
        %swap3A_908 = vector.shape_cast %swap3A_907 : vector<16xf32> to vector<16xf32>
        %swap3A_909 = vector.shape_cast %add3A_905 : vector<16xf32> to vector<16xf32>
        tpu.vector_store %arg7[%swap3A_906], %swap3A_909 {strides = array<i32>} : memref<1024xf32, #tpu.memory_space<vmem>>, vector<16xf32>,
        %get3A_910 = arith.constant 32 : index
        %get3A_911 = tpu.vector_load %arg7[%get3A_910] {strides = array<i32>} : memref<1024xf32, #tpu.memory_space<vmem>>, vector<16xf32>,
        %get3A_912 = vector.shape_cast %get3A_911 : vector<16xf32> to vector<16xf32>
        %add3A_913 = arith.addf %get3A_912, %while3A_893#2 : vector<16xf32>
        %swap3A_914 = arith.constant 32 : index
        %swap3A_915 = tpu.vector_load %arg7[%swap3A_914] {strides = array<i32>} : memref<1024xf32, #tpu.memory_space<vmem>>, vector<16xf32>,
        %swap3A_916 = vector.shape_cast %swap3A_915 : vector<16xf32> to vector<16xf32>
        %swap3A_917 = vector.shape_cast %add3A_913 : vector<16xf32> to vector<16xf32>
        tpu.vector_store %arg7[%swap3A_914], %swap3A_917 {strides = array<i32>} : memref<1024xf32, #tpu.memory_space<vmem>>, vector<16xf32>,
        %get3A_918 = arith.constant 48 : index
        %get3A_919 = tpu.vector_load %arg7[%get3A_918] {strides = array<i32>} : memref<1024xf32, #tpu.memory_space<vmem>>, vector<16xf32>,
        %get3A_920 = vector.shape_cast %get3A_919 : vector<16xf32> to vector<16xf32>
        %add3A_921 = arith.addf %get3A_920, %while3A_893#3 : vector<16xf32>
        %swap3A_922 = arith.constant 48 : index
        %swap3A_923 = tpu.vector_load %arg7[%swap3A_922] {strides = array<i32>} : memref<1024xf32, #tpu.memory_space<vmem>>, vector<16xf32>,
        %swap3A_924 = vector.shape_cast %swap3A_923 : vector<16xf32> to vector<16xf32>
        %swap3A_925 = vector.shape_cast %add3A_921 : vector<16xf32> to vector<16xf32>
        tpu.vector_store %arg7[%swap3A_922], %swap3A_925 {strides = array<i32>} : memref<1024xf32, #tpu.memory_space<vmem>>, vector<16xf32>,
        %get3A_926 = arith.constant 64 : index
        %get3A_927 = tpu.vector_load %arg7[%get3A_926] {strides = array<i32>} : memref<1024xf32, #tpu.memory_space<vmem>>, vector<16xf32>,
        %get3A_928 = vector.shape_cast %get3A_927 : vector<16xf32> to vector<16xf32>
        %add3A_929 = arith.addf %get3A_928, %while3A_893#4 : vector<16xf32>
        %swap3A_930 = arith.constant 64 : index
        %swap3A_931 = tpu.vector_load %arg7[%swap3A_930] {strides = array<i32>} : memref<1024xf32, #tpu.memory_space<vmem>>, vector<16xf32>,
        %swap3A_932 = vector.shape_cast %swap3A_931 : vector<16xf32> to vector<16xf32>
        %swap3A_933 = vector.shape_cast %add3A_929 : vector<16xf32> to vector<16xf32>
        tpu.vector_store %arg7[%swap3A_930], %swap3A_933 {strides = array<i32>} : memref<1024xf32, #tpu.memory_space<vmem>>, vector<16xf32>,
        %get3A_934 = arith.constant 80 : index
        %get3A_935 = tpu.vector_load %arg7[%get3A_934] {strides = array<i32>} : memref<1024xf32, #tpu.memory_space<vmem>>, vector<16xf32>,
        %get3A_936 = vector.shape_cast %get3A_935 : vector<16xf32> to vector<16xf32>
        %add3A_937 = arith.addf %get3A_936, %while3A_893#5 : vector<16xf32>
        %swap3A_938 = arith.constant 80 : index
        %swap3A_939 = tpu.vector_load %arg7[%swap3A_938] {strides = array<i32>} : memref<1024xf32, #tpu.memory_space<vmem>>, vector<16xf32>,
        %swap3A_940 = vector.shape_cast %swap3A_939 : vector<16xf32> to vector<16xf32>
        %swap3A_941 = vector.shape_cast %add3A_937 : vector<16xf32> to vector<16xf32>
        tpu.vector_store %arg7[%swap3A_938], %swap3A_941 {strides = array<i32>} : memref<1024xf32, #tpu.memory_space<vmem>>, vector<16xf32>,
        %get3A_942 = arith.constant 96 : index
        %get3A_943 = tpu.vector_load %arg7[%get3A_942] {strides = array<i32>} : memref<1024xf32, #tpu.memory_space<vmem>>, vector<16xf32>,
        %get3A_944 = vector.shape_cast %get3A_943 : vector<16xf32> to vector<16xf32>
        %add3A_945 = arith.addf %get3A_944, %while3A_893#6 : vector<16xf32>
        %swap3A_946 = arith.constant 96 : index
        %swap3A_947 = tpu.vector_load %arg7[%swap3A_946] {strides = array<i32>} : memref<1024xf32, #tpu.memory_space<vmem>>, vector<16xf32>,
        %swap3A_948 = vector.shape_cast %swap3A_947 : vector<16xf32> to vector<16xf32>
        %swap3A_949 = vector.shape_cast %add3A_945 : vector<16xf32> to vector<16xf32>
        tpu.vector_store %arg7[%swap3A_946], %swap3A_949 {strides = array<i32>} : memref<1024xf32, #tpu.memory_space<vmem>>, vector<16xf32>,
        %get3A_950 = arith.constant 112 : index
        %get3A_951 = tpu.vector_load %arg7[%get3A_950] {strides = array<i32>} : memref<1024xf32, #tpu.memory_space<vmem>>, vector<16xf32>,
        %get3A_952 = vector.shape_cast %get3A_951 : vector<16xf32> to vector<16xf32>
        %add3A_953 = arith.addf %get3A_952, %while3A_893#7 : vector<16xf32>
        %swap3A_954 = arith.constant 112 : index
        %swap3A_955 = tpu.vector_load %arg7[%swap3A_954] {strides = array<i32>} : memref<1024xf32, #tpu.memory_space<vmem>>, vector<16xf32>,
        %swap3A_956 = vector.shape_cast %swap3A_955 : vector<16xf32> to vector<16xf32>
        %swap3A_957 = vector.shape_cast %add3A_953 : vector<16xf32> to vector<16xf32>
        tpu.vector_store %arg7[%swap3A_954], %swap3A_957 {strides = array<i32>} : memref<1024xf32, #tpu.memory_space<vmem>>, vector<16xf32>,
        %get3A_958 = arith.constant 128 : index
        %get3A_959 = tpu.vector_load %arg7[%get3A_958] {strides = array<i32>} : memref<1024xf32, #tpu.memory_space<vmem>>, vector<16xf32>,
        %get3A_960 = vector.shape_cast %get3A_959 : vector<16xf32> to vector<16xf32>
        %add3A_961 = arith.addf %get3A_960, %while3A_893#8 : vector<16xf32>
        %swap3A_962 = arith.constant 128 : index
        %swap3A_963 = tpu.vector_load %arg7[%swap3A_962] {strides = array<i32>} : memref<1024xf32, #tpu.memory_space<vmem>>, vector<16xf32>,
        %swap3A_964 = vector.shape_cast %swap3A_963 : vector<16xf32> to vector<16xf32>
        %swap3A_965 = vector.shape_cast %add3A_961 : vector<16xf32> to vector<16xf32>
        tpu.vector_store %arg7[%swap3A_962], %swap3A_965 {strides = array<i32>} : memref<1024xf32, #tpu.memory_space<vmem>>, vector<16xf32>,
        %get3A_966 = arith.constant 144 : index
        %get3A_967 = tpu.vector_load %arg7[%get3A_966] {strides = array<i32>} : memref<1024xf32, #tpu.memory_space<vmem>>, vector<16xf32>,
        %get3A_968 = vector.shape_cast %get3A_967 : vector<16xf32> to vector<16xf32>
        %add3A_969 = arith.addf %get3A_968, %while3A_893#9 : vector<16xf32>
        %swap3A_970 = arith.constant 144 : index
        %swap3A_971 = tpu.vector_load %arg7[%swap3A_970] {strides = array<i32>} : memref<1024xf32, #tpu.memory_space<vmem>>, vector<16xf32>,
        %swap3A_972 = vector.shape_cast %swap3A_971 : vector<16xf32> to vector<16xf32>
        %swap3A_973 = vector.shape_cast %add3A_969 : vector<16xf32> to vector<16xf32>
        tpu.vector_store %arg7[%swap3A_970], %swap3A_973 {strides = array<i32>} : memref<1024xf32, #tpu.memory_space<vmem>>, vector<16xf32>,
        %get3A_974 = arith.constant 160 : index
        %get3A_975 = tpu.vector_load %arg7[%get3A_974] {strides = array<i32>} : memref<1024xf32, #tpu.memory_space<vmem>>, vector<16xf32>,
        %get3A_976 = vector.shape_cast %get3A_975 : vector<16xf32> to vector<16xf32>
        %add3A_977 = arith.addf %get3A_976, %while3A_893#10 : vector<16xf32>
        %swap3A_978 = arith.constant 160 : index
        %swap3A_979 = tpu.vector_load %arg7[%swap3A_978] {strides = array<i32>} : memref<1024xf32, #tpu.memory_space<vmem>>, vector<16xf32>,
        %swap3A_980 = vector.shape_cast %swap3A_979 : vector<16xf32> to vector<16xf32>
        %swap3A_981 = vector.shape_cast %add3A_977 : vector<16xf32> to vector<16xf32>
        tpu.vector_store %arg7[%swap3A_978], %swap3A_981 {strides = array<i32>} : memref<1024xf32, #tpu.memory_space<vmem>>, vector<16xf32>,
        %get3A_982 = arith.constant 176 : index
        %get3A_983 = tpu.vector_load %arg7[%get3A_982] {strides = array<i32>} : memref<1024xf32, #tpu.memory_space<vmem>>, vector<16xf32>,
        %get3A_984 = vector.shape_cast %get3A_983 : vector<16xf32> to vector<16xf32>
        %add3A_985 = arith.addf %get3A_984, %while3A_893#11 : vector<16xf32>
        %swap3A_986 = arith.constant 176 : index
        %swap3A_987 = tpu.vector_load %arg7[%swap3A_986] {strides = array<i32>} : memref<1024xf32, #tpu.memory_space<vmem>>, vector<16xf32>,
        %swap3A_988 = vector.shape_cast %swap3A_987 : vector<16xf32> to vector<16xf32>
        %swap3A_989 = vector.shape_cast %add3A_985 : vector<16xf32> to vector<16xf32>
        tpu.vector_store %arg7[%swap3A_986], %swap3A_989 {strides = array<i32>} : memref<1024xf32, #tpu.memory_space<vmem>>, vector<16xf32>,
        %get3A_990 = arith.constant 192 : index
        %get3A_991 = tpu.vector_load %arg7[%get3A_990] {strides = array<i32>} : memref<1024xf32, #tpu.memory_space<vmem>>, vector<16xf32>,
        %get3A_992 = vector.shape_cast %get3A_991 : vector<16xf32> to vector<16xf32>
        %add3A_993 = arith.addf %get3A_992, %while3A_893#12 : vector<16xf32>
        %swap3A_994 = arith.constant 192 : index
        %swap3A_995 = tpu.vector_load %arg7[%swap3A_994] {strides = array<i32>} : memref<1024xf32, #tpu.memory_space<vmem>>, vector<16xf32>,
        %swap3A_996 = vector.shape_cast %swap3A_995 : vector<16xf32> to vector<16xf32>
        %swap3A_997 = vector.shape_cast %add3A_993 : vector<16xf32> to vector<16xf32>
        tpu.vector_store %arg7[%swap3A_994], %swap3A_997 {strides = array<i32>} : memref<1024xf32, #tpu.memory_space<vmem>>, vector<16xf32>,
        %get3A_998 = arith.constant 208 : index
        %get3A_999 = tpu.vector_load %arg7[%get3A_998] {strides = array<i32>} : memref<1024xf32, #tpu.memory_space<vmem>>, vector<16xf32>,
        %get3A_1000 = vector.shape_cast %get3A_999 : vector<16xf32> to vector<16xf32>
        %add3A_1001 = arith.addf %get3A_1000, %while3A_893#13 : vector<16xf32>
        %swap3A_1002 = arith.constant 208 : index
        %swap3A_1003 = tpu.vector_load %arg7[%swap3A_1002] {strides = array<i32>} : memref<1024xf32, #tpu.memory_space<vmem>>, vector<16xf32>,
        %swap3A_1004 = vector.shape_cast %swap3A_1003 : vector<16xf32> to vector<16xf32>
        %swap3A_1005 = vector.shape_cast %add3A_1001 : vector<16xf32> to vector<16xf32>
        tpu.vector_store %arg7[%swap3A_1002], %swap3A_1005 {strides = array<i32>} : memref<1024xf32, #tpu.memory_space<vmem>>, vector<16xf32>,
        %get3A_1006 = arith.constant 224 : index
        %get3A_1007 = tpu.vector_load %arg7[%get3A_1006] {strides = array<i32>} : memref<1024xf32, #tpu.memory_space<vmem>>, vector<16xf32>,
        %get3A_1008 = vector.shape_cast %get3A_1007 : vector<16xf32> to vector<16xf32>
        %add3A_1009 = arith.addf %get3A_1008, %while3A_893#14 : vector<16xf32>
        %swap3A_1010 = arith.constant 224 : index
        %swap3A_1011 = tpu.vector_load %arg7[%swap3A_1010] {strides = array<i32>} : memref<1024xf32, #tpu.memory_space<vmem>>, vector<16xf32>,
        %swap3A_1012 = vector.shape_cast %swap3A_1011 : vector<16xf32> to vector<16xf32>
        %swap3A_1013 = vector.shape_cast %add3A_1009 : vector<16xf32> to vector<16xf32>
        tpu.vector_store %arg7[%swap3A_1010], %swap3A_1013 {strides = array<i32>} : memref<1024xf32, #tpu.memory_space<vmem>>, vector<16xf32>,
        %get3A_1014 = arith.constant 240 : index
        %get3A_1015 = tpu.vector_load %arg7[%get3A_1014] {strides = array<i32>} : memref<1024xf32, #tpu.memory_space<vmem>>, vector<16xf32>,
        %get3A_1016 = vector.shape_cast %get3A_1015 : vector<16xf32> to vector<16xf32>
        %add3A_1017 = arith.addf %get3A_1016, %while3A_893#15 : vector<16xf32>
        %swap3A_1018 = arith.constant 240 : index
        %swap3A_1019 = tpu.vector_load %arg7[%swap3A_1018] {strides = array<i32>} : memref<1024xf32, #tpu.memory_space<vmem>>, vector<16xf32>,
        %swap3A_1020 = vector.shape_cast %swap3A_1019 : vector<16xf32> to vector<16xf32>
        %swap3A_1021 = vector.shape_cast %add3A_1017 : vector<16xf32> to vector<16xf32>
        tpu.vector_store %arg7[%swap3A_1018], %swap3A_1021 {strides = array<i32>} : memref<1024xf32, #tpu.memory_space<vmem>>, vector<16xf32>,
      } else {
      }
      %max3A_854 = arith.maxsi %select_n3A_205, %mul3A_843 : i32
      %sub3A_855 = arith.subi %max3A_854, %mul3A_843 : i32
      %add3A_856 = arith.constant 80 : i32
      %add3A_857 = arith.addi %mul3A_843, %add3A_856 : i32
      %min3A_858 = arith.minsi %select_n3A_312, %add3A_857 : i32
      %sub3A_859 = arith.subi %min3A_858, %mul3A_843 : i32
      %gt3A_860 = arith.cmpi sgt, %sub3A_859, %sub3A_855 : i32
      %convert_element_type3A_861 = arith.extui %gt3A_860 : i1 to i32
      %cond3A_862 = arith.constant 0 : i32
      %cond3A_863 = arith.cmpi ne, %convert_element_type3A_861, %cond3A_862 : i32
      scf.if %cond3A_863 {
        %while3A_884 = arith.subi %sub3A_859, %sub3A_855 : i32
        %while3A_885 = arith.addi %sub3A_855, %while3A_884 : i32
        %while3A_886 = arith.constant 1 : i32
        %while3A_887 = arith.divsi %while3A_884, %while3A_886 : i32
        %while3A_888 = arith.muli %while3A_887, %while3A_886 : i32
        %while3A_889 = arith.addi %sub3A_855, %while3A_888 : i32
        %while3A_890 = arith.constant 1 : i32
        %while3A_891:16 = scf.for %while3A_1022 = %sub3A_855 to %while3A_889 step %while3A_890 iter_args(%while3A_1023 = %broadcast_in_dim3A_527, %while3A_1024 = %broadcast_in_dim3A_527, %while3A_1025 = %broadcast_in_dim3A_527, %while3A_1026 = %broadcast_in_dim3A_527, %while3A_1027 = %broadcast_in_dim3A_527, %while3A_1028 = %broadcast_in_dim3A_527, %while3A_1029 = %broadcast_in_dim3A_527, %while3A_1030 = %broadcast_in_dim3A_527, %while3A_1031 = %broadcast_in_dim3A_527, %while3A_1032 = %broadcast_in_dim3A_527, %while3A_1033 = %broadcast_in_dim3A_527, %while3A_1034 = %broadcast_in_dim3A_527, %while3A_1035 = %broadcast_in_dim3A_527, %while3A_1036 = %broadcast_in_dim3A_527, %while3A_1037 = %broadcast_in_dim3A_527, %while3A_1038 = %broadcast_in_dim3A_527) -> (vector<16xf32>, vector<16xf32>, vector<16xf32>, vector<16xf32>, vector<16xf32>, vector<16xf32>, vector<16xf32>, vector<16xf32>, vector<16xf32>, vector<16xf32>, vector<16xf32>, vector<16xf32>, vector<16xf32>, vector<16xf32>, vector<16xf32>, vector<16xf32>)  : i32 {
          %mul3A_1039 = arith.constant 256 : i32
          %mul3A_1040 = arith.muli %while3A_1022, %mul3A_1039 : i32
          %add3A_1041 = arith.constant 0 : i32
          %add3A_1042 = arith.addi %mul3A_1040, %add3A_1041 : i32
          %get3A_1043 = arith.index_cast %add3A_1042 : i32 to index
          %get3A_1044 = tpu.vector_load %arg6[%get3A_1043] {strides = array<i32>} : memref<20480xf32, #tpu.memory_space<vmem>>, vector<16xf32>,
          %get3A_1045 = vector.shape_cast %get3A_1044 : vector<16xf32> to vector<16xf32>
          %add3A_1046 = arith.addf %while3A_1023, %get3A_1045 : vector<16xf32>
          %add3A_1047 = arith.constant 16 : i32
          %add3A_1048 = arith.addi %mul3A_1040, %add3A_1047 : i32
          %get3A_1049 = arith.index_cast %add3A_1048 : i32 to index
          %get3A_1050 = tpu.vector_load %arg6[%get3A_1049] {strides = array<i32>} : memref<20480xf32, #tpu.memory_space<vmem>>, vector<16xf32>,
          %get3A_1051 = vector.shape_cast %get3A_1050 : vector<16xf32> to vector<16xf32>
          %add3A_1052 = arith.addf %while3A_1024, %get3A_1051 : vector<16xf32>
          %add3A_1053 = arith.constant 32 : i32
          %add3A_1054 = arith.addi %mul3A_1040, %add3A_1053 : i32
          %get3A_1055 = arith.index_cast %add3A_1054 : i32 to index
          %get3A_1056 = tpu.vector_load %arg6[%get3A_1055] {strides = array<i32>} : memref<20480xf32, #tpu.memory_space<vmem>>, vector<16xf32>,
          %get3A_1057 = vector.shape_cast %get3A_1056 : vector<16xf32> to vector<16xf32>
          %add3A_1058 = arith.addf %while3A_1025, %get3A_1057 : vector<16xf32>
          %add3A_1059 = arith.constant 48 : i32
          %add3A_1060 = arith.addi %mul3A_1040, %add3A_1059 : i32
          %get3A_1061 = arith.index_cast %add3A_1060 : i32 to index
          %get3A_1062 = tpu.vector_load %arg6[%get3A_1061] {strides = array<i32>} : memref<20480xf32, #tpu.memory_space<vmem>>, vector<16xf32>,
          %get3A_1063 = vector.shape_cast %get3A_1062 : vector<16xf32> to vector<16xf32>
          %add3A_1064 = arith.addf %while3A_1026, %get3A_1063 : vector<16xf32>
          %add3A_1065 = arith.constant 64 : i32
          %add3A_1066 = arith.addi %mul3A_1040, %add3A_1065 : i32
          %get3A_1067 = arith.index_cast %add3A_1066 : i32 to index
          %get3A_1068 = tpu.vector_load %arg6[%get3A_1067] {strides = array<i32>} : memref<20480xf32, #tpu.memory_space<vmem>>, vector<16xf32>,
          %get3A_1069 = vector.shape_cast %get3A_1068 : vector<16xf32> to vector<16xf32>
          %add3A_1070 = arith.addf %while3A_1027, %get3A_1069 : vector<16xf32>
          %add3A_1071 = arith.constant 80 : i32
          %add3A_1072 = arith.addi %mul3A_1040, %add3A_1071 : i32
          %get3A_1073 = arith.index_cast %add3A_1072 : i32 to index
          %get3A_1074 = tpu.vector_load %arg6[%get3A_1073] {strides = array<i32>} : memref<20480xf32, #tpu.memory_space<vmem>>, vector<16xf32>,
          %get3A_1075 = vector.shape_cast %get3A_1074 : vector<16xf32> to vector<16xf32>
          %add3A_1076 = arith.addf %while3A_1028, %get3A_1075 : vector<16xf32>
          %add3A_1077 = arith.constant 96 : i32
          %add3A_1078 = arith.addi %mul3A_1040, %add3A_1077 : i32
          %get3A_1079 = arith.index_cast %add3A_1078 : i32 to index
          %get3A_1080 = tpu.vector_load %arg6[%get3A_1079] {strides = array<i32>} : memref<20480xf32, #tpu.memory_space<vmem>>, vector<16xf32>,
          %get3A_1081 = vector.shape_cast %get3A_1080 : vector<16xf32> to vector<16xf32>
          %add3A_1082 = arith.addf %while3A_1029, %get3A_1081 : vector<16xf32>
          %add3A_1083 = arith.constant 112 : i32
          %add3A_1084 = arith.addi %mul3A_1040, %add3A_1083 : i32
          %get3A_1085 = arith.index_cast %add3A_1084 : i32 to index
          %get3A_1086 = tpu.vector_load %arg6[%get3A_1085] {strides = array<i32>} : memref<20480xf32, #tpu.memory_space<vmem>>, vector<16xf32>,
          %get3A_1087 = vector.shape_cast %get3A_1086 : vector<16xf32> to vector<16xf32>
          %add3A_1088 = arith.addf %while3A_1030, %get3A_1087 : vector<16xf32>
          %add3A_1089 = arith.constant 128 : i32
          %add3A_1090 = arith.addi %mul3A_1040, %add3A_1089 : i32
          %get3A_1091 = arith.index_cast %add3A_1090 : i32 to index
          %get3A_1092 = tpu.vector_load %arg6[%get3A_1091] {strides = array<i32>} : memref<20480xf32, #tpu.memory_space<vmem>>, vector<16xf32>,
          %get3A_1093 = vector.shape_cast %get3A_1092 : vector<16xf32> to vector<16xf32>
          %add3A_1094 = arith.addf %while3A_1031, %get3A_1093 : vector<16xf32>
          %add3A_1095 = arith.constant 144 : i32
          %add3A_1096 = arith.addi %mul3A_1040, %add3A_1095 : i32
          %get3A_1097 = arith.index_cast %add3A_1096 : i32 to index
          %get3A_1098 = tpu.vector_load %arg6[%get3A_1097] {strides = array<i32>} : memref<20480xf32, #tpu.memory_space<vmem>>, vector<16xf32>,
          %get3A_1099 = vector.shape_cast %get3A_1098 : vector<16xf32> to vector<16xf32>
          %add3A_1100 = arith.addf %while3A_1032, %get3A_1099 : vector<16xf32>
          %add3A_1101 = arith.constant 160 : i32
          %add3A_1102 = arith.addi %mul3A_1040, %add3A_1101 : i32
          %get3A_1103 = arith.index_cast %add3A_1102 : i32 to index
          %get3A_1104 = tpu.vector_load %arg6[%get3A_1103] {strides = array<i32>} : memref<20480xf32, #tpu.memory_space<vmem>>, vector<16xf32>,
          %get3A_1105 = vector.shape_cast %get3A_1104 : vector<16xf32> to vector<16xf32>
          %add3A_1106 = arith.addf %while3A_1033, %get3A_1105 : vector<16xf32>
          %add3A_1107 = arith.constant 176 : i32
          %add3A_1108 = arith.addi %mul3A_1040, %add3A_1107 : i32
          %get3A_1109 = arith.index_cast %add3A_1108 : i32 to index
          %get3A_1110 = tpu.vector_load %arg6[%get3A_1109] {strides = array<i32>} : memref<20480xf32, #tpu.memory_space<vmem>>, vector<16xf32>,
          %get3A_1111 = vector.shape_cast %get3A_1110 : vector<16xf32> to vector<16xf32>
          %add3A_1112 = arith.addf %while3A_1034, %get3A_1111 : vector<16xf32>
          %add3A_1113 = arith.constant 192 : i32
          %add3A_1114 = arith.addi %mul3A_1040, %add3A_1113 : i32
          %get3A_1115 = arith.index_cast %add3A_1114 : i32 to index
          %get3A_1116 = tpu.vector_load %arg6[%get3A_1115] {strides = array<i32>} : memref<20480xf32, #tpu.memory_space<vmem>>, vector<16xf32>,
          %get3A_1117 = vector.shape_cast %get3A_1116 : vector<16xf32> to vector<16xf32>
          %add3A_1118 = arith.addf %while3A_1035, %get3A_1117 : vector<16xf32>
          %add3A_1119 = arith.constant 208 : i32
          %add3A_1120 = arith.addi %mul3A_1040, %add3A_1119 : i32
          %get3A_1121 = arith.index_cast %add3A_1120 : i32 to index
          %get3A_1122 = tpu.vector_load %arg6[%get3A_1121] {strides = array<i32>} : memref<20480xf32, #tpu.memory_space<vmem>>, vector<16xf32>,
          %get3A_1123 = vector.shape_cast %get3A_1122 : vector<16xf32> to vector<16xf32>
          %add3A_1124 = arith.addf %while3A_1036, %get3A_1123 : vector<16xf32>
          %add3A_1125 = arith.constant 224 : i32
          %add3A_1126 = arith.addi %mul3A_1040, %add3A_1125 : i32
          %get3A_1127 = arith.index_cast %add3A_1126 : i32 to index
          %get3A_1128 = tpu.vector_load %arg6[%get3A_1127] {strides = array<i32>} : memref<20480xf32, #tpu.memory_space<vmem>>, vector<16xf32>,
          %get3A_1129 = vector.shape_cast %get3A_1128 : vector<16xf32> to vector<16xf32>
          %add3A_1130 = arith.addf %while3A_1037, %get3A_1129 : vector<16xf32>
          %add3A_1131 = arith.constant 240 : i32
          %add3A_1132 = arith.addi %mul3A_1040, %add3A_1131 : i32
          %get3A_1133 = arith.index_cast %add3A_1132 : i32 to index
          %get3A_1134 = tpu.vector_load %arg6[%get3A_1133] {strides = array<i32>} : memref<20480xf32, #tpu.memory_space<vmem>>, vector<16xf32>,
          %get3A_1135 = vector.shape_cast %get3A_1134 : vector<16xf32> to vector<16xf32>
          %add3A_1136 = arith.addf %while3A_1038, %get3A_1135 : vector<16xf32>
          scf.yield %add3A_1046, %add3A_1052, %add3A_1058, %add3A_1064, %add3A_1070, %add3A_1076, %add3A_1082, %add3A_1088, %add3A_1094, %add3A_1100, %add3A_1106, %add3A_1112, %add3A_1118, %add3A_1124, %add3A_1130, %add3A_1136 : vector<16xf32>, vector<16xf32>, vector<16xf32>, vector<16xf32>, vector<16xf32>, vector<16xf32>, vector<16xf32>, vector<16xf32>, vector<16xf32>, vector<16xf32>, vector<16xf32>, vector<16xf32>, vector<16xf32>, vector<16xf32>, vector<16xf32>, vector<16xf32>
        }
        %while3A_892 = arith.constant 1 : i32
        %while3A_893:16 = scf.for %while3A_1022 = %while3A_889 to %while3A_885 step %while3A_892 iter_args(%while3A_1023 = %while3A_891#0, %while3A_1024 = %while3A_891#1, %while3A_1025 = %while3A_891#2, %while3A_1026 = %while3A_891#3, %while3A_1027 = %while3A_891#4, %while3A_1028 = %while3A_891#5, %while3A_1029 = %while3A_891#6, %while3A_1030 = %while3A_891#7, %while3A_1031 = %while3A_891#8, %while3A_1032 = %while3A_891#9, %while3A_1033 = %while3A_891#10, %while3A_1034 = %while3A_891#11, %while3A_1035 = %while3A_891#12, %while3A_1036 = %while3A_891#13, %while3A_1037 = %while3A_891#14, %while3A_1038 = %while3A_891#15) -> (vector<16xf32>, vector<16xf32>, vector<16xf32>, vector<16xf32>, vector<16xf32>, vector<16xf32>, vector<16xf32>, vector<16xf32>, vector<16xf32>, vector<16xf32>, vector<16xf32>, vector<16xf32>, vector<16xf32>, vector<16xf32>, vector<16xf32>, vector<16xf32>)  : i32 {
          %mul3A_1039 = arith.constant 256 : i32
          %mul3A_1040 = arith.muli %while3A_1022, %mul3A_1039 : i32
          %add3A_1041 = arith.constant 0 : i32
          %add3A_1042 = arith.addi %mul3A_1040, %add3A_1041 : i32
          %get3A_1043 = arith.index_cast %add3A_1042 : i32 to index
          %get3A_1044 = tpu.vector_load %arg6[%get3A_1043] {strides = array<i32>} : memref<20480xf32, #tpu.memory_space<vmem>>, vector<16xf32>,
          %get3A_1045 = vector.shape_cast %get3A_1044 : vector<16xf32> to vector<16xf32>
          %add3A_1046 = arith.addf %while3A_1023, %get3A_1045 : vector<16xf32>
          %add3A_1047 = arith.constant 16 : i32
          %add3A_1048 = arith.addi %mul3A_1040, %add3A_1047 : i32
          %get3A_1049 = arith.index_cast %add3A_1048 : i32 to index
          %get3A_1050 = tpu.vector_load %arg6[%get3A_1049] {strides = array<i32>} : memref<20480xf32, #tpu.memory_space<vmem>>, vector<16xf32>,
          %get3A_1051 = vector.shape_cast %get3A_1050 : vector<16xf32> to vector<16xf32>
          %add3A_1052 = arith.addf %while3A_1024, %get3A_1051 : vector<16xf32>
          %add3A_1053 = arith.constant 32 : i32
          %add3A_1054 = arith.addi %mul3A_1040, %add3A_1053 : i32
          %get3A_1055 = arith.index_cast %add3A_1054 : i32 to index
          %get3A_1056 = tpu.vector_load %arg6[%get3A_1055] {strides = array<i32>} : memref<20480xf32, #tpu.memory_space<vmem>>, vector<16xf32>,
          %get3A_1057 = vector.shape_cast %get3A_1056 : vector<16xf32> to vector<16xf32>
          %add3A_1058 = arith.addf %while3A_1025, %get3A_1057 : vector<16xf32>
          %add3A_1059 = arith.constant 48 : i32
          %add3A_1060 = arith.addi %mul3A_1040, %add3A_1059 : i32
          %get3A_1061 = arith.index_cast %add3A_1060 : i32 to index
          %get3A_1062 = tpu.vector_load %arg6[%get3A_1061] {strides = array<i32>} : memref<20480xf32, #tpu.memory_space<vmem>>, vector<16xf32>,
          %get3A_1063 = vector.shape_cast %get3A_1062 : vector<16xf32> to vector<16xf32>
          %add3A_1064 = arith.addf %while3A_1026, %get3A_1063 : vector<16xf32>
          %add3A_1065 = arith.constant 64 : i32
          %add3A_1066 = arith.addi %mul3A_1040, %add3A_1065 : i32
          %get3A_1067 = arith.index_cast %add3A_1066 : i32 to index
          %get3A_1068 = tpu.vector_load %arg6[%get3A_1067] {strides = array<i32>} : memref<20480xf32, #tpu.memory_space<vmem>>, vector<16xf32>,
          %get3A_1069 = vector.shape_cast %get3A_1068 : vector<16xf32> to vector<16xf32>
          %add3A_1070 = arith.addf %while3A_1027, %get3A_1069 : vector<16xf32>
          %add3A_1071 = arith.constant 80 : i32
          %add3A_1072 = arith.addi %mul3A_1040, %add3A_1071 : i32
          %get3A_1073 = arith.index_cast %add3A_1072 : i32 to index
          %get3A_1074 = tpu.vector_load %arg6[%get3A_1073] {strides = array<i32>} : memref<20480xf32, #tpu.memory_space<vmem>>, vector<16xf32>,
          %get3A_1075 = vector.shape_cast %get3A_1074 : vector<16xf32> to vector<16xf32>
          %add3A_1076 = arith.addf %while3A_1028, %get3A_1075 : vector<16xf32>
          %add3A_1077 = arith.constant 96 : i32
          %add3A_1078 = arith.addi %mul3A_1040, %add3A_1077 : i32
          %get3A_1079 = arith.index_cast %add3A_1078 : i32 to index
          %get3A_1080 = tpu.vector_load %arg6[%get3A_1079] {strides = array<i32>} : memref<20480xf32, #tpu.memory_space<vmem>>, vector<16xf32>,
          %get3A_1081 = vector.shape_cast %get3A_1080 : vector<16xf32> to vector<16xf32>
          %add3A_1082 = arith.addf %while3A_1029, %get3A_1081 : vector<16xf32>
          %add3A_1083 = arith.constant 112 : i32
          %add3A_1084 = arith.addi %mul3A_1040, %add3A_1083 : i32
          %get3A_1085 = arith.index_cast %add3A_1084 : i32 to index
          %get3A_1086 = tpu.vector_load %arg6[%get3A_1085] {strides = array<i32>} : memref<20480xf32, #tpu.memory_space<vmem>>, vector<16xf32>,
          %get3A_1087 = vector.shape_cast %get3A_1086 : vector<16xf32> to vector<16xf32>
          %add3A_1088 = arith.addf %while3A_1030, %get3A_1087 : vector<16xf32>
          %add3A_1089 = arith.constant 128 : i32
          %add3A_1090 = arith.addi %mul3A_1040, %add3A_1089 : i32
          %get3A_1091 = arith.index_cast %add3A_1090 : i32 to index
          %get3A_1092 = tpu.vector_load %arg6[%get3A_1091] {strides = array<i32>} : memref<20480xf32, #tpu.memory_space<vmem>>, vector<16xf32>,
          %get3A_1093 = vector.shape_cast %get3A_1092 : vector<16xf32> to vector<16xf32>
          %add3A_1094 = arith.addf %while3A_1031, %get3A_1093 : vector<16xf32>
          %add3A_1095 = arith.constant 144 : i32
          %add3A_1096 = arith.addi %mul3A_1040, %add3A_1095 : i32
          %get3A_1097 = arith.index_cast %add3A_1096 : i32 to index
          %get3A_1098 = tpu.vector_load %arg6[%get3A_1097] {strides = array<i32>} : memref<20480xf32, #tpu.memory_space<vmem>>, vector<16xf32>,
          %get3A_1099 = vector.shape_cast %get3A_1098 : vector<16xf32> to vector<16xf32>
          %add3A_1100 = arith.addf %while3A_1032, %get3A_1099 : vector<16xf32>
          %add3A_1101 = arith.constant 160 : i32
          %add3A_1102 = arith.addi %mul3A_1040, %add3A_1101 : i32
          %get3A_1103 = arith.index_cast %add3A_1102 : i32 to index
          %get3A_1104 = tpu.vector_load %arg6[%get3A_1103] {strides = array<i32>} : memref<20480xf32, #tpu.memory_space<vmem>>, vector<16xf32>,
          %get3A_1105 = vector.shape_cast %get3A_1104 : vector<16xf32> to vector<16xf32>
          %add3A_1106 = arith.addf %while3A_1033, %get3A_1105 : vector<16xf32>
          %add3A_1107 = arith.constant 176 : i32
          %add3A_1108 = arith.addi %mul3A_1040, %add3A_1107 : i32
          %get3A_1109 = arith.index_cast %add3A_1108 : i32 to index
          %get3A_1110 = tpu.vector_load %arg6[%get3A_1109] {strides = array<i32>} : memref<20480xf32, #tpu.memory_space<vmem>>, vector<16xf32>,
          %get3A_1111 = vector.shape_cast %get3A_1110 : vector<16xf32> to vector<16xf32>
          %add3A_1112 = arith.addf %while3A_1034, %get3A_1111 : vector<16xf32>
          %add3A_1113 = arith.constant 192 : i32
          %add3A_1114 = arith.addi %mul3A_1040, %add3A_1113 : i32
          %get3A_1115 = arith.index_cast %add3A_1114 : i32 to index
          %get3A_1116 = tpu.vector_load %arg6[%get3A_1115] {strides = array<i32>} : memref<20480xf32, #tpu.memory_space<vmem>>, vector<16xf32>,
          %get3A_1117 = vector.shape_cast %get3A_1116 : vector<16xf32> to vector<16xf32>
          %add3A_1118 = arith.addf %while3A_1035, %get3A_1117 : vector<16xf32>
          %add3A_1119 = arith.constant 208 : i32
          %add3A_1120 = arith.addi %mul3A_1040, %add3A_1119 : i32
          %get3A_1121 = arith.index_cast %add3A_1120 : i32 to index
          %get3A_1122 = tpu.vector_load %arg6[%get3A_1121] {strides = array<i32>} : memref<20480xf32, #tpu.memory_space<vmem>>, vector<16xf32>,
          %get3A_1123 = vector.shape_cast %get3A_1122 : vector<16xf32> to vector<16xf32>
          %add3A_1124 = arith.addf %while3A_1036, %get3A_1123 : vector<16xf32>
          %add3A_1125 = arith.constant 224 : i32
          %add3A_1126 = arith.addi %mul3A_1040, %add3A_1125 : i32
          %get3A_1127 = arith.index_cast %add3A_1126 : i32 to index
          %get3A_1128 = tpu.vector_load %arg6[%get3A_1127] {strides = array<i32>} : memref<20480xf32, #tpu.memory_space<vmem>>, vector<16xf32>,
          %get3A_1129 = vector.shape_cast %get3A_1128 : vector<16xf32> to vector<16xf32>
          %add3A_1130 = arith.addf %while3A_1037, %get3A_1129 : vector<16xf32>
          %add3A_1131 = arith.constant 240 : i32
          %add3A_1132 = arith.addi %mul3A_1040, %add3A_1131 : i32
          %get3A_1133 = arith.index_cast %add3A_1132 : i32 to index
          %get3A_1134 = tpu.vector_load %arg6[%get3A_1133] {strides = array<i32>} : memref<20480xf32, #tpu.memory_space<vmem>>, vector<16xf32>,
          %get3A_1135 = vector.shape_cast %get3A_1134 : vector<16xf32> to vector<16xf32>
          %add3A_1136 = arith.addf %while3A_1038, %get3A_1135 : vector<16xf32>
          scf.yield %add3A_1046, %add3A_1052, %add3A_1058, %add3A_1064, %add3A_1070, %add3A_1076, %add3A_1082, %add3A_1088, %add3A_1094, %add3A_1100, %add3A_1106, %add3A_1112, %add3A_1118, %add3A_1124, %add3A_1130, %add3A_1136 : vector<16xf32>, vector<16xf32>, vector<16xf32>, vector<16xf32>, vector<16xf32>, vector<16xf32>, vector<16xf32>, vector<16xf32>, vector<16xf32>, vector<16xf32>, vector<16xf32>, vector<16xf32>, vector<16xf32>, vector<16xf32>, vector<16xf32>, vector<16xf32>
        }
        %get3A_894 = arith.constant 256 : index
        %get3A_895 = tpu.vector_load %arg7[%get3A_894] {strides = array<i32>} : memref<1024xf32, #tpu.memory_space<vmem>>, vector<16xf32>,
        %get3A_896 = vector.shape_cast %get3A_895 : vector<16xf32> to vector<16xf32>
        %add3A_897 = arith.addf %get3A_896, %while3A_893#0 : vector<16xf32>
        %swap3A_898 = arith.constant 256 : index
        %swap3A_899 = tpu.vector_load %arg7[%swap3A_898] {strides = array<i32>} : memref<1024xf32, #tpu.memory_space<vmem>>, vector<16xf32>,
        %swap3A_900 = vector.shape_cast %swap3A_899 : vector<16xf32> to vector<16xf32>
        %swap3A_901 = vector.shape_cast %add3A_897 : vector<16xf32> to vector<16xf32>
        tpu.vector_store %arg7[%swap3A_898], %swap3A_901 {strides = array<i32>} : memref<1024xf32, #tpu.memory_space<vmem>>, vector<16xf32>,
        %get3A_902 = arith.constant 272 : index
        %get3A_903 = tpu.vector_load %arg7[%get3A_902] {strides = array<i32>} : memref<1024xf32, #tpu.memory_space<vmem>>, vector<16xf32>,
        %get3A_904 = vector.shape_cast %get3A_903 : vector<16xf32> to vector<16xf32>
        %add3A_905 = arith.addf %get3A_904, %while3A_893#1 : vector<16xf32>
        %swap3A_906 = arith.constant 272 : index
        %swap3A_907 = tpu.vector_load %arg7[%swap3A_906] {strides = array<i32>} : memref<1024xf32, #tpu.memory_space<vmem>>, vector<16xf32>,
        %swap3A_908 = vector.shape_cast %swap3A_907 : vector<16xf32> to vector<16xf32>
        %swap3A_909 = vector.shape_cast %add3A_905 : vector<16xf32> to vector<16xf32>
        tpu.vector_store %arg7[%swap3A_906], %swap3A_909 {strides = array<i32>} : memref<1024xf32, #tpu.memory_space<vmem>>, vector<16xf32>,
        %get3A_910 = arith.constant 288 : index
        %get3A_911 = tpu.vector_load %arg7[%get3A_910] {strides = array<i32>} : memref<1024xf32, #tpu.memory_space<vmem>>, vector<16xf32>,
        %get3A_912 = vector.shape_cast %get3A_911 : vector<16xf32> to vector<16xf32>
        %add3A_913 = arith.addf %get3A_912, %while3A_893#2 : vector<16xf32>
        %swap3A_914 = arith.constant 288 : index
        %swap3A_915 = tpu.vector_load %arg7[%swap3A_914] {strides = array<i32>} : memref<1024xf32, #tpu.memory_space<vmem>>, vector<16xf32>,
        %swap3A_916 = vector.shape_cast %swap3A_915 : vector<16xf32> to vector<16xf32>
        %swap3A_917 = vector.shape_cast %add3A_913 : vector<16xf32> to vector<16xf32>
        tpu.vector_store %arg7[%swap3A_914], %swap3A_917 {strides = array<i32>} : memref<1024xf32, #tpu.memory_space<vmem>>, vector<16xf32>,
        %get3A_918 = arith.constant 304 : index
        %get3A_919 = tpu.vector_load %arg7[%get3A_918] {strides = array<i32>} : memref<1024xf32, #tpu.memory_space<vmem>>, vector<16xf32>,
        %get3A_920 = vector.shape_cast %get3A_919 : vector<16xf32> to vector<16xf32>
        %add3A_921 = arith.addf %get3A_920, %while3A_893#3 : vector<16xf32>
        %swap3A_922 = arith.constant 304 : index
        %swap3A_923 = tpu.vector_load %arg7[%swap3A_922] {strides = array<i32>} : memref<1024xf32, #tpu.memory_space<vmem>>, vector<16xf32>,
        %swap3A_924 = vector.shape_cast %swap3A_923 : vector<16xf32> to vector<16xf32>
        %swap3A_925 = vector.shape_cast %add3A_921 : vector<16xf32> to vector<16xf32>
        tpu.vector_store %arg7[%swap3A_922], %swap3A_925 {strides = array<i32>} : memref<1024xf32, #tpu.memory_space<vmem>>, vector<16xf32>,
        %get3A_926 = arith.constant 320 : index
        %get3A_927 = tpu.vector_load %arg7[%get3A_926] {strides = array<i32>} : memref<1024xf32, #tpu.memory_space<vmem>>, vector<16xf32>,
        %get3A_928 = vector.shape_cast %get3A_927 : vector<16xf32> to vector<16xf32>
        %add3A_929 = arith.addf %get3A_928, %while3A_893#4 : vector<16xf32>
        %swap3A_930 = arith.constant 320 : index
        %swap3A_931 = tpu.vector_load %arg7[%swap3A_930] {strides = array<i32>} : memref<1024xf32, #tpu.memory_space<vmem>>, vector<16xf32>,
        %swap3A_932 = vector.shape_cast %swap3A_931 : vector<16xf32> to vector<16xf32>
        %swap3A_933 = vector.shape_cast %add3A_929 : vector<16xf32> to vector<16xf32>
        tpu.vector_store %arg7[%swap3A_930], %swap3A_933 {strides = array<i32>} : memref<1024xf32, #tpu.memory_space<vmem>>, vector<16xf32>,
        %get3A_934 = arith.constant 336 : index
        %get3A_935 = tpu.vector_load %arg7[%get3A_934] {strides = array<i32>} : memref<1024xf32, #tpu.memory_space<vmem>>, vector<16xf32>,
        %get3A_936 = vector.shape_cast %get3A_935 : vector<16xf32> to vector<16xf32>
        %add3A_937 = arith.addf %get3A_936, %while3A_893#5 : vector<16xf32>
        %swap3A_938 = arith.constant 336 : index
        %swap3A_939 = tpu.vector_load %arg7[%swap3A_938] {strides = array<i32>} : memref<1024xf32, #tpu.memory_space<vmem>>, vector<16xf32>,
        %swap3A_940 = vector.shape_cast %swap3A_939 : vector<16xf32> to vector<16xf32>
        %swap3A_941 = vector.shape_cast %add3A_937 : vector<16xf32> to vector<16xf32>
        tpu.vector_store %arg7[%swap3A_938], %swap3A_941 {strides = array<i32>} : memref<1024xf32, #tpu.memory_space<vmem>>, vector<16xf32>,
        %get3A_942 = arith.constant 352 : index
        %get3A_943 = tpu.vector_load %arg7[%get3A_942] {strides = array<i32>} : memref<1024xf32, #tpu.memory_space<vmem>>, vector<16xf32>,
        %get3A_944 = vector.shape_cast %get3A_943 : vector<16xf32> to vector<16xf32>
        %add3A_945 = arith.addf %get3A_944, %while3A_893#6 : vector<16xf32>
        %swap3A_946 = arith.constant 352 : index
        %swap3A_947 = tpu.vector_load %arg7[%swap3A_946] {strides = array<i32>} : memref<1024xf32, #tpu.memory_space<vmem>>, vector<16xf32>,
        %swap3A_948 = vector.shape_cast %swap3A_947 : vector<16xf32> to vector<16xf32>
        %swap3A_949 = vector.shape_cast %add3A_945 : vector<16xf32> to vector<16xf32>
        tpu.vector_store %arg7[%swap3A_946], %swap3A_949 {strides = array<i32>} : memref<1024xf32, #tpu.memory_space<vmem>>, vector<16xf32>,
        %get3A_950 = arith.constant 368 : index
        %get3A_951 = tpu.vector_load %arg7[%get3A_950] {strides = array<i32>} : memref<1024xf32, #tpu.memory_space<vmem>>, vector<16xf32>,
        %get3A_952 = vector.shape_cast %get3A_951 : vector<16xf32> to vector<16xf32>
        %add3A_953 = arith.addf %get3A_952, %while3A_893#7 : vector<16xf32>
        %swap3A_954 = arith.constant 368 : index
        %swap3A_955 = tpu.vector_load %arg7[%swap3A_954] {strides = array<i32>} : memref<1024xf32, #tpu.memory_space<vmem>>, vector<16xf32>,
        %swap3A_956 = vector.shape_cast %swap3A_955 : vector<16xf32> to vector<16xf32>
        %swap3A_957 = vector.shape_cast %add3A_953 : vector<16xf32> to vector<16xf32>
        tpu.vector_store %arg7[%swap3A_954], %swap3A_957 {strides = array<i32>} : memref<1024xf32, #tpu.memory_space<vmem>>, vector<16xf32>,
        %get3A_958 = arith.constant 384 : index
        %get3A_959 = tpu.vector_load %arg7[%get3A_958] {strides = array<i32>} : memref<1024xf32, #tpu.memory_space<vmem>>, vector<16xf32>,
        %get3A_960 = vector.shape_cast %get3A_959 : vector<16xf32> to vector<16xf32>
        %add3A_961 = arith.addf %get3A_960, %while3A_893#8 : vector<16xf32>
        %swap3A_962 = arith.constant 384 : index
        %swap3A_963 = tpu.vector_load %arg7[%swap3A_962] {strides = array<i32>} : memref<1024xf32, #tpu.memory_space<vmem>>, vector<16xf32>,
        %swap3A_964 = vector.shape_cast %swap3A_963 : vector<16xf32> to vector<16xf32>
        %swap3A_965 = vector.shape_cast %add3A_961 : vector<16xf32> to vector<16xf32>
        tpu.vector_store %arg7[%swap3A_962], %swap3A_965 {strides = array<i32>} : memref<1024xf32, #tpu.memory_space<vmem>>, vector<16xf32>,
        %get3A_966 = arith.constant 400 : index
        %get3A_967 = tpu.vector_load %arg7[%get3A_966] {strides = array<i32>} : memref<1024xf32, #tpu.memory_space<vmem>>, vector<16xf32>,
        %get3A_968 = vector.shape_cast %get3A_967 : vector<16xf32> to vector<16xf32>
        %add3A_969 = arith.addf %get3A_968, %while3A_893#9 : vector<16xf32>
        %swap3A_970 = arith.constant 400 : index
        %swap3A_971 = tpu.vector_load %arg7[%swap3A_970] {strides = array<i32>} : memref<1024xf32, #tpu.memory_space<vmem>>, vector<16xf32>,
        %swap3A_972 = vector.shape_cast %swap3A_971 : vector<16xf32> to vector<16xf32>
        %swap3A_973 = vector.shape_cast %add3A_969 : vector<16xf32> to vector<16xf32>
        tpu.vector_store %arg7[%swap3A_970], %swap3A_973 {strides = array<i32>} : memref<1024xf32, #tpu.memory_space<vmem>>, vector<16xf32>,
        %get3A_974 = arith.constant 416 : index
        %get3A_975 = tpu.vector_load %arg7[%get3A_974] {strides = array<i32>} : memref<1024xf32, #tpu.memory_space<vmem>>, vector<16xf32>,
        %get3A_976 = vector.shape_cast %get3A_975 : vector<16xf32> to vector<16xf32>
        %add3A_977 = arith.addf %get3A_976, %while3A_893#10 : vector<16xf32>
        %swap3A_978 = arith.constant 416 : index
        %swap3A_979 = tpu.vector_load %arg7[%swap3A_978] {strides = array<i32>} : memref<1024xf32, #tpu.memory_space<vmem>>, vector<16xf32>,
        %swap3A_980 = vector.shape_cast %swap3A_979 : vector<16xf32> to vector<16xf32>
        %swap3A_981 = vector.shape_cast %add3A_977 : vector<16xf32> to vector<16xf32>
        tpu.vector_store %arg7[%swap3A_978], %swap3A_981 {strides = array<i32>} : memref<1024xf32, #tpu.memory_space<vmem>>, vector<16xf32>,
        %get3A_982 = arith.constant 432 : index
        %get3A_983 = tpu.vector_load %arg7[%get3A_982] {strides = array<i32>} : memref<1024xf32, #tpu.memory_space<vmem>>, vector<16xf32>,
        %get3A_984 = vector.shape_cast %get3A_983 : vector<16xf32> to vector<16xf32>
        %add3A_985 = arith.addf %get3A_984, %while3A_893#11 : vector<16xf32>
        %swap3A_986 = arith.constant 432 : index
        %swap3A_987 = tpu.vector_load %arg7[%swap3A_986] {strides = array<i32>} : memref<1024xf32, #tpu.memory_space<vmem>>, vector<16xf32>,
        %swap3A_988 = vector.shape_cast %swap3A_987 : vector<16xf32> to vector<16xf32>
        %swap3A_989 = vector.shape_cast %add3A_985 : vector<16xf32> to vector<16xf32>
        tpu.vector_store %arg7[%swap3A_986], %swap3A_989 {strides = array<i32>} : memref<1024xf32, #tpu.memory_space<vmem>>, vector<16xf32>,
        %get3A_990 = arith.constant 448 : index
        %get3A_991 = tpu.vector_load %arg7[%get3A_990] {strides = array<i32>} : memref<1024xf32, #tpu.memory_space<vmem>>, vector<16xf32>,
        %get3A_992 = vector.shape_cast %get3A_991 : vector<16xf32> to vector<16xf32>
        %add3A_993 = arith.addf %get3A_992, %while3A_893#12 : vector<16xf32>
        %swap3A_994 = arith.constant 448 : index
        %swap3A_995 = tpu.vector_load %arg7[%swap3A_994] {strides = array<i32>} : memref<1024xf32, #tpu.memory_space<vmem>>, vector<16xf32>,
        %swap3A_996 = vector.shape_cast %swap3A_995 : vector<16xf32> to vector<16xf32>
        %swap3A_997 = vector.shape_cast %add3A_993 : vector<16xf32> to vector<16xf32>
        tpu.vector_store %arg7[%swap3A_994], %swap3A_997 {strides = array<i32>} : memref<1024xf32, #tpu.memory_space<vmem>>, vector<16xf32>,
        %get3A_998 = arith.constant 464 : index
        %get3A_999 = tpu.vector_load %arg7[%get3A_998] {strides = array<i32>} : memref<1024xf32, #tpu.memory_space<vmem>>, vector<16xf32>,
        %get3A_1000 = vector.shape_cast %get3A_999 : vector<16xf32> to vector<16xf32>
        %add3A_1001 = arith.addf %get3A_1000, %while3A_893#13 : vector<16xf32>
        %swap3A_1002 = arith.constant 464 : index
        %swap3A_1003 = tpu.vector_load %arg7[%swap3A_1002] {strides = array<i32>} : memref<1024xf32, #tpu.memory_space<vmem>>, vector<16xf32>,
        %swap3A_1004 = vector.shape_cast %swap3A_1003 : vector<16xf32> to vector<16xf32>
        %swap3A_1005 = vector.shape_cast %add3A_1001 : vector<16xf32> to vector<16xf32>
        tpu.vector_store %arg7[%swap3A_1002], %swap3A_1005 {strides = array<i32>} : memref<1024xf32, #tpu.memory_space<vmem>>, vector<16xf32>,
        %get3A_1006 = arith.constant 480 : index
        %get3A_1007 = tpu.vector_load %arg7[%get3A_1006] {strides = array<i32>} : memref<1024xf32, #tpu.memory_space<vmem>>, vector<16xf32>,
        %get3A_1008 = vector.shape_cast %get3A_1007 : vector<16xf32> to vector<16xf32>
        %add3A_1009 = arith.addf %get3A_1008, %while3A_893#14 : vector<16xf32>
        %swap3A_1010 = arith.constant 480 : index
        %swap3A_1011 = tpu.vector_load %arg7[%swap3A_1010] {strides = array<i32>} : memref<1024xf32, #tpu.memory_space<vmem>>, vector<16xf32>,
        %swap3A_1012 = vector.shape_cast %swap3A_1011 : vector<16xf32> to vector<16xf32>
        %swap3A_1013 = vector.shape_cast %add3A_1009 : vector<16xf32> to vector<16xf32>
        tpu.vector_store %arg7[%swap3A_1010], %swap3A_1013 {strides = array<i32>} : memref<1024xf32, #tpu.memory_space<vmem>>, vector<16xf32>,
        %get3A_1014 = arith.constant 496 : index
        %get3A_1015 = tpu.vector_load %arg7[%get3A_1014] {strides = array<i32>} : memref<1024xf32, #tpu.memory_space<vmem>>, vector<16xf32>,
        %get3A_1016 = vector.shape_cast %get3A_1015 : vector<16xf32> to vector<16xf32>
        %add3A_1017 = arith.addf %get3A_1016, %while3A_893#15 : vector<16xf32>
        %swap3A_1018 = arith.constant 496 : index
        %swap3A_1019 = tpu.vector_load %arg7[%swap3A_1018] {strides = array<i32>} : memref<1024xf32, #tpu.memory_space<vmem>>, vector<16xf32>,
        %swap3A_1020 = vector.shape_cast %swap3A_1019 : vector<16xf32> to vector<16xf32>
        %swap3A_1021 = vector.shape_cast %add3A_1017 : vector<16xf32> to vector<16xf32>
        tpu.vector_store %arg7[%swap3A_1018], %swap3A_1021 {strides = array<i32>} : memref<1024xf32, #tpu.memory_space<vmem>>, vector<16xf32>,
      } else {
      }
      %max3A_864 = arith.maxsi %select_n3A_312, %mul3A_843 : i32
      %sub3A_865 = arith.subi %max3A_864, %mul3A_843 : i32
      %add3A_866 = arith.constant 80 : i32
      %add3A_867 = arith.addi %mul3A_843, %add3A_866 : i32
      %min3A_868 = arith.minsi %select_n3A_419, %add3A_867 : i32
      %sub3A_869 = arith.subi %min3A_868, %mul3A_843 : i32
      %gt3A_870 = arith.cmpi sgt, %sub3A_869, %sub3A_865 : i32
      %convert_element_type3A_871 = arith.extui %gt3A_870 : i1 to i32
      %cond3A_872 = arith.constant 0 : i32
      %cond3A_873 = arith.cmpi ne, %convert_element_type3A_871, %cond3A_872 : i32
      scf.if %cond3A_873 {
        %while3A_884 = arith.subi %sub3A_869, %sub3A_865 : i32
        %while3A_885 = arith.addi %sub3A_865, %while3A_884 : i32
        %while3A_886 = arith.constant 1 : i32
        %while3A_887 = arith.divsi %while3A_884, %while3A_886 : i32
        %while3A_888 = arith.muli %while3A_887, %while3A_886 : i32
        %while3A_889 = arith.addi %sub3A_865, %while3A_888 : i32
        %while3A_890 = arith.constant 1 : i32
        %while3A_891:16 = scf.for %while3A_1022 = %sub3A_865 to %while3A_889 step %while3A_890 iter_args(%while3A_1023 = %broadcast_in_dim3A_527, %while3A_1024 = %broadcast_in_dim3A_527, %while3A_1025 = %broadcast_in_dim3A_527, %while3A_1026 = %broadcast_in_dim3A_527, %while3A_1027 = %broadcast_in_dim3A_527, %while3A_1028 = %broadcast_in_dim3A_527, %while3A_1029 = %broadcast_in_dim3A_527, %while3A_1030 = %broadcast_in_dim3A_527, %while3A_1031 = %broadcast_in_dim3A_527, %while3A_1032 = %broadcast_in_dim3A_527, %while3A_1033 = %broadcast_in_dim3A_527, %while3A_1034 = %broadcast_in_dim3A_527, %while3A_1035 = %broadcast_in_dim3A_527, %while3A_1036 = %broadcast_in_dim3A_527, %while3A_1037 = %broadcast_in_dim3A_527, %while3A_1038 = %broadcast_in_dim3A_527) -> (vector<16xf32>, vector<16xf32>, vector<16xf32>, vector<16xf32>, vector<16xf32>, vector<16xf32>, vector<16xf32>, vector<16xf32>, vector<16xf32>, vector<16xf32>, vector<16xf32>, vector<16xf32>, vector<16xf32>, vector<16xf32>, vector<16xf32>, vector<16xf32>)  : i32 {
          %mul3A_1039 = arith.constant 256 : i32
          %mul3A_1040 = arith.muli %while3A_1022, %mul3A_1039 : i32
          %add3A_1041 = arith.constant 0 : i32
          %add3A_1042 = arith.addi %mul3A_1040, %add3A_1041 : i32
          %get3A_1043 = arith.index_cast %add3A_1042 : i32 to index
          %get3A_1044 = tpu.vector_load %arg6[%get3A_1043] {strides = array<i32>} : memref<20480xf32, #tpu.memory_space<vmem>>, vector<16xf32>,
          %get3A_1045 = vector.shape_cast %get3A_1044 : vector<16xf32> to vector<16xf32>
          %add3A_1046 = arith.addf %while3A_1023, %get3A_1045 : vector<16xf32>
          %add3A_1047 = arith.constant 16 : i32
          %add3A_1048 = arith.addi %mul3A_1040, %add3A_1047 : i32
          %get3A_1049 = arith.index_cast %add3A_1048 : i32 to index
          %get3A_1050 = tpu.vector_load %arg6[%get3A_1049] {strides = array<i32>} : memref<20480xf32, #tpu.memory_space<vmem>>, vector<16xf32>,
          %get3A_1051 = vector.shape_cast %get3A_1050 : vector<16xf32> to vector<16xf32>
          %add3A_1052 = arith.addf %while3A_1024, %get3A_1051 : vector<16xf32>
          %add3A_1053 = arith.constant 32 : i32
          %add3A_1054 = arith.addi %mul3A_1040, %add3A_1053 : i32
          %get3A_1055 = arith.index_cast %add3A_1054 : i32 to index
          %get3A_1056 = tpu.vector_load %arg6[%get3A_1055] {strides = array<i32>} : memref<20480xf32, #tpu.memory_space<vmem>>, vector<16xf32>,
          %get3A_1057 = vector.shape_cast %get3A_1056 : vector<16xf32> to vector<16xf32>
          %add3A_1058 = arith.addf %while3A_1025, %get3A_1057 : vector<16xf32>
          %add3A_1059 = arith.constant 48 : i32
          %add3A_1060 = arith.addi %mul3A_1040, %add3A_1059 : i32
          %get3A_1061 = arith.index_cast %add3A_1060 : i32 to index
          %get3A_1062 = tpu.vector_load %arg6[%get3A_1061] {strides = array<i32>} : memref<20480xf32, #tpu.memory_space<vmem>>, vector<16xf32>,
          %get3A_1063 = vector.shape_cast %get3A_1062 : vector<16xf32> to vector<16xf32>
          %add3A_1064 = arith.addf %while3A_1026, %get3A_1063 : vector<16xf32>
          %add3A_1065 = arith.constant 64 : i32
          %add3A_1066 = arith.addi %mul3A_1040, %add3A_1065 : i32
          %get3A_1067 = arith.index_cast %add3A_1066 : i32 to index
          %get3A_1068 = tpu.vector_load %arg6[%get3A_1067] {strides = array<i32>} : memref<20480xf32, #tpu.memory_space<vmem>>, vector<16xf32>,
          %get3A_1069 = vector.shape_cast %get3A_1068 : vector<16xf32> to vector<16xf32>
          %add3A_1070 = arith.addf %while3A_1027, %get3A_1069 : vector<16xf32>
          %add3A_1071 = arith.constant 80 : i32
          %add3A_1072 = arith.addi %mul3A_1040, %add3A_1071 : i32
          %get3A_1073 = arith.index_cast %add3A_1072 : i32 to index
          %get3A_1074 = tpu.vector_load %arg6[%get3A_1073] {strides = array<i32>} : memref<20480xf32, #tpu.memory_space<vmem>>, vector<16xf32>,
          %get3A_1075 = vector.shape_cast %get3A_1074 : vector<16xf32> to vector<16xf32>
          %add3A_1076 = arith.addf %while3A_1028, %get3A_1075 : vector<16xf32>
          %add3A_1077 = arith.constant 96 : i32
          %add3A_1078 = arith.addi %mul3A_1040, %add3A_1077 : i32
          %get3A_1079 = arith.index_cast %add3A_1078 : i32 to index
          %get3A_1080 = tpu.vector_load %arg6[%get3A_1079] {strides = array<i32>} : memref<20480xf32, #tpu.memory_space<vmem>>, vector<16xf32>,
          %get3A_1081 = vector.shape_cast %get3A_1080 : vector<16xf32> to vector<16xf32>
          %add3A_1082 = arith.addf %while3A_1029, %get3A_1081 : vector<16xf32>
          %add3A_1083 = arith.constant 112 : i32
          %add3A_1084 = arith.addi %mul3A_1040, %add3A_1083 : i32
          %get3A_1085 = arith.index_cast %add3A_1084 : i32 to index
          %get3A_1086 = tpu.vector_load %arg6[%get3A_1085] {strides = array<i32>} : memref<20480xf32, #tpu.memory_space<vmem>>, vector<16xf32>,
          %get3A_1087 = vector.shape_cast %get3A_1086 : vector<16xf32> to vector<16xf32>
          %add3A_1088 = arith.addf %while3A_1030, %get3A_1087 : vector<16xf32>
          %add3A_1089 = arith.constant 128 : i32
          %add3A_1090 = arith.addi %mul3A_1040, %add3A_1089 : i32
          %get3A_1091 = arith.index_cast %add3A_1090 : i32 to index
          %get3A_1092 = tpu.vector_load %arg6[%get3A_1091] {strides = array<i32>} : memref<20480xf32, #tpu.memory_space<vmem>>, vector<16xf32>,
          %get3A_1093 = vector.shape_cast %get3A_1092 : vector<16xf32> to vector<16xf32>
          %add3A_1094 = arith.addf %while3A_1031, %get3A_1093 : vector<16xf32>
          %add3A_1095 = arith.constant 144 : i32
          %add3A_1096 = arith.addi %mul3A_1040, %add3A_1095 : i32
          %get3A_1097 = arith.index_cast %add3A_1096 : i32 to index
          %get3A_1098 = tpu.vector_load %arg6[%get3A_1097] {strides = array<i32>} : memref<20480xf32, #tpu.memory_space<vmem>>, vector<16xf32>,
          %get3A_1099 = vector.shape_cast %get3A_1098 : vector<16xf32> to vector<16xf32>
          %add3A_1100 = arith.addf %while3A_1032, %get3A_1099 : vector<16xf32>
          %add3A_1101 = arith.constant 160 : i32
          %add3A_1102 = arith.addi %mul3A_1040, %add3A_1101 : i32
          %get3A_1103 = arith.index_cast %add3A_1102 : i32 to index
          %get3A_1104 = tpu.vector_load %arg6[%get3A_1103] {strides = array<i32>} : memref<20480xf32, #tpu.memory_space<vmem>>, vector<16xf32>,
          %get3A_1105 = vector.shape_cast %get3A_1104 : vector<16xf32> to vector<16xf32>
          %add3A_1106 = arith.addf %while3A_1033, %get3A_1105 : vector<16xf32>
          %add3A_1107 = arith.constant 176 : i32
          %add3A_1108 = arith.addi %mul3A_1040, %add3A_1107 : i32
          %get3A_1109 = arith.index_cast %add3A_1108 : i32 to index
          %get3A_1110 = tpu.vector_load %arg6[%get3A_1109] {strides = array<i32>} : memref<20480xf32, #tpu.memory_space<vmem>>, vector<16xf32>,
          %get3A_1111 = vector.shape_cast %get3A_1110 : vector<16xf32> to vector<16xf32>
          %add3A_1112 = arith.addf %while3A_1034, %get3A_1111 : vector<16xf32>
          %add3A_1113 = arith.constant 192 : i32
          %add3A_1114 = arith.addi %mul3A_1040, %add3A_1113 : i32
          %get3A_1115 = arith.index_cast %add3A_1114 : i32 to index
          %get3A_1116 = tpu.vector_load %arg6[%get3A_1115] {strides = array<i32>} : memref<20480xf32, #tpu.memory_space<vmem>>, vector<16xf32>,
          %get3A_1117 = vector.shape_cast %get3A_1116 : vector<16xf32> to vector<16xf32>
          %add3A_1118 = arith.addf %while3A_1035, %get3A_1117 : vector<16xf32>
          %add3A_1119 = arith.constant 208 : i32
          %add3A_1120 = arith.addi %mul3A_1040, %add3A_1119 : i32
          %get3A_1121 = arith.index_cast %add3A_1120 : i32 to index
          %get3A_1122 = tpu.vector_load %arg6[%get3A_1121] {strides = array<i32>} : memref<20480xf32, #tpu.memory_space<vmem>>, vector<16xf32>,
          %get3A_1123 = vector.shape_cast %get3A_1122 : vector<16xf32> to vector<16xf32>
          %add3A_1124 = arith.addf %while3A_1036, %get3A_1123 : vector<16xf32>
          %add3A_1125 = arith.constant 224 : i32
          %add3A_1126 = arith.addi %mul3A_1040, %add3A_1125 : i32
          %get3A_1127 = arith.index_cast %add3A_1126 : i32 to index
          %get3A_1128 = tpu.vector_load %arg6[%get3A_1127] {strides = array<i32>} : memref<20480xf32, #tpu.memory_space<vmem>>, vector<16xf32>,
          %get3A_1129 = vector.shape_cast %get3A_1128 : vector<16xf32> to vector<16xf32>
          %add3A_1130 = arith.addf %while3A_1037, %get3A_1129 : vector<16xf32>
          %add3A_1131 = arith.constant 240 : i32
          %add3A_1132 = arith.addi %mul3A_1040, %add3A_1131 : i32
          %get3A_1133 = arith.index_cast %add3A_1132 : i32 to index
          %get3A_1134 = tpu.vector_load %arg6[%get3A_1133] {strides = array<i32>} : memref<20480xf32, #tpu.memory_space<vmem>>, vector<16xf32>,
          %get3A_1135 = vector.shape_cast %get3A_1134 : vector<16xf32> to vector<16xf32>
          %add3A_1136 = arith.addf %while3A_1038, %get3A_1135 : vector<16xf32>
          scf.yield %add3A_1046, %add3A_1052, %add3A_1058, %add3A_1064, %add3A_1070, %add3A_1076, %add3A_1082, %add3A_1088, %add3A_1094, %add3A_1100, %add3A_1106, %add3A_1112, %add3A_1118, %add3A_1124, %add3A_1130, %add3A_1136 : vector<16xf32>, vector<16xf32>, vector<16xf32>, vector<16xf32>, vector<16xf32>, vector<16xf32>, vector<16xf32>, vector<16xf32>, vector<16xf32>, vector<16xf32>, vector<16xf32>, vector<16xf32>, vector<16xf32>, vector<16xf32>, vector<16xf32>, vector<16xf32>
        }
        %while3A_892 = arith.constant 1 : i32
        %while3A_893:16 = scf.for %while3A_1022 = %while3A_889 to %while3A_885 step %while3A_892 iter_args(%while3A_1023 = %while3A_891#0, %while3A_1024 = %while3A_891#1, %while3A_1025 = %while3A_891#2, %while3A_1026 = %while3A_891#3, %while3A_1027 = %while3A_891#4, %while3A_1028 = %while3A_891#5, %while3A_1029 = %while3A_891#6, %while3A_1030 = %while3A_891#7, %while3A_1031 = %while3A_891#8, %while3A_1032 = %while3A_891#9, %while3A_1033 = %while3A_891#10, %while3A_1034 = %while3A_891#11, %while3A_1035 = %while3A_891#12, %while3A_1036 = %while3A_891#13, %while3A_1037 = %while3A_891#14, %while3A_1038 = %while3A_891#15) -> (vector<16xf32>, vector<16xf32>, vector<16xf32>, vector<16xf32>, vector<16xf32>, vector<16xf32>, vector<16xf32>, vector<16xf32>, vector<16xf32>, vector<16xf32>, vector<16xf32>, vector<16xf32>, vector<16xf32>, vector<16xf32>, vector<16xf32>, vector<16xf32>)  : i32 {
          %mul3A_1039 = arith.constant 256 : i32
          %mul3A_1040 = arith.muli %while3A_1022, %mul3A_1039 : i32
          %add3A_1041 = arith.constant 0 : i32
          %add3A_1042 = arith.addi %mul3A_1040, %add3A_1041 : i32
          %get3A_1043 = arith.index_cast %add3A_1042 : i32 to index
          %get3A_1044 = tpu.vector_load %arg6[%get3A_1043] {strides = array<i32>} : memref<20480xf32, #tpu.memory_space<vmem>>, vector<16xf32>,
          %get3A_1045 = vector.shape_cast %get3A_1044 : vector<16xf32> to vector<16xf32>
          %add3A_1046 = arith.addf %while3A_1023, %get3A_1045 : vector<16xf32>
          %add3A_1047 = arith.constant 16 : i32
          %add3A_1048 = arith.addi %mul3A_1040, %add3A_1047 : i32
          %get3A_1049 = arith.index_cast %add3A_1048 : i32 to index
          %get3A_1050 = tpu.vector_load %arg6[%get3A_1049] {strides = array<i32>} : memref<20480xf32, #tpu.memory_space<vmem>>, vector<16xf32>,
          %get3A_1051 = vector.shape_cast %get3A_1050 : vector<16xf32> to vector<16xf32>
          %add3A_1052 = arith.addf %while3A_1024, %get3A_1051 : vector<16xf32>
          %add3A_1053 = arith.constant 32 : i32
          %add3A_1054 = arith.addi %mul3A_1040, %add3A_1053 : i32
          %get3A_1055 = arith.index_cast %add3A_1054 : i32 to index
          %get3A_1056 = tpu.vector_load %arg6[%get3A_1055] {strides = array<i32>} : memref<20480xf32, #tpu.memory_space<vmem>>, vector<16xf32>,
          %get3A_1057 = vector.shape_cast %get3A_1056 : vector<16xf32> to vector<16xf32>
          %add3A_1058 = arith.addf %while3A_1025, %get3A_1057 : vector<16xf32>
          %add3A_1059 = arith.constant 48 : i32
          %add3A_1060 = arith.addi %mul3A_1040, %add3A_1059 : i32
          %get3A_1061 = arith.index_cast %add3A_1060 : i32 to index
          %get3A_1062 = tpu.vector_load %arg6[%get3A_1061] {strides = array<i32>} : memref<20480xf32, #tpu.memory_space<vmem>>, vector<16xf32>,
          %get3A_1063 = vector.shape_cast %get3A_1062 : vector<16xf32> to vector<16xf32>
          %add3A_1064 = arith.addf %while3A_1026, %get3A_1063 : vector<16xf32>
          %add3A_1065 = arith.constant 64 : i32
          %add3A_1066 = arith.addi %mul3A_1040, %add3A_1065 : i32
          %get3A_1067 = arith.index_cast %add3A_1066 : i32 to index
          %get3A_1068 = tpu.vector_load %arg6[%get3A_1067] {strides = array<i32>} : memref<20480xf32, #tpu.memory_space<vmem>>, vector<16xf32>,
          %get3A_1069 = vector.shape_cast %get3A_1068 : vector<16xf32> to vector<16xf32>
          %add3A_1070 = arith.addf %while3A_1027, %get3A_1069 : vector<16xf32>
          %add3A_1071 = arith.constant 80 : i32
          %add3A_1072 = arith.addi %mul3A_1040, %add3A_1071 : i32
          %get3A_1073 = arith.index_cast %add3A_1072 : i32 to index
          %get3A_1074 = tpu.vector_load %arg6[%get3A_1073] {strides = array<i32>} : memref<20480xf32, #tpu.memory_space<vmem>>, vector<16xf32>,
          %get3A_1075 = vector.shape_cast %get3A_1074 : vector<16xf32> to vector<16xf32>
          %add3A_1076 = arith.addf %while3A_1028, %get3A_1075 : vector<16xf32>
          %add3A_1077 = arith.constant 96 : i32
          %add3A_1078 = arith.addi %mul3A_1040, %add3A_1077 : i32
          %get3A_1079 = arith.index_cast %add3A_1078 : i32 to index
          %get3A_1080 = tpu.vector_load %arg6[%get3A_1079] {strides = array<i32>} : memref<20480xf32, #tpu.memory_space<vmem>>, vector<16xf32>,
          %get3A_1081 = vector.shape_cast %get3A_1080 : vector<16xf32> to vector<16xf32>
          %add3A_1082 = arith.addf %while3A_1029, %get3A_1081 : vector<16xf32>
          %add3A_1083 = arith.constant 112 : i32
          %add3A_1084 = arith.addi %mul3A_1040, %add3A_1083 : i32
          %get3A_1085 = arith.index_cast %add3A_1084 : i32 to index
          %get3A_1086 = tpu.vector_load %arg6[%get3A_1085] {strides = array<i32>} : memref<20480xf32, #tpu.memory_space<vmem>>, vector<16xf32>,
          %get3A_1087 = vector.shape_cast %get3A_1086 : vector<16xf32> to vector<16xf32>
          %add3A_1088 = arith.addf %while3A_1030, %get3A_1087 : vector<16xf32>
          %add3A_1089 = arith.constant 128 : i32
          %add3A_1090 = arith.addi %mul3A_1040, %add3A_1089 : i32
          %get3A_1091 = arith.index_cast %add3A_1090 : i32 to index
          %get3A_1092 = tpu.vector_load %arg6[%get3A_1091] {strides = array<i32>} : memref<20480xf32, #tpu.memory_space<vmem>>, vector<16xf32>,
          %get3A_1093 = vector.shape_cast %get3A_1092 : vector<16xf32> to vector<16xf32>
          %add3A_1094 = arith.addf %while3A_1031, %get3A_1093 : vector<16xf32>
          %add3A_1095 = arith.constant 144 : i32
          %add3A_1096 = arith.addi %mul3A_1040, %add3A_1095 : i32
          %get3A_1097 = arith.index_cast %add3A_1096 : i32 to index
          %get3A_1098 = tpu.vector_load %arg6[%get3A_1097] {strides = array<i32>} : memref<20480xf32, #tpu.memory_space<vmem>>, vector<16xf32>,
          %get3A_1099 = vector.shape_cast %get3A_1098 : vector<16xf32> to vector<16xf32>
          %add3A_1100 = arith.addf %while3A_1032, %get3A_1099 : vector<16xf32>
          %add3A_1101 = arith.constant 160 : i32
          %add3A_1102 = arith.addi %mul3A_1040, %add3A_1101 : i32
          %get3A_1103 = arith.index_cast %add3A_1102 : i32 to index
          %get3A_1104 = tpu.vector_load %arg6[%get3A_1103] {strides = array<i32>} : memref<20480xf32, #tpu.memory_space<vmem>>, vector<16xf32>,
          %get3A_1105 = vector.shape_cast %get3A_1104 : vector<16xf32> to vector<16xf32>
          %add3A_1106 = arith.addf %while3A_1033, %get3A_1105 : vector<16xf32>
          %add3A_1107 = arith.constant 176 : i32
          %add3A_1108 = arith.addi %mul3A_1040, %add3A_1107 : i32
          %get3A_1109 = arith.index_cast %add3A_1108 : i32 to index
          %get3A_1110 = tpu.vector_load %arg6[%get3A_1109] {strides = array<i32>} : memref<20480xf32, #tpu.memory_space<vmem>>, vector<16xf32>,
          %get3A_1111 = vector.shape_cast %get3A_1110 : vector<16xf32> to vector<16xf32>
          %add3A_1112 = arith.addf %while3A_1034, %get3A_1111 : vector<16xf32>
          %add3A_1113 = arith.constant 192 : i32
          %add3A_1114 = arith.addi %mul3A_1040, %add3A_1113 : i32
          %get3A_1115 = arith.index_cast %add3A_1114 : i32 to index
          %get3A_1116 = tpu.vector_load %arg6[%get3A_1115] {strides = array<i32>} : memref<20480xf32, #tpu.memory_space<vmem>>, vector<16xf32>,
          %get3A_1117 = vector.shape_cast %get3A_1116 : vector<16xf32> to vector<16xf32>
          %add3A_1118 = arith.addf %while3A_1035, %get3A_1117 : vector<16xf32>
          %add3A_1119 = arith.constant 208 : i32
          %add3A_1120 = arith.addi %mul3A_1040, %add3A_1119 : i32
          %get3A_1121 = arith.index_cast %add3A_1120 : i32 to index
          %get3A_1122 = tpu.vector_load %arg6[%get3A_1121] {strides = array<i32>} : memref<20480xf32, #tpu.memory_space<vmem>>, vector<16xf32>,
          %get3A_1123 = vector.shape_cast %get3A_1122 : vector<16xf32> to vector<16xf32>
          %add3A_1124 = arith.addf %while3A_1036, %get3A_1123 : vector<16xf32>
          %add3A_1125 = arith.constant 224 : i32
          %add3A_1126 = arith.addi %mul3A_1040, %add3A_1125 : i32
          %get3A_1127 = arith.index_cast %add3A_1126 : i32 to index
          %get3A_1128 = tpu.vector_load %arg6[%get3A_1127] {strides = array<i32>} : memref<20480xf32, #tpu.memory_space<vmem>>, vector<16xf32>,
          %get3A_1129 = vector.shape_cast %get3A_1128 : vector<16xf32> to vector<16xf32>
          %add3A_1130 = arith.addf %while3A_1037, %get3A_1129 : vector<16xf32>
          %add3A_1131 = arith.constant 240 : i32
          %add3A_1132 = arith.addi %mul3A_1040, %add3A_1131 : i32
          %get3A_1133 = arith.index_cast %add3A_1132 : i32 to index
          %get3A_1134 = tpu.vector_load %arg6[%get3A_1133] {strides = array<i32>} : memref<20480xf32, #tpu.memory_space<vmem>>, vector<16xf32>,
          %get3A_1135 = vector.shape_cast %get3A_1134 : vector<16xf32> to vector<16xf32>
          %add3A_1136 = arith.addf %while3A_1038, %get3A_1135 : vector<16xf32>
          scf.yield %add3A_1046, %add3A_1052, %add3A_1058, %add3A_1064, %add3A_1070, %add3A_1076, %add3A_1082, %add3A_1088, %add3A_1094, %add3A_1100, %add3A_1106, %add3A_1112, %add3A_1118, %add3A_1124, %add3A_1130, %add3A_1136 : vector<16xf32>, vector<16xf32>, vector<16xf32>, vector<16xf32>, vector<16xf32>, vector<16xf32>, vector<16xf32>, vector<16xf32>, vector<16xf32>, vector<16xf32>, vector<16xf32>, vector<16xf32>, vector<16xf32>, vector<16xf32>, vector<16xf32>, vector<16xf32>
        }
        %get3A_894 = arith.constant 512 : index
        %get3A_895 = tpu.vector_load %arg7[%get3A_894] {strides = array<i32>} : memref<1024xf32, #tpu.memory_space<vmem>>, vector<16xf32>,
        %get3A_896 = vector.shape_cast %get3A_895 : vector<16xf32> to vector<16xf32>
        %add3A_897 = arith.addf %get3A_896, %while3A_893#0 : vector<16xf32>
        %swap3A_898 = arith.constant 512 : index
        %swap3A_899 = tpu.vector_load %arg7[%swap3A_898] {strides = array<i32>} : memref<1024xf32, #tpu.memory_space<vmem>>, vector<16xf32>,
        %swap3A_900 = vector.shape_cast %swap3A_899 : vector<16xf32> to vector<16xf32>
        %swap3A_901 = vector.shape_cast %add3A_897 : vector<16xf32> to vector<16xf32>
        tpu.vector_store %arg7[%swap3A_898], %swap3A_901 {strides = array<i32>} : memref<1024xf32, #tpu.memory_space<vmem>>, vector<16xf32>,
        %get3A_902 = arith.constant 528 : index
        %get3A_903 = tpu.vector_load %arg7[%get3A_902] {strides = array<i32>} : memref<1024xf32, #tpu.memory_space<vmem>>, vector<16xf32>,
        %get3A_904 = vector.shape_cast %get3A_903 : vector<16xf32> to vector<16xf32>
        %add3A_905 = arith.addf %get3A_904, %while3A_893#1 : vector<16xf32>
        %swap3A_906 = arith.constant 528 : index
        %swap3A_907 = tpu.vector_load %arg7[%swap3A_906] {strides = array<i32>} : memref<1024xf32, #tpu.memory_space<vmem>>, vector<16xf32>,
        %swap3A_908 = vector.shape_cast %swap3A_907 : vector<16xf32> to vector<16xf32>
        %swap3A_909 = vector.shape_cast %add3A_905 : vector<16xf32> to vector<16xf32>
        tpu.vector_store %arg7[%swap3A_906], %swap3A_909 {strides = array<i32>} : memref<1024xf32, #tpu.memory_space<vmem>>, vector<16xf32>,
        %get3A_910 = arith.constant 544 : index
        %get3A_911 = tpu.vector_load %arg7[%get3A_910] {strides = array<i32>} : memref<1024xf32, #tpu.memory_space<vmem>>, vector<16xf32>,
        %get3A_912 = vector.shape_cast %get3A_911 : vector<16xf32> to vector<16xf32>
        %add3A_913 = arith.addf %get3A_912, %while3A_893#2 : vector<16xf32>
        %swap3A_914 = arith.constant 544 : index
        %swap3A_915 = tpu.vector_load %arg7[%swap3A_914] {strides = array<i32>} : memref<1024xf32, #tpu.memory_space<vmem>>, vector<16xf32>,
        %swap3A_916 = vector.shape_cast %swap3A_915 : vector<16xf32> to vector<16xf32>
        %swap3A_917 = vector.shape_cast %add3A_913 : vector<16xf32> to vector<16xf32>
        tpu.vector_store %arg7[%swap3A_914], %swap3A_917 {strides = array<i32>} : memref<1024xf32, #tpu.memory_space<vmem>>, vector<16xf32>,
        %get3A_918 = arith.constant 560 : index
        %get3A_919 = tpu.vector_load %arg7[%get3A_918] {strides = array<i32>} : memref<1024xf32, #tpu.memory_space<vmem>>, vector<16xf32>,
        %get3A_920 = vector.shape_cast %get3A_919 : vector<16xf32> to vector<16xf32>
        %add3A_921 = arith.addf %get3A_920, %while3A_893#3 : vector<16xf32>
        %swap3A_922 = arith.constant 560 : index
        %swap3A_923 = tpu.vector_load %arg7[%swap3A_922] {strides = array<i32>} : memref<1024xf32, #tpu.memory_space<vmem>>, vector<16xf32>,
        %swap3A_924 = vector.shape_cast %swap3A_923 : vector<16xf32> to vector<16xf32>
        %swap3A_925 = vector.shape_cast %add3A_921 : vector<16xf32> to vector<16xf32>
        tpu.vector_store %arg7[%swap3A_922], %swap3A_925 {strides = array<i32>} : memref<1024xf32, #tpu.memory_space<vmem>>, vector<16xf32>,
        %get3A_926 = arith.constant 576 : index
        %get3A_927 = tpu.vector_load %arg7[%get3A_926] {strides = array<i32>} : memref<1024xf32, #tpu.memory_space<vmem>>, vector<16xf32>,
        %get3A_928 = vector.shape_cast %get3A_927 : vector<16xf32> to vector<16xf32>
        %add3A_929 = arith.addf %get3A_928, %while3A_893#4 : vector<16xf32>
        %swap3A_930 = arith.constant 576 : index
        %swap3A_931 = tpu.vector_load %arg7[%swap3A_930] {strides = array<i32>} : memref<1024xf32, #tpu.memory_space<vmem>>, vector<16xf32>,
        %swap3A_932 = vector.shape_cast %swap3A_931 : vector<16xf32> to vector<16xf32>
        %swap3A_933 = vector.shape_cast %add3A_929 : vector<16xf32> to vector<16xf32>
        tpu.vector_store %arg7[%swap3A_930], %swap3A_933 {strides = array<i32>} : memref<1024xf32, #tpu.memory_space<vmem>>, vector<16xf32>,
        %get3A_934 = arith.constant 592 : index
        %get3A_935 = tpu.vector_load %arg7[%get3A_934] {strides = array<i32>} : memref<1024xf32, #tpu.memory_space<vmem>>, vector<16xf32>,
        %get3A_936 = vector.shape_cast %get3A_935 : vector<16xf32> to vector<16xf32>
        %add3A_937 = arith.addf %get3A_936, %while3A_893#5 : vector<16xf32>
        %swap3A_938 = arith.constant 592 : index
        %swap3A_939 = tpu.vector_load %arg7[%swap3A_938] {strides = array<i32>} : memref<1024xf32, #tpu.memory_space<vmem>>, vector<16xf32>,
        %swap3A_940 = vector.shape_cast %swap3A_939 : vector<16xf32> to vector<16xf32>
        %swap3A_941 = vector.shape_cast %add3A_937 : vector<16xf32> to vector<16xf32>
        tpu.vector_store %arg7[%swap3A_938], %swap3A_941 {strides = array<i32>} : memref<1024xf32, #tpu.memory_space<vmem>>, vector<16xf32>,
        %get3A_942 = arith.constant 608 : index
        %get3A_943 = tpu.vector_load %arg7[%get3A_942] {strides = array<i32>} : memref<1024xf32, #tpu.memory_space<vmem>>, vector<16xf32>,
        %get3A_944 = vector.shape_cast %get3A_943 : vector<16xf32> to vector<16xf32>
        %add3A_945 = arith.addf %get3A_944, %while3A_893#6 : vector<16xf32>
        %swap3A_946 = arith.constant 608 : index
        %swap3A_947 = tpu.vector_load %arg7[%swap3A_946] {strides = array<i32>} : memref<1024xf32, #tpu.memory_space<vmem>>, vector<16xf32>,
        %swap3A_948 = vector.shape_cast %swap3A_947 : vector<16xf32> to vector<16xf32>
        %swap3A_949 = vector.shape_cast %add3A_945 : vector<16xf32> to vector<16xf32>
        tpu.vector_store %arg7[%swap3A_946], %swap3A_949 {strides = array<i32>} : memref<1024xf32, #tpu.memory_space<vmem>>, vector<16xf32>,
        %get3A_950 = arith.constant 624 : index
        %get3A_951 = tpu.vector_load %arg7[%get3A_950] {strides = array<i32>} : memref<1024xf32, #tpu.memory_space<vmem>>, vector<16xf32>,
        %get3A_952 = vector.shape_cast %get3A_951 : vector<16xf32> to vector<16xf32>
        %add3A_953 = arith.addf %get3A_952, %while3A_893#7 : vector<16xf32>
        %swap3A_954 = arith.constant 624 : index
        %swap3A_955 = tpu.vector_load %arg7[%swap3A_954] {strides = array<i32>} : memref<1024xf32, #tpu.memory_space<vmem>>, vector<16xf32>,
        %swap3A_956 = vector.shape_cast %swap3A_955 : vector<16xf32> to vector<16xf32>
        %swap3A_957 = vector.shape_cast %add3A_953 : vector<16xf32> to vector<16xf32>
        tpu.vector_store %arg7[%swap3A_954], %swap3A_957 {strides = array<i32>} : memref<1024xf32, #tpu.memory_space<vmem>>, vector<16xf32>,
        %get3A_958 = arith.constant 640 : index
        %get3A_959 = tpu.vector_load %arg7[%get3A_958] {strides = array<i32>} : memref<1024xf32, #tpu.memory_space<vmem>>, vector<16xf32>,
        %get3A_960 = vector.shape_cast %get3A_959 : vector<16xf32> to vector<16xf32>
        %add3A_961 = arith.addf %get3A_960, %while3A_893#8 : vector<16xf32>
        %swap3A_962 = arith.constant 640 : index
        %swap3A_963 = tpu.vector_load %arg7[%swap3A_962] {strides = array<i32>} : memref<1024xf32, #tpu.memory_space<vmem>>, vector<16xf32>,
        %swap3A_964 = vector.shape_cast %swap3A_963 : vector<16xf32> to vector<16xf32>
        %swap3A_965 = vector.shape_cast %add3A_961 : vector<16xf32> to vector<16xf32>
        tpu.vector_store %arg7[%swap3A_962], %swap3A_965 {strides = array<i32>} : memref<1024xf32, #tpu.memory_space<vmem>>, vector<16xf32>,
        %get3A_966 = arith.constant 656 : index
        %get3A_967 = tpu.vector_load %arg7[%get3A_966] {strides = array<i32>} : memref<1024xf32, #tpu.memory_space<vmem>>, vector<16xf32>,
        %get3A_968 = vector.shape_cast %get3A_967 : vector<16xf32> to vector<16xf32>
        %add3A_969 = arith.addf %get3A_968, %while3A_893#9 : vector<16xf32>
        %swap3A_970 = arith.constant 656 : index
        %swap3A_971 = tpu.vector_load %arg7[%swap3A_970] {strides = array<i32>} : memref<1024xf32, #tpu.memory_space<vmem>>, vector<16xf32>,
        %swap3A_972 = vector.shape_cast %swap3A_971 : vector<16xf32> to vector<16xf32>
        %swap3A_973 = vector.shape_cast %add3A_969 : vector<16xf32> to vector<16xf32>
        tpu.vector_store %arg7[%swap3A_970], %swap3A_973 {strides = array<i32>} : memref<1024xf32, #tpu.memory_space<vmem>>, vector<16xf32>,
        %get3A_974 = arith.constant 672 : index
        %get3A_975 = tpu.vector_load %arg7[%get3A_974] {strides = array<i32>} : memref<1024xf32, #tpu.memory_space<vmem>>, vector<16xf32>,
        %get3A_976 = vector.shape_cast %get3A_975 : vector<16xf32> to vector<16xf32>
        %add3A_977 = arith.addf %get3A_976, %while3A_893#10 : vector<16xf32>
        %swap3A_978 = arith.constant 672 : index
        %swap3A_979 = tpu.vector_load %arg7[%swap3A_978] {strides = array<i32>} : memref<1024xf32, #tpu.memory_space<vmem>>, vector<16xf32>,
        %swap3A_980 = vector.shape_cast %swap3A_979 : vector<16xf32> to vector<16xf32>
        %swap3A_981 = vector.shape_cast %add3A_977 : vector<16xf32> to vector<16xf32>
        tpu.vector_store %arg7[%swap3A_978], %swap3A_981 {strides = array<i32>} : memref<1024xf32, #tpu.memory_space<vmem>>, vector<16xf32>,
        %get3A_982 = arith.constant 688 : index
        %get3A_983 = tpu.vector_load %arg7[%get3A_982] {strides = array<i32>} : memref<1024xf32, #tpu.memory_space<vmem>>, vector<16xf32>,
        %get3A_984 = vector.shape_cast %get3A_983 : vector<16xf32> to vector<16xf32>
        %add3A_985 = arith.addf %get3A_984, %while3A_893#11 : vector<16xf32>
        %swap3A_986 = arith.constant 688 : index
        %swap3A_987 = tpu.vector_load %arg7[%swap3A_986] {strides = array<i32>} : memref<1024xf32, #tpu.memory_space<vmem>>, vector<16xf32>,
        %swap3A_988 = vector.shape_cast %swap3A_987 : vector<16xf32> to vector<16xf32>
        %swap3A_989 = vector.shape_cast %add3A_985 : vector<16xf32> to vector<16xf32>
        tpu.vector_store %arg7[%swap3A_986], %swap3A_989 {strides = array<i32>} : memref<1024xf32, #tpu.memory_space<vmem>>, vector<16xf32>,
        %get3A_990 = arith.constant 704 : index
        %get3A_991 = tpu.vector_load %arg7[%get3A_990] {strides = array<i32>} : memref<1024xf32, #tpu.memory_space<vmem>>, vector<16xf32>,
        %get3A_992 = vector.shape_cast %get3A_991 : vector<16xf32> to vector<16xf32>
        %add3A_993 = arith.addf %get3A_992, %while3A_893#12 : vector<16xf32>
        %swap3A_994 = arith.constant 704 : index
        %swap3A_995 = tpu.vector_load %arg7[%swap3A_994] {strides = array<i32>} : memref<1024xf32, #tpu.memory_space<vmem>>, vector<16xf32>,
        %swap3A_996 = vector.shape_cast %swap3A_995 : vector<16xf32> to vector<16xf32>
        %swap3A_997 = vector.shape_cast %add3A_993 : vector<16xf32> to vector<16xf32>
        tpu.vector_store %arg7[%swap3A_994], %swap3A_997 {strides = array<i32>} : memref<1024xf32, #tpu.memory_space<vmem>>, vector<16xf32>,
        %get3A_998 = arith.constant 720 : index
        %get3A_999 = tpu.vector_load %arg7[%get3A_998] {strides = array<i32>} : memref<1024xf32, #tpu.memory_space<vmem>>, vector<16xf32>,
        %get3A_1000 = vector.shape_cast %get3A_999 : vector<16xf32> to vector<16xf32>
        %add3A_1001 = arith.addf %get3A_1000, %while3A_893#13 : vector<16xf32>
        %swap3A_1002 = arith.constant 720 : index
        %swap3A_1003 = tpu.vector_load %arg7[%swap3A_1002] {strides = array<i32>} : memref<1024xf32, #tpu.memory_space<vmem>>, vector<16xf32>,
        %swap3A_1004 = vector.shape_cast %swap3A_1003 : vector<16xf32> to vector<16xf32>
        %swap3A_1005 = vector.shape_cast %add3A_1001 : vector<16xf32> to vector<16xf32>
        tpu.vector_store %arg7[%swap3A_1002], %swap3A_1005 {strides = array<i32>} : memref<1024xf32, #tpu.memory_space<vmem>>, vector<16xf32>,
        %get3A_1006 = arith.constant 736 : index
        %get3A_1007 = tpu.vector_load %arg7[%get3A_1006] {strides = array<i32>} : memref<1024xf32, #tpu.memory_space<vmem>>, vector<16xf32>,
        %get3A_1008 = vector.shape_cast %get3A_1007 : vector<16xf32> to vector<16xf32>
        %add3A_1009 = arith.addf %get3A_1008, %while3A_893#14 : vector<16xf32>
        %swap3A_1010 = arith.constant 736 : index
        %swap3A_1011 = tpu.vector_load %arg7[%swap3A_1010] {strides = array<i32>} : memref<1024xf32, #tpu.memory_space<vmem>>, vector<16xf32>,
        %swap3A_1012 = vector.shape_cast %swap3A_1011 : vector<16xf32> to vector<16xf32>
        %swap3A_1013 = vector.shape_cast %add3A_1009 : vector<16xf32> to vector<16xf32>
        tpu.vector_store %arg7[%swap3A_1010], %swap3A_1013 {strides = array<i32>} : memref<1024xf32, #tpu.memory_space<vmem>>, vector<16xf32>,
        %get3A_1014 = arith.constant 752 : index
        %get3A_1015 = tpu.vector_load %arg7[%get3A_1014] {strides = array<i32>} : memref<1024xf32, #tpu.memory_space<vmem>>, vector<16xf32>,
        %get3A_1016 = vector.shape_cast %get3A_1015 : vector<16xf32> to vector<16xf32>
        %add3A_1017 = arith.addf %get3A_1016, %while3A_893#15 : vector<16xf32>
        %swap3A_1018 = arith.constant 752 : index
        %swap3A_1019 = tpu.vector_load %arg7[%swap3A_1018] {strides = array<i32>} : memref<1024xf32, #tpu.memory_space<vmem>>, vector<16xf32>,
        %swap3A_1020 = vector.shape_cast %swap3A_1019 : vector<16xf32> to vector<16xf32>
        %swap3A_1021 = vector.shape_cast %add3A_1017 : vector<16xf32> to vector<16xf32>
        tpu.vector_store %arg7[%swap3A_1018], %swap3A_1021 {strides = array<i32>} : memref<1024xf32, #tpu.memory_space<vmem>>, vector<16xf32>,
      } else {
      }
      %max3A_874 = arith.maxsi %select_n3A_419, %mul3A_843 : i32
      %sub3A_875 = arith.subi %max3A_874, %mul3A_843 : i32
      %add3A_876 = arith.constant 80 : i32
      %add3A_877 = arith.addi %mul3A_843, %add3A_876 : i32
      %min3A_878 = arith.minsi %select_n3A_526, %add3A_877 : i32
      %sub3A_879 = arith.subi %min3A_878, %mul3A_843 : i32
      %gt3A_880 = arith.cmpi sgt, %sub3A_879, %sub3A_875 : i32
      %convert_element_type3A_881 = arith.extui %gt3A_880 : i1 to i32
      %cond3A_882 = arith.constant 0 : i32
      %cond3A_883 = arith.cmpi ne, %convert_element_type3A_881, %cond3A_882 : i32
      scf.if %cond3A_883 {
        %while3A_884 = arith.subi %sub3A_879, %sub3A_875 : i32
        %while3A_885 = arith.addi %sub3A_875, %while3A_884 : i32
        %while3A_886 = arith.constant 1 : i32
        %while3A_887 = arith.divsi %while3A_884, %while3A_886 : i32
        %while3A_888 = arith.muli %while3A_887, %while3A_886 : i32
        %while3A_889 = arith.addi %sub3A_875, %while3A_888 : i32
        %while3A_890 = arith.constant 1 : i32
        %while3A_891:16 = scf.for %while3A_1022 = %sub3A_875 to %while3A_889 step %while3A_890 iter_args(%while3A_1023 = %broadcast_in_dim3A_527, %while3A_1024 = %broadcast_in_dim3A_527, %while3A_1025 = %broadcast_in_dim3A_527, %while3A_1026 = %broadcast_in_dim3A_527, %while3A_1027 = %broadcast_in_dim3A_527, %while3A_1028 = %broadcast_in_dim3A_527, %while3A_1029 = %broadcast_in_dim3A_527, %while3A_1030 = %broadcast_in_dim3A_527, %while3A_1031 = %broadcast_in_dim3A_527, %while3A_1032 = %broadcast_in_dim3A_527, %while3A_1033 = %broadcast_in_dim3A_527, %while3A_1034 = %broadcast_in_dim3A_527, %while3A_1035 = %broadcast_in_dim3A_527, %while3A_1036 = %broadcast_in_dim3A_527, %while3A_1037 = %broadcast_in_dim3A_527, %while3A_1038 = %broadcast_in_dim3A_527) -> (vector<16xf32>, vector<16xf32>, vector<16xf32>, vector<16xf32>, vector<16xf32>, vector<16xf32>, vector<16xf32>, vector<16xf32>, vector<16xf32>, vector<16xf32>, vector<16xf32>, vector<16xf32>, vector<16xf32>, vector<16xf32>, vector<16xf32>, vector<16xf32>)  : i32 {
          %mul3A_1039 = arith.constant 256 : i32
          %mul3A_1040 = arith.muli %while3A_1022, %mul3A_1039 : i32
          %add3A_1041 = arith.constant 0 : i32
          %add3A_1042 = arith.addi %mul3A_1040, %add3A_1041 : i32
          %get3A_1043 = arith.index_cast %add3A_1042 : i32 to index
          %get3A_1044 = tpu.vector_load %arg6[%get3A_1043] {strides = array<i32>} : memref<20480xf32, #tpu.memory_space<vmem>>, vector<16xf32>,
          %get3A_1045 = vector.shape_cast %get3A_1044 : vector<16xf32> to vector<16xf32>
          %add3A_1046 = arith.addf %while3A_1023, %get3A_1045 : vector<16xf32>
          %add3A_1047 = arith.constant 16 : i32
          %add3A_1048 = arith.addi %mul3A_1040, %add3A_1047 : i32
          %get3A_1049 = arith.index_cast %add3A_1048 : i32 to index
          %get3A_1050 = tpu.vector_load %arg6[%get3A_1049] {strides = array<i32>} : memref<20480xf32, #tpu.memory_space<vmem>>, vector<16xf32>,
          %get3A_1051 = vector.shape_cast %get3A_1050 : vector<16xf32> to vector<16xf32>
          %add3A_1052 = arith.addf %while3A_1024, %get3A_1051 : vector<16xf32>
          %add3A_1053 = arith.constant 32 : i32
          %add3A_1054 = arith.addi %mul3A_1040, %add3A_1053 : i32
          %get3A_1055 = arith.index_cast %add3A_1054 : i32 to index
          %get3A_1056 = tpu.vector_load %arg6[%get3A_1055] {strides = array<i32>} : memref<20480xf32, #tpu.memory_space<vmem>>, vector<16xf32>,
          %get3A_1057 = vector.shape_cast %get3A_1056 : vector<16xf32> to vector<16xf32>
          %add3A_1058 = arith.addf %while3A_1025, %get3A_1057 : vector<16xf32>
          %add3A_1059 = arith.constant 48 : i32
          %add3A_1060 = arith.addi %mul3A_1040, %add3A_1059 : i32
          %get3A_1061 = arith.index_cast %add3A_1060 : i32 to index
          %get3A_1062 = tpu.vector_load %arg6[%get3A_1061] {strides = array<i32>} : memref<20480xf32, #tpu.memory_space<vmem>>, vector<16xf32>,
          %get3A_1063 = vector.shape_cast %get3A_1062 : vector<16xf32> to vector<16xf32>
          %add3A_1064 = arith.addf %while3A_1026, %get3A_1063 : vector<16xf32>
          %add3A_1065 = arith.constant 64 : i32
          %add3A_1066 = arith.addi %mul3A_1040, %add3A_1065 : i32
          %get3A_1067 = arith.index_cast %add3A_1066 : i32 to index
          %get3A_1068 = tpu.vector_load %arg6[%get3A_1067] {strides = array<i32>} : memref<20480xf32, #tpu.memory_space<vmem>>, vector<16xf32>,
          %get3A_1069 = vector.shape_cast %get3A_1068 : vector<16xf32> to vector<16xf32>
          %add3A_1070 = arith.addf %while3A_1027, %get3A_1069 : vector<16xf32>
          %add3A_1071 = arith.constant 80 : i32
          %add3A_1072 = arith.addi %mul3A_1040, %add3A_1071 : i32
          %get3A_1073 = arith.index_cast %add3A_1072 : i32 to index
          %get3A_1074 = tpu.vector_load %arg6[%get3A_1073] {strides = array<i32>} : memref<20480xf32, #tpu.memory_space<vmem>>, vector<16xf32>,
          %get3A_1075 = vector.shape_cast %get3A_1074 : vector<16xf32> to vector<16xf32>
          %add3A_1076 = arith.addf %while3A_1028, %get3A_1075 : vector<16xf32>
          %add3A_1077 = arith.constant 96 : i32
          %add3A_1078 = arith.addi %mul3A_1040, %add3A_1077 : i32
          %get3A_1079 = arith.index_cast %add3A_1078 : i32 to index
          %get3A_1080 = tpu.vector_load %arg6[%get3A_1079] {strides = array<i32>} : memref<20480xf32, #tpu.memory_space<vmem>>, vector<16xf32>,
          %get3A_1081 = vector.shape_cast %get3A_1080 : vector<16xf32> to vector<16xf32>
          %add3A_1082 = arith.addf %while3A_1029, %get3A_1081 : vector<16xf32>
          %add3A_1083 = arith.constant 112 : i32
          %add3A_1084 = arith.addi %mul3A_1040, %add3A_1083 : i32
          %get3A_1085 = arith.index_cast %add3A_1084 : i32 to index
          %get3A_1086 = tpu.vector_load %arg6[%get3A_1085] {strides = array<i32>} : memref<20480xf32, #tpu.memory_space<vmem>>, vector<16xf32>,
          %get3A_1087 = vector.shape_cast %get3A_1086 : vector<16xf32> to vector<16xf32>
          %add3A_1088 = arith.addf %while3A_1030, %get3A_1087 : vector<16xf32>
          %add3A_1089 = arith.constant 128 : i32
          %add3A_1090 = arith.addi %mul3A_1040, %add3A_1089 : i32
          %get3A_1091 = arith.index_cast %add3A_1090 : i32 to index
          %get3A_1092 = tpu.vector_load %arg6[%get3A_1091] {strides = array<i32>} : memref<20480xf32, #tpu.memory_space<vmem>>, vector<16xf32>,
          %get3A_1093 = vector.shape_cast %get3A_1092 : vector<16xf32> to vector<16xf32>
          %add3A_1094 = arith.addf %while3A_1031, %get3A_1093 : vector<16xf32>
          %add3A_1095 = arith.constant 144 : i32
          %add3A_1096 = arith.addi %mul3A_1040, %add3A_1095 : i32
          %get3A_1097 = arith.index_cast %add3A_1096 : i32 to index
          %get3A_1098 = tpu.vector_load %arg6[%get3A_1097] {strides = array<i32>} : memref<20480xf32, #tpu.memory_space<vmem>>, vector<16xf32>,
          %get3A_1099 = vector.shape_cast %get3A_1098 : vector<16xf32> to vector<16xf32>
          %add3A_1100 = arith.addf %while3A_1032, %get3A_1099 : vector<16xf32>
          %add3A_1101 = arith.constant 160 : i32
          %add3A_1102 = arith.addi %mul3A_1040, %add3A_1101 : i32
          %get3A_1103 = arith.index_cast %add3A_1102 : i32 to index
          %get3A_1104 = tpu.vector_load %arg6[%get3A_1103] {strides = array<i32>} : memref<20480xf32, #tpu.memory_space<vmem>>, vector<16xf32>,
          %get3A_1105 = vector.shape_cast %get3A_1104 : vector<16xf32> to vector<16xf32>
          %add3A_1106 = arith.addf %while3A_1033, %get3A_1105 : vector<16xf32>
          %add3A_1107 = arith.constant 176 : i32
          %add3A_1108 = arith.addi %mul3A_1040, %add3A_1107 : i32
          %get3A_1109 = arith.index_cast %add3A_1108 : i32 to index
          %get3A_1110 = tpu.vector_load %arg6[%get3A_1109] {strides = array<i32>} : memref<20480xf32, #tpu.memory_space<vmem>>, vector<16xf32>,
          %get3A_1111 = vector.shape_cast %get3A_1110 : vector<16xf32> to vector<16xf32>
          %add3A_1112 = arith.addf %while3A_1034, %get3A_1111 : vector<16xf32>
          %add3A_1113 = arith.constant 192 : i32
          %add3A_1114 = arith.addi %mul3A_1040, %add3A_1113 : i32
          %get3A_1115 = arith.index_cast %add3A_1114 : i32 to index
          %get3A_1116 = tpu.vector_load %arg6[%get3A_1115] {strides = array<i32>} : memref<20480xf32, #tpu.memory_space<vmem>>, vector<16xf32>,
          %get3A_1117 = vector.shape_cast %get3A_1116 : vector<16xf32> to vector<16xf32>
          %add3A_1118 = arith.addf %while3A_1035, %get3A_1117 : vector<16xf32>
          %add3A_1119 = arith.constant 208 : i32
          %add3A_1120 = arith.addi %mul3A_1040, %add3A_1119 : i32
          %get3A_1121 = arith.index_cast %add3A_1120 : i32 to index
          %get3A_1122 = tpu.vector_load %arg6[%get3A_1121] {strides = array<i32>} : memref<20480xf32, #tpu.memory_space<vmem>>, vector<16xf32>,
          %get3A_1123 = vector.shape_cast %get3A_1122 : vector<16xf32> to vector<16xf32>
          %add3A_1124 = arith.addf %while3A_1036, %get3A_1123 : vector<16xf32>
          %add3A_1125 = arith.constant 224 : i32
          %add3A_1126 = arith.addi %mul3A_1040, %add3A_1125 : i32
          %get3A_1127 = arith.index_cast %add3A_1126 : i32 to index
          %get3A_1128 = tpu.vector_load %arg6[%get3A_1127] {strides = array<i32>} : memref<20480xf32, #tpu.memory_space<vmem>>, vector<16xf32>,
          %get3A_1129 = vector.shape_cast %get3A_1128 : vector<16xf32> to vector<16xf32>
          %add3A_1130 = arith.addf %while3A_1037, %get3A_1129 : vector<16xf32>
          %add3A_1131 = arith.constant 240 : i32
          %add3A_1132 = arith.addi %mul3A_1040, %add3A_1131 : i32
          %get3A_1133 = arith.index_cast %add3A_1132 : i32 to index
          %get3A_1134 = tpu.vector_load %arg6[%get3A_1133] {strides = array<i32>} : memref<20480xf32, #tpu.memory_space<vmem>>, vector<16xf32>,
          %get3A_1135 = vector.shape_cast %get3A_1134 : vector<16xf32> to vector<16xf32>
          %add3A_1136 = arith.addf %while3A_1038, %get3A_1135 : vector<16xf32>
          scf.yield %add3A_1046, %add3A_1052, %add3A_1058, %add3A_1064, %add3A_1070, %add3A_1076, %add3A_1082, %add3A_1088, %add3A_1094, %add3A_1100, %add3A_1106, %add3A_1112, %add3A_1118, %add3A_1124, %add3A_1130, %add3A_1136 : vector<16xf32>, vector<16xf32>, vector<16xf32>, vector<16xf32>, vector<16xf32>, vector<16xf32>, vector<16xf32>, vector<16xf32>, vector<16xf32>, vector<16xf32>, vector<16xf32>, vector<16xf32>, vector<16xf32>, vector<16xf32>, vector<16xf32>, vector<16xf32>
        }
        %while3A_892 = arith.constant 1 : i32
        %while3A_893:16 = scf.for %while3A_1022 = %while3A_889 to %while3A_885 step %while3A_892 iter_args(%while3A_1023 = %while3A_891#0, %while3A_1024 = %while3A_891#1, %while3A_1025 = %while3A_891#2, %while3A_1026 = %while3A_891#3, %while3A_1027 = %while3A_891#4, %while3A_1028 = %while3A_891#5, %while3A_1029 = %while3A_891#6, %while3A_1030 = %while3A_891#7, %while3A_1031 = %while3A_891#8, %while3A_1032 = %while3A_891#9, %while3A_1033 = %while3A_891#10, %while3A_1034 = %while3A_891#11, %while3A_1035 = %while3A_891#12, %while3A_1036 = %while3A_891#13, %while3A_1037 = %while3A_891#14, %while3A_1038 = %while3A_891#15) -> (vector<16xf32>, vector<16xf32>, vector<16xf32>, vector<16xf32>, vector<16xf32>, vector<16xf32>, vector<16xf32>, vector<16xf32>, vector<16xf32>, vector<16xf32>, vector<16xf32>, vector<16xf32>, vector<16xf32>, vector<16xf32>, vector<16xf32>, vector<16xf32>)  : i32 {
          %mul3A_1039 = arith.constant 256 : i32
          %mul3A_1040 = arith.muli %while3A_1022, %mul3A_1039 : i32
          %add3A_1041 = arith.constant 0 : i32
          %add3A_1042 = arith.addi %mul3A_1040, %add3A_1041 : i32
          %get3A_1043 = arith.index_cast %add3A_1042 : i32 to index
          %get3A_1044 = tpu.vector_load %arg6[%get3A_1043] {strides = array<i32>} : memref<20480xf32, #tpu.memory_space<vmem>>, vector<16xf32>,
          %get3A_1045 = vector.shape_cast %get3A_1044 : vector<16xf32> to vector<16xf32>
          %add3A_1046 = arith.addf %while3A_1023, %get3A_1045 : vector<16xf32>
          %add3A_1047 = arith.constant 16 : i32
          %add3A_1048 = arith.addi %mul3A_1040, %add3A_1047 : i32
          %get3A_1049 = arith.index_cast %add3A_1048 : i32 to index
          %get3A_1050 = tpu.vector_load %arg6[%get3A_1049] {strides = array<i32>} : memref<20480xf32, #tpu.memory_space<vmem>>, vector<16xf32>,
          %get3A_1051 = vector.shape_cast %get3A_1050 : vector<16xf32> to vector<16xf32>
          %add3A_1052 = arith.addf %while3A_1024, %get3A_1051 : vector<16xf32>
          %add3A_1053 = arith.constant 32 : i32
          %add3A_1054 = arith.addi %mul3A_1040, %add3A_1053 : i32
          %get3A_1055 = arith.index_cast %add3A_1054 : i32 to index
          %get3A_1056 = tpu.vector_load %arg6[%get3A_1055] {strides = array<i32>} : memref<20480xf32, #tpu.memory_space<vmem>>, vector<16xf32>,
          %get3A_1057 = vector.shape_cast %get3A_1056 : vector<16xf32> to vector<16xf32>
          %add3A_1058 = arith.addf %while3A_1025, %get3A_1057 : vector<16xf32>
          %add3A_1059 = arith.constant 48 : i32
          %add3A_1060 = arith.addi %mul3A_1040, %add3A_1059 : i32
          %get3A_1061 = arith.index_cast %add3A_1060 : i32 to index
          %get3A_1062 = tpu.vector_load %arg6[%get3A_1061] {strides = array<i32>} : memref<20480xf32, #tpu.memory_space<vmem>>, vector<16xf32>,
          %get3A_1063 = vector.shape_cast %get3A_1062 : vector<16xf32> to vector<16xf32>
          %add3A_1064 = arith.addf %while3A_1026, %get3A_1063 : vector<16xf32>
          %add3A_1065 = arith.constant 64 : i32
          %add3A_1066 = arith.addi %mul3A_1040, %add3A_1065 : i32
          %get3A_1067 = arith.index_cast %add3A_1066 : i32 to index
          %get3A_1068 = tpu.vector_load %arg6[%get3A_1067] {strides = array<i32>} : memref<20480xf32, #tpu.memory_space<vmem>>, vector<16xf32>,
          %get3A_1069 = vector.shape_cast %get3A_1068 : vector<16xf32> to vector<16xf32>
          %add3A_1070 = arith.addf %while3A_1027, %get3A_1069 : vector<16xf32>
          %add3A_1071 = arith.constant 80 : i32
          %add3A_1072 = arith.addi %mul3A_1040, %add3A_1071 : i32
          %get3A_1073 = arith.index_cast %add3A_1072 : i32 to index
          %get3A_1074 = tpu.vector_load %arg6[%get3A_1073] {strides = array<i32>} : memref<20480xf32, #tpu.memory_space<vmem>>, vector<16xf32>,
          %get3A_1075 = vector.shape_cast %get3A_1074 : vector<16xf32> to vector<16xf32>
          %add3A_1076 = arith.addf %while3A_1028, %get3A_1075 : vector<16xf32>
          %add3A_1077 = arith.constant 96 : i32
          %add3A_1078 = arith.addi %mul3A_1040, %add3A_1077 : i32
          %get3A_1079 = arith.index_cast %add3A_1078 : i32 to index
          %get3A_1080 = tpu.vector_load %arg6[%get3A_1079] {strides = array<i32>} : memref<20480xf32, #tpu.memory_space<vmem>>, vector<16xf32>,
          %get3A_1081 = vector.shape_cast %get3A_1080 : vector<16xf32> to vector<16xf32>
          %add3A_1082 = arith.addf %while3A_1029, %get3A_1081 : vector<16xf32>
          %add3A_1083 = arith.constant 112 : i32
          %add3A_1084 = arith.addi %mul3A_1040, %add3A_1083 : i32
          %get3A_1085 = arith.index_cast %add3A_1084 : i32 to index
          %get3A_1086 = tpu.vector_load %arg6[%get3A_1085] {strides = array<i32>} : memref<20480xf32, #tpu.memory_space<vmem>>, vector<16xf32>,
          %get3A_1087 = vector.shape_cast %get3A_1086 : vector<16xf32> to vector<16xf32>
          %add3A_1088 = arith.addf %while3A_1030, %get3A_1087 : vector<16xf32>
          %add3A_1089 = arith.constant 128 : i32
          %add3A_1090 = arith.addi %mul3A_1040, %add3A_1089 : i32
          %get3A_1091 = arith.index_cast %add3A_1090 : i32 to index
          %get3A_1092 = tpu.vector_load %arg6[%get3A_1091] {strides = array<i32>} : memref<20480xf32, #tpu.memory_space<vmem>>, vector<16xf32>,
          %get3A_1093 = vector.shape_cast %get3A_1092 : vector<16xf32> to vector<16xf32>
          %add3A_1094 = arith.addf %while3A_1031, %get3A_1093 : vector<16xf32>
          %add3A_1095 = arith.constant 144 : i32
          %add3A_1096 = arith.addi %mul3A_1040, %add3A_1095 : i32
          %get3A_1097 = arith.index_cast %add3A_1096 : i32 to index
          %get3A_1098 = tpu.vector_load %arg6[%get3A_1097] {strides = array<i32>} : memref<20480xf32, #tpu.memory_space<vmem>>, vector<16xf32>,
          %get3A_1099 = vector.shape_cast %get3A_1098 : vector<16xf32> to vector<16xf32>
          %add3A_1100 = arith.addf %while3A_1032, %get3A_1099 : vector<16xf32>
          %add3A_1101 = arith.constant 160 : i32
          %add3A_1102 = arith.addi %mul3A_1040, %add3A_1101 : i32
          %get3A_1103 = arith.index_cast %add3A_1102 : i32 to index
          %get3A_1104 = tpu.vector_load %arg6[%get3A_1103] {strides = array<i32>} : memref<20480xf32, #tpu.memory_space<vmem>>, vector<16xf32>,
          %get3A_1105 = vector.shape_cast %get3A_1104 : vector<16xf32> to vector<16xf32>
          %add3A_1106 = arith.addf %while3A_1033, %get3A_1105 : vector<16xf32>
          %add3A_1107 = arith.constant 176 : i32
          %add3A_1108 = arith.addi %mul3A_1040, %add3A_1107 : i32
          %get3A_1109 = arith.index_cast %add3A_1108 : i32 to index
          %get3A_1110 = tpu.vector_load %arg6[%get3A_1109] {strides = array<i32>} : memref<20480xf32, #tpu.memory_space<vmem>>, vector<16xf32>,
          %get3A_1111 = vector.shape_cast %get3A_1110 : vector<16xf32> to vector<16xf32>
          %add3A_1112 = arith.addf %while3A_1034, %get3A_1111 : vector<16xf32>
          %add3A_1113 = arith.constant 192 : i32
          %add3A_1114 = arith.addi %mul3A_1040, %add3A_1113 : i32
          %get3A_1115 = arith.index_cast %add3A_1114 : i32 to index
          %get3A_1116 = tpu.vector_load %arg6[%get3A_1115] {strides = array<i32>} : memref<20480xf32, #tpu.memory_space<vmem>>, vector<16xf32>,
          %get3A_1117 = vector.shape_cast %get3A_1116 : vector<16xf32> to vector<16xf32>
          %add3A_1118 = arith.addf %while3A_1035, %get3A_1117 : vector<16xf32>
          %add3A_1119 = arith.constant 208 : i32
          %add3A_1120 = arith.addi %mul3A_1040, %add3A_1119 : i32
          %get3A_1121 = arith.index_cast %add3A_1120 : i32 to index
          %get3A_1122 = tpu.vector_load %arg6[%get3A_1121] {strides = array<i32>} : memref<20480xf32, #tpu.memory_space<vmem>>, vector<16xf32>,
          %get3A_1123 = vector.shape_cast %get3A_1122 : vector<16xf32> to vector<16xf32>
          %add3A_1124 = arith.addf %while3A_1036, %get3A_1123 : vector<16xf32>
          %add3A_1125 = arith.constant 224 : i32
          %add3A_1126 = arith.addi %mul3A_1040, %add3A_1125 : i32
          %get3A_1127 = arith.index_cast %add3A_1126 : i32 to index
          %get3A_1128 = tpu.vector_load %arg6[%get3A_1127] {strides = array<i32>} : memref<20480xf32, #tpu.memory_space<vmem>>, vector<16xf32>,
          %get3A_1129 = vector.shape_cast %get3A_1128 : vector<16xf32> to vector<16xf32>
          %add3A_1130 = arith.addf %while3A_1037, %get3A_1129 : vector<16xf32>
          %add3A_1131 = arith.constant 240 : i32
          %add3A_1132 = arith.addi %mul3A_1040, %add3A_1131 : i32
          %get3A_1133 = arith.index_cast %add3A_1132 : i32 to index
          %get3A_1134 = tpu.vector_load %arg6[%get3A_1133] {strides = array<i32>} : memref<20480xf32, #tpu.memory_space<vmem>>, vector<16xf32>,
          %get3A_1135 = vector.shape_cast %get3A_1134 : vector<16xf32> to vector<16xf32>
          %add3A_1136 = arith.addf %while3A_1038, %get3A_1135 : vector<16xf32>
          scf.yield %add3A_1046, %add3A_1052, %add3A_1058, %add3A_1064, %add3A_1070, %add3A_1076, %add3A_1082, %add3A_1088, %add3A_1094, %add3A_1100, %add3A_1106, %add3A_1112, %add3A_1118, %add3A_1124, %add3A_1130, %add3A_1136 : vector<16xf32>, vector<16xf32>, vector<16xf32>, vector<16xf32>, vector<16xf32>, vector<16xf32>, vector<16xf32>, vector<16xf32>, vector<16xf32>, vector<16xf32>, vector<16xf32>, vector<16xf32>, vector<16xf32>, vector<16xf32>, vector<16xf32>, vector<16xf32>
        }
        %get3A_894 = arith.constant 768 : index
        %get3A_895 = tpu.vector_load %arg7[%get3A_894] {strides = array<i32>} : memref<1024xf32, #tpu.memory_space<vmem>>, vector<16xf32>,
        %get3A_896 = vector.shape_cast %get3A_895 : vector<16xf32> to vector<16xf32>
        %add3A_897 = arith.addf %get3A_896, %while3A_893#0 : vector<16xf32>
        %swap3A_898 = arith.constant 768 : index
        %swap3A_899 = tpu.vector_load %arg7[%swap3A_898] {strides = array<i32>} : memref<1024xf32, #tpu.memory_space<vmem>>, vector<16xf32>,
        %swap3A_900 = vector.shape_cast %swap3A_899 : vector<16xf32> to vector<16xf32>
        %swap3A_901 = vector.shape_cast %add3A_897 : vector<16xf32> to vector<16xf32>
        tpu.vector_store %arg7[%swap3A_898], %swap3A_901 {strides = array<i32>} : memref<1024xf32, #tpu.memory_space<vmem>>, vector<16xf32>,
        %get3A_902 = arith.constant 784 : index
        %get3A_903 = tpu.vector_load %arg7[%get3A_902] {strides = array<i32>} : memref<1024xf32, #tpu.memory_space<vmem>>, vector<16xf32>,
        %get3A_904 = vector.shape_cast %get3A_903 : vector<16xf32> to vector<16xf32>
        %add3A_905 = arith.addf %get3A_904, %while3A_893#1 : vector<16xf32>
        %swap3A_906 = arith.constant 784 : index
        %swap3A_907 = tpu.vector_load %arg7[%swap3A_906] {strides = array<i32>} : memref<1024xf32, #tpu.memory_space<vmem>>, vector<16xf32>,
        %swap3A_908 = vector.shape_cast %swap3A_907 : vector<16xf32> to vector<16xf32>
        %swap3A_909 = vector.shape_cast %add3A_905 : vector<16xf32> to vector<16xf32>
        tpu.vector_store %arg7[%swap3A_906], %swap3A_909 {strides = array<i32>} : memref<1024xf32, #tpu.memory_space<vmem>>, vector<16xf32>,
        %get3A_910 = arith.constant 800 : index
        %get3A_911 = tpu.vector_load %arg7[%get3A_910] {strides = array<i32>} : memref<1024xf32, #tpu.memory_space<vmem>>, vector<16xf32>,
        %get3A_912 = vector.shape_cast %get3A_911 : vector<16xf32> to vector<16xf32>
        %add3A_913 = arith.addf %get3A_912, %while3A_893#2 : vector<16xf32>
        %swap3A_914 = arith.constant 800 : index
        %swap3A_915 = tpu.vector_load %arg7[%swap3A_914] {strides = array<i32>} : memref<1024xf32, #tpu.memory_space<vmem>>, vector<16xf32>,
        %swap3A_916 = vector.shape_cast %swap3A_915 : vector<16xf32> to vector<16xf32>
        %swap3A_917 = vector.shape_cast %add3A_913 : vector<16xf32> to vector<16xf32>
        tpu.vector_store %arg7[%swap3A_914], %swap3A_917 {strides = array<i32>} : memref<1024xf32, #tpu.memory_space<vmem>>, vector<16xf32>,
        %get3A_918 = arith.constant 816 : index
        %get3A_919 = tpu.vector_load %arg7[%get3A_918] {strides = array<i32>} : memref<1024xf32, #tpu.memory_space<vmem>>, vector<16xf32>,
        %get3A_920 = vector.shape_cast %get3A_919 : vector<16xf32> to vector<16xf32>
        %add3A_921 = arith.addf %get3A_920, %while3A_893#3 : vector<16xf32>
        %swap3A_922 = arith.constant 816 : index
        %swap3A_923 = tpu.vector_load %arg7[%swap3A_922] {strides = array<i32>} : memref<1024xf32, #tpu.memory_space<vmem>>, vector<16xf32>,
        %swap3A_924 = vector.shape_cast %swap3A_923 : vector<16xf32> to vector<16xf32>
        %swap3A_925 = vector.shape_cast %add3A_921 : vector<16xf32> to vector<16xf32>
        tpu.vector_store %arg7[%swap3A_922], %swap3A_925 {strides = array<i32>} : memref<1024xf32, #tpu.memory_space<vmem>>, vector<16xf32>,
        %get3A_926 = arith.constant 832 : index
        %get3A_927 = tpu.vector_load %arg7[%get3A_926] {strides = array<i32>} : memref<1024xf32, #tpu.memory_space<vmem>>, vector<16xf32>,
        %get3A_928 = vector.shape_cast %get3A_927 : vector<16xf32> to vector<16xf32>
        %add3A_929 = arith.addf %get3A_928, %while3A_893#4 : vector<16xf32>
        %swap3A_930 = arith.constant 832 : index
        %swap3A_931 = tpu.vector_load %arg7[%swap3A_930] {strides = array<i32>} : memref<1024xf32, #tpu.memory_space<vmem>>, vector<16xf32>,
        %swap3A_932 = vector.shape_cast %swap3A_931 : vector<16xf32> to vector<16xf32>
        %swap3A_933 = vector.shape_cast %add3A_929 : vector<16xf32> to vector<16xf32>
        tpu.vector_store %arg7[%swap3A_930], %swap3A_933 {strides = array<i32>} : memref<1024xf32, #tpu.memory_space<vmem>>, vector<16xf32>,
        %get3A_934 = arith.constant 848 : index
        %get3A_935 = tpu.vector_load %arg7[%get3A_934] {strides = array<i32>} : memref<1024xf32, #tpu.memory_space<vmem>>, vector<16xf32>,
        %get3A_936 = vector.shape_cast %get3A_935 : vector<16xf32> to vector<16xf32>
        %add3A_937 = arith.addf %get3A_936, %while3A_893#5 : vector<16xf32>
        %swap3A_938 = arith.constant 848 : index
        %swap3A_939 = tpu.vector_load %arg7[%swap3A_938] {strides = array<i32>} : memref<1024xf32, #tpu.memory_space<vmem>>, vector<16xf32>,
        %swap3A_940 = vector.shape_cast %swap3A_939 : vector<16xf32> to vector<16xf32>
        %swap3A_941 = vector.shape_cast %add3A_937 : vector<16xf32> to vector<16xf32>
        tpu.vector_store %arg7[%swap3A_938], %swap3A_941 {strides = array<i32>} : memref<1024xf32, #tpu.memory_space<vmem>>, vector<16xf32>,
        %get3A_942 = arith.constant 864 : index
        %get3A_943 = tpu.vector_load %arg7[%get3A_942] {strides = array<i32>} : memref<1024xf32, #tpu.memory_space<vmem>>, vector<16xf32>,
        %get3A_944 = vector.shape_cast %get3A_943 : vector<16xf32> to vector<16xf32>
        %add3A_945 = arith.addf %get3A_944, %while3A_893#6 : vector<16xf32>
        %swap3A_946 = arith.constant 864 : index
        %swap3A_947 = tpu.vector_load %arg7[%swap3A_946] {strides = array<i32>} : memref<1024xf32, #tpu.memory_space<vmem>>, vector<16xf32>,
        %swap3A_948 = vector.shape_cast %swap3A_947 : vector<16xf32> to vector<16xf32>
        %swap3A_949 = vector.shape_cast %add3A_945 : vector<16xf32> to vector<16xf32>
        tpu.vector_store %arg7[%swap3A_946], %swap3A_949 {strides = array<i32>} : memref<1024xf32, #tpu.memory_space<vmem>>, vector<16xf32>,
        %get3A_950 = arith.constant 880 : index
        %get3A_951 = tpu.vector_load %arg7[%get3A_950] {strides = array<i32>} : memref<1024xf32, #tpu.memory_space<vmem>>, vector<16xf32>,
        %get3A_952 = vector.shape_cast %get3A_951 : vector<16xf32> to vector<16xf32>
        %add3A_953 = arith.addf %get3A_952, %while3A_893#7 : vector<16xf32>
        %swap3A_954 = arith.constant 880 : index
        %swap3A_955 = tpu.vector_load %arg7[%swap3A_954] {strides = array<i32>} : memref<1024xf32, #tpu.memory_space<vmem>>, vector<16xf32>,
        %swap3A_956 = vector.shape_cast %swap3A_955 : vector<16xf32> to vector<16xf32>
        %swap3A_957 = vector.shape_cast %add3A_953 : vector<16xf32> to vector<16xf32>
        tpu.vector_store %arg7[%swap3A_954], %swap3A_957 {strides = array<i32>} : memref<1024xf32, #tpu.memory_space<vmem>>, vector<16xf32>,
        %get3A_958 = arith.constant 896 : index
        %get3A_959 = tpu.vector_load %arg7[%get3A_958] {strides = array<i32>} : memref<1024xf32, #tpu.memory_space<vmem>>, vector<16xf32>,
        %get3A_960 = vector.shape_cast %get3A_959 : vector<16xf32> to vector<16xf32>
        %add3A_961 = arith.addf %get3A_960, %while3A_893#8 : vector<16xf32>
        %swap3A_962 = arith.constant 896 : index
        %swap3A_963 = tpu.vector_load %arg7[%swap3A_962] {strides = array<i32>} : memref<1024xf32, #tpu.memory_space<vmem>>, vector<16xf32>,
        %swap3A_964 = vector.shape_cast %swap3A_963 : vector<16xf32> to vector<16xf32>
        %swap3A_965 = vector.shape_cast %add3A_961 : vector<16xf32> to vector<16xf32>
        tpu.vector_store %arg7[%swap3A_962], %swap3A_965 {strides = array<i32>} : memref<1024xf32, #tpu.memory_space<vmem>>, vector<16xf32>,
        %get3A_966 = arith.constant 912 : index
        %get3A_967 = tpu.vector_load %arg7[%get3A_966] {strides = array<i32>} : memref<1024xf32, #tpu.memory_space<vmem>>, vector<16xf32>,
        %get3A_968 = vector.shape_cast %get3A_967 : vector<16xf32> to vector<16xf32>
        %add3A_969 = arith.addf %get3A_968, %while3A_893#9 : vector<16xf32>
        %swap3A_970 = arith.constant 912 : index
        %swap3A_971 = tpu.vector_load %arg7[%swap3A_970] {strides = array<i32>} : memref<1024xf32, #tpu.memory_space<vmem>>, vector<16xf32>,
        %swap3A_972 = vector.shape_cast %swap3A_971 : vector<16xf32> to vector<16xf32>
        %swap3A_973 = vector.shape_cast %add3A_969 : vector<16xf32> to vector<16xf32>
        tpu.vector_store %arg7[%swap3A_970], %swap3A_973 {strides = array<i32>} : memref<1024xf32, #tpu.memory_space<vmem>>, vector<16xf32>,
        %get3A_974 = arith.constant 928 : index
        %get3A_975 = tpu.vector_load %arg7[%get3A_974] {strides = array<i32>} : memref<1024xf32, #tpu.memory_space<vmem>>, vector<16xf32>,
        %get3A_976 = vector.shape_cast %get3A_975 : vector<16xf32> to vector<16xf32>
        %add3A_977 = arith.addf %get3A_976, %while3A_893#10 : vector<16xf32>
        %swap3A_978 = arith.constant 928 : index
        %swap3A_979 = tpu.vector_load %arg7[%swap3A_978] {strides = array<i32>} : memref<1024xf32, #tpu.memory_space<vmem>>, vector<16xf32>,
        %swap3A_980 = vector.shape_cast %swap3A_979 : vector<16xf32> to vector<16xf32>
        %swap3A_981 = vector.shape_cast %add3A_977 : vector<16xf32> to vector<16xf32>
        tpu.vector_store %arg7[%swap3A_978], %swap3A_981 {strides = array<i32>} : memref<1024xf32, #tpu.memory_space<vmem>>, vector<16xf32>,
        %get3A_982 = arith.constant 944 : index
        %get3A_983 = tpu.vector_load %arg7[%get3A_982] {strides = array<i32>} : memref<1024xf32, #tpu.memory_space<vmem>>, vector<16xf32>,
        %get3A_984 = vector.shape_cast %get3A_983 : vector<16xf32> to vector<16xf32>
        %add3A_985 = arith.addf %get3A_984, %while3A_893#11 : vector<16xf32>
        %swap3A_986 = arith.constant 944 : index
        %swap3A_987 = tpu.vector_load %arg7[%swap3A_986] {strides = array<i32>} : memref<1024xf32, #tpu.memory_space<vmem>>, vector<16xf32>,
        %swap3A_988 = vector.shape_cast %swap3A_987 : vector<16xf32> to vector<16xf32>
        %swap3A_989 = vector.shape_cast %add3A_985 : vector<16xf32> to vector<16xf32>
        tpu.vector_store %arg7[%swap3A_986], %swap3A_989 {strides = array<i32>} : memref<1024xf32, #tpu.memory_space<vmem>>, vector<16xf32>,
        %get3A_990 = arith.constant 960 : index
        %get3A_991 = tpu.vector_load %arg7[%get3A_990] {strides = array<i32>} : memref<1024xf32, #tpu.memory_space<vmem>>, vector<16xf32>,
        %get3A_992 = vector.shape_cast %get3A_991 : vector<16xf32> to vector<16xf32>
        %add3A_993 = arith.addf %get3A_992, %while3A_893#12 : vector<16xf32>
        %swap3A_994 = arith.constant 960 : index
        %swap3A_995 = tpu.vector_load %arg7[%swap3A_994] {strides = array<i32>} : memref<1024xf32, #tpu.memory_space<vmem>>, vector<16xf32>,
        %swap3A_996 = vector.shape_cast %swap3A_995 : vector<16xf32> to vector<16xf32>
        %swap3A_997 = vector.shape_cast %add3A_993 : vector<16xf32> to vector<16xf32>
        tpu.vector_store %arg7[%swap3A_994], %swap3A_997 {strides = array<i32>} : memref<1024xf32, #tpu.memory_space<vmem>>, vector<16xf32>,
        %get3A_998 = arith.constant 976 : index
        %get3A_999 = tpu.vector_load %arg7[%get3A_998] {strides = array<i32>} : memref<1024xf32, #tpu.memory_space<vmem>>, vector<16xf32>,
        %get3A_1000 = vector.shape_cast %get3A_999 : vector<16xf32> to vector<16xf32>
        %add3A_1001 = arith.addf %get3A_1000, %while3A_893#13 : vector<16xf32>
        %swap3A_1002 = arith.constant 976 : index
        %swap3A_1003 = tpu.vector_load %arg7[%swap3A_1002] {strides = array<i32>} : memref<1024xf32, #tpu.memory_space<vmem>>, vector<16xf32>,
        %swap3A_1004 = vector.shape_cast %swap3A_1003 : vector<16xf32> to vector<16xf32>
        %swap3A_1005 = vector.shape_cast %add3A_1001 : vector<16xf32> to vector<16xf32>
        tpu.vector_store %arg7[%swap3A_1002], %swap3A_1005 {strides = array<i32>} : memref<1024xf32, #tpu.memory_space<vmem>>, vector<16xf32>,
        %get3A_1006 = arith.constant 992 : index
        %get3A_1007 = tpu.vector_load %arg7[%get3A_1006] {strides = array<i32>} : memref<1024xf32, #tpu.memory_space<vmem>>, vector<16xf32>,
        %get3A_1008 = vector.shape_cast %get3A_1007 : vector<16xf32> to vector<16xf32>
        %add3A_1009 = arith.addf %get3A_1008, %while3A_893#14 : vector<16xf32>
        %swap3A_1010 = arith.constant 992 : index
        %swap3A_1011 = tpu.vector_load %arg7[%swap3A_1010] {strides = array<i32>} : memref<1024xf32, #tpu.memory_space<vmem>>, vector<16xf32>,
        %swap3A_1012 = vector.shape_cast %swap3A_1011 : vector<16xf32> to vector<16xf32>
        %swap3A_1013 = vector.shape_cast %add3A_1009 : vector<16xf32> to vector<16xf32>
        tpu.vector_store %arg7[%swap3A_1010], %swap3A_1013 {strides = array<i32>} : memref<1024xf32, #tpu.memory_space<vmem>>, vector<16xf32>,
        %get3A_1014 = arith.constant 1008 : index
        %get3A_1015 = tpu.vector_load %arg7[%get3A_1014] {strides = array<i32>} : memref<1024xf32, #tpu.memory_space<vmem>>, vector<16xf32>,
        %get3A_1016 = vector.shape_cast %get3A_1015 : vector<16xf32> to vector<16xf32>
        %add3A_1017 = arith.addf %get3A_1016, %while3A_893#15 : vector<16xf32>
        %swap3A_1018 = arith.constant 1008 : index
        %swap3A_1019 = tpu.vector_load %arg7[%swap3A_1018] {strides = array<i32>} : memref<1024xf32, #tpu.memory_space<vmem>>, vector<16xf32>,
        %swap3A_1020 = vector.shape_cast %swap3A_1019 : vector<16xf32> to vector<16xf32>
        %swap3A_1021 = vector.shape_cast %add3A_1017 : vector<16xf32> to vector<16xf32>
        tpu.vector_store %arg7[%swap3A_1018], %swap3A_1021 {strides = array<i32>} : memref<1024xf32, #tpu.memory_space<vmem>>, vector<16xf32>,
      } else {
      }
    }
    %mul3A_839 = arith.constant 256 : i32
    %mul3A_840 = arith.muli %mul3A_2, %mul3A_839 : i32
    "tpu.region"() ({
      %run_scoped3A = tpu.sem_alloc : memref<!tpu.dma_semaphore, #tpu.memory_space<semaphore_mem>>
      %dma_start3A = tpu.memref_slice %arg4[%mul3A_840] : memref<32768xf32, #tpu.memory_space<hbm>> -> memref<1024xf32, #tpu.memory_space<hbm>>
      %dma_start3A_841 = tpu.memref_slice %arg4[%mul3A_840] : memref<32768xf32, #tpu.memory_space<hbm>> -> memref<1024xf32, #tpu.memory_space<hbm>>
      tpu.enqueue_dma source(%arg7 : memref<1024xf32, #tpu.memory_space<vmem>>) target(%dma_start3A_841 : memref<1024xf32, #tpu.memory_space<hbm>>) target_semaphore(%run_scoped3A : memref<!tpu.dma_semaphore, #tpu.memory_space<semaphore_mem>>)
      %dma_wait3A = tpu.memref_slice %arg4[%mul3A_840] : memref<32768xf32, #tpu.memory_space<hbm>> -> memref<1024xf32, #tpu.memory_space<hbm>>
      %dma_wait3A_842 = tpu.memref_slice %arg4[%mul3A_840] : memref<32768xf32, #tpu.memory_space<hbm>> -> memref<1024xf32, #tpu.memory_space<hbm>>
      tpu.wait_dma2 semaphore(%run_scoped3A : memref<!tpu.dma_semaphore, #tpu.memory_space<semaphore_mem>>) src(%arg7 : memref<1024xf32, #tpu.memory_space<vmem>>) dst(%dma_wait3A_842 : memref<1024xf32, #tpu.memory_space<hbm>>)
      tpu.yield
    }) : () -> ()
    return
  }
}

</mosaic_0001>

<sc_bundles>
// kernel: kernel.3.cloned.1.call-start
scs
__scs_entry_jumppad:
0x0: {  	(pc) =	sbr.rel $0x88, $3  }
0x1: {  	(tag) =	ssettag $0x0;
	lr =	simm.s32 $0x1  }
0x2: {  	[smem:$0x3F9F] =	sst lr;
	_ =	strace $0xD0000000  }
0x3: {  	_ = 	snop  }
0x4: {  	_ = 	snop  }
0x5: {  	_ = 	snop  }
0x6: {  	_ = 	snop  }
0x7: {  	_ = 	snop  }
__scs_overlays_trampoline_lowered:
0x8: {  	[smem:$0x3FAE] =	sst s0  }
0x9: {  	[smem:$0x3FAF] =	sst s1  }
0xa: {  	[smem:$0x3FB0] =	sst s2  }
0xb: {  	[smem:$0x3FB1] =	sst s3  }
0xc: {  	[smem:$0x3FB2] =	sst s4  }
0xd: {  	[smem:$0x3FB3] =	sst s5  }
0xe: {  	[smem:$0x3FB4] =	sst s6  }
0xf: {  	[smem:$0x3FB5] =	sst s7  }
0x10: {  	[smem:$0x3FB6] =	sst s8  }
0x11: {  	[smem:$0x3FB7] =	sst s9;
	s0 =	simm.s32 @!p0 $0x0  }
0x12: {  	s1 =	sld [smem:$0x3F9D];
	s0 =	simm.s32 @p0 $0x1  }
0x13: {  	[smem:$0x3FB8] =	sst s0;
	s0 =	simm.s32 @!p1 $0x0  }
0x14: {  	s2 =	sld [smem:$0x3F9C];
	s0 =	simm.s32 @p1 $0x1  }
0x15: {  	[smem:$0x3FB9] =	sst s0;
	s0 =	simm.s32 @!p2 $0x0  }
0x16: {  	s3 =	sld [smem:$0x3FDB];
	s0 =	simm.s32 @p2 $0x1  }
0x17: {  	s4 =	simm.s32 $0x1BF5;
	[smem:$0x3FBB] =	sst s0  }
0x18: {  	s0 =	sld [smem:$0x3F9E];
	_ =	swait.ge [sflag:s4], $0x0  }
0x19: {  	s7 =	sld [smem:$0x3F9F]  }
0x1a: {  	s8 =	sadd.s32 $0xFFFFE003, lr  }
0x1b: {  	s9 =	sadd.s32 $0xFFFFFEF7, lr;
	s5 =	simm.s32 $0xFFFFFFFF;
	p2 =	slt.u32 s8, $0xFFFFF086  }
0x1c: {  	p1 =	slt.u32 s9, $0xF7A;
	s5 =	simm.s32 @!p2 $0x0  }
0x1d: {  	s5 =	simm.s32 @p1 $0x1;
	p0 =	seq.s32 s7, s2  }
0x1e: {  	s7 =	smul.u32 @!p0 $0xF7A, s2;
	p2 =	seq.s32 @!p0 s5, $0x0  }
0x1f: {  	s9 =	smul.u32 $0xF7A, s1;
	s8 =	simm.s32 @!p0 $0x1BF5;
	p2 =	por !p2, p0  }
0x20: {  	[sflag:s8] =	ssyncset.s32 @!p0 $0xFFFFF086;
	s6 =	sadd.s32 @!p0 s3, s7;
	s7 =	simm.s32 @!p0 $0x108  }
0x21: {  	s3 =	sadd.s32 s3, s9;
	s6 =	sadd.s32 @!p0 $0x88, s6;
	s7 =	simm.s32 @p2 $0x1082  }
0x22: {  	[simem:s7], [sflag:s8] =	dma.local @!p0 [hbm:s6], $0xF7A  }
0x23: {  	s9 =	sor.u32 $0xD0000000, s2;
	s6 =	simm.s32 $0x108;
	_ =	swait.ge @!p0 [sflag:s8], $0x0  }
0x24: {  	s3 =	sadd.s32 $0x88, s3;
	s6 =	simm.s32 @!p1 $0x1082;
	[sflag:s4] =	ssyncset.s32 $0xFFFFF086  }
0x25: {  	[simem:s6], [sflag:s4] =	dma.local [hbm:s3], $0xF7A  }
0x26: {  	[smem:$0x3F9F] =	sst s1;
	(tag) =	ssettag s2;
	_ =	strace s9  }
0x27: {  	s1 =	sld [smem:$0x3FAF]  }
0x28: {  	s2 =	sld [smem:$0x3FB0]  }
0x29: {  	s4 =	sld [smem:$0x3FB2]  }
0x2a: {  	p0 =	seq.s32 s5, $0x0;
	s5 =	sld [smem:$0x3FB3]  }
0x2b: {  	s6 =	sld [smem:$0x3FB4]  }
0x2c: {  	s7 =	sld [smem:$0x3FB5]  }
0x2d: {  	s3 =	simm.s32 $0x108;
	s8 =	sld [smem:$0x3FB6]  }
0x2e: {  	s3 =	simm.s32 @!p0 $0x1082;
	s9 =	sld [smem:$0x3FB7]  }
0x2f: {  	lr =	sadd.s32 s0, s3;
	s0 =	sld [smem:$0x3FAE]  }
0x30: {  	s3 =	sld [smem:$0x3FB1]  }
0x31: {  	[smem:$0x3FBA] =	sst s10  }
0x32: {  	s10 =	sld [smem:$0x3FB8];
	_ =	sdelay $0x3  }
0x33: {  	p0 =	seq.s32 s10, $0x1;
	s10 =	sld [smem:$0x3FBA];
	_ =	sdelay $0x3  }
0x34: {  	[smem:$0x3FBA] =	sst s10  }
0x35: {  	s10 =	sld [smem:$0x3FB9];
	_ =	sdelay $0x3  }
0x36: {  	p1 =	seq.s32 s10, $0x1;
	s10 =	sld [smem:$0x3FBA];
	_ =	sdelay $0x3  }
0x37: {  	[smem:$0x3FBA] =	sst s10  }
0x38: {  	s10 =	sld [smem:$0x3FBB]  }
0x39: {  	_ = 	snop;
	(pc) =	sbr.ind lr, $3  }
0x3a: {  	_ = 	snop  }
0x3b: {  	_ = 	snop  }
0x3c: {  	p2 =	seq.s32 s10, $0x1;
	s10 =	sld [smem:$0x3FBA]  }
0x3d: {  	_ =	shalt  }
0x3e: {  	_ =	shalt  }
0x3f: {  	_ =	shalt  }
0x40: {  	_ =	shalt  }
0x41: {  	_ =	shalt  }
0x42: {  	_ =	shalt  }
0x43: {  	_ =	shalt  }
0x44: {  	_ =	shalt  }
0x45: {  	_ =	shalt  }
0x46: {  	_ =	shalt  }
0x47: {  	_ =	shalt  }
0x48: {  	_ =	shalt  }
0x49: {  	_ =	shalt  }
0x4a: {  	_ =	shalt  }
0x4b: {  	_ =	shalt  }
0x4c: {  	_ =	shalt  }
0x4d: {  	_ =	shalt  }
0x4e: {  	_ =	shalt  }
0x4f: {  	_ =	shalt  }
0x50: {  	_ =	shalt  }
0x51: {  	_ =	shalt  }
0x52: {  	_ =	shalt  }
0x53: {  	_ =	shalt  }
0x54: {  	_ =	shalt  }
0x55: {  	_ =	shalt  }
0x56: {  	_ =	shalt  }
0x57: {  	_ =	shalt  }
0x58: {  	_ =	shalt  }
0x59: {  	_ =	shalt  }
0x5a: {  	_ =	shalt  }
0x5b: {  	_ =	shalt  }
0x5c: {  	_ =	shalt  }
0x5d: {  	_ =	shalt  }
0x5e: {  	_ =	shalt  }
0x5f: {  	_ =	shalt  }
0x60: {  	_ =	shalt  }
0x61: {  	_ =	shalt  }
0x62: {  	_ =	shalt  }
0x63: {  	_ =	shalt  }
0x64: {  	_ =	shalt  }
0x65: {  	_ =	shalt  }
0x66: {  	_ =	shalt  }
0x67: {  	_ =	shalt  }
0x68: {  	_ =	shalt  }
0x69: {  	_ =	shalt  }
0x6a: {  	_ =	shalt  }
0x6b: {  	_ =	shalt  }
0x6c: {  	_ =	shalt  }
0x6d: {  	_ =	shalt  }
0x6e: {  	_ =	shalt  }
0x6f: {  	_ =	shalt  }
0x70: {  	_ =	shalt  }
0x71: {  	_ =	shalt  }
0x72: {  	_ =	shalt  }
0x73: {  	_ =	shalt  }
0x74: {  	_ =	shalt  }
0x75: {  	_ =	shalt  }
0x76: {  	_ =	shalt  }
0x77: {  	_ =	shalt  }
0x78: {  	_ =	shalt  }
0x79: {  	_ =	shalt  }
0x7a: {  	_ =	shalt  }
0x7b: {  	_ =	shalt  }
0x7c: {  	_ =	shalt  }
0x7d: {  	_ =	shalt  }
0x7e: {  	_ =	shalt  }
0x7f: {  	_ =	shalt  }
0x80: {  	_ =	shalt  }
0x81: {  	_ =	shalt  }
0x82: {  	_ =	shalt  }
0x83: {  	_ =	shalt  }
0x84: {  	_ =	shalt  }
0x85: {  	_ =	shalt  }
0x86: {  	_ =	shalt  }
0x87: {  	_ =	shalt  }
.Lfunc_end0:
.L_simem_size_0:
called_computation.1_lowered:
.L_overlay_start_0:
0x88: {  	s2 =	sld [smem:$0x3FD9]  }
0x89: {  	s3 =	sld [smem:$0x3FFE];
	_ =	sdelay $0x1  }
0x8a: {  	s1 =	srdreg.scid  }
0x8b: {  	s0 =	sand.u32 $0x1, s1  }
0x8c: {  	s17 =	sshll.u32 s0, $0xA;
	s2 =	sadd.s32 s3, s2  }
0x8d: {  	s2 =	sadd.s32 s2, s17  }
0x8e: {  	[smem:$0x3FC6] =	sst s2  }
0x8f: {  	_ = 	snop  }
0x90: {  	s2 =	sld [smem:$0x3FC8];
	(tm) =	ssettm $0x1  }
0x91: {  	s18 =	sld [smem:$0x3FFB];
	_ =	sdelay $0x3  }
0x92: {  	_ =	strace s18  }
0x93: {  	s3 =	sld [smem:$0x3FFC];
	_ =	sdelay $0x3  }
0x94: {  	_ =	strace s3  }
0x95: {  	s3 =	sld [smem:$0x3FFD];
	_ =	sdelay $0x3  }
0x96: {  	_ =	strace s3  }
0x97: {  	_ =	strace $0x8FFFFFFF  }
0x98: {  	s19 =	sld [smem:$0x3FDB];
	_ =	sdelay $0x1  }
0x99: {  	s4 =	simm.s32 $_scs_section_size  }
0x9a: {  	s5 =	simm.s32 $_size__tile_overlayer_lowered;
	s6 =	simm.s32 $_tile_overlayer_lowered  }
0x9b: {  	s22 =	simm.s32 $0x1BFF;
	s21 =	sshll.u32 s6, $0x1;
	s3 =	sadd.s32 s4, s19  }
0x9c: {  	s7 =	simm.s32 $0x0;
	s20 =	sshll.u32 s5, $0x1;
	s5 =	sadd.s32 s21, s3  }
0x9d: {  	[timem:s7], [sflag:s22] =	dma.local [hbm:s5], s20  }
0x9e: {  	_ =	swait.ge [sflag:s22], s20  }
0x9f: {  	s4 =	ssub.s32 $0x0, s20;
	[sflag:s22] =	ssyncset.done $0x0  }
0xa0: {  	[sflag:s22] =	ssyncadd.s32 s4;
	_ =	sdelay $0x1  }
0xa1: {  	s23 =	simm.s32 $0x1B8B  }
0xa2: {  	_ =	swait.ge [sflag:s23], $0x1  }
0xa3: {  	[sflag:s23] =	ssyncset.done $0x0  }
0xa4: {  	s25 =	simm.s32 $0x1B8E;
	s24 =	sld [smem:$0x3FFE];
	[sflag:s23] =	ssyncadd.s32 $0xFFFFFFFF  }
0xa5: {  	s26 =	simm.s32 $execute0_lowered;
	[smem:$0x3FD2] =	sst s25  }
0xa6: {  	s5 =	sshll.u32 s26, $0x1;
	_ =	strace $0x80000049;
	[dreg:$0x1] =	wrdreg $0xFFFFFFFF  }
0xa7: {  	s28 =	simm.s32 $_size_execute0_lowered;
	s3 =	sadd.s32 s3, s5;
	[dreg:$0x0] =	wrdreg $0x0  }
0xa8: {  	s5 =	sshll.u32 s28, $0x1;
	[dreg:$0x2] =	wrdreg s3  }
0xa9: {  	[dreg:$0x3] =	wrdreg s5  }
0xaa: {  	[dreg:$0x4] =	wrdreg $0xC0  }
0xab: {  	_ =	task [dreg:s7], $0x5FFFF  }
0xac: {  	[dreg:$0x1] =	wrdreg $0xFFFFFFFF  }
0xad: {  	[dreg:$0x0] =	wrdreg $0x60  }
0xae: {  	[dreg:$0x2] =	wrdreg s24  }
0xaf: {  	[dreg:$0x3] =	wrdreg s2  }
0xb0: {  	[dreg:$0x4] =	wrdreg $0x9  }
0xb1: {  	_ =	task.clear_ibuf [dreg:s7], $0x5FFFF;
	_ =	strace $0x90000049  }
0xb2: {  	s29 =	simm.s32 $0x9;
	_ =	strace $0x8000004B  }
0xb3: {  	_ =	swait.ge [sflag:s29], $0x1  }
0xb4: {  	[sflag:s29] =	ssyncadd.s32 $0xFFFFFFFF  }
0xb5: {  	_ =	strace $0x9000004B  }
0xb6: {  	_ =	sfence  }
0xb7: {  	s30 =	sld [smem:$0x0];
	_ =	sdelay $0x2  }
0xb8: {  	s31 =	sshll.u32 s1, $0xD;
	s1 =	sshrl.u32 s1, $0x2  }
0xb9: {  	s3 =	sand.u32 $0x4000, s31;
	s1 =	sadd.s32 s1, s30  }
0xba: {  	s0 =	sor.u32 s3, s0;
	s1 =	sshll.u32 s1, $0x11  }
0xbb: {  	s0 =	sor.u32 s1, s0  }
0xbc: {  	s0 =	sadd.s32 $0x8F2B, s0  }
0xbd: {  	[sflag:s0] =	ssyncadd.remote.s32 $0x1  }
0xbe: {  	_ =	sfence.sel $0xFFFF  }
0xbf: {  	[dreg:$0x0] =	wrdreg $0xFFFFFFFF;
	(pc) =	sbr.abs _section_cstart, $3  }
0xc0: {  	[dreg:$0x1] =	wrdreg $0xFFFFFFFF  }
0xc1: {  	_ =	task.clear_ibuf [dreg:s7], $0x2FFFF;
	_ =	strace $0x9FFFFFFF  }
0xc2: {  	(tm) =	ssettm $0x7FFFFFFF  }
0xc3: {  	_ =	shalt  }
tec
execute0_lowered:
.L_overlay_start_1:
0x0: {  	(tag) =	ssettag $0x1  }
0x1: {  	s0 =	rddreg [dreg:$0x0];
	s3 =	simm.s32 $0x0;
	s1 =	srdreg.scid  }
0x2: {  	s2 =	stileid.u32;
	s11 =	simm.s32 $0x1;
	s12 =	simm.s32 $0xC380  }
0x3: {  	[smem:$0x7FF] =	sst s3;
	s1 =	sand.u32 $0x1, s1;
	s2 =	sshll.u32 s2, $0x1  }
0x4: {  	s4 =	sadd.s32 $0x800, s0;
	_ =	strace $0x8000004A;
	s2 =	sor.u32 s1, s2  }
.Ltmp0:
0x5: {  	s1 =	ssub.s32 $0x2, s1;
	s5 =	sshll.u32 s2, $0x7;
	(pc) =	sbr.rel .LBB2_1-.Ltmp0, $4  }
0x6: {  	s6 =	sshrl.u32 s1, $0x1;
	s7 =	sshllo.u32 s2, $0x2;
	s0 =	sadd.s32 s5, s0  }
0x7: {  	s1 =	ssub.s32 s1, s6;
	s5 =	sshll.u32 s2, $0x2;
	s0 =	sadd.s32 $0x187200, s0  }
0x8: {  	s6 =	sor.u32 $0x2, s5;
	s31 =	smax.u32 s1, $0x1;
	[dreg:$0x3] =	wrdreg s0  }
0x9: {  	v0 =	vimm.f32 $0.0e+00;
	s8 =	sadd.s32 $0x4, s5;
	s1 =	simm.s32 $0x0;
	[dreg:$0x4] =	wrdreg s31  }
.LBB2_30:
0xa: {  	s0 =	rddreg [dreg:$0x3];
	s1 =	simm.s32 $0x11380  }
0xb: {  	[hbm4b:s0+s3] =	stream.linear.scatter [tilespmem:s1], [sflag:$0x1], $0x400, $0x38;
	[tilespmem:$0x11780] =	vst v63  }
0xc: {  	_ =	swait.ge [sflag:s11], $0x400  }
0xd: {  	s30 =	rddreg [dreg:$0x5]  }
0xe: {  	s31 =	rddreg [dreg:$0x4];
	s1 =	sadd.s32 $0x1, s30  }
0xf: {  	p0 =	sne.s32 s1, s31  }
.Ltmp1:
0x10: {  	_ = 	snop;
	(pc) =	sbr.rel @!p0 .LBB2_31-.Ltmp1, $3  }
0x11: {  	_ =	sdelay $0x1  }
0x12: {  	[sflag:s11] =	ssyncset.done $0x0  }
0x13: {  	[sflag:s11] =	ssyncadd.s32 $0xFFFFFC00  }
.LBB2_1:
0x14: {  	s0 =	rddreg [dreg:$0x1];
	s30 =	simm.s32 $0xC35  }
0x15: {  	[tilespmem:s3], [sflag:$0x1] =	stream.linear.gather [hbm4b:s0+s3], $0xC380, $0x38;
	[tilespmem:$0x11780] =	vst v63  }
0x16: {  	s0 =	sand.u32 $0x1, s30  }
0x17: {  	p0 =	por $0x0, $0x0;
	p1 =	seq.s32 s0, $0x1  }
0x18: {  	p0 =	por !p0, !p1  }
0x19: {  	s0 =	simm.s32 $0x1;
	p0 =	por !p0, !p0  }
0x1a: {  	[dreg:$0x5] =	wrdreg s1;
	s0 =	simm.s32 @!p0 $0x0  }
0x1b: {  	_ =	swait.ge [sflag:s11], $0xC380;
	s10 =	ssub.s32 $0x61A, s0  }
0x1c: {  	[sflag:s11] =	ssyncset.done $0x0;
	s0 =	sshll.u32 s10, $0x6  }
0x1d: {  	[sflag:s11] =	ssyncadd.s32 $0xFFFF3C80;
	s0 =	sshra.s32 s0, $0x2  }
0x1e: {  	v1 =	vld [tilespmem:s0+$0x0];
	_ =	sdelay $0x4  }
0x1f: {  	(v2sf) =	vpush v1, $0x0;
	_ =	sdelay $0xe  }
0x20: {  	s2 =	simm.s32 $0x0;
	s1 =	simm.s32 $0xB;
	s31 =	spop (v2sf)  }
0x21: {  	s15 =	simm.s32 $0x0;
	s9 =	sadd.s32 $0x1, s10;
	p0 =	slt.s32 s31, s5  }
0x22: {  	p2 =	sge.s32 s31, s5;
	s2 =	smov.u32 @p0 s9;
	s9 =	simm.s32 $0xC35  }
0x23: {  	p1 =	por $0x1, $0x1;
	s0 =	simm.s32 $0xC35;
	s9 =	smov.u32 @p2 s10  }
.LBB2_2:
0x24: {  	p0 =	sne.s32 s1, $0x1;
	s15 =	smov.u32 @p1 s2;
	s0 =	smov.u32 @p1 s9  }
0x25: {  	s1 =	sadd.s32 $0xFFFFFFFF, s1;
	s2 =	sadd.s32 s15, s0  }
0x26: {  	s9 =	sshrl.u32 s2, $0x1F;
	s10 =	sand.u32 $0x1, s2  }
0x27: {  	p1 =	slt.s32 s2, $0x1;
	s9 =	sadd.s32 s9, s2;
	p2 =	seq.s32 s10, $0x1  }
0x28: {  	p1 =	por !p1, !p2  }
0x29: {  	s2 =	sshra.s32 s9, $0x1;
	s9 =	simm.s32 $0x1;
	p1 =	por !p1, !p1  }
0x2a: {  	s9 =	simm.s32 @!p1 $0x0  }
0x2b: {  	s10 =	ssub.s32 s2, s9  }
0x2c: {  	s2 =	sshll.u32 s10, $0x6  }
0x2d: {  	s2 =	sshra.s32 s2, $0x2  }
0x2e: {  	v1 =	vld [tilespmem:s2+$0x0];
	_ =	sdelay $0x4  }
0x2f: {  	(v2sf) =	vpush v1, $0x0;
	_ =	sdelay $0xd  }
.Ltmp2:
0x30: {  	(pc) =	sbr.rel @p0 .LBB2_2-.Ltmp2, $4  }
0x31: {  	s9 =	sadd.s32 $0x1, s10;
	s2 =	spop (v2sf)  }
0x32: {  	p2 =	slt.s32 s2, s5;
	p3 =	sge.s32 s2, s5;
	s2 =	smov.u32 s15  }
0x33: {  	s2 =	smov.u32 @p2 s9;
	s9 =	smov.u32 s0  }
0x34: {  	p1 =	slt.s32 s15, s0;
	s9 =	smov.u32 @p3 s10  }
0x35: {  	s0 =	simm.s32 $0xC35  }
0x36: {  	s0 =	sand.u32 $0x1, s0  }
0x37: {  	p0 =	por $0x0, $0x0;
	p2 =	seq.s32 s0, $0x1  }
0x38: {  	p0 =	por !p0, !p2  }
0x39: {  	s0 =	simm.s32 $0x1;
	p0 =	por !p0, !p0  }
0x3a: {  	s0 =	simm.s32 @!p0 $0x0  }
0x3b: {  	s10 =	ssub.s32 $0x61A, s0  }
0x3c: {  	s0 =	sshll.u32 s10, $0x6  }
0x3d: {  	s0 =	sshra.s32 s0, $0x2  }
0x3e: {  	v1 =	vld [tilespmem:s0+$0x0];
	_ =	sdelay $0x4  }
0x3f: {  	(v2sf) =	vpush v1, $0x0;
	_ =	sdelay $0xb  }
0x40: {  	s15 =	smov.u32 @p1 s2  }
0x41: {  	s19 =	simm.s32 $0x0;
	p0 =	sgt.s32 s15, $0x1;
	s0 =	smov.u32 s15  }
0x42: {  	s2 =	simm.s32 $0x0;
	p1 =	por $0x1, $0x1;
	s0 =	simm.s32 @!p0 $0x1  }
0x43: {  	s9 =	sadd.s32 $0x1, s10;
	s1 =	sshll.u32 s0, $0x4;
	s30 =	spop (v2sf)  }
0x44: {  	s0 =	simm.s32 $0xC35;
	s31 =	sadd.s32 $0xFFFFFFF0, s1;
	p0 =	sle.s32 s30, s5  }
0x45: {  	p2 =	sgt.s32 s30, s5;
	s2 =	smov.u32 @p0 s9;
	s9 =	simm.s32 $0xC35  }
0x46: {  	[dreg:$0x9] =	wrdreg s31;
	v1 =	vld [tilespmem:s1+$0xFFFFFFF0];
	s1 =	simm.s32 $0xB;
	s9 =	smov.u32 @p2 s10  }
.LBB2_4:
0x47: {  	p0 =	sne.s32 s1, $0x1;
	s19 =	smov.u32 @p1 s2;
	s0 =	smov.u32 @p1 s9  }
0x48: {  	s1 =	sadd.s32 $0xFFFFFFFF, s1;
	s2 =	sadd.s32 s19, s0  }
0x49: {  	s9 =	sshrl.u32 s2, $0x1F;
	s10 =	sand.u32 $0x1, s2  }
0x4a: {  	p1 =	slt.s32 s2, $0x1;
	s9 =	sadd.s32 s9, s2;
	p2 =	seq.s32 s10, $0x1  }
0x4b: {  	p1 =	por !p1, !p2  }
0x4c: {  	s2 =	sshra.s32 s9, $0x1;
	s9 =	simm.s32 $0x1;
	p1 =	por !p1, !p1  }
0x4d: {  	s9 =	simm.s32 @!p1 $0x0  }
0x4e: {  	s10 =	ssub.s32 s2, s9  }
0x4f: {  	s2 =	sshll.u32 s10, $0x6  }
0x50: {  	s2 =	sshra.s32 s2, $0x2  }
0x51: {  	v2 =	vld [tilespmem:s2+$0x0];
	_ =	sdelay $0x4  }
0x52: {  	(v2sf) =	vpush v2, $0x0;
	_ =	sdelay $0xd  }
.Ltmp3:
0x53: {  	(pc) =	sbr.rel @p0 .LBB2_4-.Ltmp3, $4  }
0x54: {  	s9 =	sadd.s32 $0x1, s10;
	s2 =	spop (v2sf)  }
0x55: {  	p2 =	sle.s32 s2, s5;
	p3 =	sgt.s32 s2, s5;
	s2 =	smov.u32 s19  }
0x56: {  	s2 =	smov.u32 @p2 s9;
	s9 =	smov.u32 s0  }
0x57: {  	p1 =	slt.s32 s19, s0;
	s9 =	smov.u32 @p3 s10  }
0x58: {  	s0 =	simm.s32 $0xC35  }
0x59: {  	s0 =	sand.u32 $0x1, s0  }
0x5a: {  	p0 =	por $0x0, $0x0;
	p2 =	seq.s32 s0, $0x1  }
0x5b: {  	p0 =	por !p0, !p2  }
0x5c: {  	s0 =	simm.s32 $0x1;
	p0 =	por !p0, !p0  }
0x5d: {  	s0 =	simm.s32 @!p0 $0x0  }
0x5e: {  	s10 =	ssub.s32 $0x61A, s0  }
0x5f: {  	s0 =	sshll.u32 s10, $0x6  }
0x60: {  	s0 =	sshra.s32 s0, $0x2  }
0x61: {  	v2 =	vld [tilespmem:s0+$0x0];
	_ =	sdelay $0x4  }
0x62: {  	(v2sf) =	vpush v2, $0x0;
	_ =	sdelay $0xb  }
0x63: {  	s19 =	smov.u32 @p1 s2  }
0x64: {  	s20 =	simm.s32 $0x0;
	p0 =	sgt.s32 s19, $0x1;
	s0 =	smov.u32 s19  }
0x65: {  	s2 =	simm.s32 $0x0;
	p1 =	por $0x1, $0x1;
	s0 =	simm.s32 @!p0 $0x1  }
0x66: {  	s9 =	sadd.s32 $0x1, s10;
	s1 =	sshll.u32 s0, $0x4;
	s30 =	spop (v2sf)  }
0x67: {  	s0 =	simm.s32 $0xC35;
	s31 =	sadd.s32 $0xFFFFFFF0, s1;
	p0 =	slt.s32 s30, s6  }
0x68: {  	p2 =	sge.s32 s30, s6;
	s2 =	smov.u32 @p0 s9;
	s9 =	simm.s32 $0xC35  }
0x69: {  	[dreg:$0x6] =	wrdreg s31;
	v2 =	vld [tilespmem:s1+$0xFFFFFFF0];
	s1 =	simm.s32 $0xB;
	s9 =	smov.u32 @p2 s10  }
.LBB2_6:
0x6a: {  	p0 =	sne.s32 s1, $0x1;
	s20 =	smov.u32 @p1 s2;
	s0 =	smov.u32 @p1 s9  }
0x6b: {  	s1 =	sadd.s32 $0xFFFFFFFF, s1;
	s2 =	sadd.s32 s20, s0  }
0x6c: {  	s9 =	sshrl.u32 s2, $0x1F;
	s10 =	sand.u32 $0x1, s2  }
0x6d: {  	p1 =	slt.s32 s2, $0x1;
	s9 =	sadd.s32 s9, s2;
	p2 =	seq.s32 s10, $0x1  }
0x6e: {  	p1 =	por !p1, !p2  }
0x6f: {  	s2 =	sshra.s32 s9, $0x1;
	s9 =	simm.s32 $0x1;
	p1 =	por !p1, !p1  }
0x70: {  	s9 =	simm.s32 @!p1 $0x0  }
0x71: {  	s10 =	ssub.s32 s2, s9  }
0x72: {  	s2 =	sshll.u32 s10, $0x6  }
0x73: {  	s2 =	sshra.s32 s2, $0x2  }
0x74: {  	v3 =	vld [tilespmem:s2+$0x0];
	_ =	sdelay $0x4  }
0x75: {  	(v2sf) =	vpush v3, $0x0;
	_ =	sdelay $0xd  }
.Ltmp4:
0x76: {  	(pc) =	sbr.rel @p0 .LBB2_6-.Ltmp4, $4  }
0x77: {  	s9 =	sadd.s32 $0x1, s10;
	s2 =	spop (v2sf)  }
0x78: {  	p2 =	slt.s32 s2, s6;
	p3 =	sge.s32 s2, s6;
	s2 =	smov.u32 s20  }
0x79: {  	s2 =	smov.u32 @p2 s9;
	s9 =	smov.u32 s0  }
0x7a: {  	p1 =	slt.s32 s20, s0;
	s9 =	smov.u32 @p3 s10  }
0x7b: {  	s0 =	simm.s32 $0xC35  }
0x7c: {  	s0 =	sand.u32 $0x1, s0  }
0x7d: {  	p0 =	por $0x0, $0x0;
	p2 =	seq.s32 s0, $0x1  }
0x7e: {  	p0 =	por !p0, !p2  }
0x7f: {  	s0 =	simm.s32 $0x1;
	p0 =	por !p0, !p0  }
0x80: {  	s0 =	simm.s32 @!p0 $0x0  }
0x81: {  	s10 =	ssub.s32 $0x61A, s0  }
0x82: {  	s0 =	sshll.u32 s10, $0x6  }
0x83: {  	s0 =	sshra.s32 s0, $0x2  }
0x84: {  	v3 =	vld [tilespmem:s0+$0x0];
	_ =	sdelay $0x4  }
0x85: {  	(v2sf) =	vpush v3, $0x0;
	_ =	sdelay $0xb  }
0x86: {  	s20 =	smov.u32 @p1 s2  }
0x87: {  	s21 =	simm.s32 $0x0;
	p0 =	sgt.s32 s20, $0x1;
	s0 =	smov.u32 s20  }
0x88: {  	s2 =	simm.s32 $0x0;
	p1 =	por $0x1, $0x1;
	s0 =	simm.s32 @!p0 $0x1  }
0x89: {  	s9 =	sadd.s32 $0x1, s10;
	s1 =	sshll.u32 s0, $0x4;
	s30 =	spop (v2sf)  }
0x8a: {  	s0 =	simm.s32 $0xC35;
	s31 =	sadd.s32 $0xFFFFFFF0, s1;
	p0 =	slt.s32 s30, s7  }
0x8b: {  	p2 =	sge.s32 s30, s7;
	s2 =	smov.u32 @p0 s9;
	s9 =	simm.s32 $0xC35  }
0x8c: {  	[dreg:$0x7] =	wrdreg s31;
	v3 =	vld [tilespmem:s1+$0xFFFFFFF0];
	s1 =	simm.s32 $0xB;
	s9 =	smov.u32 @p2 s10  }
.LBB2_8:
0x8d: {  	p0 =	sne.s32 s1, $0x1;
	s21 =	smov.u32 @p1 s2;
	s0 =	smov.u32 @p1 s9  }
0x8e: {  	s1 =	sadd.s32 $0xFFFFFFFF, s1;
	s2 =	sadd.s32 s21, s0  }
0x8f: {  	s9 =	sshrl.u32 s2, $0x1F;
	s10 =	sand.u32 $0x1, s2  }
0x90: {  	p1 =	slt.s32 s2, $0x1;
	s9 =	sadd.s32 s9, s2;
	p2 =	seq.s32 s10, $0x1  }
0x91: {  	p1 =	por !p1, !p2  }
0x92: {  	s2 =	sshra.s32 s9, $0x1;
	s9 =	simm.s32 $0x1;
	p1 =	por !p1, !p1  }
0x93: {  	s9 =	simm.s32 @!p1 $0x0  }
0x94: {  	s10 =	ssub.s32 s2, s9  }
0x95: {  	s2 =	sshll.u32 s10, $0x6  }
0x96: {  	s2 =	sshra.s32 s2, $0x2  }
0x97: {  	v4 =	vld [tilespmem:s2+$0x0];
	_ =	sdelay $0x4  }
0x98: {  	(v2sf) =	vpush v4, $0x0;
	_ =	sdelay $0xd  }
.Ltmp5:
0x99: {  	(pc) =	sbr.rel @p0 .LBB2_8-.Ltmp5, $4  }
0x9a: {  	s9 =	sadd.s32 $0x1, s10;
	s2 =	spop (v2sf)  }
0x9b: {  	p2 =	slt.s32 s2, s7;
	p3 =	sge.s32 s2, s7;
	s2 =	smov.u32 s21  }
0x9c: {  	s2 =	smov.u32 @p2 s9;
	s9 =	smov.u32 s0  }
0x9d: {  	p1 =	slt.s32 s21, s0;
	s9 =	smov.u32 @p3 s10  }
0x9e: {  	s0 =	simm.s32 $0xC35  }
0x9f: {  	s0 =	sand.u32 $0x1, s0  }
0xa0: {  	p0 =	por $0x0, $0x0;
	p2 =	seq.s32 s0, $0x1  }
0xa1: {  	p0 =	por !p0, !p2  }
0xa2: {  	s0 =	simm.s32 $0x1;
	p0 =	por !p0, !p0  }
0xa3: {  	s0 =	simm.s32 @!p0 $0x0  }
0xa4: {  	s9 =	ssub.s32 $0x61A, s0  }
0xa5: {  	s0 =	sshll.u32 s9, $0x6  }
0xa6: {  	s0 =	sshra.s32 s0, $0x2  }
0xa7: {  	v4 =	vld [tilespmem:s0+$0x0];
	_ =	sdelay $0x4  }
0xa8: {  	(v2sf) =	vpush v4, $0x0;
	_ =	sdelay $0xa  }
0xa9: {  	s21 =	smov.u32 @p1 s2  }
0xaa: {  	p0 =	sgt.s32 s21, $0x1;
	s0 =	smov.u32 s21  }
0xab: {  	s0 =	simm.s32 @!p0 $0x1  }
0xac: {  	s17 =	simm.s32 $0x0;
	s18 =	simm.s32 $0x0;
	s1 =	sshll.u32 s0, $0x4  }
0xad: {  	s2 =	sadd.s32 $0x1, s9;
	s31 =	sadd.s32 $0xFFFFFFF0, s1;
	s30 =	spop (v2sf)  }
0xae: {  	s0 =	simm.s32 $0xC35;
	[dreg:$0x8] =	wrdreg s31;
	p0 =	slt.s32 s30, s8  }
0xaf: {  	p1 =	sge.s32 s30, s8;
	s18 =	smov.u32 @p0 s2;
	s2 =	simm.s32 $0xC35  }
0xb0: {  	v4 =	vld [tilespmem:s1+$0xFFFFFFF0];
	s1 =	simm.s32 $0xB;
	p0 =	por $0x1, $0x1;
	s2 =	smov.u32 @p1 s9  }
.LBB2_10:
0xb1: {  	p1 =	sne.s32 s1, $0x1;
	s17 =	smov.u32 @p0 s18;
	s0 =	smov.u32 @p0 s2  }
0xb2: {  	s1 =	sadd.s32 $0xFFFFFFFF, s1;
	s2 =	sadd.s32 s17, s0  }
0xb3: {  	s9 =	sshrl.u32 s2, $0x1F;
	s10 =	sand.u32 $0x1, s2  }
0xb4: {  	p0 =	slt.s32 s2, $0x1;
	s9 =	sadd.s32 s9, s2;
	p2 =	seq.s32 s10, $0x1  }
0xb5: {  	p0 =	por !p0, !p2  }
0xb6: {  	s2 =	sshra.s32 s9, $0x1;
	s9 =	simm.s32 $0x1;
	p0 =	por !p0, !p0  }
0xb7: {  	s9 =	simm.s32 @!p0 $0x0  }
0xb8: {  	s9 =	ssub.s32 s2, s9  }
0xb9: {  	s2 =	sshll.u32 s9, $0x6  }
0xba: {  	s2 =	sshra.s32 s2, $0x2  }
0xbb: {  	v5 =	vld [tilespmem:s2+$0x0];
	_ =	sdelay $0x4  }
0xbc: {  	(v2sf) =	vpush v5, $0x0;
	_ =	sdelay $0xc  }
.Ltmp6:
0xbd: {  	(pc) =	sbr.rel @p1 .LBB2_10-.Ltmp6, $4  }
0xbe: {  	_ = 	snop  }
0xbf: {  	s18 =	smov.u32 s17;
	s10 =	sadd.s32 $0x1, s9;
	s2 =	spop (v2sf)  }
0xc0: {  	p2 =	slt.s32 s2, s8;
	p3 =	sge.s32 s2, s8;
	s2 =	smov.u32 s0  }
0xc1: {  	p0 =	slt.s32 s17, s0;
	s18 =	smov.u32 @p2 s10;
	s2 =	smov.u32 @p3 s9  }
0xc2: {  	(v2sf) =	vpush v1, $0x0  }
0xc3: {  	(v2sf) =	vpush v1, $0x1  }
0xc4: {  	(v2sf) =	vpush v1, $0x2  }
0xc5: {  	(v2sf) =	vpush v1, $0x3  }
0xc6: {  	(v2sf) =	vpush v1, $0x4  }
0xc7: {  	(v2sf) =	vpush v1, $0x5  }
0xc8: {  	(v2sf) =	vpush v1, $0x6  }
0xc9: {  	(v2sf) =	vpush v1, $0x7  }
0xca: {  	(v2sf) =	vpush v1, $0x8  }
0xcb: {  	(v2sf) =	vpush v1, $0x9  }
0xcc: {  	(v2sf) =	vpush v1, $0xA  }
0xcd: {  	(v2sf) =	vpush v1, $0xB  }
0xce: {  	(v2sf) =	vpush v1, $0xC  }
0xcf: {  	(v2sf) =	vpush v1, $0xD  }
0xd0: {  	(v2sf) =	vpush v1, $0xE  }
0xd1: {  	s24 =	spop (v2sf);
	(v2sf) =	vpush v1, $0xF  }
0xd2: {  	s14 =	spop (v2sf);
	(v2sf) =	vpush v2, $0x0  }
0xd3: {  	s25 =	spop (v2sf);
	(v2sf) =	vpush v2, $0x1  }
0xd4: {  	s23 =	spop (v2sf)  }
0xd5: {  	(v2sf) =	vpush v2, $0x2;
	s22 =	spop (v2sf)  }
0xd6: {  	(v2sf) =	vpush v2, $0x3;
	s31 =	spop (v2sf)  }
0xd7: {  	s10 =	spop (v2sf)  }
0xd8: {  	s16 =	spop (v2sf);
	p6 =	slt.s32 s10, s5  }
0xd9: {  	(v2sf) =	vpush v2, $0x4;
	s1 =	spop (v2sf);
	s10 =	simm.s32 @!p6 $0x0  }
0xda: {  	(v2sf) =	vpush v2, $0x5;
	s28 =	spop (v2sf);
	s10 =	simm.s32 @p6 $0x1;
	p6 =	slt.s32 s16, s5  }
0xdb: {  	s2 =	spop (v2sf);
	[smem:$0x7E8] =	sst s10;
	s10 =	simm.s32 @!p6 $0x0  }
0xdc: {  	(v2sf) =	vpush v2, $0x6;
	s29 =	spop (v2sf);
	s10 =	simm.s32 @p6 $0x1;
	p6 =	slt.s32 s1, s5  }
0xdd: {  	(v2sf) =	vpush v2, $0x7;
	s16 =	rddreg [dreg:$0x9];
	s13 =	spop (v2sf);
	s1 =	simm.s32 @!p6 $0x0  }
0xde: {  	s0 =	spop (v2sf);
	s1 =	simm.s32 @p6 $0x1;
	p6 =	slt.s32 s28, s5  }
0xdf: {  	(v2sf) =	vpush v2, $0x8;
	s9 =	spop (v2sf);
	[smem:$0x7EB] =	sst s1;
	s1 =	simm.s32 @!p6 $0x0  }
0xe0: {  	(v2sf) =	vpush v2, $0x9;
	[smem:$0x7E9] =	sst s10;
	s30 =	spop (v2sf);
	s1 =	simm.s32 @p6 $0x1  }
0xe1: {  	p6 =	slt.s32 s2, s5;
	s26 =	spop (v2sf);
	[smem:$0x7ED] =	sst s1  }
0xe2: {  	(v2sf) =	vpush v2, $0xA;
	s1 =	simm.s32 @!p6 $0x0;
	[smem:$0x7D7] =	sst s26;
	s26 =	spop (v2sf)  }
0xe3: {  	(v2sf) =	vpush v2, $0xB;
	s1 =	simm.s32 @p6 $0x1;
	[smem:$0x7D8] =	sst s26  }
0xe4: {  	p6 =	slt.s32 s29, s5;
	s26 =	spop (v2sf);
	[smem:$0x7EE] =	sst s1  }
0xe5: {  	(v2sf) =	vpush v2, $0xC;
	s1 =	simm.s32 @!p6 $0x0;
	[smem:$0x7D9] =	sst s26;
	s26 =	spop (v2sf)  }
0xe6: {  	(v2sf) =	vpush v2, $0xD;
	s1 =	simm.s32 @p6 $0x1;
	p6 =	slt.s32 s13, s5;
	s13 =	sld [smem:$0x7E8]  }
0xe7: {  	[smem:$0x7DA] =	sst s26  }
0xe8: {  	(v2sf) =	vpush v2, $0xE;
	s26 =	spop (v2sf);
	[smem:$0x7EF] =	sst s1  }
0xe9: {  	(v2sf) =	vpush v2, $0xF;
	s1 =	simm.s32 @!p6 $0x0;
	[smem:$0x7DB] =	sst s26;
	s26 =	spop (v2sf)  }
0xea: {  	(v2sf) =	vpush v3, $0x0;
	s1 =	simm.s32 @p6 $0x1;
	[smem:$0x7DC] =	sst s26  }
0xeb: {  	(v2sf) =	vpush v3, $0x1;
	p6 =	slt.s32 s0, s5;
	s26 =	spop (v2sf);
	[smem:$0x7F0] =	sst s1  }
0xec: {  	(v2sf) =	vpush v3, $0x2;
	s0 =	simm.s32 @!p6 $0x0;
	[smem:$0x7DD] =	sst s26;
	s26 =	spop (v2sf)  }
0xed: {  	(v2sf) =	vpush v3, $0x3;
	s0 =	simm.s32 @p6 $0x1;
	[smem:$0x7DE] =	sst s26  }
0xee: {  	(v2sf) =	vpush v3, $0x4;
	p6 =	slt.s32 s9, s5;
	s26 =	spop (v2sf);
	[smem:$0x7F1] =	sst s0  }
0xef: {  	(v2sf) =	vpush v3, $0x5;
	s0 =	simm.s32 @!p6 $0x0;
	[smem:$0x7DF] =	sst s26;
	s26 =	spop (v2sf)  }
0xf0: {  	s17 =	smov.u32 @p0 s18;
	(v2sf) =	vpush v3, $0x6;
	s0 =	simm.s32 @p6 $0x1;
	[smem:$0x7E0] =	sst s26  }
0xf1: {  	(v2sf) =	vpush v3, $0x7;
	p6 =	slt.s32 s30, s5;
	s26 =	spop (v2sf);
	[smem:$0x7F2] =	sst s0  }
0xf2: {  	(v2sf) =	vpush v3, $0x8;
	s0 =	simm.s32 @!p6 $0x0;
	[smem:$0x7E1] =	sst s26;
	s26 =	spop (v2sf)  }
0xf3: {  	p4 =	sgt.s32 s17, $0x1;
	(v2sf) =	vpush v3, $0x9;
	s0 =	simm.s32 @p6 $0x1;
	[smem:$0x7E2] =	sst s26  }
0xf4: {  	(v2sf) =	vpush v3, $0xA;
	p6 =	seq.s32 s15, $0x0;
	s26 =	spop (v2sf);
	[smem:$0x7FC] =	sst s0  }
0xf5: {  	(v2sf) =	vpush v3, $0xB;
	s1 =	simm.s32 @!p6 $0x0;
	[smem:$0x7E3] =	sst s26;
	s26 =	spop (v2sf)  }
0xf6: {  	p1 =	slt.s32 s24, s5;
	(v2sf) =	vpush v3, $0xC;
	s1 =	simm.s32 @p6 $0x1;
	[smem:$0x7E4] =	sst s26  }
0xf7: {  	p0 =	slt.s32 s14, s5;
	(v2sf) =	vpush v3, $0xD;
	s26 =	spop (v2sf);
	[smem:$0x7FD] =	sst s1  }
0xf8: {  	s14 =	smov.u32 s17;
	[smem:$0x7E5] =	sst s26;
	(v2sf) =	vpush v3, $0xE;
	s26 =	spop (v2sf)  }
0xf9: {  	p2 =	slt.s32 s25, s5;
	[smem:$0x7E6] =	sst s26;
	(v2sf) =	vpush v3, $0xF;
	s26 =	spop (v2sf)  }
0xfa: {  	s14 =	simm.s32 @!p4 $0x1;
	[dreg:$0xa] =	wrdreg s26;
	(v2sf) =	vpush v4, $0x0;
	s26 =	spop (v2sf)  }
0xfb: {  	p3 =	slt.s32 s23, s5;
	[dreg:$0xb] =	wrdreg s26;
	(v2sf) =	vpush v4, $0x1;
	s26 =	spop (v2sf)  }
0xfc: {  	p4 =	slt.s32 s22, s5;
	[dreg:$0xc] =	wrdreg s26;
	(v2sf) =	vpush v4, $0x2;
	s26 =	spop (v2sf)  }
0xfd: {  	s2 =	simm.s32 $0x1;
	[dreg:$0xd] =	wrdreg s26;
	(v2sf) =	vpush v4, $0x3;
	s26 =	spop (v2sf)  }
0xfe: {  	s2 =	simm.s32 @!p2 $0x0;
	[dreg:$0xe] =	wrdreg s26;
	(v2sf) =	vpush v4, $0x4;
	s26 =	spop (v2sf)  }
0xff: {  	s0 =	simm.s32 $0x1;
	[dreg:$0xf] =	wrdreg s26;
	(v2sf) =	vpush v4, $0x5;
	s26 =	spop (v2sf)  }
0x100: {  	s0 =	simm.s32 @!p0 $0x0;
	[dreg:$0x11] =	wrdreg s26;
	(v2sf) =	vpush v4, $0x6;
	s26 =	spop (v2sf)  }
0x101: {  	p0 =	seq.s32 s13, $0x1;
	[dreg:$0x16] =	wrdreg s26;
	(v2sf) =	vpush v4, $0x7;
	s26 =	spop (v2sf)  }
0x102: {  	s0 =	sor.u32 s0, s16;
	s1 =	simm.s32 $0x1;
	(v2sf) =	vpush v4, $0x8;
	s18 =	spop (v2sf)  }
0x103: {  	s16 =	sld [smem:$0x7E9];
	s1 =	simm.s32 @!p1 $0x0;
	s23 =	spop (v2sf)  }
0x104: {  	s0 =	sadd.s32 s1, s0;
	s1 =	simm.s32 $0x1;
	(v2sf) =	vpush v4, $0x9;
	s24 =	spop (v2sf)  }
0x105: {  	s0 =	sadd.s32 s2, s0;
	s1 =	simm.s32 @!p3 $0x0;
	(v2sf) =	vpush v4, $0xA;
	s25 =	spop (v2sf)  }
0x106: {  	s2 =	simm.s32 $0x1;
	[dreg:$0x1c] =	wrdreg s26;
	(v2sf) =	vpush v4, $0xB;
	s26 =	spop (v2sf)  }
0x107: {  	s0 =	sadd.s32 s1, s0;
	s2 =	simm.s32 @!p4 $0x0;
	s10 =	spop (v2sf)  }
0x108: {  	[smem:$0x7E7] =	sst s18;
	s18 =	sshll.u32 s14, $0x4;
	s14 =	spop (v2sf)  }
0x109: {  	s0 =	sadd.s32 s2, s0;
	[dreg:$0x13] =	wrdreg s24;
	(v2sf) =	vpush v4, $0xC;
	s24 =	spop (v2sf)  }
0x10a: {  	s2 =	simm.s32 $0x1;
	[dreg:$0x17] =	wrdreg s25;
	s25 =	spop (v2sf)  }
0x10b: {  	s13 =	sld [smem:$0x7ED];
	s2 =	simm.s32 @!p0 $0x0;
	v1 =	vld [tilespmem:s18+$0xFFFFFFF0];
	(v2sf) =	vpush v4, $0xD;
	s28 =	spop (v2sf)  }
0x10c: {  	p0 =	seq.s32 s16, $0x1;
	s16 =	sld [smem:$0x7F0];
	s29 =	spop (v2sf)  }
0x10d: {  	[dreg:$0x19] =	wrdreg s26;
	(v2sf) =	vpush v4, $0xE;
	s26 =	spop (v2sf)  }
0x10e: {  	[dreg:$0x12] =	wrdreg s23;
	(v2sf) =	vpush v4, $0xF;
	s30 =	spop (v2sf)  }
0x10f: {  	p5 =	slt.s32 s31, s5;
	[dreg:$0x10] =	wrdreg s10;
	s31 =	spop (v2sf)  }
0x110: {  	[dreg:$0x14] =	wrdreg s14;
	(v2sf) =	vpush v1, $0x0;
	s22 =	spop (v2sf)  }
0x111: {  	[dreg:$0x15] =	wrdreg s22;
	s23 =	spop (v2sf)  }
0x112: {  	(v2sf) =	vpush v1, $0x1;
	[dreg:$0x18] =	wrdreg s23  }
0x113: {  	s9 =	spop (v2sf);
	s23 =	sld [smem:$0x7EB]  }
0x114: {  	s1 =	simm.s32 $0x1;
	(v2sf) =	vpush v1, $0x2;
	[dreg:$0x1a] =	wrdreg s9;
	s10 =	spop (v2sf)  }
0x115: {  	s1 =	simm.s32 @!p5 $0x0;
	(v2sf) =	vpush v1, $0x3;
	[dreg:$0x1b] =	wrdreg s10;
	s14 =	spop (v2sf)  }
0x116: {  	s0 =	sadd.s32 s1, s0;
	s1 =	simm.s32 $0x1;
	(v2sf) =	vpush v1, $0x4;
	[dreg:$0x1e] =	wrdreg s14  }
0x117: {  	s0 =	sadd.s32 s2, s0;
	s1 =	simm.s32 @!p0 $0x0;
	(v2sf) =	vpush v1, $0x5;
	s14 =	sld [smem:$0x7EE]  }
0x118: {  	(v2sf) =	vpush v1, $0x6;
	s15 =	spop (v2sf);
	p0 =	seq.s32 s23, $0x1;
	s23 =	sld [smem:$0x7F2]  }
0x119: {  	s2 =	simm.s32 $0x1;
	s0 =	sadd.s32 s1, s0;
	[dreg:$0x1d] =	wrdreg s15  }
0x11a: {  	s1 =	simm.s32 $0x1;
	(v2sf) =	vpush v1, $0x7;
	s22 =	spop (v2sf);
	s15 =	sld [smem:$0x7EF]  }
0x11b: {  	s2 =	simm.s32 @!p0 $0x0;
	p0 =	seq.s32 s13, $0x1;
	[smem:$0x7EA] =	sst s22  }
0x11c: {  	(v2sf) =	vpush v1, $0x8;
	s9 =	spop (v2sf);
	s0 =	sadd.s32 s2, s0;
	s22 =	sld [smem:$0x7F1]  }
0x11d: {  	s1 =	simm.s32 @!p0 $0x0;
	[dreg:$0x1f] =	wrdreg s9;
	s10 =	spop (v2sf)  }
0x11e: {  	(v2sf) =	vpush v1, $0x9;
	s9 =	simm.s32 $0x1;
	s0 =	sadd.s32 s1, s0;
	p0 =	seq.s32 s14, $0x1  }
0x11f: {  	s14 =	simm.s32 $0x1;
	[smem:$0x7EC] =	sst s10;
	s2 =	spop (v2sf)  }
0x120: {  	(v2sf) =	vpush v1, $0xA;
	s9 =	simm.s32 @!p0 $0x0;
	s10 =	simm.s32 $0x1;
	p0 =	seq.s32 s15, $0x1  }
0x121: {  	s15 =	simm.s32 $0x1;
	s1 =	spop (v2sf);
	s0 =	sadd.s32 s9, s0  }
0x122: {  	(v2sf) =	vpush v1, $0xB;
	s10 =	simm.s32 @!p0 $0x0;
	p0 =	seq.s32 s16, $0x1;
	p2 =	slt.s32 s2, s8  }
0x123: {  	s9 =	spop (v2sf);
	s0 =	sadd.s32 s10, s0;
	s14 =	simm.s32 @!p0 $0x0  }
0x124: {  	(v2sf) =	vpush v1, $0xC;
	p0 =	seq.s32 s22, $0x1;
	s22 =	simm.s32 $0x1;
	s13 =	spop (v2sf)  }
0x125: {  	s0 =	sadd.s32 s14, s0;
	s15 =	simm.s32 @!p0 $0x0;
	s10 =	spop (v2sf)  }
0x126: {  	(v2sf) =	vpush v1, $0xD;
	p0 =	seq.s32 s23, $0x1;
	p1 =	slt.s32 s9, s8;
	s14 =	spop (v2sf)  }
0x127: {  	s0 =	sadd.s32 s15, s0;
	s22 =	simm.s32 @!p0 $0x0;
	s16 =	spop (v2sf)  }
0x128: {  	(v2sf) =	vpush v1, $0xE;
	p0 =	slt.s32 s1, s8;
	p3 =	slt.s32 s13, s8;
	p6 =	slt.s32 s16, s8  }
0x129: {  	[tilespmem:$0x11380] =	vst v0;
	s15 =	sadd.s32 s22, s0;
	s23 =	spop (v2sf);
	s9 =	simm.s32 @!p6 $0x0  }
0x12a: {  	[tilespmem:$0x11390] =	vst v0;
	p4 =	slt.s32 s10, s8;
	s9 =	simm.s32 @p6 $0x1;
	p6 =	slt.s32 s23, s8  }
0x12b: {  	[tilespmem:$0x113A0] =	vst v0;
	p5 =	slt.s32 s14, s8;
	s0 =	spop (v2sf);
	s10 =	simm.s32 @!p6 $0x0  }
0x12c: {  	[tilespmem:$0x113B0] =	vst v0;
	s16 =	sadd.s32 $0xFFFFFFF0, s18;
	s10 =	simm.s32 @p6 $0x1;
	p6 =	slt.s32 s0, s8  }
0x12d: {  	[tilespmem:$0x113C0] =	vst v0;
	s2 =	spop (v2sf);
	[smem:$0x7F3] =	sst s9;
	s0 =	simm.s32 @!p6 $0x0  }
0x12e: {  	[tilespmem:$0x113D0] =	vst v0;
	(v2sf) =	vpush v1, $0xF;
	s18 =	sld [smem:$0x7F3];
	s0 =	simm.s32 @p6 $0x1;
	p6 =	slt.s32 s2, s8  }
0x12f: {  	[tilespmem:$0x113E0] =	vst v0;
	s13 =	spop (v2sf);
	[smem:$0x7F4] =	sst s10;
	s1 =	simm.s32 @!p6 $0x0  }
0x130: {  	[tilespmem:$0x113F0] =	vst v0;
	[smem:$0x7F5] =	sst s0;
	s1 =	simm.s32 @p6 $0x1;
	p6 =	slt.s32 s13, s8  }
0x131: {  	[tilespmem:$0x11400] =	vst v0;
	s22 =	spop (v2sf);
	[smem:$0x7F6] =	sst s1;
	s1 =	simm.s32 @!p6 $0x0  }
0x132: {  	[tilespmem:$0x11410] =	vst v0;
	s23 =	sld [smem:$0x7F5];
	s1 =	simm.s32 @p6 $0x1;
	p6 =	slt.s32 s22, s8  }
0x133: {  	[tilespmem:$0x11420] =	vst v0;
	s10 =	spop (v2sf);
	s22 =	sld [smem:$0x7F4];
	s2 =	simm.s32 @!p6 $0x0  }
0x134: {  	[tilespmem:$0x11430] =	vst v0;
	s9 =	sld [smem:$0x7F6];
	s2 =	simm.s32 @p6 $0x1;
	p6 =	slt.s32 s10, s8  }
0x135: {  	[tilespmem:$0x11440] =	vst v0;
	s13 =	spop (v2sf);
	[smem:$0x7F7] =	sst s1;
	s0 =	simm.s32 @!p6 $0x0  }
0x136: {  	[tilespmem:$0x11450] =	vst v0;
	s10 =	sld [smem:$0x7F7];
	s0 =	simm.s32 @p6 $0x1;
	p6 =	slt.s32 s13, s8  }
0x137: {  	[tilespmem:$0x11460] =	vst v0;
	s14 =	spop (v2sf);
	[smem:$0x7F8] =	sst s2;
	s1 =	simm.s32 @!p6 $0x0  }
0x138: {  	[tilespmem:$0x11470] =	vst v0;
	s13 =	sld [smem:$0x7F8];
	s1 =	simm.s32 @p6 $0x1;
	p6 =	slt.s32 s14, s8  }
0x139: {  	[tilespmem:$0x11480] =	vst v0;
	s2 =	simm.s32 $0x1;
	[smem:$0x7F9] =	sst s0;
	s0 =	simm.s32 @!p6 $0x0  }
0x13a: {  	[tilespmem:$0x11490] =	vst v0;
	s2 =	simm.s32 @!p2 $0x0;
	[smem:$0x7FA] =	sst s1;
	s0 =	simm.s32 @p6 $0x1  }
0x13b: {  	[tilespmem:$0x114A0] =	vst v0;
	s1 =	simm.s32 $0x1;
	[smem:$0x7FB] =	sst s0;
	s0 =	simm.s32 $0x1  }
0x13c: {  	[tilespmem:$0x114B0] =	vst v0;
	s14 =	sld [smem:$0x7F9];
	s1 =	simm.s32 @!p1 $0x0;
	s0 =	simm.s32 @!p0 $0x0  }
0x13d: {  	[tilespmem:$0x114C0] =	vst v0;
	p0 =	seq.s32 s18, $0x1;
	s18 =	spop (v2sf);
	s0 =	sor.u32 s0, s16  }
0x13e: {  	[tilespmem:$0x114D0] =	vst v0;
	s16 =	sld [smem:$0x7FA];
	s0 =	sadd.s32 s2, s0;
	s2 =	simm.s32 $0x1  }
0x13f: {  	[tilespmem:$0x114E0] =	vst v0;
	s0 =	sadd.s32 s1, s0;
	s2 =	simm.s32 @!p3 $0x0;
	s1 =	simm.s32 $0x1  }
0x140: {  	[tilespmem:$0x114F0] =	vst v0;
	s0 =	sadd.s32 s2, s0;
	s1 =	simm.s32 @!p4 $0x0;
	s2 =	simm.s32 $0x1  }
0x141: {  	[tilespmem:$0x11500] =	vst v0;
	s0 =	sadd.s32 s1, s0;
	s2 =	simm.s32 @!p5 $0x0;
	s1 =	simm.s32 $0x1  }
0x142: {  	[tilespmem:$0x11510] =	vst v0;
	s0 =	sadd.s32 s2, s0;
	s1 =	simm.s32 @!p0 $0x0;
	s2 =	simm.s32 $0x1  }
0x143: {  	[tilespmem:$0x11520] =	vst v0;
	p0 =	seq.s32 s22, $0x1;
	s22 =	sld [smem:$0x7FB];
	s0 =	sadd.s32 s1, s0  }
0x144: {  	[tilespmem:$0x11530] =	vst v0;
	s2 =	simm.s32 @!p0 $0x0;
	s1 =	simm.s32 $0x1;
	p0 =	seq.s32 s23, $0x1  }
0x145: {  	[tilespmem:$0x11540] =	vst v0;
	s23 =	sld [smem:$0x7FC];
	s0 =	sadd.s32 s2, s0;
	s1 =	simm.s32 @!p0 $0x0  }
0x146: {  	[tilespmem:$0x11550] =	vst v0;
	s2 =	simm.s32 $0x1;
	p0 =	seq.s32 s9, $0x1;
	s0 =	sadd.s32 s1, s0  }
0x147: {  	[tilespmem:$0x11560] =	vst v0;
	s2 =	simm.s32 @!p0 $0x0;
	s1 =	simm.s32 $0x1;
	p0 =	seq.s32 s10, $0x1  }
0x148: {  	[tilespmem:$0x11570] =	vst v0;
	s9 =	simm.s32 $0x1;
	s0 =	sadd.s32 s2, s0;
	s1 =	simm.s32 @!p0 $0x0  }
0x149: {  	[tilespmem:$0x11580] =	vst v0;
	s2 =	simm.s32 $0x1;
	p0 =	seq.s32 s13, $0x1;
	s0 =	sadd.s32 s1, s0  }
0x14a: {  	[tilespmem:$0x11590] =	vst v0;
	s2 =	simm.s32 @!p0 $0x0;
	s1 =	simm.s32 $0x1;
	p0 =	seq.s32 s14, $0x1  }
0x14b: {  	[tilespmem:$0x115A0] =	vst v0;
	p1 =	seq.s32 s22, $0x1;
	s0 =	sadd.s32 s2, s0;
	s1 =	simm.s32 @!p0 $0x0  }
0x14c: {  	[tilespmem:$0x115B0] =	vst v0;
	s2 =	simm.s32 $0x1;
	p0 =	seq.s32 s16, $0x1;
	s0 =	sadd.s32 s1, s0  }
0x14d: {  	[tilespmem:$0x115C0] =	vst v0;
	s2 =	simm.s32 @!p0 $0x0;
	p0 =	slt.s32 s18, s8;
	s1 =	simm.s32 $0x1  }
0x14e: {  	[tilespmem:$0x115D0] =	vst v0;
	s0 =	sadd.s32 s2, s0;
	s1 =	simm.s32 @!p1 $0x0;
	s2 =	simm.s32 $0x1  }
0x14f: {  	[tilespmem:$0x115E0] =	vst v0;
	s9 =	simm.s32 @!p0 $0x0;
	s0 =	sadd.s32 s1, s0;
	s1 =	sld [smem:$0x7FD]  }
0x150: {  	[tilespmem:$0x115F0] =	vst v0;
	p1 =	seq.s32 s23, $0x1;
	p0 =	seq.s32 s17, $0x0;
	s16 =	sadd.s32 s9, s0  }
0x151: {  	[tilespmem:$0x11600] =	vst v0;
	s2 =	simm.s32 @!p1 $0x0;
	s16 =	simm.s32 @p0 $0x0  }
0x152: {  	[tilespmem:$0x11610] =	vst v0;
	s15 =	sadd.s32 s2, s15;
	p1 =	seq.s32 s1, $0x1;
	s1 =	sadd.s32 $0x4F, s16  }
0x153: {  	[tilespmem:$0x11620] =	vst v0;
	s15 =	simm.s32 @p1 $0x0;
	s13 =	smulhi.u32 $0x66666667, s1  }
0x154: {  	[tilespmem:$0x11630] =	vst v0;
	s2 =	sshra.s32 s15, $0x1F;
	s10 =	smulhi.u32 $0x66666667, s15  }
0x155: {  	[tilespmem:$0x11640] =	vst v0;
	s9 =	sshra.s32 s1, $0x1F;
	s0 =	smul.u32 $0x66666667, s2  }
0x156: {  	[tilespmem:$0x11650] =	vst v0;
	s2 =	smul.u32 $0x66666667, s9  }
0x157: {  	[tilespmem:$0x11660] =	vst v0;
	s0 =	sadd.s32 s0, s10  }
0x158: {  	[tilespmem:$0x11670] =	vst v0;
	s2 =	sadd.s32 s2, s13;
	s9 =	sshrl.u32 s0, $0x1F;
	s0 =	sshra.s32 s0, $0x5  }
0x159: {  	[tilespmem:$0x11680] =	vst v0;
	s14 =	sshrl.u32 s2, $0x1F;
	s2 =	sshra.s32 s2, $0x5;
	s0 =	sadd.s32 s9, s0  }
0x15a: {  	[tilespmem:$0x11690] =	vst v0;
	s2 =	sadd.s32 s14, s2;
	s17 =	smul.u32 $0xFFFFFFB0, s0  }
0x15b: {  	[tilespmem:$0x116A0] =	vst v0;
	s18 =	ssub.s32 $0x0, s15;
	s22 =	smul.u32 $0xFFFFFFB0, s2  }
0x15c: {  	[tilespmem:$0x116B0] =	vst v0;
	s23 =	ssub.s32 $0xFFFFFFB1, s16;
	p1 =	slt.s32 s15, $0x1;
	p3 =	sne.s32 s17, s18  }
0x15d: {  	[tilespmem:$0x116C0] =	vst v0;
	p5 =	slt.s32 s1, $0x1;
	p4 =	sne.s32 s22, s23;
	p0 =	por !p1, !p3  }
0x15e: {  	[tilespmem:$0x116D0] =	vst v0;
	s1 =	simm.s32 $0x1;
	p6 =	por !p5, !p4;
	p0 =	por !p0, !p0  }
0x15f: {  	[tilespmem:$0x116E0] =	vst v0;
	s9 =	simm.s32 $0x1;
	s1 =	simm.s32 @!p0 $0x0;
	p0 =	por !p6, !p6  }
0x160: {  	[tilespmem:$0x116F0] =	vst v0;
	s17 =	ssub.s32 s0, s1;
	s9 =	simm.s32 @!p0 $0x0  }
0x161: {  	[tilespmem:$0x11700] =	vst v0;
	p0 =	sgt.s32 s16, s15;
	s0 =	ssub.s32 s2, s9;
	s18 =	smov.u32 s17  }
0x162: {  	[tilespmem:$0x11710] =	vst v0;
	s18 =	smov.u32 @p0 s0  }
0x163: {  	[tilespmem:$0x11720] =	vst v0;
	p0 =	sge.s32 s17, s18  }
.Ltmp7:
0x164: {  	[tilespmem:$0x11730] =	vst v0;
	(pc) =	sbr.rel @p0 .LBB2_30-.Ltmp7, $4  }
0x165: {  	[tilespmem:$0x11740] =	vst v0  }
0x166: {  	[tilespmem:$0x11750] =	vst v0  }
0x167: {  	[tilespmem:$0x11760] =	vst v0  }
0x168: {  	[tilespmem:$0x11770] =	vst v0  }
0x169: {  	s0 =	sld [smem:$0x7D7]  }
0x16a: {  	s2 =	sld [smem:$0x7D8]  }
0x16b: {  	s9 =	sld [smem:$0x7D9]  }
0x16c: {  	s10 =	sld [smem:$0x7DA]  }
0x16d: {  	s13 =	sld [smem:$0x7DB]  }
0x16e: {  	s14 =	sld [smem:$0x7DC]  }
0x16f: {  	s22 =	sld [smem:$0x7DD]  }
0x170: {  	s23 =	sld [smem:$0x7DE]  }
0x171: {  	s1 =	sld [smem:$0x7DF]  }
0x172: {  	p1 =	sle.s32 s0, s5;
	p0 =	sle.s32 s2, s5;
	s2 =	sld [smem:$0x7E0]  }
0x173: {  	p2 =	sle.s32 s9, s5;
	p3 =	sle.s32 s10, s5;
	s9 =	sld [smem:$0x7E1]  }
0x174: {  	p4 =	sle.s32 s13, s5;
	p6 =	sle.s32 s22, s5;
	s10 =	sld [smem:$0x7E2]  }
0x175: {  	p5 =	sle.s32 s14, s5;
	s13 =	sld [smem:$0x7E3];
	s0 =	simm.s32 @!p6 $0x0  }
0x176: {  	s14 =	sld [smem:$0x7E4];
	s0 =	simm.s32 @p6 $0x1;
	p6 =	sle.s32 s23, s5  }
0x177: {  	[smem:$0x7C7] =	sst s0;
	s0 =	simm.s32 @!p6 $0x0  }
0x178: {  	s22 =	sld [smem:$0x7E5];
	s0 =	simm.s32 @p6 $0x1;
	p6 =	sle.s32 s1, s5  }
0x179: {  	[smem:$0x7C8] =	sst s0;
	s0 =	simm.s32 @!p6 $0x0  }
0x17a: {  	s1 =	sld [smem:$0x7E6];
	s0 =	simm.s32 @p6 $0x1;
	p6 =	sle.s32 s2, s5  }
0x17b: {  	[smem:$0x7C9] =	sst s0;
	s0 =	simm.s32 @!p6 $0x0  }
0x17c: {  	s23 =	sld [smem:$0x7C7];
	s0 =	simm.s32 @p6 $0x1;
	p6 =	sle.s32 s9, s5  }
0x17d: {  	[smem:$0x7CA] =	sst s0;
	s0 =	simm.s32 @!p6 $0x0  }
0x17e: {  	s2 =	rddreg [dreg:$0x6];
	s0 =	simm.s32 @p6 $0x1;
	p6 =	sle.s32 s10, s5  }
0x17f: {  	[smem:$0x7CB] =	sst s0;
	s0 =	simm.s32 @!p6 $0x0  }
0x180: {  	s9 =	sld [smem:$0x7C8];
	s0 =	simm.s32 @p6 $0x1;
	p6 =	sle.s32 s13, s5  }
0x181: {  	[smem:$0x7CC] =	sst s0;
	s0 =	simm.s32 @!p6 $0x0  }
0x182: {  	s10 =	sld [smem:$0x7C9];
	s0 =	simm.s32 @p6 $0x1;
	p6 =	sle.s32 s14, s5  }
0x183: {  	[smem:$0x7CD] =	sst s0;
	s0 =	simm.s32 @!p6 $0x0  }
0x184: {  	s13 =	sld [smem:$0x7CA];
	s0 =	simm.s32 @p6 $0x1;
	p6 =	sle.s32 s22, s5  }
0x185: {  	[smem:$0x7CE] =	sst s0;
	s0 =	simm.s32 @!p6 $0x0  }
0x186: {  	s14 =	sld [smem:$0x7CB];
	s0 =	simm.s32 @p6 $0x1;
	p6 =	sle.s32 s1, s5  }
0x187: {  	[smem:$0x7CF] =	sst s0;
	s0 =	simm.s32 $0x1;
	s1 =	simm.s32 @!p6 $0x0  }
0x188: {  	s22 =	sld [smem:$0x7CC];
	s1 =	simm.s32 @p6 $0x1;
	s0 =	simm.s32 @!p0 $0x0  }
0x189: {  	p0 =	seq.s32 s23, $0x1;
	[smem:$0x7D0] =	sst s1;
	s1 =	simm.s32 $0x1  }
0x18a: {  	s0 =	sor.u32 s0, s2;
	s2 =	simm.s32 $0x1;
	s1 =	simm.s32 @!p1 $0x0  }
0x18b: {  	s2 =	simm.s32 @!p2 $0x0;
	s0 =	sadd.s32 s1, s0;
	s1 =	simm.s32 $0x1  }
0x18c: {  	s0 =	sadd.s32 s2, s0;
	s1 =	simm.s32 @!p3 $0x0;
	s2 =	simm.s32 $0x1  }
0x18d: {  	s0 =	sadd.s32 s1, s0;
	s2 =	simm.s32 @!p4 $0x0;
	s1 =	simm.s32 $0x1  }
0x18e: {  	s0 =	sadd.s32 s2, s0;
	s1 =	simm.s32 @!p5 $0x0;
	s2 =	simm.s32 $0x1  }
0x18f: {  	s23 =	sld [smem:$0x7CD];
	s0 =	sadd.s32 s1, s0;
	s2 =	simm.s32 @!p0 $0x0  }
0x190: {  	s1 =	simm.s32 $0x1;
	p0 =	seq.s32 s9, $0x1;
	s9 =	sld [smem:$0x7CE]  }
0x191: {  	s0 =	sadd.s32 s2, s0;
	s1 =	simm.s32 @!p0 $0x0;
	s2 =	simm.s32 $0x1  }
0x192: {  	p0 =	seq.s32 s10, $0x1;
	s10 =	sld [smem:$0x7CF];
	s0 =	sadd.s32 s1, s0  }
0x193: {  	s2 =	simm.s32 @!p0 $0x0;
	s1 =	simm.s32 $0x1;
	p0 =	seq.s32 s13, $0x1  }
0x194: {  	s13 =	sld [smem:$0x7D0];
	s0 =	sadd.s32 s2, s0;
	s1 =	simm.s32 @!p0 $0x0  }
0x195: {  	s2 =	simm.s32 $0x1;
	p0 =	seq.s32 s14, $0x1;
	s14 =	rddreg [dreg:$0xa]  }
0x196: {  	s0 =	sadd.s32 s1, s0;
	s2 =	simm.s32 @!p0 $0x0;
	s1 =	simm.s32 $0x1  }
0x197: {  	p0 =	seq.s32 s22, $0x1;
	p1 =	slt.s32 s14, s6;
	s22 =	rddreg [dreg:$0xb]  }
0x198: {  	s14 =	rddreg [dreg:$0x1c];
	s0 =	sadd.s32 s2, s0;
	s1 =	simm.s32 @!p0 $0x0  }
0x199: {  	s2 =	simm.s32 $0x1;
	p0 =	seq.s32 s23, $0x1;
	s23 =	rddreg [dreg:$0xc]  }
0x19a: {  	s0 =	sadd.s32 s1, s0;
	s2 =	simm.s32 @!p0 $0x0;
	s1 =	simm.s32 $0x1  }
0x19b: {  	p0 =	seq.s32 s9, $0x1;
	p2 =	slt.s32 s23, s6;
	s9 =	rddreg [dreg:$0xf]  }
0x19c: {  	s23 =	rddreg [dreg:$0x7];
	s0 =	sadd.s32 s2, s0;
	s1 =	simm.s32 @!p0 $0x0  }
0x19d: {  	s2 =	simm.s32 $0x1;
	p0 =	seq.s32 s10, $0x1;
	s10 =	rddreg [dreg:$0x11]  }
0x19e: {  	p6 =	slt.s32 s9, s6;
	s9 =	rddreg [dreg:$0x12];
	s0 =	sadd.s32 s1, s0  }
0x19f: {  	s2 =	simm.s32 @!p0 $0x0;
	p0 =	seq.s32 s13, $0x1;
	s13 =	rddreg [dreg:$0x16]  }
0x1a0: {  	s1 =	simm.s32 $0x1;
	p4 =	slt.s32 s10, s6;
	s10 =	rddreg [dreg:$0x17]  }
0x1a1: {  	s0 =	sadd.s32 s2, s0;
	s1 =	simm.s32 @!p0 $0x0;
	p0 =	seq.s32 s19, $0x0  }
0x1a2: {  	s2 =	simm.s32 @!p0 $0x0;
	s19 =	sadd.s32 s1, s0;
	s1 =	rddreg [dreg:$0xd]  }
0x1a3: {  	s2 =	simm.s32 @p0 $0x1;
	p0 =	slt.s32 s22, s6;
	s22 =	sld [smem:$0x7E7]  }
0x1a4: {  	s0 =	simm.s32 @!p4 $0x0;
	p5 =	slt.s32 s1, s6;
	[smem:$0x7D5] =	sst s2  }
0x1a5: {  	s0 =	simm.s32 @p4 $0x1;
	p4 =	slt.s32 s13, s6;
	s2 =	rddreg [dreg:$0xe]  }
0x1a6: {  	[smem:$0x7D1] =	sst s0;
	s0 =	simm.s32 @!p4 $0x0;
	p3 =	slt.s32 s2, s6  }
0x1a7: {  	s0 =	simm.s32 @p4 $0x1;
	p4 =	slt.s32 s14, s6;
	s13 =	sld [smem:$0x7D1]  }
0x1a8: {  	s2 =	simm.s32 $0x1;
	[smem:$0x7D2] =	sst s0;
	s0 =	simm.s32 @!p4 $0x0  }
0x1a9: {  	s14 =	rddreg [dreg:$0x19];
	s0 =	simm.s32 @p4 $0x1;
	p4 =	slt.s32 s22, s6  }
0x1aa: {  	s2 =	simm.s32 @!p2 $0x0;
	[smem:$0x7D3] =	sst s0;
	s1 =	simm.s32 @!p4 $0x0  }
0x1ab: {  	s0 =	simm.s32 $0x1;
	s1 =	simm.s32 @p4 $0x1;
	s22 =	sld [smem:$0x7D3]  }
0x1ac: {  	s0 =	simm.s32 @!p0 $0x0;
	p4 =	slt.s32 s14, s6;
	s14 =	sld [smem:$0x7D5]  }
0x1ad: {  	[smem:$0x7D4] =	sst s1;
	s1 =	simm.s32 $0x1;
	s0 =	sor.u32 s0, s23  }
0x1ae: {  	s23 =	rddreg [dreg:$0x10];
	s1 =	simm.s32 @!p1 $0x0;
	p1 =	seq.s32 s13, $0x1  }
0x1af: {  	s13 =	rddreg [dreg:$0x14];
	s0 =	sadd.s32 s1, s0;
	s1 =	simm.s32 $0x1  }
0x1b0: {  	p2 =	slt.s32 s13, s6;
	s13 =	rddreg [dreg:$0x8];
	s0 =	sadd.s32 s2, s0  }
0x1b1: {  	s1 =	simm.s32 @!p5 $0x0;
	s2 =	simm.s32 $0x1;
	p5 =	slt.s32 s9, s6  }
0x1b2: {  	s9 =	rddreg [dreg:$0x13];
	s0 =	sadd.s32 s1, s0;
	s2 =	simm.s32 @!p3 $0x0  }
0x1b3: {  	p0 =	slt.s32 s9, s6;
	s1 =	simm.s32 $0x1;
	s9 =	simm.s32 $0x1  }
0x1b4: {  	s1 =	simm.s32 @!p6 $0x0;
	p6 =	slt.s32 s10, s6;
	s10 =	sld [smem:$0x7D2]  }
0x1b5: {  	p3 =	slt.s32 s23, s6;
	s0 =	sadd.s32 s2, s0;
	s2 =	simm.s32 $0x1  }
0x1b6: {  	s23 =	rddreg [dreg:$0x18];
	s2 =	simm.s32 @!p1 $0x0;
	s0 =	sadd.s32 s1, s0  }
0x1b7: {  	s1 =	simm.s32 $0x1;
	p1 =	seq.s32 s10, $0x1;
	s10 =	sld [smem:$0x7D4]  }
0x1b8: {  	s0 =	sadd.s32 s2, s0;
	s9 =	simm.s32 @!p1 $0x0;
	p1 =	seq.s32 s22, $0x1  }
0x1b9: {  	s2 =	simm.s32 $0x1;
	s1 =	simm.s32 @!p1 $0x0;
	s0 =	sadd.s32 s9, s0  }
0x1ba: {  	s22 =	rddreg [dreg:$0x15];
	p1 =	seq.s32 s10, $0x1;
	s0 =	sadd.s32 s1, s0  }
0x1bb: {  	s1 =	simm.s32 $0x1;
	s10 =	simm.s32 $0x1;
	s2 =	simm.s32 @!p1 $0x0  }
0x1bc: {  	s1 =	simm.s32 @!p5 $0x0;
	p5 =	seq.s32 s14, $0x1;
	s14 =	rddreg [dreg:$0x1b]  }
0x1bd: {  	p1 =	slt.s32 s28, s7;
	s28 =	sld [smem:$0x7EA];
	s0 =	sadd.s32 s2, s0  }
0x1be: {  	s2 =	simm.s32 $0x1;
	s19 =	simm.s32 @p5 $0x0;
	p5 =	slt.s32 s30, s7  }
0x1bf: {  	s30 =	sld [smem:$0x7EC];
	s0 =	sadd.s32 s1, s0;
	s1 =	simm.s32 $0x1  }
0x1c0: {  	s2 =	simm.s32 @!p0 $0x0;
	p0 =	seq.s32 s20, $0x0;
	s1 =	simm.s32 @!p6 $0x0  }
0x1c1: {  	s0 =	sadd.s32 s2, s0;
	s2 =	simm.s32 $0x1;
	s9 =	simm.s32 @!p0 $0x0  }
0x1c2: {  	p6 =	slt.s32 s31, s7;
	s2 =	simm.s32 @!p4 $0x0;
	s0 =	sadd.s32 s1, s0  }
0x1c3: {  	s9 =	simm.s32 @p0 $0x1;
	p0 =	slt.s32 s24, s7;
	s24 =	rddreg [dreg:$0x1a]  }
0x1c4: {  	s1 =	simm.s32 $0x1;
	p4 =	slt.s32 s25, s7;
	s25 =	rddreg [dreg:$0x1e]  }
0x1c5: {  	s1 =	simm.s32 @!p3 $0x0;
	s0 =	sadd.s32 s2, s0;
	s2 =	simm.s32 $0x1  }
0x1c6: {  	[smem:$0x7D6] =	sst s9;
	p3 =	slt.s32 s26, s7;
	s9 =	simm.s32 $0x1  }
0x1c7: {  	s26 =	rddreg [dreg:$0x1d];
	s0 =	sadd.s32 s1, s0;
	s2 =	simm.s32 @!p2 $0x0  }
0x1c8: {  	p2 =	slt.s32 s29, s7;
	s1 =	simm.s32 $0x1;
	s29 =	rddreg [dreg:$0x1f]  }
0x1c9: {  	s10 =	simm.s32 @!p3 $0x0;
	p3 =	slt.s32 s25, s7;
	s31 =	sld [smem:$0x7D6]  }
0x1ca: {  	s20 =	sadd.s32 s2, s0;
	s0 =	simm.s32 $0x1;
	s1 =	simm.s32 @!p4 $0x0  }
0x1cb: {  	s2 =	simm.s32 $0x1;
	p4 =	slt.s32 s23, s7;
	s9 =	simm.s32 @!p2 $0x0  }
0x1cc: {  	p2 =	slt.s32 s14, s7;
	s0 =	simm.s32 @!p0 $0x0;
	s1 =	sor.u32 s1, s13  }
0x1cd: {  	p0 =	slt.s32 s22, s7;
	s2 =	simm.s32 @!p1 $0x0;
	s0 =	sadd.s32 s0, s1  }
0x1ce: {  	p1 =	slt.s32 s24, s7;
	s13 =	simm.s32 $0x1;
	s0 =	sadd.s32 s2, s0  }
0x1cf: {  	s13 =	simm.s32 @!p5 $0x0;
	s1 =	simm.s32 $0x1;
	s0 =	sadd.s32 s9, s0  }
0x1d0: {  	p5 =	slt.s32 s28, s7;
	s1 =	simm.s32 @!p6 $0x0;
	s0 =	sadd.s32 s10, s0  }
0x1d1: {  	s2 =	simm.s32 $0x1;
	p6 =	slt.s32 s26, s7;
	s0 =	sadd.s32 s13, s0  }
0x1d2: {  	s2 =	simm.s32 @!p0 $0x0;
	s9 =	simm.s32 $0x1;
	s0 =	sadd.s32 s1, s0  }
0x1d3: {  	s9 =	simm.s32 @!p4 $0x0;
	s1 =	simm.s32 $0x1;
	s0 =	sadd.s32 s2, s0  }
0x1d4: {  	s1 =	simm.s32 @!p1 $0x0;
	s2 =	simm.s32 $0x1;
	s0 =	sadd.s32 s9, s0  }
0x1d5: {  	s2 =	simm.s32 @!p2 $0x0;
	s0 =	sadd.s32 s1, s0;
	s1 =	simm.s32 $0x1  }
0x1d6: {  	p0 =	slt.s32 s30, s7;
	s1 =	simm.s32 @!p3 $0x0;
	s0 =	sadd.s32 s2, s0  }
0x1d7: {  	s2 =	simm.s32 $0x1;
	s0 =	sadd.s32 s1, s0;
	s1 =	simm.s32 $0x1  }
0x1d8: {  	p4 =	slt.s32 s29, s7;
	s2 =	simm.s32 @!p6 $0x0;
	s1 =	simm.s32 @!p5 $0x0  }
.Ltmp8:
0x1d9: {  	s0 =	sadd.s32 s2, s0;
	s2 =	simm.s32 $0x1;
	(pc) =	sbr.rel .LBB2_13-.Ltmp8, $4  }
0x1da: {  	s2 =	simm.s32 @!p4 $0x0;
	s0 =	sadd.s32 s1, s0;
	s1 =	simm.s32 $0x1  }
0x1db: {  	s23 =	smul.u32 $0xFFFFFFB0, s17;
	s0 =	sadd.s32 s2, s0;
	s1 =	simm.s32 @!p0 $0x0  }
0x1dc: {  	p1 =	seq.s32 s31, $0x1;
	p0 =	seq.s32 s21, $0x0;
	s21 =	sadd.s32 s1, s0  }
0x1dd: {  	s22 =	smul.u32 $0x50, s17;
	s20 =	simm.s32 @p1 $0x0;
	s21 =	simm.s32 @p0 $0x0  }
.LBB2_28:
0x1de: {  	v22 =	vld [tilespmem:$0x11680]  }
0x1df: {  	v23 =	vld [tilespmem:$0x11690]  }
0x1e0: {  	v24 =	vld [tilespmem:$0x116A0]  }
0x1e1: {  	v20 =	vadd.f32 v21, v20;
	v51 =	vld [tilespmem:$0x116B0]  }
0x1e2: {  	v25 =	vld [tilespmem:$0x116C0]  }
0x1e3: {  	v52 =	vld [tilespmem:$0x116D0];
	v20 =	vadd.f32 v22, v20  }
0x1e4: {  	v53 =	vld [tilespmem:$0x116E0];
	v15 =	vadd.f32 v23, v15  }
0x1e5: {  	v54 =	vld [tilespmem:$0x116F0];
	v14 =	vadd.f32 v24, v14;
	[tilespmem:$0x11680] =	vst v20  }
0x1e6: {  	v55 =	vld [tilespmem:$0x11700];
	v13 =	vadd.f32 v51, v13;
	[tilespmem:$0x11690] =	vst v15  }
0x1e7: {  	v56 =	vld [tilespmem:$0x11710];
	v12 =	vadd.f32 v25, v12;
	[tilespmem:$0x116A0] =	vst v14  }
0x1e8: {  	v57 =	vld [tilespmem:$0x11720];
	v11 =	vadd.f32 v52, v11;
	[tilespmem:$0x116B0] =	vst v13  }
0x1e9: {  	v58 =	vld [tilespmem:$0x11730];
	v9 =	vadd.f32 v53, v9;
	[tilespmem:$0x116C0] =	vst v12  }
0x1ea: {  	v59 =	vld [tilespmem:$0x11740];
	v10 =	vadd.f32 v54, v10;
	[tilespmem:$0x116D0] =	vst v11  }
0x1eb: {  	v61 =	vld [tilespmem:$0x11760];
	v8 =	vadd.f32 v55, v8;
	[tilespmem:$0x116E0] =	vst v9  }
0x1ec: {  	v2 =	vadd.f32 v19, v2;
	v62 =	vld [tilespmem:$0x11770];
	v6 =	vadd.f32 v56, v6;
	[tilespmem:$0x116F0] =	vst v10  }
0x1ed: {  	v60 =	vld [tilespmem:$0x11750];
	v7 =	vadd.f32 v16, v7;
	v4 =	vadd.f32 v57, v4;
	[tilespmem:$0x11700] =	vst v8  }
0x1ee: {  	v3 =	vadd.f32 v18, v3;
	v2 =	vadd.f32 v58, v2;
	[tilespmem:$0x11710] =	vst v6  }
0x1ef: {  	v63 =	vadd.f32 v59, v7;
	[tilespmem:$0x11720] =	vst v4  }
0x1f0: {  	v5 =	vadd.f32 v17, v5;
	v3 =	vadd.f32 v61, v3;
	[tilespmem:$0x11730] =	vst v2  }
0x1f1: {  	v1 =	vadd.f32 v62, v1;
	[tilespmem:$0x11740] =	vst v63  }
0x1f2: {  	v2 =	vadd.f32 v60, v5;
	[tilespmem:$0x11760] =	vst v3  }
0x1f3: {  	[tilespmem:$0x11770] =	vst v1  }
0x1f4: {  	[tilespmem:$0x11750] =	vst v2  }
.LBB2_29:
0x1f5: {  	s17 =	sadd.s32 $0x1, s17  }
0x1f6: {  	p0 =	slt.s32 s17, s18  }
.Ltmp9:
0x1f7: {  	_ = 	snop;
	(pc) =	sbr.rel @!p0 .LBB2_30-.Ltmp9, $2  }
0x1f8: {  	_ =	sdelay $0x2  }
0x1f9: {  	s22 =	sadd.s32 $0x50, s22;
	s23 =	sadd.s32 $0xFFFFFFB0, s23  }
.LBB2_13:
0x1fa: {  	s0 =	smul.u32 $0x5000, s17  }
0x1fb: {  	s24 =	smul.u32 $0x50, s17  }
0x1fc: {  	s0 =	sshrl.u32 s0, $0x3  }
0x1fd: {  	s25 =	sadd.s32 $0x50, s24;
	p0 =	sgt.s32 s15, s24;
	s0 =	sadd.s32 s4, s0  }
0x1fe: {  	[tilespmem:s12], [sflag:$0x1] =	stream.linear.gather [hbm4b:s0+s3], $0x5000, $0x38;
	[tilespmem:$0x11780] =	vst v63  }
0x1ff: {  	p1 =	slt.s32 s19, s25;
	s2 =	smov.u32 s25;
	s0 =	smov.u32 s24  }
0x200: {  	s2 =	smov.u32 @p1 s19;
	s0 =	smov.u32 @p0 s15  }
0x201: {  	s1 =	ssub.s32 s0, s24;
	s0 =	ssub.s32 s2, s24  }
0x202: {  	p0 =	sle.s32 s0, s1  }
.Ltmp10:
0x203: {  	_ = 	snop;
	(pc) =	sbr.rel @p0 .LBB2_17-.Ltmp10, $4  }
0x204: {  	_ = 	snop  }
0x205: {  	_ =	swait.ge [sflag:s11], $0x5000  }
0x206: {  	[sflag:s11] =	ssyncset.done $0x0  }
0x207: {  	[sflag:s11] =	ssyncadd.s32 $0xFFFFB000  }
0x208: {  	p0 =	sgt.s32 s15, s22;
	s2 =	smov.u32 s22  }
0x209: {  	s2 =	smov.u32 @p0 s15  }
0x20a: {  	s2 =	sadd.s32 s23, s2  }
0x20b: {  	s2 =	sshll.u32 s2, $0xA  }
0x20c: {  	s2 =	sshra.s32 s2, $0x2  }
0x20d: {  	s2 =	sadd.s32 $0xC400, s2  }
0x20e: {  	v1 =	vld [tilespmem:s2+$0x70]  }
0x20f: {  	v3 =	vld [tilespmem:s2+$0xFFFFFF90]  }
0x210: {  	v4 =	vld [tilespmem:s2+$0xFFFFFFA0]  }
0x211: {  	v5 =	vld [tilespmem:s2+$0xFFFFFFB0]  }
0x212: {  	v6 =	vld [tilespmem:s2+$0xFFFFFFC0]  }
0x213: {  	v7 =	vld [tilespmem:s2+$0xFFFFFFD0]  }
0x214: {  	v8 =	vld [tilespmem:s2+$0xFFFFFFE0]  }
0x215: {  	v10 =	vld [tilespmem:s2+$0xFFFFFFF0]  }
0x216: {  	v17 =	vld [tilespmem:s2+$0x0]  }
0x217: {  	v2 =	vimm.f32 $0.0e+00;
	v18 =	vld [tilespmem:s2+$0x10]  }
0x218: {  	s1 =	sadd.s32 $0x1, s1;
	v20 =	vld [tilespmem:s2+$0x20];
	v1 =	vadd.f32 v1, v2  }
0x219: {  	p0 =	slt.s32 s1, s0;
	v15 =	vadd.f32 v3, v2;
	v14 =	vadd.f32 v4, v2  }
.Ltmp11:
0x21a: {  	v19 =	vld [tilespmem:s2+$0x30];
	v13 =	vadd.f32 v5, v2;
	v12 =	vadd.f32 v6, v2;
	(pc) =	sbr.rel @!p0 .LBB2_16-.Ltmp11, $4  }
0x21b: {  	v16 =	vld [tilespmem:s2+$0x40];
	v11 =	vadd.f32 v7, v2;
	v9 =	vadd.f32 v8, v2  }
0x21c: {  	v10 =	vadd.f32 v10, v2;
	v8 =	vadd.f32 v17, v2;
	v17 =	vld [tilespmem:s2+$0x50]  }
0x21d: {  	v6 =	vadd.f32 v18, v2;
	v18 =	vld [tilespmem:s2+$0x60];
	v4 =	vadd.f32 v20, v2;
	v7 =	vimm.f32 $0.0e+00  }
0x21e: {  	v21 =	vld [tilespmem:s2+$0xFFFFFF80];
	s2 =	sadd.s32 $0x100, s2;
	v5 =	vimm.f32 $0.0e+00;
	v3 =	vimm.f32 $0.0e+00;
	v20 =	vimm.f32 $0.0e+00  }
.LBB2_15:
0x21f: {  	v22 =	vld [tilespmem:s2+$0x70];
	s1 =	sadd.s32 $0x1, s1;
	v2 =	vadd.f32 v19, v2  }
0x220: {  	v19 =	vld [tilespmem:s2+$0xFFFFFF90];
	p0 =	slt.s32 s1, s0;
	v7 =	vadd.f32 v16, v7  }
0x221: {  	v16 =	vld [tilespmem:s2+$0xFFFFFFA0];
	v5 =	vadd.f32 v17, v5  }
0x222: {  	v17 =	vld [tilespmem:s2+$0xFFFFFFB0];
	v3 =	vadd.f32 v18, v3  }
0x223: {  	v18 =	vld [tilespmem:s2+$0xFFFFFFC0];
	v20 =	vadd.f32 v21, v20  }
0x224: {  	v21 =	vld [tilespmem:s2+$0xFFFFFFD0];
	v1 =	vadd.f32 v22, v1  }
0x225: {  	v15 =	vadd.f32 v19, v15;
	v19 =	vld [tilespmem:s2+$0xFFFFFFE0]  }
0x226: {  	v14 =	vadd.f32 v16, v14;
	v16 =	vld [tilespmem:s2+$0xFFFFFFF0]  }
0x227: {  	v13 =	vadd.f32 v17, v13;
	v17 =	vld [tilespmem:s2+$0x0]  }
0x228: {  	v12 =	vadd.f32 v18, v12;
	v18 =	vld [tilespmem:s2+$0x10]  }
0x229: {  	v11 =	vadd.f32 v21, v11;
	v22 =	vld [tilespmem:s2+$0x20]  }
.Ltmp12:
0x22a: {  	v9 =	vadd.f32 v19, v9;
	v19 =	vld [tilespmem:s2+$0x30];
	(pc) =	sbr.rel @p0 .LBB2_15-.Ltmp12, $4  }
0x22b: {  	v10 =	vadd.f32 v16, v10;
	v16 =	vld [tilespmem:s2+$0x40]  }
0x22c: {  	v8 =	vadd.f32 v17, v8;
	v17 =	vld [tilespmem:s2+$0x50]  }
0x22d: {  	v6 =	vadd.f32 v18, v6;
	v18 =	vld [tilespmem:s2+$0x60]  }
0x22e: {  	v21 =	vld [tilespmem:s2+$0xFFFFFF80];
	v4 =	vadd.f32 v22, v4;
	s2 =	sadd.s32 $0x100, s2  }
.LBB2_16:
0x22f: {  	v23 =	vld [tilespmem:$0x11390]  }
0x230: {  	v24 =	vld [tilespmem:$0x113A0]  }
0x231: {  	v51 =	vld [tilespmem:$0x113B0]  }
0x232: {  	v25 =	vld [tilespmem:$0x113C0]  }
0x233: {  	v52 =	vld [tilespmem:$0x113D0]  }
0x234: {  	v53 =	vld [tilespmem:$0x113E0];
	v15 =	vadd.f32 v23, v15  }
0x235: {  	v54 =	vld [tilespmem:$0x113F0];
	v14 =	vadd.f32 v24, v14  }
0x236: {  	v55 =	vld [tilespmem:$0x11400];
	v13 =	vadd.f32 v51, v13;
	[tilespmem:$0x11390] =	vst v15  }
0x237: {  	v56 =	vld [tilespmem:$0x11410];
	v12 =	vadd.f32 v25, v12;
	[tilespmem:$0x113A0] =	vst v14  }
0x238: {  	v57 =	vld [tilespmem:$0x11420];
	v11 =	vadd.f32 v52, v11;
	[tilespmem:$0x113B0] =	vst v13  }
0x239: {  	v58 =	vld [tilespmem:$0x11430];
	v9 =	vadd.f32 v53, v9;
	[tilespmem:$0x113C0] =	vst v12  }
0x23a: {  	v59 =	vld [tilespmem:$0x11440];
	v10 =	vadd.f32 v54, v10;
	[tilespmem:$0x113D0] =	vst v11  }
0x23b: {  	v61 =	vld [tilespmem:$0x11460];
	v8 =	vadd.f32 v55, v8;
	[tilespmem:$0x113E0] =	vst v9  }
0x23c: {  	v2 =	vadd.f32 v19, v2;
	v62 =	vld [tilespmem:$0x11470];
	v6 =	vadd.f32 v56, v6;
	[tilespmem:$0x113F0] =	vst v10  }
0x23d: {  	v22 =	vld [tilespmem:$0x11380];
	v7 =	vadd.f32 v16, v7;
	v4 =	vadd.f32 v57, v4;
	[tilespmem:$0x11400] =	vst v8  }
0x23e: {  	v60 =	vld [tilespmem:$0x11450];
	v3 =	vadd.f32 v18, v3;
	v2 =	vadd.f32 v58, v2;
	[tilespmem:$0x11410] =	vst v6  }
0x23f: {  	v63 =	vadd.f32 v59, v7;
	[tilespmem:$0x11420] =	vst v4  }
0x240: {  	v20 =	vadd.f32 v21, v20;
	v3 =	vadd.f32 v61, v3;
	[tilespmem:$0x11430] =	vst v2  }
0x241: {  	v5 =	vadd.f32 v17, v5;
	v1 =	vadd.f32 v62, v1;
	[tilespmem:$0x11440] =	vst v63  }
0x242: {  	v20 =	vadd.f32 v22, v20;
	[tilespmem:$0x11460] =	vst v3  }
0x243: {  	v2 =	vadd.f32 v60, v5;
	[tilespmem:$0x11470] =	vst v1  }
0x244: {  	[tilespmem:$0x11380] =	vst v20  }
0x245: {  	[tilespmem:$0x11450] =	vst v2  }
.LBB2_17:
0x246: {  	p0 =	sgt.s32 s19, s24  }
0x247: {  	s0 =	smov.u32 s24;
	p1 =	slt.s32 s20, s25;
	s2 =	smov.u32 s25  }
0x248: {  	s0 =	smov.u32 @p0 s19;
	s2 =	smov.u32 @p1 s20  }
0x249: {  	s1 =	ssub.s32 s0, s24;
	s0 =	ssub.s32 s2, s24  }
0x24a: {  	p0 =	sle.s32 s0, s1  }
.Ltmp13:
0x24b: {  	_ = 	snop;
	(pc) =	sbr.rel @p0 .LBB2_21-.Ltmp13, $1  }
0x24c: {  	_ =	sdelay $0x3  }
0x24d: {  	p0 =	sgt.s32 s19, s22;
	s2 =	smov.u32 s22  }
0x24e: {  	s2 =	smov.u32 @p0 s19  }
0x24f: {  	s2 =	sadd.s32 s23, s2  }
0x250: {  	s2 =	sshll.u32 s2, $0xA  }
0x251: {  	s2 =	sshra.s32 s2, $0x2  }
0x252: {  	s2 =	sadd.s32 $0xC400, s2  }
0x253: {  	v1 =	vld [tilespmem:s2+$0x70]  }
0x254: {  	v3 =	vld [tilespmem:s2+$0xFFFFFF90]  }
0x255: {  	v4 =	vld [tilespmem:s2+$0xFFFFFFA0]  }
0x256: {  	v5 =	vld [tilespmem:s2+$0xFFFFFFB0]  }
0x257: {  	v6 =	vld [tilespmem:s2+$0xFFFFFFC0]  }
0x258: {  	v7 =	vld [tilespmem:s2+$0xFFFFFFD0]  }
0x259: {  	v8 =	vld [tilespmem:s2+$0xFFFFFFE0]  }
0x25a: {  	v10 =	vld [tilespmem:s2+$0xFFFFFFF0]  }
0x25b: {  	v17 =	vld [tilespmem:s2+$0x0]  }
0x25c: {  	v2 =	vimm.f32 $0.0e+00;
	v18 =	vld [tilespmem:s2+$0x10]  }
0x25d: {  	s1 =	sadd.s32 $0x1, s1;
	v20 =	vld [tilespmem:s2+$0x20];
	v1 =	vadd.f32 v1, v2  }
0x25e: {  	p0 =	slt.s32 s1, s0;
	v15 =	vadd.f32 v3, v2;
	v14 =	vadd.f32 v4, v2  }
.Ltmp14:
0x25f: {  	v19 =	vld [tilespmem:s2+$0x30];
	v13 =	vadd.f32 v5, v2;
	v12 =	vadd.f32 v6, v2;
	(pc) =	sbr.rel @!p0 .LBB2_20-.Ltmp14, $4  }
0x260: {  	v16 =	vld [tilespmem:s2+$0x40];
	v11 =	vadd.f32 v7, v2;
	v9 =	vadd.f32 v8, v2  }
0x261: {  	v10 =	vadd.f32 v10, v2;
	v8 =	vadd.f32 v17, v2;
	v17 =	vld [tilespmem:s2+$0x50]  }
0x262: {  	v6 =	vadd.f32 v18, v2;
	v18 =	vld [tilespmem:s2+$0x60];
	v4 =	vadd.f32 v20, v2;
	v7 =	vimm.f32 $0.0e+00  }
0x263: {  	v21 =	vld [tilespmem:s2+$0xFFFFFF80];
	s2 =	sadd.s32 $0x100, s2;
	v5 =	vimm.f32 $0.0e+00;
	v3 =	vimm.f32 $0.0e+00;
	v20 =	vimm.f32 $0.0e+00  }
.LBB2_19:
0x264: {  	v22 =	vld [tilespmem:s2+$0x70];
	s1 =	sadd.s32 $0x1, s1;
	v2 =	vadd.f32 v19, v2  }
0x265: {  	v19 =	vld [tilespmem:s2+$0xFFFFFF90];
	p0 =	slt.s32 s1, s0;
	v7 =	vadd.f32 v16, v7  }
0x266: {  	v16 =	vld [tilespmem:s2+$0xFFFFFFA0];
	v5 =	vadd.f32 v17, v5  }
0x267: {  	v17 =	vld [tilespmem:s2+$0xFFFFFFB0];
	v3 =	vadd.f32 v18, v3  }
0x268: {  	v18 =	vld [tilespmem:s2+$0xFFFFFFC0];
	v20 =	vadd.f32 v21, v20  }
0x269: {  	v21 =	vld [tilespmem:s2+$0xFFFFFFD0];
	v1 =	vadd.f32 v22, v1  }
0x26a: {  	v15 =	vadd.f32 v19, v15;
	v19 =	vld [tilespmem:s2+$0xFFFFFFE0]  }
0x26b: {  	v14 =	vadd.f32 v16, v14;
	v16 =	vld [tilespmem:s2+$0xFFFFFFF0]  }
0x26c: {  	v13 =	vadd.f32 v17, v13;
	v17 =	vld [tilespmem:s2+$0x0]  }
0x26d: {  	v12 =	vadd.f32 v18, v12;
	v18 =	vld [tilespmem:s2+$0x10]  }
0x26e: {  	v11 =	vadd.f32 v21, v11;
	v22 =	vld [tilespmem:s2+$0x20]  }
.Ltmp15:
0x26f: {  	v9 =	vadd.f32 v19, v9;
	v19 =	vld [tilespmem:s2+$0x30];
	(pc) =	sbr.rel @p0 .LBB2_19-.Ltmp15, $4  }
0x270: {  	v10 =	vadd.f32 v16, v10;
	v16 =	vld [tilespmem:s2+$0x40]  }
0x271: {  	v8 =	vadd.f32 v17, v8;
	v17 =	vld [tilespmem:s2+$0x50]  }
0x272: {  	v6 =	vadd.f32 v18, v6;
	v18 =	vld [tilespmem:s2+$0x60]  }
0x273: {  	v21 =	vld [tilespmem:s2+$0xFFFFFF80];
	v4 =	vadd.f32 v22, v4;
	s2 =	sadd.s32 $0x100, s2  }
.LBB2_20:
0x274: {  	v23 =	vld [tilespmem:$0x11490]  }
0x275: {  	v24 =	vld [tilespmem:$0x114A0]  }
0x276: {  	v51 =	vld [tilespmem:$0x114B0]  }
0x277: {  	v25 =	vld [tilespmem:$0x114C0]  }
0x278: {  	v52 =	vld [tilespmem:$0x114D0]  }
0x279: {  	v53 =	vld [tilespmem:$0x114E0];
	v15 =	vadd.f32 v23, v15  }
0x27a: {  	v54 =	vld [tilespmem:$0x114F0];
	v14 =	vadd.f32 v24, v14  }
0x27b: {  	v55 =	vld [tilespmem:$0x11500];
	v13 =	vadd.f32 v51, v13;
	[tilespmem:$0x11490] =	vst v15  }
0x27c: {  	v56 =	vld [tilespmem:$0x11510];
	v12 =	vadd.f32 v25, v12;
	[tilespmem:$0x114A0] =	vst v14  }
0x27d: {  	v57 =	vld [tilespmem:$0x11520];
	v11 =	vadd.f32 v52, v11;
	[tilespmem:$0x114B0] =	vst v13  }
0x27e: {  	v58 =	vld [tilespmem:$0x11530];
	v9 =	vadd.f32 v53, v9;
	[tilespmem:$0x114C0] =	vst v12  }
0x27f: {  	v59 =	vld [tilespmem:$0x11540];
	v10 =	vadd.f32 v54, v10;
	[tilespmem:$0x114D0] =	vst v11  }
0x280: {  	v61 =	vld [tilespmem:$0x11560];
	v8 =	vadd.f32 v55, v8;
	[tilespmem:$0x114E0] =	vst v9  }
0x281: {  	v2 =	vadd.f32 v19, v2;
	v62 =	vld [tilespmem:$0x11570];
	v6 =	vadd.f32 v56, v6;
	[tilespmem:$0x114F0] =	vst v10  }
0x282: {  	v22 =	vld [tilespmem:$0x11480];
	v7 =	vadd.f32 v16, v7;
	v4 =	vadd.f32 v57, v4;
	[tilespmem:$0x11500] =	vst v8  }
0x283: {  	v60 =	vld [tilespmem:$0x11550];
	v3 =	vadd.f32 v18, v3;
	v2 =	vadd.f32 v58, v2;
	[tilespmem:$0x11510] =	vst v6  }
0x284: {  	v63 =	vadd.f32 v59, v7;
	[tilespmem:$0x11520] =	vst v4  }
0x285: {  	v20 =	vadd.f32 v21, v20;
	v3 =	vadd.f32 v61, v3;
	[tilespmem:$0x11530] =	vst v2  }
0x286: {  	v5 =	vadd.f32 v17, v5;
	v1 =	vadd.f32 v62, v1;
	[tilespmem:$0x11540] =	vst v63  }
0x287: {  	v20 =	vadd.f32 v22, v20;
	[tilespmem:$0x11560] =	vst v3  }
0x288: {  	v2 =	vadd.f32 v60, v5;
	[tilespmem:$0x11570] =	vst v1  }
0x289: {  	[tilespmem:$0x11480] =	vst v20  }
0x28a: {  	[tilespmem:$0x11550] =	vst v2  }
.LBB2_21:
0x28b: {  	p0 =	sgt.s32 s20, s24  }
0x28c: {  	s0 =	smov.u32 s24;
	p1 =	slt.s32 s21, s25;
	s2 =	smov.u32 s25  }
0x28d: {  	s0 =	smov.u32 @p0 s20;
	s2 =	smov.u32 @p1 s21  }
0x28e: {  	s1 =	ssub.s32 s0, s24;
	s0 =	ssub.s32 s2, s24  }
0x28f: {  	p0 =	sle.s32 s0, s1  }
.Ltmp16:
0x290: {  	_ = 	snop;
	(pc) =	sbr.rel @p0 .LBB2_25-.Ltmp16, $1  }
0x291: {  	_ =	sdelay $0x3  }
0x292: {  	p0 =	sgt.s32 s20, s22;
	s2 =	smov.u32 s22  }
0x293: {  	s2 =	smov.u32 @p0 s20  }
0x294: {  	s2 =	sadd.s32 s23, s2  }
0x295: {  	s2 =	sshll.u32 s2, $0xA  }
0x296: {  	s2 =	sshra.s32 s2, $0x2  }
0x297: {  	s2 =	sadd.s32 $0xC400, s2  }
0x298: {  	v1 =	vld [tilespmem:s2+$0x70]  }
0x299: {  	v3 =	vld [tilespmem:s2+$0xFFFFFF90]  }
0x29a: {  	v4 =	vld [tilespmem:s2+$0xFFFFFFA0]  }
0x29b: {  	v5 =	vld [tilespmem:s2+$0xFFFFFFB0]  }
0x29c: {  	v6 =	vld [tilespmem:s2+$0xFFFFFFC0]  }
0x29d: {  	v7 =	vld [tilespmem:s2+$0xFFFFFFD0]  }
0x29e: {  	v8 =	vld [tilespmem:s2+$0xFFFFFFE0]  }
0x29f: {  	v10 =	vld [tilespmem:s2+$0xFFFFFFF0]  }
0x2a0: {  	v17 =	vld [tilespmem:s2+$0x0]  }
0x2a1: {  	v2 =	vimm.f32 $0.0e+00;
	v18 =	vld [tilespmem:s2+$0x10]  }
0x2a2: {  	s1 =	sadd.s32 $0x1, s1;
	v20 =	vld [tilespmem:s2+$0x20];
	v1 =	vadd.f32 v1, v2  }
0x2a3: {  	p0 =	slt.s32 s1, s0;
	v15 =	vadd.f32 v3, v2;
	v14 =	vadd.f32 v4, v2  }
.Ltmp17:
0x2a4: {  	v19 =	vld [tilespmem:s2+$0x30];
	v13 =	vadd.f32 v5, v2;
	v12 =	vadd.f32 v6, v2;
	(pc) =	sbr.rel @!p0 .LBB2_24-.Ltmp17, $4  }
0x2a5: {  	v16 =	vld [tilespmem:s2+$0x40];
	v11 =	vadd.f32 v7, v2;
	v9 =	vadd.f32 v8, v2  }
0x2a6: {  	v10 =	vadd.f32 v10, v2;
	v8 =	vadd.f32 v17, v2;
	v17 =	vld [tilespmem:s2+$0x50]  }
0x2a7: {  	v6 =	vadd.f32 v18, v2;
	v18 =	vld [tilespmem:s2+$0x60];
	v4 =	vadd.f32 v20, v2;
	v7 =	vimm.f32 $0.0e+00  }
0x2a8: {  	v21 =	vld [tilespmem:s2+$0xFFFFFF80];
	s2 =	sadd.s32 $0x100, s2;
	v5 =	vimm.f32 $0.0e+00;
	v3 =	vimm.f32 $0.0e+00;
	v20 =	vimm.f32 $0.0e+00  }
.LBB2_23:
0x2a9: {  	v22 =	vld [tilespmem:s2+$0x70];
	s1 =	sadd.s32 $0x1, s1;
	v2 =	vadd.f32 v19, v2  }
0x2aa: {  	v19 =	vld [tilespmem:s2+$0xFFFFFF90];
	p0 =	slt.s32 s1, s0;
	v7 =	vadd.f32 v16, v7  }
0x2ab: {  	v16 =	vld [tilespmem:s2+$0xFFFFFFA0];
	v5 =	vadd.f32 v17, v5  }
0x2ac: {  	v17 =	vld [tilespmem:s2+$0xFFFFFFB0];
	v3 =	vadd.f32 v18, v3  }
0x2ad: {  	v18 =	vld [tilespmem:s2+$0xFFFFFFC0];
	v20 =	vadd.f32 v21, v20  }
0x2ae: {  	v21 =	vld [tilespmem:s2+$0xFFFFFFD0];
	v1 =	vadd.f32 v22, v1  }
0x2af: {  	v15 =	vadd.f32 v19, v15;
	v19 =	vld [tilespmem:s2+$0xFFFFFFE0]  }
0x2b0: {  	v14 =	vadd.f32 v16, v14;
	v16 =	vld [tilespmem:s2+$0xFFFFFFF0]  }
0x2b1: {  	v13 =	vadd.f32 v17, v13;
	v17 =	vld [tilespmem:s2+$0x0]  }
0x2b2: {  	v12 =	vadd.f32 v18, v12;
	v18 =	vld [tilespmem:s2+$0x10]  }
0x2b3: {  	v11 =	vadd.f32 v21, v11;
	v22 =	vld [tilespmem:s2+$0x20]  }
.Ltmp18:
0x2b4: {  	v9 =	vadd.f32 v19, v9;
	v19 =	vld [tilespmem:s2+$0x30];
	(pc) =	sbr.rel @p0 .LBB2_23-.Ltmp18, $4  }
0x2b5: {  	v10 =	vadd.f32 v16, v10;
	v16 =	vld [tilespmem:s2+$0x40]  }
0x2b6: {  	v8 =	vadd.f32 v17, v8;
	v17 =	vld [tilespmem:s2+$0x50]  }
0x2b7: {  	v6 =	vadd.f32 v18, v6;
	v18 =	vld [tilespmem:s2+$0x60]  }
0x2b8: {  	v21 =	vld [tilespmem:s2+$0xFFFFFF80];
	v4 =	vadd.f32 v22, v4;
	s2 =	sadd.s32 $0x100, s2  }
.LBB2_24:
0x2b9: {  	v23 =	vld [tilespmem:$0x11590]  }
0x2ba: {  	v24 =	vld [tilespmem:$0x115A0]  }
0x2bb: {  	v51 =	vld [tilespmem:$0x115B0]  }
0x2bc: {  	v25 =	vld [tilespmem:$0x115C0]  }
0x2bd: {  	v52 =	vld [tilespmem:$0x115D0]  }
0x2be: {  	v53 =	vld [tilespmem:$0x115E0];
	v15 =	vadd.f32 v23, v15  }
0x2bf: {  	v54 =	vld [tilespmem:$0x115F0];
	v14 =	vadd.f32 v24, v14  }
0x2c0: {  	v55 =	vld [tilespmem:$0x11600];
	v13 =	vadd.f32 v51, v13;
	[tilespmem:$0x11590] =	vst v15  }
0x2c1: {  	v56 =	vld [tilespmem:$0x11610];
	v12 =	vadd.f32 v25, v12;
	[tilespmem:$0x115A0] =	vst v14  }
0x2c2: {  	v57 =	vld [tilespmem:$0x11620];
	v11 =	vadd.f32 v52, v11;
	[tilespmem:$0x115B0] =	vst v13  }
0x2c3: {  	v58 =	vld [tilespmem:$0x11630];
	v9 =	vadd.f32 v53, v9;
	[tilespmem:$0x115C0] =	vst v12  }
0x2c4: {  	v59 =	vld [tilespmem:$0x11640];
	v10 =	vadd.f32 v54, v10;
	[tilespmem:$0x115D0] =	vst v11  }
0x2c5: {  	v61 =	vld [tilespmem:$0x11660];
	v8 =	vadd.f32 v55, v8;
	[tilespmem:$0x115E0] =	vst v9  }
0x2c6: {  	v2 =	vadd.f32 v19, v2;
	v62 =	vld [tilespmem:$0x11670];
	v6 =	vadd.f32 v56, v6;
	[tilespmem:$0x115F0] =	vst v10  }
0x2c7: {  	v22 =	vld [tilespmem:$0x11580];
	v7 =	vadd.f32 v16, v7;
	v4 =	vadd.f32 v57, v4;
	[tilespmem:$0x11600] =	vst v8  }
0x2c8: {  	v60 =	vld [tilespmem:$0x11650];
	v3 =	vadd.f32 v18, v3;
	v2 =	vadd.f32 v58, v2;
	[tilespmem:$0x11610] =	vst v6  }
0x2c9: {  	v63 =	vadd.f32 v59, v7;
	[tilespmem:$0x11620] =	vst v4  }
0x2ca: {  	v20 =	vadd.f32 v21, v20;
	v3 =	vadd.f32 v61, v3;
	[tilespmem:$0x11630] =	vst v2  }
0x2cb: {  	v5 =	vadd.f32 v17, v5;
	v1 =	vadd.f32 v62, v1;
	[tilespmem:$0x11640] =	vst v63  }
0x2cc: {  	v20 =	vadd.f32 v22, v20;
	[tilespmem:$0x11660] =	vst v3  }
0x2cd: {  	v2 =	vadd.f32 v60, v5;
	[tilespmem:$0x11670] =	vst v1  }
0x2ce: {  	[tilespmem:$0x11580] =	vst v20  }
0x2cf: {  	[tilespmem:$0x11650] =	vst v2  }
.LBB2_25:
0x2d0: {  	p0 =	sgt.s32 s21, s24;
	s0 =	smov.u32 s24;
	p1 =	slt.s32 s16, s25  }
0x2d1: {  	s0 =	smov.u32 @p0 s21;
	s25 =	smov.u32 @p1 s16  }
0x2d2: {  	s1 =	ssub.s32 s0, s24;
	s0 =	ssub.s32 s25, s24  }
0x2d3: {  	p0 =	sle.s32 s0, s1  }
.Ltmp19:
0x2d4: {  	_ = 	snop;
	(pc) =	sbr.rel @p0 .LBB2_29-.Ltmp19, $1  }
0x2d5: {  	_ =	sdelay $0x3  }
0x2d6: {  	p0 =	sgt.s32 s21, s22;
	s2 =	smov.u32 s22  }
0x2d7: {  	s2 =	smov.u32 @p0 s21  }
0x2d8: {  	s2 =	sadd.s32 s23, s2  }
0x2d9: {  	s2 =	sshll.u32 s2, $0xA  }
0x2da: {  	s2 =	sshra.s32 s2, $0x2  }
0x2db: {  	s2 =	sadd.s32 $0xC400, s2  }
0x2dc: {  	v1 =	vld [tilespmem:s2+$0x70]  }
0x2dd: {  	v3 =	vld [tilespmem:s2+$0xFFFFFF90]  }
0x2de: {  	v4 =	vld [tilespmem:s2+$0xFFFFFFA0]  }
0x2df: {  	v5 =	vld [tilespmem:s2+$0xFFFFFFB0]  }
0x2e0: {  	v6 =	vld [tilespmem:s2+$0xFFFFFFC0]  }
0x2e1: {  	v7 =	vld [tilespmem:s2+$0xFFFFFFD0]  }
0x2e2: {  	v8 =	vld [tilespmem:s2+$0xFFFFFFE0]  }
0x2e3: {  	v10 =	vld [tilespmem:s2+$0xFFFFFFF0]  }
0x2e4: {  	v17 =	vld [tilespmem:s2+$0x0]  }
0x2e5: {  	v2 =	vimm.f32 $0.0e+00;
	v18 =	vld [tilespmem:s2+$0x10]  }
0x2e6: {  	s1 =	sadd.s32 $0x1, s1;
	v20 =	vld [tilespmem:s2+$0x20];
	v1 =	vadd.f32 v1, v2  }
0x2e7: {  	p0 =	slt.s32 s1, s0;
	v19 =	vld [tilespmem:s2+$0x30];
	v15 =	vadd.f32 v3, v2;
	v14 =	vadd.f32 v4, v2  }
.Ltmp20:
0x2e8: {  	v16 =	vld [tilespmem:s2+$0x40];
	v13 =	vadd.f32 v5, v2;
	v12 =	vadd.f32 v6, v2;
	(pc) =	sbr.rel @!p0 .LBB2_28-.Ltmp20, $4  }
0x2e9: {  	v21 =	vld [tilespmem:s2+$0xFFFFFF80];
	v11 =	vadd.f32 v7, v2;
	v9 =	vadd.f32 v8, v2  }
0x2ea: {  	v10 =	vadd.f32 v10, v2;
	v8 =	vadd.f32 v17, v2;
	v17 =	vld [tilespmem:s2+$0x50]  }
0x2eb: {  	v6 =	vadd.f32 v18, v2;
	v18 =	vld [tilespmem:s2+$0x60];
	v4 =	vadd.f32 v20, v2;
	v7 =	vimm.f32 $0.0e+00  }
0x2ec: {  	s2 =	sadd.s32 $0x100, s2;
	v5 =	vimm.f32 $0.0e+00;
	v3 =	vimm.f32 $0.0e+00;
	v20 =	vimm.f32 $0.0e+00  }
.LBB2_27:
0x2ed: {  	v22 =	vld [tilespmem:s2+$0x70];
	s1 =	sadd.s32 $0x1, s1;
	v2 =	vadd.f32 v19, v2  }
0x2ee: {  	v7 =	vadd.f32 v16, v7;
	v19 =	vld [tilespmem:s2+$0xFFFFFF90];
	p0 =	slt.s32 s1, s0  }
0x2ef: {  	v5 =	vadd.f32 v17, v5;
	v16 =	vld [tilespmem:s2+$0xFFFFFFA0]  }
0x2f0: {  	v3 =	vadd.f32 v18, v3;
	v17 =	vld [tilespmem:s2+$0xFFFFFFB0]  }
0x2f1: {  	v20 =	vadd.f32 v21, v20;
	v18 =	vld [tilespmem:s2+$0xFFFFFFC0]  }
0x2f2: {  	v21 =	vld [tilespmem:s2+$0xFFFFFFD0];
	v1 =	vadd.f32 v22, v1  }
0x2f3: {  	v15 =	vadd.f32 v19, v15;
	v19 =	vld [tilespmem:s2+$0xFFFFFFE0]  }
0x2f4: {  	v14 =	vadd.f32 v16, v14;
	v16 =	vld [tilespmem:s2+$0xFFFFFFF0]  }
0x2f5: {  	v13 =	vadd.f32 v17, v13;
	v17 =	vld [tilespmem:s2+$0x0]  }
0x2f6: {  	v12 =	vadd.f32 v18, v12;
	v18 =	vld [tilespmem:s2+$0x10]  }
0x2f7: {  	v11 =	vadd.f32 v21, v11;
	v22 =	vld [tilespmem:s2+$0x20]  }
.Ltmp21:
0x2f8: {  	v9 =	vadd.f32 v19, v9;
	v19 =	vld [tilespmem:s2+$0x30];
	(pc) =	sbr.rel @p0 .LBB2_27-.Ltmp21, $4  }
0x2f9: {  	v10 =	vadd.f32 v16, v10;
	v16 =	vld [tilespmem:s2+$0x40]  }
0x2fa: {  	v8 =	vadd.f32 v17, v8;
	v17 =	vld [tilespmem:s2+$0x50]  }
0x2fb: {  	v6 =	vadd.f32 v18, v6;
	v18 =	vld [tilespmem:s2+$0x60]  }
0x2fc: {  	v21 =	vld [tilespmem:s2+$0xFFFFFF80];
	v4 =	vadd.f32 v22, v4;
	s2 =	sadd.s32 $0x100, s2  }
.Ltmp22:
0x2fd: {  	_ = 	snop;
	(pc) =	sbr.rel .LBB2_28-.Ltmp22, $1  }
0x2fe: {  	_ =	sdelay $0x3  }
.LBB2_31:
0x2ff: {  	_ =	sfence.sel $0x180000  }
0x300: {  	[bflag:$0x0] =	sbarrier.arrive $0xFFFF  }
0x301: {  	_ =	strace $0x9000004A  }
0x302: {  	s0 =	stileid.u32;
	[bflag:$0x2] =	sbarrier.arrive $0xFFFF  }
0x303: {  	p0 =	sne.s32 s0, $0x0;
	s0 =	rddreg [dreg:$0x2]  }
0x304: {  	s0 =	sadd.s32 @!p0 $0x100000, s0  }
0x305: {  	[sflag:s0] =	ssyncadd.tile.s32 @!p0 $0x1;
	_ =	shalt  }
.Lfunc_end2:
_tile_overlayer_lowered:
.L_overlay_start_2:
0x306: {  	(tag) =	ssettag $0x2  }
0x307: {  	s0 =	rddreg [dreg:$0x0];
	s2 =	stileid.u32  }
0x308: {  	s1 =	rddreg [dreg:$0x1];
	p0 =	sne.s32 s2, $0x0  }
0x309: {  	s3 =	rddreg [dreg:$0x2];
	[bflag:$0x3] =	sbarrier.arrive $0xFFFF;
	s2 =	simm.s32 @!p0 $0x1C01  }
0x30a: {  	[timem:s3], [sflag:s2] =	dma.local @!p0 [hbm:s0], s1  }
0x30b: {  	s0 =	simm.s32 @!p0 $0x1  }
0x30c: {  	_ =	swait.ge @!p0 [sflag:s0], s1  }
0x30d: {  	s1 =	ssub.s32 @!p0 $0x0, s1;
	[sflag:s0] =	ssyncset.done @!p0 $0x0  }
0x30e: {  	[sflag:s0] =	ssyncadd.s32 @!p0 s1  }
0x30f: {  	[bflag:$0x3] =	sbarrier.arrive $0xFFFF  }
0x310: {  	_ =	shalt  }

// kernel: sparse-core-data-format-call.cloned.1.call-start
scs
called_computation_lowered:
.L_overlay_start_0:
0x0: {  	s2 =	sld [smem:$0x3FD9]  }
0x1: {  	s3 =	sld [smem:$0x3FFE];
	_ =	sdelay $0x1  }
0x2: {  	s1 =	srdreg.scid  }
0x3: {  	s0 =	sand.u32 $0x1, s1  }
0x4: {  	s18 =	sshll.u32 s0, $0xA;
	s2 =	sadd.s32 s3, s2  }
0x5: {  	s2 =	sadd.s32 s2, s18  }
0x6: {  	[smem:$0x3FC6] =	sst s2  }
0x7: {  	_ = 	snop  }
0x8: {  	s2 =	sld [smem:$0x3FC9];
	(tm) =	ssettm $0x1  }
0x9: {  	s19 =	sld [smem:$0x3FFB];
	_ =	sdelay $0x3  }
0xa: {  	_ =	strace s19  }
0xb: {  	s3 =	sld [smem:$0x3FFC];
	_ =	sdelay $0x3  }
0xc: {  	_ =	strace s3  }
0xd: {  	s3 =	sld [smem:$0x3FFD];
	_ =	sdelay $0x3  }
0xe: {  	_ =	strace s3  }
0xf: {  	_ =	strace $0x8FFFFFFF  }
0x10: {  	s20 =	sld [smem:$0x3FDB];
	_ =	sdelay $0x1  }
0x11: {  	s4 =	simm.s32 $_scs_section_size  }
0x12: {  	s5 =	simm.s32 $_size__tile_overlayer_lowered;
	s6 =	simm.s32 $_tile_overlayer_lowered  }
0x13: {  	s23 =	simm.s32 $0x1BFF;
	s22 =	sshll.u32 s6, $0x1;
	s3 =	sadd.s32 s4, s20  }
0x14: {  	s7 =	simm.s32 $0x0;
	s21 =	sshll.u32 s5, $0x1;
	s5 =	sadd.s32 s22, s3  }
0x15: {  	[timem:s7], [sflag:s23] =	dma.local [hbm:s5], s21  }
0x16: {  	_ =	swait.ge [sflag:s23], s21  }
0x17: {  	s4 =	ssub.s32 $0x0, s21;
	[sflag:s23] =	ssyncset.done $0x0  }
0x18: {  	[sflag:s23] =	ssyncadd.s32 s4;
	_ =	sdelay $0x1  }
0x19: {  	s24 =	simm.s32 $0x1B8B  }
0x1a: {  	_ =	swait.ge [sflag:s24], $0x1  }
0x1b: {  	[sflag:s24] =	ssyncset.done $0x0  }
0x1c: {  	s26 =	simm.s32 $0x1B8E;
	s25 =	sld [smem:$0x3FFE];
	[sflag:s24] =	ssyncadd.s32 $0xFFFFFFFF  }
0x1d: {  	s27 =	simm.s32 $execute0_lowered;
	[smem:$0x3FD2] =	sst s26  }
0x1e: {  	s5 =	sshll.u32 s27, $0x1;
	_ =	strace $0x80000046;
	[dreg:$0x1] =	wrdreg $0xFFFFFFFF  }
0x1f: {  	s28 =	simm.s32 $_size_execute0_lowered;
	s3 =	sadd.s32 s3, s5;
	[dreg:$0x0] =	wrdreg $0x0  }
0x20: {  	s5 =	sshll.u32 s28, $0x1;
	[dreg:$0x2] =	wrdreg s3  }
0x21: {  	[dreg:$0x3] =	wrdreg s5  }
0x22: {  	[dreg:$0x4] =	wrdreg $0xC0  }
0x23: {  	_ =	task [dreg:s7], $0x5FFFF  }
0x24: {  	[dreg:$0x1] =	wrdreg $0xFFFFFFFF  }
0x25: {  	[dreg:$0x0] =	wrdreg $0x60  }
0x26: {  	[dreg:$0x2] =	wrdreg s2  }
0x27: {  	[dreg:$0x3] =	wrdreg s25  }
0x28: {  	[dreg:$0x4] =	wrdreg $0x9  }
0x29: {  	_ =	task.clear_ibuf [dreg:s7], $0x5FFFF;
	_ =	strace $0x90000046  }
0x2a: {  	s29 =	simm.s32 $0x9;
	_ =	strace $0x80000048  }
0x2b: {  	_ =	swait.ge [sflag:s29], $0x1  }
0x2c: {  	[sflag:s29] =	ssyncadd.s32 $0xFFFFFFFF  }
0x2d: {  	_ =	strace $0x90000048  }
0x2e: {  	_ =	sfence  }
0x2f: {  	s30 =	sld [smem:$0x0];
	_ =	sdelay $0x2  }
0x30: {  	s31 =	sshll.u32 s1, $0xD;
	s1 =	sshrl.u32 s1, $0x2  }
0x31: {  	s3 =	sand.u32 $0x4000, s31;
	s1 =	sadd.s32 s1, s30  }
0x32: {  	s0 =	sor.u32 s3, s0;
	s1 =	sshll.u32 s1, $0x11  }
0x33: {  	s0 =	sor.u32 s1, s0  }
0x34: {  	s0 =	sadd.s32 $0x8F2B, s0  }
0x35: {  	[sflag:s0] =	ssyncadd.remote.s32 $0x1  }
0x36: {  	_ =	sfence.sel $0xFFFF  }
0x37: {  	[dreg:$0x0] =	wrdreg $0xFFFFFFFF;
	(pc) =	sbr.abs _section_cstart, $3  }
0x38: {  	[dreg:$0x1] =	wrdreg $0xFFFFFFFF  }
0x39: {  	_ =	task.clear_ibuf [dreg:s7], $0x2FFFF;
	_ =	strace $0x9FFFFFFF  }
0x3a: {  	(tm) =	ssettm $0x7FFFFFFF  }
0x3b: {  	_ =	shalt  }
tec
execute0_lowered:
.L_overlay_start_1:
0x0: {  	(tag) =	ssettag $0x1  }
0x1: {  	s0 =	srdreg.scid;
	s2 =	rddreg [dreg:$0x0]  }
0x2: {  	s5 =	rddreg [dreg:$0x1];
	s1 =	stileid.u32  }
0x3: {  	s4 =	simm.s32 $0x1;
	s6 =	simm.s32 $0x2;
	s0 =	sshll.u32 s0, $0x4  }
0x4: {  	s8 =	simm.s32 $0x0;
	s9 =	simm.s32 $0x0;
	s3 =	sand.u32 $0x10, s0  }
.Ltmp0:
0x5: {  	s13 =	simm.s32 $0x0;
	s3 =	sor.u32 s1, s3;
	(pc) =	sbr.rel .LBB1_1-.Ltmp0, $4  }
0x6: {  	s0 =	rddreg [dreg:$0x2];
	_ =	strace $0x80000047;
	s3 =	sshll.u32 s3, $0x3  }
0x7: {  	s10 =	simm.s32 $0x0;
	[sflag:s4] =	ssyncpa.u1 $0x0;
	s7 =	ssub.s32 $0x1868, s3  }
0x8: {  	s12 =	simm.s32 $0x0;
	[sflag:s6] =	ssyncpa.u1 $0x0;
	s6 =	sshrl.u32 s7, $0x8  }
0x9: {  	s5 =	sadd.s32 $0x800, s5;
	s11 =	smov.u32 s3;
	s7 =	sadd.s32 $0x2, s6  }
.LBB1_9:
0xa: {  	s15 =	sshll.u32 s12, $0xE  }
0xb: {  	s16 =	sshll.u32 s10, $0x8;
	s15 =	sand.u32 $0x4000, s15  }
0xc: {  	s16 =	sadd.s32 s5, s16;
	s15 =	sor.u32 $0x8000, s15  }
0xd: {  	[hbm4b:s16+s8] =	stream.linear.scatter [tilespmem:s15], [sflag:$0x2], s14, $0x38;
	[tilespmem:$0x10000] =	vst v63  }
.LBB1_10:
0xe: {  	p0 =	slt.u32 s12, $0x2  }
0xf: {  	p1 =	sgt.s32 @!p0 s13, $0x1862  }
0x10: {  	s14 =	smov.u32 s13;
	s15 =	sshra.s32 @!p0 s13, $0x1F;
	p1 =	por !p1, p0  }
0x11: {  	s13 =	sand.u32 @!p0 s15, s13;
	s14 =	simm.s32 @p1 $0x1862  }
0x12: {  	s13 =	ssub.s32 @!p0 s14, s13  }
0x13: {  	s13 =	sadd.s32 @!p0 $0xFFFFE79E, s13  }
0x14: {  	s14 =	sshll.u32 @!p0 s13, $0xD  }
0x15: {  	p1 =	sgt.s32 @!p0 s13, $0x7;
	s13 =	ssub.s32 @!p0 $0x10000, s14  }
0x16: {  	s15 =	sadd.s32 $0x100, s11;
	p1 =	por !p1, p0;
	s13 =	sshrl.u32 @!p0 s13, $0x2  }
0x17: {  	s13 =	simm.s32 @!p1 $0x0;
	p1 =	sgt.s32 s15, $0x1869  }
0x18: {  	s15 =	smov.u32 @p1 s3;
	p1 =	sne.s32 s12, s7  }
.Ltmp1:
0x19: {  	_ = 	snop;
	(pc) =	sbr.rel @!p1 .LBB1_11-.Ltmp1, $4  }
0x1a: {  	s14 =	simm.s32 @!p0 $0x2  }
0x1b: {  	s9 =	sadd.s32 $0x4000, s9;
	_ =	swait.ge @!p0 [sflag:s14], s13;
	s16 =	ssub.s32 @!p0 $0x0, s13  }
0x1c: {  	s13 =	smov.u32 s10;
	s12 =	sadd.s32 $0x1, s12;
	[sflag:s14] =	ssyncset.done @!p0 $0x0  }
0x1d: {  	s10 =	smov.u32 s11;
	s11 =	smov.u32 s15;
	[sflag:s14] =	ssyncadd.s32 @!p0 s16  }
.LBB1_1:
0x1e: {  	p0 =	sgt.u32 s12, s6  }
0x1f: {  	p1 =	sgt.s32 @!p0 s11, $0x1862  }
0x20: {  	s14 =	smov.u32 s11;
	s15 =	sshra.s32 @!p0 s11, $0x1F;
	p1 =	por !p1, p0  }
0x21: {  	s15 =	sand.u32 @!p0 s15, s11;
	s14 =	simm.s32 @p1 $0x1862  }
0x22: {  	s14 =	ssub.s32 @!p0 s14, s15  }
0x23: {  	s14 =	sadd.s32 @!p0 $0xFFFFE79E, s14  }
0x24: {  	s17 =	simm.s32 @!p0 $0x0;
	s15 =	sxor.u32 @!p0 $0xFFFFFFFF, s12;
	s16 =	sshll.u32 @!p0 s14, $0xD  }
0x25: {  	s15 =	sshll.u32 @!p0 s15, $0xE;
	p1 =	sgt.s32 @!p0 s14, $0x7;
	s14 =	ssub.s32 @!p0 $0x10000, s16  }
0x26: {  	p1 =	por !p1, p0;
	s16 =	sshll.u32 @!p0 s11, $0x8;
	s14 =	sshrl.u32 @!p0 s14, $0x2  }
0x27: {  	s15 =	sand.u32 @!p0 $0x4000, s15;
	s16 =	sadd.s32 @!p0 s2, s16;
	s14 =	simm.s32 @!p1 $0x0  }
0x28: {  	[tilespmem:s15], [sflag:$0x1] =	stream.linear.gather @!p0 [hbm4b:s16+s17], s14, $0x38;
	[tilespmem:$0x10000] =	vst v63  }
0x29: {  	p0 =	seq.s32 s12, $0x0  }
0x2a: {  	p1 =	sge.u32 @!p0 s12, s7  }
0x2b: {  	p0 =	por p0, p1  }
.Ltmp2:
0x2c: {  	_ = 	snop;
	(pc) =	sbr.rel @p0 .LBB1_10-.Ltmp2, $1  }
0x2d: {  	_ =	sdelay $0x3  }
0x2e: {  	p0 =	sgt.s32 s10, $0x1862;
	s14 =	smov.u32 s10;
	s15 =	sshra.s32 s10, $0x1F  }
0x2f: {  	s14 =	simm.s32 @!p0 $0x1862;
	s15 =	sand.u32 s15, s10  }
0x30: {  	s14 =	ssub.s32 s14, s15  }
0x31: {  	s16 =	sadd.s32 $0x8, s10;
	s14 =	sadd.s32 $0xFFFFE79E, s14  }
0x32: {  	p1 =	slt.s32 s16, $0x186A;
	s30 =	sshll.u32 s14, $0xD  }
0x33: {  	s16 =	simm.s32 @!p1 $0x186A;
	s15 =	ssub.s32 $0x10000, s30  }
0x34: {  	p0 =	sgt.s32 s14, $0x7;
	s14 =	sshrl.u32 s15, $0x2;
	s15 =	ssub.s32 s16, s10  }
0x35: {  	s14 =	simm.s32 @p0 $0x0;
	p0 =	slt.s32 s15, $0x1  }
.Ltmp3:
0x36: {  	_ = 	snop;
	(pc) =	sbr.rel @p0 .LBB1_9-.Ltmp3, $4  }
0x37: {  	_ = 	snop  }
0x38: {  	_ =	swait.ge [sflag:s4], s14  }
0x39: {  	s31 =	ssub.s32 $0x0, s14;
	[sflag:s4] =	ssyncset.done $0x0  }
0x3a: {  	[sflag:s4] =	ssyncadd.s32 s31  }
0x3b: {  	s16 =	sshll.u32 s9, $0x2  }
0x3c: {  	s16 =	sand.u32 $0x10000, s16  }
0x3d: {  	s16 =	sshrl.u32 s16, $0x2  }
0x3e: {  	s18 =	simm.s32 $0x0;
	s19 =	simm.s32 $0x0;
	s17 =	sor.u32 $0x8000, s16  }
.LBB1_4:
0x3f: {  	s20 =	sshra.s32 s18, $0x2  }
0x40: {  	v0 =	vmov s20;
	_ =	sdelay $0x3  }
0x41: {  	p1 =	por $0x1, $0x1;
	s20 =	simm.s32 $0x0  }
.LBB1_5:
0x42: {  	_ = 	snop  }
0x43: {  	s21 =	sshll.u32 s20, $0xA  }
0x44: {  	s21 =	sand.u32 $0x3FFFFC00, s21  }
0x45: {  	s21 =	sadd.s32 s21, s16  }
0x46: {  	v5 =	vld.idx.msk [tilespmem:v0+s21+$0x70 ss:$0x1], $0xffff  }
0x47: {  	v6 =	vld.idx.msk [tilespmem:v0+s21+$0x10 ss:$0x1], $0xffff  }
0x48: {  	v7 =	vld.idx.msk [tilespmem:v0+s21+$0x20 ss:$0x1], $0xffff  }
0x49: {  	s31 =	sshll.u32 s20, $0x7;
	v1 =	vld.idx.msk [tilespmem:v0+s21+$0x30 ss:$0x1], $0xffff  }
0x4a: {  	s20 =	sand.u32 $0x3FFFFF80, s31;
	v2 =	vld.idx.msk [tilespmem:v0+s21+$0x40 ss:$0x1], $0xffff  }
0x4b: {  	s20 =	sadd.s32 s20, s17;
	v3 =	vld.idx.msk [tilespmem:v0+s21+$0x50 ss:$0x1], $0xffff  }
0x4c: {  	v4 =	vld.idx.msk [tilespmem:v0+s21+$0x60 ss:$0x1], $0xffff;
	[tilespmem:v0+s20+$0x70 ss:$0x1] =	vst.idx.msk $0xffff, v5  }
0x4d: {  	v5 =	vld.idx.msk [tilespmem:v0+s21+$0x0 ss:$0x1], $0xffff;
	[tilespmem:v0+s20+$0x10 ss:$0x1] =	vst.idx.msk $0xffff, v6;
	s21 =	sadd.s32 $0x80, s21  }
0x4e: {  	p0 =	por p1, p1;
	s22 =	simm.s32 $0x6;
	[tilespmem:v0+s20+$0x20 ss:$0x1] =	vst.idx.msk $0xffff, v7;
	v6 =	vld.idx.msk [tilespmem:v0+s21+$0x70 ss:$0x1], $0xffff  }
.LBB1_6:
0x4f: {  	p1 =	sne.s32 s22, $0x1;
	v7 =	vld.idx.msk [tilespmem:v0+s21+$0x10 ss:$0x1], $0xffff;
	[tilespmem:v0+s20+$0x30 ss:$0x1] =	vst.idx.msk $0xffff, v1  }
0x50: {  	v8 =	vld.idx.msk [tilespmem:v0+s21+$0x20 ss:$0x1], $0xffff;
	[tilespmem:v0+s20+$0x40 ss:$0x1] =	vst.idx.msk $0xffff, v2  }
0x51: {  	v1 =	vld.idx.msk [tilespmem:v0+s21+$0x30 ss:$0x1], $0xffff;
	[tilespmem:v0+s20+$0x50 ss:$0x1] =	vst.idx.msk $0xffff, v3  }
.Ltmp4:
0x52: {  	v2 =	vld.idx.msk [tilespmem:v0+s21+$0x40 ss:$0x1], $0xffff;
	[tilespmem:v0+s20+$0x60 ss:$0x1] =	vst.idx.msk $0xffff, v4;
	(pc) =	sbr.rel @p1 .LBB1_6-.Ltmp4, $4  }
0x53: {  	v3 =	vld.idx.msk [tilespmem:v0+s21+$0x50 ss:$0x1], $0xffff;
	[tilespmem:v0+s20+$0x0 ss:$0x1] =	vst.idx.msk $0xffff, v5;
	s20 =	sadd.s32 $0x100, s20  }
0x54: {  	v4 =	vld.idx.msk [tilespmem:v0+s21+$0x60 ss:$0x1], $0xffff;
	[tilespmem:v0+s20+$0x70 ss:$0x1] =	vst.idx.msk $0xffff, v6  }
0x55: {  	v5 =	vld.idx.msk [tilespmem:v0+s21+$0x0 ss:$0x1], $0xffff;
	[tilespmem:v0+s20+$0x10 ss:$0x1] =	vst.idx.msk $0xffff, v7;
	s21 =	sadd.s32 $0x80, s21  }
0x56: {  	s22 =	sadd.s32 $0xFFFFFFFF, s22;
	v6 =	vld.idx.msk [tilespmem:v0+s21+$0x70 ss:$0x1], $0xffff;
	[tilespmem:v0+s20+$0x20 ss:$0x1] =	vst.idx.msk $0xffff, v8  }
0x57: {  	_ =	sdelay $0x3  }
0x58: {  	[tilespmem:v0+s20+$0x30 ss:$0x1] =	vst.idx.msk $0xffff, v1  }
0x59: {  	v1 =	vld.idx.msk [tilespmem:v0+s21+$0x10 ss:$0x1], $0xffff;
	[tilespmem:v0+s20+$0x40 ss:$0x1] =	vst.idx.msk $0xffff, v2  }
0x5a: {  	v2 =	vld.idx.msk [tilespmem:v0+s21+$0x20 ss:$0x1], $0xffff;
	[tilespmem:v0+s20+$0x50 ss:$0x1] =	vst.idx.msk $0xffff, v3  }
0x5b: {  	v61 =	vld.idx.msk [tilespmem:v0+s21+$0x40 ss:$0x1], $0xffff;
	[tilespmem:v0+s20+$0x60 ss:$0x1] =	vst.idx.msk $0xffff, v4  }
0x5c: {  	s31 =	sadd.s32 $0x100, s20;
	v62 =	vld.idx.msk [tilespmem:v0+s21+$0x50 ss:$0x1], $0xffff;
	[tilespmem:v0+s20+$0x0 ss:$0x1] =	vst.idx.msk $0xffff, v5  }
0x5d: {  	v63 =	vld.idx.msk [tilespmem:v0+s21+$0x60 ss:$0x1], $0xffff;
	[tilespmem:v0+s31+$0x70 ss:$0x1] =	vst.idx.msk $0xffff, v6  }
0x5e: {  	v3 =	vld.idx.msk [tilespmem:v0+s21+$0x30 ss:$0x1], $0xffff;
	[tilespmem:v0+s31+$0x10 ss:$0x1] =	vst.idx.msk $0xffff, v1  }
0x5f: {  	v1 =	vld.idx.msk [tilespmem:v0+s21+$0x0 ss:$0x1], $0xffff;
	[tilespmem:v0+s31+$0x20 ss:$0x1] =	vst.idx.msk $0xffff, v2  }
.Ltmp5:
0x60: {  	[tilespmem:v0+s31+$0x40 ss:$0x1] =	vst.idx.msk $0xffff, v61;
	(pc) =	sbr.rel @p0 .LBB1_5-.Ltmp5, $4  }
0x61: {  	[tilespmem:v0+s31+$0x50 ss:$0x1] =	vst.idx.msk $0xffff, v62  }
0x62: {  	[tilespmem:v0+s31+$0x60 ss:$0x1] =	vst.idx.msk $0xffff, v63  }
0x63: {  	[tilespmem:v0+s31+$0x30 ss:$0x1] =	vst.idx.msk $0xffff, v3  }
0x64: {  	p1 =	por $0x0, $0x0;
	s20 =	simm.s32 $0x1;
	[tilespmem:v0+s31+$0x0 ss:$0x1] =	vst.idx.msk $0xffff, v1  }
0x65: {  	s19 =	sadd.s32 $0x1, s19  }
0x66: {  	p0 =	sne.s32 s19, s15  }
.Ltmp6:
0x67: {  	_ = 	snop;
	(pc) =	sbr.rel @p0 .LBB1_4-.Ltmp6, $4  }
.Ltmp7:
0x68: {  	_ = 	snop;
	(pc) =	sbr.rel @!p0 .LBB1_9-.Ltmp7, $4  }
0x69: {  	_ = 	snop  }
0x6a: {  	_ = 	snop  }
0x6b: {  	s18 =	sadd.s32 $0x2000, s18  }
0x6c: {  	_ = 	snop  }
.LBB1_11:
0x6d: {  	_ =	sfence.sel $0x180000  }
0x6e: {  	s2 =	simm.s32 $0x1;
	[bflag:$0x0] =	sbarrier.arrive $0xFFFF  }
0x6f: {  	s31 =	simm.s32 $0x2;
	[sflag:s2] =	ssyncpa.u1 $0x1  }
0x70: {  	[sflag:s31] =	ssyncpa.u1 $0x1  }
0x71: {  	p0 =	sne.s32 s1, $0x0;
	_ =	strace $0x90000047  }
0x72: {  	s0 =	sadd.s32 @!p0 $0x100000, s0;
	[bflag:$0x2] =	sbarrier.arrive $0xFFFF  }
0x73: {  	[sflag:s0] =	ssyncadd.tile.s32 @!p0 $0x1;
	_ =	shalt  }
.Lfunc_end1:
_tile_overlayer_lowered:
.L_overlay_start_2:
0x74: {  	(tag) =	ssettag $0x2  }
0x75: {  	s0 =	rddreg [dreg:$0x0];
	s2 =	stileid.u32  }
0x76: {  	s1 =	rddreg [dreg:$0x1];
	p0 =	sne.s32 s2, $0x0  }
0x77: {  	s3 =	rddreg [dreg:$0x2];
	[bflag:$0x3] =	sbarrier.arrive $0xFFFF;
	s2 =	simm.s32 @!p0 $0x1C01  }
0x78: {  	[timem:s3], [sflag:s2] =	dma.local @!p0 [hbm:s0], s1  }
0x79: {  	s0 =	simm.s32 @!p0 $0x1  }
0x7a: {  	_ =	swait.ge @!p0 [sflag:s0], s1  }
0x7b: {  	s1 =	ssub.s32 @!p0 $0x0, s1;
	[sflag:s0] =	ssyncset.done @!p0 $0x0  }
0x7c: {  	[sflag:s0] =	ssyncadd.s32 @!p0 s1  }
0x7d: {  	[bflag:$0x3] =	sbarrier.arrive $0xFFFF  }
0x7e: {  	_ =	shalt  }

</sc_bundles>
